<compile_context>
chip_gen: v7x
topology: tpu7x:2x2x1
jax: 0.10.2.dev20260603
libtpu: 0.0.44.dev20260713+nightly
codegen_flags: <defaults>
</compile_context>

<pallas_src>
import functools

import jax
import jax.numpy as jnp
from jax import lax
from jax.experimental import pallas as pl
from jax.experimental.pallas import tpu as pltpu
from jax.experimental.pallas import tpu_sc as plsc

N = 10000
D = 128
H = 256
E = 320000
NC = 2
NS = 16
NW = NC * NS
CHUNK = 80
EPT = ((E // NW + CHUNK - 1) // CHUNK) * CHUNK
if (EPT // CHUNK) % 2:
    EPT += CHUNK
EPAD = EPT * NW
NCH = EPT // CHUNK
NPAD = ((N + NS * 8 - 1) // (NS * 8)) * NS * 8
RPS = NPAD // NS


def _sc_aggregate(h, src3, dst3, e3, zrows):
    mesh = plsc.VectorSubcoreMesh(core_axis_name="c", subcore_axis_name="s",
                                  num_cores=NC, num_subcores=NS)

    @functools.partial(
        pl.kernel,
        out_type=jax.ShapeDtypeStruct((NC, NPAD, D), jnp.float32),
        mesh=mesh,
        scratch_types=[
            pltpu.VMEM((2, CHUNK, D), jnp.float32),
            pltpu.VMEM((2, CHUNK), jnp.int32),
            pltpu.VMEM((2, CHUNK), jnp.int32),
            pltpu.VMEM((2, CHUNK), jnp.float32),
            pltpu.VMEM_SHARED((NPAD, D), jnp.float32),
            pltpu.SemaphoreType.DMA,
            pltpu.SemaphoreType.DMA,
            pltpu.SemaphoreType.DMA,
            pltpu.SemaphoreType.DMA,
        ],
        compiler_params=pltpu.CompilerParams(needs_layout_passes=False),
    )
    def agg_kernel(h_hbm, src_hbm, dst_hbm, e_hbm, z_hbm, out_hbm,
                   rows_v, sidx_v, didx_v, e_v, acc_sh, g0, g1, i0, i1):
        cid = lax.axis_index("c")
        sid = lax.axis_index("s")
        wid = cid * NS + sid
        gsem = (g0, g1)
        isem = (i0, i1)

        pltpu.sync_copy(z_hbm, acc_sh.at[pl.ds(sid * RPS, RPS), :])
        plsc.subcore_barrier()

        def ix_start(c, b):
            pltpu.async_copy(src_hbm.at[wid, c], sidx_v.at[b], isem[b])
            pltpu.async_copy(dst_hbm.at[wid, c], didx_v.at[b], isem[b])
            pltpu.async_copy(e_hbm.at[wid, c], e_v.at[b], isem[b])

        def ix_wait(c, b):
            pltpu.make_async_copy(src_hbm.at[wid, c], sidx_v.at[b], isem[b]).wait()
            pltpu.make_async_copy(dst_hbm.at[wid, c], didx_v.at[b], isem[b]).wait()
            pltpu.make_async_copy(e_hbm.at[wid, c], e_v.at[b], isem[b]).wait()

        def g_start(c, b):
            pltpu.async_copy(h_hbm.at[sidx_v.at[b]], rows_v.at[b], gsem[b])

        def g_wait(c, b):
            pltpu.make_async_copy(h_hbm.at[sidx_v.at[b]], rows_v.at[b],
                                  gsem[b]).wait()

        ix_start(0, 0)
        ix_wait(0, 0)
        g_start(0, 0)
        ix_start(1, 1)
        g_wait(0, 0)

        def chunk_body(c2, _):
            for b in range(2):
                c = 2 * c2 + b

                @pl.when(c + 1 < NCH)
                def _():
                    ix_wait(c + 1, 1 - b)
                    g_start(c + 1, 1 - b)

                @plsc.parallel_loop(0, CHUNK, step=1, unroll=4)
                def _(i):
                    esplat = plsc.load_gather(
                        e_v, [jnp.full((16,), b, jnp.int32),
                              jnp.full((16,), i, jnp.int32)])
                    for j in range(D // 16):
                        v = rows_v[b, i, pl.ds(j * 16, 16)]
                        rows_v[b, i, pl.ds(j * 16, 16)] = jnp.maximum(
                            v * esplat, 0.0)

                @pl.when(c + 1 < NCH)
                def _():
                    g_wait(c + 1, 1 - b)

                pltpu.sync_copy(rows_v.at[b], acc_sh.at[didx_v.at[b]], add=True)

                @pl.when(c + 2 < NCH)
                def _():
                    ix_start(c + 2, b)
            return 0

        lax.fori_loop(0, NCH // 2, chunk_body, 0)
        plsc.subcore_barrier()
        pltpu.sync_copy(acc_sh.at[pl.ds(sid * RPS, RPS), :],
                        out_hbm.at[cid, pl.ds(sid * RPS, RPS), :])

    return agg_kernel(h, src3, dst3, e3, zrows)


def _sc_edge_key(nk, src, dst):
    mesh = plsc.VectorSubcoreMesh(core_axis_name="c", subcore_axis_name="s",
                                  num_cores=NC, num_subcores=NS)
    ept = E // NW

    @functools.partial(
        pl.kernel,
        out_type=jax.ShapeDtypeStruct((E,), jnp.float32),
        mesh=mesh,
        scratch_types=[
            pltpu.VMEM((N,), jnp.float32),
            pltpu.VMEM((ept,), jnp.int32),
            pltpu.VMEM((ept,), jnp.int32),
            pltpu.VMEM((ept,), jnp.float32),
        ],
        compiler_params=pltpu.CompilerParams(needs_layout_passes=False),
    )
    def ek_kernel(nk_hbm, src_hbm, dst_hbm, out_hbm, nk_v, sidx_v, didx_v, ek_v):
        cid = lax.axis_index("c")
        sid = lax.axis_index("s")
        wid = cid * NS + sid
        base = wid * ept
        pltpu.sync_copy(nk_hbm, nk_v)
        pltpu.sync_copy(src_hbm.at[pl.ds(base, ept)], sidx_v)
        pltpu.sync_copy(dst_hbm.at[pl.ds(base, ept)], didx_v)

        def body(i, _):
            s = sidx_v[pl.ds(i * 16, 16)]
            d = didx_v[pl.ds(i * 16, 16)]
            sk = plsc.load_gather(nk_v, [s])
            dk = plsc.load_gather(nk_v, [d])
            ek_v[pl.ds(i * 16, 16)] = sk * dk
            return 0

        lax.fori_loop(0, ept // 16, body, 0)
        pltpu.sync_copy(ek_v, out_hbm.at[pl.ds(base, ept)])

    return ek_kernel(nk, src, dst)


BR = 1000


def _xx_body(x_ref, ni_ref, out_ref):
    out_ref[...] = x_ref[...] * ni_ref[...]


def _tc_xx(x, node_imp):
    return pl.pallas_call(
        _xx_body,
        grid=(N // BR,),
        in_specs=[
            pl.BlockSpec((BR, D), lambda i: (i, 0)),
            pl.BlockSpec((BR, 1), lambda i: (i, 0)),
        ],
        out_specs=pl.BlockSpec((BR, D), lambda i: (i, 0)),
        out_shape=jax.ShapeDtypeStruct((N, D), jnp.float32),
    )(x, node_imp)


def _mlp_body(s_ref, hin_ref, a0_ref, a1_ref, w1_ref, b1_ref, w2_ref, b2_ref,
              out_ref, *, relu_out):
    h = hin_ref[...] * s_ref[0] + a0_ref[...] + a1_ref[...]
    h1 = jnp.dot(h, w1_ref[...], preferred_element_type=jnp.float32) + b1_ref[...]
    h1 = jnp.maximum(h1, 0.0)
    h2 = jnp.dot(h1, w2_ref[...], preferred_element_type=jnp.float32) + b2_ref[...]
    out_ref[...] = jnp.maximum(h2, 0.0) if relu_out else h2


def _tc_mlp(hin, a0, a1, w1, b1, w2, b2, scale, relu_out):
    return pl.pallas_call(
        functools.partial(_mlp_body, relu_out=relu_out),
        grid=(N // BR,),
        in_specs=[
            pl.BlockSpec(memory_space=pltpu.SMEM),
            pl.BlockSpec((BR, D), lambda i: (i, 0)),
            pl.BlockSpec((BR, D), lambda i: (i, 0)),
            pl.BlockSpec((BR, D), lambda i: (i, 0)),
            pl.BlockSpec((D, H), lambda i: (0, 0)),
            pl.BlockSpec((1, H), lambda i: (0, 0)),
            pl.BlockSpec((H, D), lambda i: (0, 0)),
            pl.BlockSpec((1, D), lambda i: (0, 0)),
        ],
        out_specs=pl.BlockSpec((BR, D), lambda i: (i, 0)),
        out_shape=jax.ShapeDtypeStruct((N, D), jnp.float32),
    )(scale, hin, a0, a1, w1, b1, w2, b2)


def _att_body(s_ref, hin_ref, a0_ref, a1_ref, w1_ref, b1_ref, w2_ref, b2_ref,
              aw_ref, ab_ref, out_ref):
    h = hin_ref[...] * s_ref[0] + a0_ref[...] + a1_ref[...]
    h1 = jnp.dot(h, w1_ref[...], preferred_element_type=jnp.float32) + b1_ref[...]
    h1 = jnp.maximum(h1, 0.0)
    h2 = jnp.dot(h1, w2_ref[...], preferred_element_type=jnp.float32) + b2_ref[...]
    logit = jnp.dot(h2, aw_ref[...], preferred_element_type=jnp.float32) + ab_ref[...]
    out_ref[...] = 1.0 / (1.0 + jnp.exp(-logit))


def _tc_mlp_att(hin, a0, a1, w1, b1, w2, b2, aw, ab, scale):
    return pl.pallas_call(
        _att_body,
        grid=(N // BR,),
        in_specs=[
            pl.BlockSpec(memory_space=pltpu.SMEM),
            pl.BlockSpec((BR, D), lambda i: (i, 0)),
            pl.BlockSpec((BR, D), lambda i: (i, 0)),
            pl.BlockSpec((BR, D), lambda i: (i, 0)),
            pl.BlockSpec((D, H), lambda i: (0, 0)),
            pl.BlockSpec((1, H), lambda i: (0, 0)),
            pl.BlockSpec((H, D), lambda i: (0, 0)),
            pl.BlockSpec((1, D), lambda i: (0, 0)),
            pl.BlockSpec((D, 1), lambda i: (0, 0)),
            pl.BlockSpec((1, 1), lambda i: (0, 0)),
        ],
        out_specs=pl.BlockSpec((BR, 1), lambda i: (i, 0)),
        out_shape=jax.ShapeDtypeStruct((N, 1), jnp.float32),
    )(scale, hin, a0, a1, w1, b1, w2, b2, aw, ab)


def kernel(x, edge_index, node_imp, edge_imp, batch, params):
    del batch
    inv = 1.0 / jnp.sqrt(1.0 + 1e-5)

    src = edge_index[0]
    dst = edge_index[1]
    pad = EPAD - E
    srcp = jnp.concatenate([src, jnp.zeros((pad,), jnp.int32)]).reshape(NW, NCH, CHUNK)
    dstp = jnp.concatenate([dst, jnp.zeros((pad,), jnp.int32)]).reshape(NW, NCH, CHUNK)
    zrows = jnp.zeros((RPS, D), jnp.float32)

    folded = []
    for i in range(3):
        p = params['convs'][i]
        ob = params['outer_bn'][i]
        s1 = p['bn_gamma'] * inv
        w1 = p['W1'] * s1[None, :]
        b1 = (p['b1'] * s1 + p['bn_beta'])[None, :]
        s2 = ob['gamma'] * inv
        w2 = p['W2'] * s2[None, :]
        b2 = (p['b2'] * s2 + ob['beta'])[None, :]
        scale = (1.0 + p['eps'])[None]
        folded.append((w1, b1, w2, b2, scale))

    h = _tc_xx(x, node_imp)
    ep0 = jnp.concatenate([edge_imp[:, 0],
                           jnp.zeros((pad,), jnp.float32)]).reshape(NW, NCH, CHUNK)

    for i in range(3):
        w1, b1, w2, b2, scale = folded[i]
        agg = _sc_aggregate(h, srcp, dstp, ep0, zrows)
        if i < 2:
            h = _tc_mlp(h, agg[0], agg[1], w1, b1, w2, b2, scale, relu_out=True)
        else:
            nk = _tc_mlp_att(h, agg[0], agg[1], w1, b1, w2, b2,
                             params['att_W'], params['att_b'][None, :], scale)

    ek = _sc_edge_key(nk[:, 0], src, dst)
    return (nk, ek[:, None])

# --- scband reference (transcript-rebuilt; emitter-appended) ---
"""Pipeline reference for scband-cga-model-57724360458771 (READ-ONLY COPY).

The authoritative reference and input builder live on the scoring server;
editing this copy changes nothing except your own understanding.
"""

import jax, jax.numpy as jnp
import numpy as np

N = 10000
E = 320000
IN_DIM = 128
EMB = 128
NUM_LAYER = 3
NOISE_ALPHA = 0.0


def bn_eval(x, gamma, beta, eps=1e-5):
    # BatchNorm1d in eval mode with running_mean=0, running_var=1
    return (x - 0.0) / jnp.sqrt(1.0 + eps) * gamma + beta


def gin_conv(x, edge_index, edge_adv, p):
    src = edge_index[0]
    dst = edge_index[1]
    x_j = jnp.take(x, src, axis=0)
    mess = jax.nn.relu(x_j * edge_adv)
    agg = jnp.zeros_like(x).at[dst].add(mess)
    h = (1.0 + p['eps']) * x + agg
    h = h @ p['W1'] + p['b1']
    h = bn_eval(h, p['bn_gamma'], p['bn_beta'])
    h = jax.nn.relu(h)
    h = h @ p['W2'] + p['b2']
    return h


def _make_conv(k, din, demb):
    k1, k2 = jax.random.split(k)
    return {
        'W1': jax.random.normal(k1, (din, 2 * demb), jnp.float32) / np.sqrt(din),
        'b1': jnp.zeros((2 * demb,), jnp.float32),
        'bn_gamma': jnp.ones((2 * demb,), jnp.float32),
        'bn_beta': jnp.zeros((2 * demb,), jnp.float32),
        'W2': jax.random.normal(k2, (2 * demb, demb), jnp.float32) / np.sqrt(2 * demb),
        'b2': jnp.zeros((demb,), jnp.float32),
        'eps': jnp.zeros((), jnp.float32),
    }


def setup_inputs(seed: int = 0):
    key = jax.random.key(seed)
    ks = jax.random.split(key, 16)
    x = jax.random.normal(ks[0], (N, IN_DIM), jnp.float32)
    edge_index = jax.random.randint(ks[1], (2, E), 0, N, dtype=jnp.int32)
    node_imp = jax.random.uniform(ks[2], (N, 1), jnp.float32)
    edge_imp = jax.random.uniform(ks[3], (E, 1), jnp.float32)
    batch = jnp.sort(jax.random.randint(ks[4], (N,), 0, 512, dtype=jnp.int32))
    convs = [_make_conv(ks[5], IN_DIM, EMB)]
    for i in range(NUM_LAYER - 1):
        convs.append(_make_conv(ks[6 + i], EMB, EMB))
    outer_bn = [{'gamma': jnp.ones((EMB,), jnp.float32), 'beta': jnp.zeros((EMB,), jnp.float32)} for _ in range(NUM_LAYER)]
    params = {
        'convs': convs,
        'outer_bn': outer_bn,
        'att_W': jax.random.normal(ks[10], (EMB, 1), jnp.float32) / np.sqrt(EMB),
        'att_b': jnp.zeros((1,), jnp.float32),
    }
    return {'x': x, 'edge_index': edge_index, 'node_imp': node_imp, 'edge_imp': edge_imp, 'batch': batch, 'params': params}


def reference(x, edge_index, node_imp, edge_imp, batch, params):
    # eval mode: dropout = identity; noise_alpha = 0 -> no noise
    xx = x * node_imp
    h = gin_conv(xx, edge_index, edge_imp, params['convs'][0])
    h = bn_eval(h, params['outer_bn'][0]['gamma'], params['outer_bn'][0]['beta'])
    if NUM_LAYER > 1:
        h = jax.nn.relu(h)  # noise term is zero since NOISE_ALPHA == 0
    for i in range(1, NUM_LAYER):
        h = gin_conv(h, edge_index, edge_imp, params['convs'][i])
        h = bn_eval(h, params['outer_bn'][i]['gamma'], params['outer_bn'][i]['beta'])
        if i != NUM_LAYER - 1:
            h = jax.nn.relu(h)
    node_key = jax.nn.sigmoid(h @ params['att_W'] + params['att_b'])
    src_att = jnp.take(node_key, edge_index[0], axis=0)
    dst_att = jnp.take(node_key, edge_index[1], axis=0)
    edge_key = src_att * dst_att
    return (node_key, edge_key)

if __name__ == "__main__":
    import jax
    _d = setup_inputs()
    print(jax.jit(kernel)(*tuple(_d.values())))

</pallas_src>

<mosaic_0001>
#map = affine_map<(d0, d1) -> (0, 0)>
#map1 = affine_map<(d0, d1) -> (0, 0, 0)>
module attributes {stable_mosaic.version = 14 : i64} {
  func.func @agg_kernel(%arg0: i32, %arg1: i32, %arg2: memref<10000x128xf32, #tpu.memory_space<hbm>>, %arg3: memref<32x126x80xi32, #tpu.memory_space<hbm>>, %arg4: memref<32x126x80xi32, #tpu.memory_space<hbm>>, %arg5: memref<32x126x80xf32, #tpu.memory_space<hbm>>, %arg6: memref<632x128xf32, #tpu.memory_space<hbm>>, %arg7: memref<2x10112x128xf32, #tpu.memory_space<hbm>>, %arg8: memref<2x80x128xf32, #tpu.memory_space<vmem>>, %arg9: memref<2x80xi32, #tpu.memory_space<vmem>>, %arg10: memref<2x80xi32, #tpu.memory_space<vmem>>, %arg11: memref<2x80xf32, #tpu.memory_space<vmem>>, %arg12: memref<10112x128xf32, #tpu.memory_space<vmem_shared>>, %arg13: memref<!tpu.dma_semaphore, #tpu.memory_space<semaphore_mem>>, %arg14: memref<!tpu.dma_semaphore, #tpu.memory_space<semaphore_mem>>, %arg15: memref<!tpu.dma_semaphore, #tpu.memory_space<semaphore_mem>>, %arg16: memref<!tpu.dma_semaphore, #tpu.memory_space<semaphore_mem>>) attributes {dimension_semantics = [#tpu.dimension_semantics<core_parallel>, #tpu.dimension_semantics<subcore_parallel>], iteration_bounds = array<i64: 2, 16>, scalar_prefetch = 0 : i64, scratch_operands = 9 : i64, tpu.core_type = #tpu.core_type<sc_vector_subcore>, window_params = [{transform_indices = #map}, {transform_indices = #map1}, {transform_indices = #map1}, {transform_indices = #map1}, {transform_indices = #map}, {transform_indices = #map1}]} {
    %mul3A = arith.constant 16 : i32
    %mul3A_0 = arith.muli %arg0, %mul3A : i32
    %add3A = arith.addi %mul3A_0, %arg1 : i32
    %mul3A_1 = arith.constant 632 : i32
    %mul3A_2 = arith.muli %arg1, %mul3A_1 : i32
    "tpu.region"() ({
      %run_scoped3A = tpu.sem_alloc : memref<!tpu.dma_semaphore, #tpu.memory_space<semaphore_mem>>
      %dma_start3A_162 = arith.constant 0 : i32
      %dma_start3A_163 = tpu.memref_slice %arg12[%mul3A_2, %dma_start3A_162] : memref<10112x128xf32, #tpu.memory_space<vmem_shared>> -> memref<632x128xf32, #tpu.memory_space<vmem_shared>>
      tpu.enqueue_dma source(%arg6 : memref<632x128xf32, #tpu.memory_space<hbm>>) target(%dma_start3A_163 : memref<632x128xf32, #tpu.memory_space<vmem_shared>>) target_semaphore(%run_scoped3A : memref<!tpu.dma_semaphore, #tpu.memory_space<semaphore_mem>>)
      %dma_wait3A_164 = arith.constant 0 : i32
      %dma_wait3A_165 = tpu.memref_slice %arg12[%mul3A_2, %dma_wait3A_164] : memref<10112x128xf32, #tpu.memory_space<vmem_shared>> -> memref<632x128xf32, #tpu.memory_space<vmem_shared>>
      tpu.wait_dma2 semaphore(%run_scoped3A : memref<!tpu.dma_semaphore, #tpu.memory_space<semaphore_mem>>) src(%arg6 : memref<632x128xf32, #tpu.memory_space<hbm>>) dst(%dma_wait3A_165 : memref<632x128xf32, #tpu.memory_space<vmem_shared>>)
      tpu.yield
    }) : () -> ()
    %barrier3A = arith.constant 0 : index
    tpu.barrier barrier_id(%barrier3A)
    %dma_start3A = arith.constant 0 : i32
    %dma_start3A_3 = arith.constant 0 : i32
    %dma_start3A_4 = arith.constant 0 : i32
    %dma_start3A_5 = tpu.memref_slice %arg9[%dma_start3A_3, %dma_start3A_4] : memref<2x80xi32, #tpu.memory_space<vmem>> -> memref<1x80xi32, #tpu.memory_space<vmem>>
    %dma_start3A_6 = tpu.memref_squeeze %dma_start3A_5 : memref<1x80xi32, #tpu.memory_space<vmem>> -> memref<80xi32, #tpu.memory_space<vmem>>
    %dma_start3A_7 = arith.constant 0 : i32
    %dma_start3A_8 = tpu.memref_slice %arg3[%add3A, %dma_start3A, %dma_start3A_7] : memref<32x126x80xi32, #tpu.memory_space<hbm>> -> memref<1x1x80xi32, #tpu.memory_space<hbm>>
    %dma_start3A_9 = tpu.memref_squeeze %dma_start3A_8 : memref<1x1x80xi32, #tpu.memory_space<hbm>> -> memref<80xi32, #tpu.memory_space<hbm>>
    %dma_start3A_10 = arith.constant 0 : i32
    %dma_start3A_11 = tpu.memref_slice %arg9[%dma_start3A_3, %dma_start3A_10] : memref<2x80xi32, #tpu.memory_space<vmem>> -> memref<1x80xi32, #tpu.memory_space<vmem>>
    %dma_start3A_12 = tpu.memref_squeeze %dma_start3A_11 : memref<1x80xi32, #tpu.memory_space<vmem>> -> memref<80xi32, #tpu.memory_space<vmem>>
    %dma_start3A_13 = arith.constant 0 : i32
    %dma_start3A_14 = tpu.memref_slice %arg3[%add3A, %dma_start3A, %dma_start3A_13] : memref<32x126x80xi32, #tpu.memory_space<hbm>> -> memref<1x1x80xi32, #tpu.memory_space<hbm>>
    %dma_start3A_15 = tpu.memref_squeeze %dma_start3A_14 : memref<1x1x80xi32, #tpu.memory_space<hbm>> -> memref<80xi32, #tpu.memory_space<hbm>>
    tpu.enqueue_dma source(%dma_start3A_15 : memref<80xi32, #tpu.memory_space<hbm>>) target(%dma_start3A_12 : memref<80xi32, #tpu.memory_space<vmem>>) target_semaphore(%arg15 : memref<!tpu.dma_semaphore, #tpu.memory_space<semaphore_mem>>)
    %dma_start3A_16 = arith.constant 0 : i32
    %dma_start3A_17 = arith.constant 0 : i32
    %dma_start3A_18 = arith.constant 0 : i32
    %dma_start3A_19 = tpu.memref_slice %arg10[%dma_start3A_17, %dma_start3A_18] : memref<2x80xi32, #tpu.memory_space<vmem>> -> memref<1x80xi32, #tpu.memory_space<vmem>>
    %dma_start3A_20 = tpu.memref_squeeze %dma_start3A_19 : memref<1x80xi32, #tpu.memory_space<vmem>> -> memref<80xi32, #tpu.memory_space<vmem>>
    %dma_start3A_21 = arith.constant 0 : i32
    %dma_start3A_22 = tpu.memref_slice %arg4[%add3A, %dma_start3A_16, %dma_start3A_21] : memref<32x126x80xi32, #tpu.memory_space<hbm>> -> memref<1x1x80xi32, #tpu.memory_space<hbm>>
    %dma_start3A_23 = tpu.memref_squeeze %dma_start3A_22 : memref<1x1x80xi32, #tpu.memory_space<hbm>> -> memref<80xi32, #tpu.memory_space<hbm>>
    %dma_start3A_24 = arith.constant 0 : i32
    %dma_start3A_25 = tpu.memref_slice %arg10[%dma_start3A_17, %dma_start3A_24] : memref<2x80xi32, #tpu.memory_space<vmem>> -> memref<1x80xi32, #tpu.memory_space<vmem>>
    %dma_start3A_26 = tpu.memref_squeeze %dma_start3A_25 : memref<1x80xi32, #tpu.memory_space<vmem>> -> memref<80xi32, #tpu.memory_space<vmem>>
    %dma_start3A_27 = arith.constant 0 : i32
    %dma_start3A_28 = tpu.memref_slice %arg4[%add3A, %dma_start3A_16, %dma_start3A_27] : memref<32x126x80xi32, #tpu.memory_space<hbm>> -> memref<1x1x80xi32, #tpu.memory_space<hbm>>
    %dma_start3A_29 = tpu.memref_squeeze %dma_start3A_28 : memref<1x1x80xi32, #tpu.memory_space<hbm>> -> memref<80xi32, #tpu.memory_space<hbm>>
    tpu.enqueue_dma source(%dma_start3A_29 : memref<80xi32, #tpu.memory_space<hbm>>) target(%dma_start3A_26 : memref<80xi32, #tpu.memory_space<vmem>>) target_semaphore(%arg15 : memref<!tpu.dma_semaphore, #tpu.memory_space<semaphore_mem>>)
    %dma_start3A_30 = arith.constant 0 : i32
    %dma_start3A_31 = arith.constant 0 : i32
    %dma_start3A_32 = arith.constant 0 : i32
    %dma_start3A_33 = tpu.memref_slice %arg11[%dma_start3A_31, %dma_start3A_32] : memref<2x80xf32, #tpu.memory_space<vmem>> -> memref<1x80xf32, #tpu.memory_space<vmem>>
    %dma_start3A_34 = tpu.memref_squeeze %dma_start3A_33 : memref<1x80xf32, #tpu.memory_space<vmem>> -> memref<80xf32, #tpu.memory_space<vmem>>
    %dma_start3A_35 = arith.constant 0 : i32
    %dma_start3A_36 = tpu.memref_slice %arg5[%add3A, %dma_start3A_30, %dma_start3A_35] : memref<32x126x80xf32, #tpu.memory_space<hbm>> -> memref<1x1x80xf32, #tpu.memory_space<hbm>>
    %dma_start3A_37 = tpu.memref_squeeze %dma_start3A_36 : memref<1x1x80xf32, #tpu.memory_space<hbm>> -> memref<80xf32, #tpu.memory_space<hbm>>
    %dma_start3A_38 = arith.constant 0 : i32
    %dma_start3A_39 = tpu.memref_slice %arg11[%dma_start3A_31, %dma_start3A_38] : memref<2x80xf32, #tpu.memory_space<vmem>> -> memref<1x80xf32, #tpu.memory_space<vmem>>
    %dma_start3A_40 = tpu.memref_squeeze %dma_start3A_39 : memref<1x80xf32, #tpu.memory_space<vmem>> -> memref<80xf32, #tpu.memory_space<vmem>>
    %dma_start3A_41 = arith.constant 0 : i32
    %dma_start3A_42 = tpu.memref_slice %arg5[%add3A, %dma_start3A_30, %dma_start3A_41] : memref<32x126x80xf32, #tpu.memory_space<hbm>> -> memref<1x1x80xf32, #tpu.memory_space<hbm>>
    %dma_start3A_43 = tpu.memref_squeeze %dma_start3A_42 : memref<1x1x80xf32, #tpu.memory_space<hbm>> -> memref<80xf32, #tpu.memory_space<hbm>>
    tpu.enqueue_dma source(%dma_start3A_43 : memref<80xf32, #tpu.memory_space<hbm>>) target(%dma_start3A_40 : memref<80xf32, #tpu.memory_space<vmem>>) target_semaphore(%arg15 : memref<!tpu.dma_semaphore, #tpu.memory_space<semaphore_mem>>)
    %dma_wait3A = arith.constant 0 : i32
    %dma_wait3A_44 = arith.constant 0 : i32
    %dma_wait3A_45 = arith.constant 0 : i32
    %dma_wait3A_46 = tpu.memref_slice %arg9[%dma_wait3A_44, %dma_wait3A_45] : memref<2x80xi32, #tpu.memory_space<vmem>> -> memref<1x80xi32, #tpu.memory_space<vmem>>
    %dma_wait3A_47 = tpu.memref_squeeze %dma_wait3A_46 : memref<1x80xi32, #tpu.memory_space<vmem>> -> memref<80xi32, #tpu.memory_space<vmem>>
    %dma_wait3A_48 = arith.constant 0 : i32
    %dma_wait3A_49 = tpu.memref_slice %arg3[%add3A, %dma_wait3A, %dma_wait3A_48] : memref<32x126x80xi32, #tpu.memory_space<hbm>> -> memref<1x1x80xi32, #tpu.memory_space<hbm>>
    %dma_wait3A_50 = tpu.memref_squeeze %dma_wait3A_49 : memref<1x1x80xi32, #tpu.memory_space<hbm>> -> memref<80xi32, #tpu.memory_space<hbm>>
    %dma_wait3A_51 = arith.constant 0 : i32
    %dma_wait3A_52 = tpu.memref_slice %arg9[%dma_wait3A_44, %dma_wait3A_51] : memref<2x80xi32, #tpu.memory_space<vmem>> -> memref<1x80xi32, #tpu.memory_space<vmem>>
    %dma_wait3A_53 = tpu.memref_squeeze %dma_wait3A_52 : memref<1x80xi32, #tpu.memory_space<vmem>> -> memref<80xi32, #tpu.memory_space<vmem>>
    %dma_wait3A_54 = arith.constant 0 : i32
    %dma_wait3A_55 = tpu.memref_slice %arg3[%add3A, %dma_wait3A, %dma_wait3A_54] : memref<32x126x80xi32, #tpu.memory_space<hbm>> -> memref<1x1x80xi32, #tpu.memory_space<hbm>>
    %dma_wait3A_56 = tpu.memref_squeeze %dma_wait3A_55 : memref<1x1x80xi32, #tpu.memory_space<hbm>> -> memref<80xi32, #tpu.memory_space<hbm>>
    tpu.wait_dma2 semaphore(%arg15 : memref<!tpu.dma_semaphore, #tpu.memory_space<semaphore_mem>>) src(%dma_wait3A_56 : memref<80xi32, #tpu.memory_space<hbm>>) dst(%dma_wait3A_53 : memref<80xi32, #tpu.memory_space<vmem>>)
    %dma_wait3A_57 = arith.constant 0 : i32
    %dma_wait3A_58 = arith.constant 0 : i32
    %dma_wait3A_59 = arith.constant 0 : i32
    %dma_wait3A_60 = tpu.memref_slice %arg10[%dma_wait3A_58, %dma_wait3A_59] : memref<2x80xi32, #tpu.memory_space<vmem>> -> memref<1x80xi32, #tpu.memory_space<vmem>>
    %dma_wait3A_61 = tpu.memref_squeeze %dma_wait3A_60 : memref<1x80xi32, #tpu.memory_space<vmem>> -> memref<80xi32, #tpu.memory_space<vmem>>
    %dma_wait3A_62 = arith.constant 0 : i32
    %dma_wait3A_63 = tpu.memref_slice %arg4[%add3A, %dma_wait3A_57, %dma_wait3A_62] : memref<32x126x80xi32, #tpu.memory_space<hbm>> -> memref<1x1x80xi32, #tpu.memory_space<hbm>>
    %dma_wait3A_64 = tpu.memref_squeeze %dma_wait3A_63 : memref<1x1x80xi32, #tpu.memory_space<hbm>> -> memref<80xi32, #tpu.memory_space<hbm>>
    %dma_wait3A_65 = arith.constant 0 : i32
    %dma_wait3A_66 = tpu.memref_slice %arg10[%dma_wait3A_58, %dma_wait3A_65] : memref<2x80xi32, #tpu.memory_space<vmem>> -> memref<1x80xi32, #tpu.memory_space<vmem>>
    %dma_wait3A_67 = tpu.memref_squeeze %dma_wait3A_66 : memref<1x80xi32, #tpu.memory_space<vmem>> -> memref<80xi32, #tpu.memory_space<vmem>>
    %dma_wait3A_68 = arith.constant 0 : i32
    %dma_wait3A_69 = tpu.memref_slice %arg4[%add3A, %dma_wait3A_57, %dma_wait3A_68] : memref<32x126x80xi32, #tpu.memory_space<hbm>> -> memref<1x1x80xi32, #tpu.memory_space<hbm>>
    %dma_wait3A_70 = tpu.memref_squeeze %dma_wait3A_69 : memref<1x1x80xi32, #tpu.memory_space<hbm>> -> memref<80xi32, #tpu.memory_space<hbm>>
    tpu.wait_dma2 semaphore(%arg15 : memref<!tpu.dma_semaphore, #tpu.memory_space<semaphore_mem>>) src(%dma_wait3A_70 : memref<80xi32, #tpu.memory_space<hbm>>) dst(%dma_wait3A_67 : memref<80xi32, #tpu.memory_space<vmem>>)
    %dma_wait3A_71 = arith.constant 0 : i32
    %dma_wait3A_72 = arith.constant 0 : i32
    %dma_wait3A_73 = arith.constant 0 : i32
    %dma_wait3A_74 = tpu.memref_slice %arg11[%dma_wait3A_72, %dma_wait3A_73] : memref<2x80xf32, #tpu.memory_space<vmem>> -> memref<1x80xf32, #tpu.memory_space<vmem>>
    %dma_wait3A_75 = tpu.memref_squeeze %dma_wait3A_74 : memref<1x80xf32, #tpu.memory_space<vmem>> -> memref<80xf32, #tpu.memory_space<vmem>>
    %dma_wait3A_76 = arith.constant 0 : i32
    %dma_wait3A_77 = tpu.memref_slice %arg5[%add3A, %dma_wait3A_71, %dma_wait3A_76] : memref<32x126x80xf32, #tpu.memory_space<hbm>> -> memref<1x1x80xf32, #tpu.memory_space<hbm>>
    %dma_wait3A_78 = tpu.memref_squeeze %dma_wait3A_77 : memref<1x1x80xf32, #tpu.memory_space<hbm>> -> memref<80xf32, #tpu.memory_space<hbm>>
    %dma_wait3A_79 = arith.constant 0 : i32
    %dma_wait3A_80 = tpu.memref_slice %arg11[%dma_wait3A_72, %dma_wait3A_79] : memref<2x80xf32, #tpu.memory_space<vmem>> -> memref<1x80xf32, #tpu.memory_space<vmem>>
    %dma_wait3A_81 = tpu.memref_squeeze %dma_wait3A_80 : memref<1x80xf32, #tpu.memory_space<vmem>> -> memref<80xf32, #tpu.memory_space<vmem>>
    %dma_wait3A_82 = arith.constant 0 : i32
    %dma_wait3A_83 = tpu.memref_slice %arg5[%add3A, %dma_wait3A_71, %dma_wait3A_82] : memref<32x126x80xf32, #tpu.memory_space<hbm>> -> memref<1x1x80xf32, #tpu.memory_space<hbm>>
    %dma_wait3A_84 = tpu.memref_squeeze %dma_wait3A_83 : memref<1x1x80xf32, #tpu.memory_space<hbm>> -> memref<80xf32, #tpu.memory_space<hbm>>
    tpu.wait_dma2 semaphore(%arg15 : memref<!tpu.dma_semaphore, #tpu.memory_space<semaphore_mem>>) src(%dma_wait3A_84 : memref<80xf32, #tpu.memory_space<hbm>>) dst(%dma_wait3A_81 : memref<80xf32, #tpu.memory_space<vmem>>)
    %dma_start3A_85 = arith.constant 0 : i32
    %dma_start3A_86 = arith.constant 0 : i32
    %dma_start3A_87 = arith.constant 0 : i32
    %dma_start3A_88 = arith.constant 0 : i32
    %dma_start3A_89 = tpu.memref_slice %arg8[%dma_start3A_86, %dma_start3A_87, %dma_start3A_88] : memref<2x80x128xf32, #tpu.memory_space<vmem>> -> memref<1x80x128xf32, #tpu.memory_space<vmem>>
    %dma_start3A_90 = tpu.memref_squeeze %dma_start3A_89 : memref<1x80x128xf32, #tpu.memory_space<vmem>> -> memref<80x128xf32, #tpu.memory_space<vmem>>
    %dma_start3A_91 = arith.constant 0 : i32
    %dma_start3A_92 = tpu.memref_slice %arg9[%dma_start3A_85, %dma_start3A_91] : memref<2x80xi32, #tpu.memory_space<vmem>> -> memref<1x80xi32, #tpu.memory_space<vmem>>
    %dma_start3A_93 = tpu.memref_squeeze %dma_start3A_92 : memref<1x80xi32, #tpu.memory_space<vmem>> -> memref<80xi32, #tpu.memory_space<vmem>>
    %dma_start3A_94 = arith.constant 0 : i32
    %dma_start3A_95 = arith.constant 0 : i32
    %dma_start3A_96 = tpu.memref_slice %arg2[%dma_start3A_94, %dma_start3A_95] : memref<10000x128xf32, #tpu.memory_space<hbm>> -> memref<10000x128xf32, #tpu.memory_space<hbm>>
    tpu.enqueue_indirect_dma source(%dma_start3A_96 : memref<10000x128xf32, #tpu.memory_space<hbm>>) target(%dma_start3A_90 : memref<80x128xf32, #tpu.memory_space<vmem>>) offsets(%dma_start3A_93 : memref<80xi32, #tpu.memory_space<vmem>>) semaphore(%arg13 : memref<!tpu.dma_semaphore, #tpu.memory_space<semaphore_mem>>)
    %dma_start3A_97 = arith.constant 1 : i32
    %dma_start3A_98 = arith.constant 1 : i32
    %dma_start3A_99 = arith.constant 0 : i32
    %dma_start3A_100 = tpu.memref_slice %arg9[%dma_start3A_98, %dma_start3A_99] : memref<2x80xi32, #tpu.memory_space<vmem>> -> memref<1x80xi32, #tpu.memory_space<vmem>>
    %dma_start3A_101 = tpu.memref_squeeze %dma_start3A_100 : memref<1x80xi32, #tpu.memory_space<vmem>> -> memref<80xi32, #tpu.memory_space<vmem>>
    %dma_start3A_102 = arith.constant 0 : i32
    %dma_start3A_103 = tpu.memref_slice %arg3[%add3A, %dma_start3A_97, %dma_start3A_102] : memref<32x126x80xi32, #tpu.memory_space<hbm>> -> memref<1x1x80xi32, #tpu.memory_space<hbm>>
    %dma_start3A_104 = tpu.memref_squeeze %dma_start3A_103 : memref<1x1x80xi32, #tpu.memory_space<hbm>> -> memref<80xi32, #tpu.memory_space<hbm>>
    %dma_start3A_105 = arith.constant 0 : i32
    %dma_start3A_106 = tpu.memref_slice %arg9[%dma_start3A_98, %dma_start3A_105] : memref<2x80xi32, #tpu.memory_space<vmem>> -> memref<1x80xi32, #tpu.memory_space<vmem>>
    %dma_start3A_107 = tpu.memref_squeeze %dma_start3A_106 : memref<1x80xi32, #tpu.memory_space<vmem>> -> memref<80xi32, #tpu.memory_space<vmem>>
    %dma_start3A_108 = arith.constant 0 : i32
    %dma_start3A_109 = tpu.memref_slice %arg3[%add3A, %dma_start3A_97, %dma_start3A_108] : memref<32x126x80xi32, #tpu.memory_space<hbm>> -> memref<1x1x80xi32, #tpu.memory_space<hbm>>
    %dma_start3A_110 = tpu.memref_squeeze %dma_start3A_109 : memref<1x1x80xi32, #tpu.memory_space<hbm>> -> memref<80xi32, #tpu.memory_space<hbm>>
    tpu.enqueue_dma source(%dma_start3A_110 : memref<80xi32, #tpu.memory_space<hbm>>) target(%dma_start3A_107 : memref<80xi32, #tpu.memory_space<vmem>>) target_semaphore(%arg16 : memref<!tpu.dma_semaphore, #tpu.memory_space<semaphore_mem>>)
    %dma_start3A_111 = arith.constant 1 : i32
    %dma_start3A_112 = arith.constant 1 : i32
    %dma_start3A_113 = arith.constant 0 : i32
    %dma_start3A_114 = tpu.memref_slice %arg10[%dma_start3A_112, %dma_start3A_113] : memref<2x80xi32, #tpu.memory_space<vmem>> -> memref<1x80xi32, #tpu.memory_space<vmem>>
    %dma_start3A_115 = tpu.memref_squeeze %dma_start3A_114 : memref<1x80xi32, #tpu.memory_space<vmem>> -> memref<80xi32, #tpu.memory_space<vmem>>
    %dma_start3A_116 = arith.constant 0 : i32
    %dma_start3A_117 = tpu.memref_slice %arg4[%add3A, %dma_start3A_111, %dma_start3A_116] : memref<32x126x80xi32, #tpu.memory_space<hbm>> -> memref<1x1x80xi32, #tpu.memory_space<hbm>>
    %dma_start3A_118 = tpu.memref_squeeze %dma_start3A_117 : memref<1x1x80xi32, #tpu.memory_space<hbm>> -> memref<80xi32, #tpu.memory_space<hbm>>
    %dma_start3A_119 = arith.constant 0 : i32
    %dma_start3A_120 = tpu.memref_slice %arg10[%dma_start3A_112, %dma_start3A_119] : memref<2x80xi32, #tpu.memory_space<vmem>> -> memref<1x80xi32, #tpu.memory_space<vmem>>
    %dma_start3A_121 = tpu.memref_squeeze %dma_start3A_120 : memref<1x80xi32, #tpu.memory_space<vmem>> -> memref<80xi32, #tpu.memory_space<vmem>>
    %dma_start3A_122 = arith.constant 0 : i32
    %dma_start3A_123 = tpu.memref_slice %arg4[%add3A, %dma_start3A_111, %dma_start3A_122] : memref<32x126x80xi32, #tpu.memory_space<hbm>> -> memref<1x1x80xi32, #tpu.memory_space<hbm>>
    %dma_start3A_124 = tpu.memref_squeeze %dma_start3A_123 : memref<1x1x80xi32, #tpu.memory_space<hbm>> -> memref<80xi32, #tpu.memory_space<hbm>>
    tpu.enqueue_dma source(%dma_start3A_124 : memref<80xi32, #tpu.memory_space<hbm>>) target(%dma_start3A_121 : memref<80xi32, #tpu.memory_space<vmem>>) target_semaphore(%arg16 : memref<!tpu.dma_semaphore, #tpu.memory_space<semaphore_mem>>)
    %dma_start3A_125 = arith.constant 1 : i32
    %dma_start3A_126 = arith.constant 1 : i32
    %dma_start3A_127 = arith.constant 0 : i32
    %dma_start3A_128 = tpu.memref_slice %arg11[%dma_start3A_126, %dma_start3A_127] : memref<2x80xf32, #tpu.memory_space<vmem>> -> memref<1x80xf32, #tpu.memory_space<vmem>>
    %dma_start3A_129 = tpu.memref_squeeze %dma_start3A_128 : memref<1x80xf32, #tpu.memory_space<vmem>> -> memref<80xf32, #tpu.memory_space<vmem>>
    %dma_start3A_130 = arith.constant 0 : i32
    %dma_start3A_131 = tpu.memref_slice %arg5[%add3A, %dma_start3A_125, %dma_start3A_130] : memref<32x126x80xf32, #tpu.memory_space<hbm>> -> memref<1x1x80xf32, #tpu.memory_space<hbm>>
    %dma_start3A_132 = tpu.memref_squeeze %dma_start3A_131 : memref<1x1x80xf32, #tpu.memory_space<hbm>> -> memref<80xf32, #tpu.memory_space<hbm>>
    %dma_start3A_133 = arith.constant 0 : i32
    %dma_start3A_134 = tpu.memref_slice %arg11[%dma_start3A_126, %dma_start3A_133] : memref<2x80xf32, #tpu.memory_space<vmem>> -> memref<1x80xf32, #tpu.memory_space<vmem>>
    %dma_start3A_135 = tpu.memref_squeeze %dma_start3A_134 : memref<1x80xf32, #tpu.memory_space<vmem>> -> memref<80xf32, #tpu.memory_space<vmem>>
    %dma_start3A_136 = arith.constant 0 : i32
    %dma_start3A_137 = tpu.memref_slice %arg5[%add3A, %dma_start3A_125, %dma_start3A_136] : memref<32x126x80xf32, #tpu.memory_space<hbm>> -> memref<1x1x80xf32, #tpu.memory_space<hbm>>
    %dma_start3A_138 = tpu.memref_squeeze %dma_start3A_137 : memref<1x1x80xf32, #tpu.memory_space<hbm>> -> memref<80xf32, #tpu.memory_space<hbm>>
    tpu.enqueue_dma source(%dma_start3A_138 : memref<80xf32, #tpu.memory_space<hbm>>) target(%dma_start3A_135 : memref<80xf32, #tpu.memory_space<vmem>>) target_semaphore(%arg16 : memref<!tpu.dma_semaphore, #tpu.memory_space<semaphore_mem>>)
    %dma_wait3A_139 = arith.constant 0 : i32
    %dma_wait3A_140 = arith.constant 0 : i32
    %dma_wait3A_141 = arith.constant 0 : i32
    %dma_wait3A_142 = arith.constant 0 : i32
    %dma_wait3A_143 = tpu.memref_slice %arg8[%dma_wait3A_140, %dma_wait3A_141, %dma_wait3A_142] : memref<2x80x128xf32, #tpu.memory_space<vmem>> -> memref<1x80x128xf32, #tpu.memory_space<vmem>>
    %dma_wait3A_144 = tpu.memref_squeeze %dma_wait3A_143 : memref<1x80x128xf32, #tpu.memory_space<vmem>> -> memref<80x128xf32, #tpu.memory_space<vmem>>
    %dma_wait3A_145 = arith.constant 0 : i32
    %dma_wait3A_146 = tpu.memref_slice %arg9[%dma_wait3A_139, %dma_wait3A_145] : memref<2x80xi32, #tpu.memory_space<vmem>> -> memref<1x80xi32, #tpu.memory_space<vmem>>
    %dma_wait3A_147 = tpu.memref_squeeze %dma_wait3A_146 : memref<1x80xi32, #tpu.memory_space<vmem>> -> memref<80xi32, #tpu.memory_space<vmem>>
    %dma_wait3A_148 = arith.constant 0 : i32
    %dma_wait3A_149 = arith.constant 0 : i32
    %dma_wait3A_150 = tpu.memref_slice %arg2[%dma_wait3A_148, %dma_wait3A_149] : memref<10000x128xf32, #tpu.memory_space<hbm>> -> memref<10000x128xf32, #tpu.memory_space<hbm>>
    tpu.wait_indirect_dma semaphore(%arg13 : memref<!tpu.dma_semaphore, #tpu.memory_space<semaphore_mem>>) src(%dma_wait3A_150 : memref<10000x128xf32, #tpu.memory_space<hbm>>) dst(%dma_wait3A_144 : memref<80x128xf32, #tpu.memory_space<vmem>>)
    %scan3A = arith.constant 0 : i32
    %scan3A_151 = arith.constant 0 : i32
    %scan3A_152 = arith.constant 63 : i32
    %scan3A_153 = arith.addi %scan3A_151, %scan3A_152 : i32
    %scan3A_154 = arith.constant 1 : i32
    %scan3A_155 = scf.for %scan3A_162 = %scan3A_151 to %scan3A_153 step %scan3A_154 iter_args(%scan3A_163 = %scan3A) -> (i32)  : i32 {
      %mul3A_164 = arith.constant 2 : i32
      %mul3A_165 = arith.muli %mul3A_164, %scan3A_162 : i32
      %add3A_166 = arith.constant 0 : i32
      %add3A_167 = arith.addi %mul3A_165, %add3A_166 : i32
      %add3A_168 = arith.constant 1 : i32
      %add3A_169 = arith.addi %add3A_167, %add3A_168 : i32
      %lt3A = arith.constant 126 : i32
      %lt3A_170 = arith.cmpi slt, %add3A_169, %lt3A : i32
      %convert_element_type3A = arith.extui %lt3A_170 : i1 to i32
      %cond3A = arith.constant 0 : i32
      %cond3A_171 = arith.cmpi ne, %convert_element_type3A, %cond3A : i32
      scf.if %cond3A_171 {
        %add3A_220 = arith.constant 1 : i32
        %add3A_221 = arith.addi %add3A_167, %add3A_220 : i32
        %dma_wait3A_222 = arith.constant 1 : i32
        %dma_wait3A_223 = arith.constant 0 : i32
        %dma_wait3A_224 = tpu.memref_slice %arg9[%dma_wait3A_222, %dma_wait3A_223] : memref<2x80xi32, #tpu.memory_space<vmem>> -> memref<1x80xi32, #tpu.memory_space<vmem>>
        %dma_wait3A_225 = tpu.memref_squeeze %dma_wait3A_224 : memref<1x80xi32, #tpu.memory_space<vmem>> -> memref<80xi32, #tpu.memory_space<vmem>>
        %dma_wait3A_226 = arith.constant 0 : i32
        %dma_wait3A_227 = tpu.memref_slice %arg3[%add3A, %add3A_221, %dma_wait3A_226] : memref<32x126x80xi32, #tpu.memory_space<hbm>> -> memref<1x1x80xi32, #tpu.memory_space<hbm>>
        %dma_wait3A_228 = tpu.memref_squeeze %dma_wait3A_227 : memref<1x1x80xi32, #tpu.memory_space<hbm>> -> memref<80xi32, #tpu.memory_space<hbm>>
        %dma_wait3A_229 = arith.constant 0 : i32
        %dma_wait3A_230 = tpu.memref_slice %arg9[%dma_wait3A_222, %dma_wait3A_229] : memref<2x80xi32, #tpu.memory_space<vmem>> -> memref<1x80xi32, #tpu.memory_space<vmem>>
        %dma_wait3A_231 = tpu.memref_squeeze %dma_wait3A_230 : memref<1x80xi32, #tpu.memory_space<vmem>> -> memref<80xi32, #tpu.memory_space<vmem>>
        %dma_wait3A_232 = arith.constant 0 : i32
        %dma_wait3A_233 = tpu.memref_slice %arg3[%add3A, %add3A_221, %dma_wait3A_232] : memref<32x126x80xi32, #tpu.memory_space<hbm>> -> memref<1x1x80xi32, #tpu.memory_space<hbm>>
        %dma_wait3A_234 = tpu.memref_squeeze %dma_wait3A_233 : memref<1x1x80xi32, #tpu.memory_space<hbm>> -> memref<80xi32, #tpu.memory_space<hbm>>
        tpu.wait_dma2 semaphore(%arg16 : memref<!tpu.dma_semaphore, #tpu.memory_space<semaphore_mem>>) src(%dma_wait3A_234 : memref<80xi32, #tpu.memory_space<hbm>>) dst(%dma_wait3A_231 : memref<80xi32, #tpu.memory_space<vmem>>)
        %dma_wait3A_235 = arith.constant 1 : i32
        %dma_wait3A_236 = arith.constant 0 : i32
        %dma_wait3A_237 = tpu.memref_slice %arg10[%dma_wait3A_235, %dma_wait3A_236] : memref<2x80xi32, #tpu.memory_space<vmem>> -> memref<1x80xi32, #tpu.memory_space<vmem>>
        %dma_wait3A_238 = tpu.memref_squeeze %dma_wait3A_237 : memref<1x80xi32, #tpu.memory_space<vmem>> -> memref<80xi32, #tpu.memory_space<vmem>>
        %dma_wait3A_239 = arith.constant 0 : i32
        %dma_wait3A_240 = tpu.memref_slice %arg4[%add3A, %add3A_221, %dma_wait3A_239] : memref<32x126x80xi32, #tpu.memory_space<hbm>> -> memref<1x1x80xi32, #tpu.memory_space<hbm>>
        %dma_wait3A_241 = tpu.memref_squeeze %dma_wait3A_240 : memref<1x1x80xi32, #tpu.memory_space<hbm>> -> memref<80xi32, #tpu.memory_space<hbm>>
        %dma_wait3A_242 = arith.constant 0 : i32
        %dma_wait3A_243 = tpu.memref_slice %arg10[%dma_wait3A_235, %dma_wait3A_242] : memref<2x80xi32, #tpu.memory_space<vmem>> -> memref<1x80xi32, #tpu.memory_space<vmem>>
        %dma_wait3A_244 = tpu.memref_squeeze %dma_wait3A_243 : memref<1x80xi32, #tpu.memory_space<vmem>> -> memref<80xi32, #tpu.memory_space<vmem>>
        %dma_wait3A_245 = arith.constant 0 : i32
        %dma_wait3A_246 = tpu.memref_slice %arg4[%add3A, %add3A_221, %dma_wait3A_245] : memref<32x126x80xi32, #tpu.memory_space<hbm>> -> memref<1x1x80xi32, #tpu.memory_space<hbm>>
        %dma_wait3A_247 = tpu.memref_squeeze %dma_wait3A_246 : memref<1x1x80xi32, #tpu.memory_space<hbm>> -> memref<80xi32, #tpu.memory_space<hbm>>
        tpu.wait_dma2 semaphore(%arg16 : memref<!tpu.dma_semaphore, #tpu.memory_space<semaphore_mem>>) src(%dma_wait3A_247 : memref<80xi32, #tpu.memory_space<hbm>>) dst(%dma_wait3A_244 : memref<80xi32, #tpu.memory_space<vmem>>)
        %dma_wait3A_248 = arith.constant 1 : i32
        %dma_wait3A_249 = arith.constant 0 : i32
        %dma_wait3A_250 = tpu.memref_slice %arg11[%dma_wait3A_248, %dma_wait3A_249] : memref<2x80xf32, #tpu.memory_space<vmem>> -> memref<1x80xf32, #tpu.memory_space<vmem>>
        %dma_wait3A_251 = tpu.memref_squeeze %dma_wait3A_250 : memref<1x80xf32, #tpu.memory_space<vmem>> -> memref<80xf32, #tpu.memory_space<vmem>>
        %dma_wait3A_252 = arith.constant 0 : i32
        %dma_wait3A_253 = tpu.memref_slice %arg5[%add3A, %add3A_221, %dma_wait3A_252] : memref<32x126x80xf32, #tpu.memory_space<hbm>> -> memref<1x1x80xf32, #tpu.memory_space<hbm>>
        %dma_wait3A_254 = tpu.memref_squeeze %dma_wait3A_253 : memref<1x1x80xf32, #tpu.memory_space<hbm>> -> memref<80xf32, #tpu.memory_space<hbm>>
        %dma_wait3A_255 = arith.constant 0 : i32
        %dma_wait3A_256 = tpu.memref_slice %arg11[%dma_wait3A_248, %dma_wait3A_255] : memref<2x80xf32, #tpu.memory_space<vmem>> -> memref<1x80xf32, #tpu.memory_space<vmem>>
        %dma_wait3A_257 = tpu.memref_squeeze %dma_wait3A_256 : memref<1x80xf32, #tpu.memory_space<vmem>> -> memref<80xf32, #tpu.memory_space<vmem>>
        %dma_wait3A_258 = arith.constant 0 : i32
        %dma_wait3A_259 = tpu.memref_slice %arg5[%add3A, %add3A_221, %dma_wait3A_258] : memref<32x126x80xf32, #tpu.memory_space<hbm>> -> memref<1x1x80xf32, #tpu.memory_space<hbm>>
        %dma_wait3A_260 = tpu.memref_squeeze %dma_wait3A_259 : memref<1x1x80xf32, #tpu.memory_space<hbm>> -> memref<80xf32, #tpu.memory_space<hbm>>
        tpu.wait_dma2 semaphore(%arg16 : memref<!tpu.dma_semaphore, #tpu.memory_space<semaphore_mem>>) src(%dma_wait3A_260 : memref<80xf32, #tpu.memory_space<hbm>>) dst(%dma_wait3A_257 : memref<80xf32, #tpu.memory_space<vmem>>)
        %add3A_261 = arith.constant 1 : i32
        %add3A_262 = arith.addi %add3A_167, %add3A_261 : i32
        %dma_start3A_263 = arith.constant 1 : i32
        %dma_start3A_264 = arith.constant 1 : i32
        %dma_start3A_265 = arith.constant 0 : i32
        %dma_start3A_266 = arith.constant 0 : i32
        %dma_start3A_267 = tpu.memref_slice %arg8[%dma_start3A_264, %dma_start3A_265, %dma_start3A_266] : memref<2x80x128xf32, #tpu.memory_space<vmem>> -> memref<1x80x128xf32, #tpu.memory_space<vmem>>
        %dma_start3A_268 = tpu.memref_squeeze %dma_start3A_267 : memref<1x80x128xf32, #tpu.memory_space<vmem>> -> memref<80x128xf32, #tpu.memory_space<vmem>>
        %dma_start3A_269 = arith.constant 0 : i32
        %dma_start3A_270 = tpu.memref_slice %arg9[%dma_start3A_263, %dma_start3A_269] : memref<2x80xi32, #tpu.memory_space<vmem>> -> memref<1x80xi32, #tpu.memory_space<vmem>>
        %dma_start3A_271 = tpu.memref_squeeze %dma_start3A_270 : memref<1x80xi32, #tpu.memory_space<vmem>> -> memref<80xi32, #tpu.memory_space<vmem>>
        %dma_start3A_272 = arith.constant 0 : i32
        %dma_start3A_273 = arith.constant 0 : i32
        %dma_start3A_274 = tpu.memref_slice %arg2[%dma_start3A_272, %dma_start3A_273] : memref<10000x128xf32, #tpu.memory_space<hbm>> -> memref<10000x128xf32, #tpu.memory_space<hbm>>
        tpu.enqueue_indirect_dma source(%dma_start3A_274 : memref<10000x128xf32, #tpu.memory_space<hbm>>) target(%dma_start3A_268 : memref<80x128xf32, #tpu.memory_space<vmem>>) offsets(%dma_start3A_271 : memref<80xi32, #tpu.memory_space<vmem>>) semaphore(%arg14 : memref<!tpu.dma_semaphore, #tpu.memory_space<semaphore_mem>>)
      } else {
      }
      %parallel_loop3A = arith.constant 0 : i32
      %parallel_loop3A_172 = arith.constant 80 : i32
      %parallel_loop3A_173 = arith.constant 1 : i32
      scf.for %parallel_loop3A_220 = %parallel_loop3A to %parallel_loop3A_172 step %parallel_loop3A_173  : i32 {
        %parallel_loop3A_221 = arith.constant 0 : i32
        %parallel_loop3A_222 = vector.broadcast %parallel_loop3A_221 : i32 to vector<16xi32>
        %parallel_loop3A_223 = vector.broadcast %parallel_loop3A_220 : i32 to vector<16xi32>
        %parallel_loop3A_224 = tpu.vector_load_idx %arg11[%parallel_loop3A_222, %parallel_loop3A_223] : memref<2x80xf32, #tpu.memory_space<vmem>>[vector<16xi32>, vector<16xi32>], vector<16xf32>,
        %parallel_loop3A_225 = arith.constant 0 : i32
        %parallel_loop3A_226 = arith.index_cast %parallel_loop3A_225 : i32 to index
        %parallel_loop3A_227 = arith.index_cast %parallel_loop3A_220 : i32 to index
        %parallel_loop3A_228 = arith.constant 0 : index
        %parallel_loop3A_229 = tpu.vector_load %arg8[%parallel_loop3A_226, %parallel_loop3A_227, %parallel_loop3A_228] {strides = array<i32>} : memref<2x80x128xf32, #tpu.memory_space<vmem>>, vector<16xf32>,
        %parallel_loop3A_230 = arith.mulf %parallel_loop3A_229, %parallel_loop3A_224 : vector<16xf32>
        %parallel_loop3A_231 = arith.constant 0.000000e+00 : f32
        %parallel_loop3A_232 = vector.broadcast %parallel_loop3A_231 : f32 to vector<16xf32>
        %parallel_loop3A_233 = arith.maximumf %parallel_loop3A_230, %parallel_loop3A_232 : vector<16xf32>
        %parallel_loop3A_234 = arith.constant 0 : i32
        %parallel_loop3A_235 = arith.index_cast %parallel_loop3A_234 : i32 to index
        %parallel_loop3A_236 = arith.index_cast %parallel_loop3A_220 : i32 to index
        %parallel_loop3A_237 = arith.constant 0 : index
        %parallel_loop3A_238 = tpu.vector_load %arg8[%parallel_loop3A_235, %parallel_loop3A_236, %parallel_loop3A_237] {strides = array<i32>} : memref<2x80x128xf32, #tpu.memory_space<vmem>>, vector<16xf32>,
        tpu.vector_store %arg8[%parallel_loop3A_235, %parallel_loop3A_236, %parallel_loop3A_237], %parallel_loop3A_233 {strides = array<i32>} : memref<2x80x128xf32, #tpu.memory_space<vmem>>, vector<16xf32>,
        %parallel_loop3A_239 = arith.constant 0 : i32
        %parallel_loop3A_240 = arith.index_cast %parallel_loop3A_239 : i32 to index
        %parallel_loop3A_241 = arith.index_cast %parallel_loop3A_220 : i32 to index
        %parallel_loop3A_242 = arith.constant 16 : index
        %parallel_loop3A_243 = tpu.vector_load %arg8[%parallel_loop3A_240, %parallel_loop3A_241, %parallel_loop3A_242] {strides = array<i32>} : memref<2x80x128xf32, #tpu.memory_space<vmem>>, vector<16xf32>,
        %parallel_loop3A_244 = arith.mulf %parallel_loop3A_243, %parallel_loop3A_224 : vector<16xf32>
        %parallel_loop3A_245 = arith.constant 0.000000e+00 : f32
        %parallel_loop3A_246 = vector.broadcast %parallel_loop3A_245 : f32 to vector<16xf32>
        %parallel_loop3A_247 = arith.maximumf %parallel_loop3A_244, %parallel_loop3A_246 : vector<16xf32>
        %parallel_loop3A_248 = arith.constant 0 : i32
        %parallel_loop3A_249 = arith.index_cast %parallel_loop3A_248 : i32 to index
        %parallel_loop3A_250 = arith.index_cast %parallel_loop3A_220 : i32 to index
        %parallel_loop3A_251 = arith.constant 16 : index
        %parallel_loop3A_252 = tpu.vector_load %arg8[%parallel_loop3A_249, %parallel_loop3A_250, %parallel_loop3A_251] {strides = array<i32>} : memref<2x80x128xf32, #tpu.memory_space<vmem>>, vector<16xf32>,
        tpu.vector_store %arg8[%parallel_loop3A_249, %parallel_loop3A_250, %parallel_loop3A_251], %parallel_loop3A_247 {strides = array<i32>} : memref<2x80x128xf32, #tpu.memory_space<vmem>>, vector<16xf32>,
        %parallel_loop3A_253 = arith.constant 0 : i32
        %parallel_loop3A_254 = arith.index_cast %parallel_loop3A_253 : i32 to index
        %parallel_loop3A_255 = arith.index_cast %parallel_loop3A_220 : i32 to index
        %parallel_loop3A_256 = arith.constant 32 : index
        %parallel_loop3A_257 = tpu.vector_load %arg8[%parallel_loop3A_254, %parallel_loop3A_255, %parallel_loop3A_256] {strides = array<i32>} : memref<2x80x128xf32, #tpu.memory_space<vmem>>, vector<16xf32>,
        %parallel_loop3A_258 = arith.mulf %parallel_loop3A_257, %parallel_loop3A_224 : vector<16xf32>
        %parallel_loop3A_259 = arith.constant 0.000000e+00 : f32
        %parallel_loop3A_260 = vector.broadcast %parallel_loop3A_259 : f32 to vector<16xf32>
        %parallel_loop3A_261 = arith.maximumf %parallel_loop3A_258, %parallel_loop3A_260 : vector<16xf32>
        %parallel_loop3A_262 = arith.constant 0 : i32
        %parallel_loop3A_263 = arith.index_cast %parallel_loop3A_262 : i32 to index
        %parallel_loop3A_264 = arith.index_cast %parallel_loop3A_220 : i32 to index
        %parallel_loop3A_265 = arith.constant 32 : index
        %parallel_loop3A_266 = tpu.vector_load %arg8[%parallel_loop3A_263, %parallel_loop3A_264, %parallel_loop3A_265] {strides = array<i32>} : memref<2x80x128xf32, #tpu.memory_space<vmem>>, vector<16xf32>,
        tpu.vector_store %arg8[%parallel_loop3A_263, %parallel_loop3A_264, %parallel_loop3A_265], %parallel_loop3A_261 {strides = array<i32>} : memref<2x80x128xf32, #tpu.memory_space<vmem>>, vector<16xf32>,
        %parallel_loop3A_267 = arith.constant 0 : i32
        %parallel_loop3A_268 = arith.index_cast %parallel_loop3A_267 : i32 to index
        %parallel_loop3A_269 = arith.index_cast %parallel_loop3A_220 : i32 to index
        %parallel_loop3A_270 = arith.constant 48 : index
        %parallel_loop3A_271 = tpu.vector_load %arg8[%parallel_loop3A_268, %parallel_loop3A_269, %parallel_loop3A_270] {strides = array<i32>} : memref<2x80x128xf32, #tpu.memory_space<vmem>>, vector<16xf32>,
        %parallel_loop3A_272 = arith.mulf %parallel_loop3A_271, %parallel_loop3A_224 : vector<16xf32>
        %parallel_loop3A_273 = arith.constant 0.000000e+00 : f32
        %parallel_loop3A_274 = vector.broadcast %parallel_loop3A_273 : f32 to vector<16xf32>
        %parallel_loop3A_275 = arith.maximumf %parallel_loop3A_272, %parallel_loop3A_274 : vector<16xf32>
        %parallel_loop3A_276 = arith.constant 0 : i32
        %parallel_loop3A_277 = arith.index_cast %parallel_loop3A_276 : i32 to index
        %parallel_loop3A_278 = arith.index_cast %parallel_loop3A_220 : i32 to index
        %parallel_loop3A_279 = arith.constant 48 : index
        %parallel_loop3A_280 = tpu.vector_load %arg8[%parallel_loop3A_277, %parallel_loop3A_278, %parallel_loop3A_279] {strides = array<i32>} : memref<2x80x128xf32, #tpu.memory_space<vmem>>, vector<16xf32>,
        tpu.vector_store %arg8[%parallel_loop3A_277, %parallel_loop3A_278, %parallel_loop3A_279], %parallel_loop3A_275 {strides = array<i32>} : memref<2x80x128xf32, #tpu.memory_space<vmem>>, vector<16xf32>,
        %parallel_loop3A_281 = arith.constant 0 : i32
        %parallel_loop3A_282 = arith.index_cast %parallel_loop3A_281 : i32 to index
        %parallel_loop3A_283 = arith.index_cast %parallel_loop3A_220 : i32 to index
        %parallel_loop3A_284 = arith.constant 64 : index
        %parallel_loop3A_285 = tpu.vector_load %arg8[%parallel_loop3A_282, %parallel_loop3A_283, %parallel_loop3A_284] {strides = array<i32>} : memref<2x80x128xf32, #tpu.memory_space<vmem>>, vector<16xf32>,
        %parallel_loop3A_286 = arith.mulf %parallel_loop3A_285, %parallel_loop3A_224 : vector<16xf32>
        %parallel_loop3A_287 = arith.constant 0.000000e+00 : f32
        %parallel_loop3A_288 = vector.broadcast %parallel_loop3A_287 : f32 to vector<16xf32>
        %parallel_loop3A_289 = arith.maximumf %parallel_loop3A_286, %parallel_loop3A_288 : vector<16xf32>
        %parallel_loop3A_290 = arith.constant 0 : i32
        %parallel_loop3A_291 = arith.index_cast %parallel_loop3A_290 : i32 to index
        %parallel_loop3A_292 = arith.index_cast %parallel_loop3A_220 : i32 to index
        %parallel_loop3A_293 = arith.constant 64 : index
        %parallel_loop3A_294 = tpu.vector_load %arg8[%parallel_loop3A_291, %parallel_loop3A_292, %parallel_loop3A_293] {strides = array<i32>} : memref<2x80x128xf32, #tpu.memory_space<vmem>>, vector<16xf32>,
        tpu.vector_store %arg8[%parallel_loop3A_291, %parallel_loop3A_292, %parallel_loop3A_293], %parallel_loop3A_289 {strides = array<i32>} : memref<2x80x128xf32, #tpu.memory_space<vmem>>, vector<16xf32>,
        %parallel_loop3A_295 = arith.constant 0 : i32
        %parallel_loop3A_296 = arith.index_cast %parallel_loop3A_295 : i32 to index
        %parallel_loop3A_297 = arith.index_cast %parallel_loop3A_220 : i32 to index
        %parallel_loop3A_298 = arith.constant 80 : index
        %parallel_loop3A_299 = tpu.vector_load %arg8[%parallel_loop3A_296, %parallel_loop3A_297, %parallel_loop3A_298] {strides = array<i32>} : memref<2x80x128xf32, #tpu.memory_space<vmem>>, vector<16xf32>,
        %parallel_loop3A_300 = arith.mulf %parallel_loop3A_299, %parallel_loop3A_224 : vector<16xf32>
        %parallel_loop3A_301 = arith.constant 0.000000e+00 : f32
        %parallel_loop3A_302 = vector.broadcast %parallel_loop3A_301 : f32 to vector<16xf32>
        %parallel_loop3A_303 = arith.maximumf %parallel_loop3A_300, %parallel_loop3A_302 : vector<16xf32>
        %parallel_loop3A_304 = arith.constant 0 : i32
        %parallel_loop3A_305 = arith.index_cast %parallel_loop3A_304 : i32 to index
        %parallel_loop3A_306 = arith.index_cast %parallel_loop3A_220 : i32 to index
        %parallel_loop3A_307 = arith.constant 80 : index
        %parallel_loop3A_308 = tpu.vector_load %arg8[%parallel_loop3A_305, %parallel_loop3A_306, %parallel_loop3A_307] {strides = array<i32>} : memref<2x80x128xf32, #tpu.memory_space<vmem>>, vector<16xf32>,
        tpu.vector_store %arg8[%parallel_loop3A_305, %parallel_loop3A_306, %parallel_loop3A_307], %parallel_loop3A_303 {strides = array<i32>} : memref<2x80x128xf32, #tpu.memory_space<vmem>>, vector<16xf32>,
        %parallel_loop3A_309 = arith.constant 0 : i32
        %parallel_loop3A_310 = arith.index_cast %parallel_loop3A_309 : i32 to index
        %parallel_loop3A_311 = arith.index_cast %parallel_loop3A_220 : i32 to index
        %parallel_loop3A_312 = arith.constant 96 : index
        %parallel_loop3A_313 = tpu.vector_load %arg8[%parallel_loop3A_310, %parallel_loop3A_311, %parallel_loop3A_312] {strides = array<i32>} : memref<2x80x128xf32, #tpu.memory_space<vmem>>, vector<16xf32>,
        %parallel_loop3A_314 = arith.mulf %parallel_loop3A_313, %parallel_loop3A_224 : vector<16xf32>
        %parallel_loop3A_315 = arith.constant 0.000000e+00 : f32
        %parallel_loop3A_316 = vector.broadcast %parallel_loop3A_315 : f32 to vector<16xf32>
        %parallel_loop3A_317 = arith.maximumf %parallel_loop3A_314, %parallel_loop3A_316 : vector<16xf32>
        %parallel_loop3A_318 = arith.constant 0 : i32
        %parallel_loop3A_319 = arith.index_cast %parallel_loop3A_318 : i32 to index
        %parallel_loop3A_320 = arith.index_cast %parallel_loop3A_220 : i32 to index
        %parallel_loop3A_321 = arith.constant 96 : index
        %parallel_loop3A_322 = tpu.vector_load %arg8[%parallel_loop3A_319, %parallel_loop3A_320, %parallel_loop3A_321] {strides = array<i32>} : memref<2x80x128xf32, #tpu.memory_space<vmem>>, vector<16xf32>,
        tpu.vector_store %arg8[%parallel_loop3A_319, %parallel_loop3A_320, %parallel_loop3A_321], %parallel_loop3A_317 {strides = array<i32>} : memref<2x80x128xf32, #tpu.memory_space<vmem>>, vector<16xf32>,
        %parallel_loop3A_323 = arith.constant 0 : i32
        %parallel_loop3A_324 = arith.index_cast %parallel_loop3A_323 : i32 to index
        %parallel_loop3A_325 = arith.index_cast %parallel_loop3A_220 : i32 to index
        %parallel_loop3A_326 = arith.constant 112 : index
        %parallel_loop3A_327 = tpu.vector_load %arg8[%parallel_loop3A_324, %parallel_loop3A_325, %parallel_loop3A_326] {strides = array<i32>} : memref<2x80x128xf32, #tpu.memory_space<vmem>>, vector<16xf32>,
        %parallel_loop3A_328 = arith.mulf %parallel_loop3A_327, %parallel_loop3A_224 : vector<16xf32>
        %parallel_loop3A_329 = arith.constant 0.000000e+00 : f32
        %parallel_loop3A_330 = vector.broadcast %parallel_loop3A_329 : f32 to vector<16xf32>
        %parallel_loop3A_331 = arith.maximumf %parallel_loop3A_328, %parallel_loop3A_330 : vector<16xf32>
        %parallel_loop3A_332 = arith.constant 0 : i32
        %parallel_loop3A_333 = arith.index_cast %parallel_loop3A_332 : i32 to index
        %parallel_loop3A_334 = arith.index_cast %parallel_loop3A_220 : i32 to index
        %parallel_loop3A_335 = arith.constant 112 : index
        %parallel_loop3A_336 = tpu.vector_load %arg8[%parallel_loop3A_333, %parallel_loop3A_334, %parallel_loop3A_335] {strides = array<i32>} : memref<2x80x128xf32, #tpu.memory_space<vmem>>, vector<16xf32>,
        tpu.vector_store %arg8[%parallel_loop3A_333, %parallel_loop3A_334, %parallel_loop3A_335], %parallel_loop3A_331 {strides = array<i32>} : memref<2x80x128xf32, #tpu.memory_space<vmem>>, vector<16xf32>,
      } {sc.loop_unroll_factor = 4 : i64, sc.parallel_access}
      %add3A_174 = arith.constant 1 : i32
      %add3A_175 = arith.addi %add3A_167, %add3A_174 : i32
      %lt3A_176 = arith.constant 126 : i32
      %lt3A_177 = arith.cmpi slt, %add3A_175, %lt3A_176 : i32
      %convert_element_type3A_178 = arith.extui %lt3A_177 : i1 to i32
      %cond3A_179 = arith.constant 0 : i32
      %cond3A_180 = arith.cmpi ne, %convert_element_type3A_178, %cond3A_179 : i32
      scf.if %cond3A_180 {
        %add3A_220 = arith.constant 1 : i32
        %add3A_221 = arith.addi %add3A_167, %add3A_220 : i32
        %dma_wait3A_222 = arith.constant 1 : i32
        %dma_wait3A_223 = arith.constant 1 : i32
        %dma_wait3A_224 = arith.constant 0 : i32
        %dma_wait3A_225 = arith.constant 0 : i32
        %dma_wait3A_226 = tpu.memref_slice %arg8[%dma_wait3A_223, %dma_wait3A_224, %dma_wait3A_225] : memref<2x80x128xf32, #tpu.memory_space<vmem>> -> memref<1x80x128xf32, #tpu.memory_space<vmem>>
        %dma_wait3A_227 = tpu.memref_squeeze %dma_wait3A_226 : memref<1x80x128xf32, #tpu.memory_space<vmem>> -> memref<80x128xf32, #tpu.memory_space<vmem>>
        %dma_wait3A_228 = arith.constant 0 : i32
        %dma_wait3A_229 = tpu.memref_slice %arg9[%dma_wait3A_222, %dma_wait3A_228] : memref<2x80xi32, #tpu.memory_space<vmem>> -> memref<1x80xi32, #tpu.memory_space<vmem>>
        %dma_wait3A_230 = tpu.memref_squeeze %dma_wait3A_229 : memref<1x80xi32, #tpu.memory_space<vmem>> -> memref<80xi32, #tpu.memory_space<vmem>>
        %dma_wait3A_231 = arith.constant 0 : i32
        %dma_wait3A_232 = arith.constant 0 : i32
        %dma_wait3A_233 = tpu.memref_slice %arg2[%dma_wait3A_231, %dma_wait3A_232] : memref<10000x128xf32, #tpu.memory_space<hbm>> -> memref<10000x128xf32, #tpu.memory_space<hbm>>
        tpu.wait_indirect_dma semaphore(%arg14 : memref<!tpu.dma_semaphore, #tpu.memory_space<semaphore_mem>>) src(%dma_wait3A_233 : memref<10000x128xf32, #tpu.memory_space<hbm>>) dst(%dma_wait3A_227 : memref<80x128xf32, #tpu.memory_space<vmem>>)
      } else {
      }
      %run_scoped3A = arith.constant 0 : i32
      %run_scoped3A_181 = arith.constant 0 : i32
      "tpu.region"() ({
        %run_scoped3A_220 = tpu.sem_alloc : memref<!tpu.dma_semaphore, #tpu.memory_space<semaphore_mem>>
        %dma_start3A_221 = arith.constant 0 : i32
        %dma_start3A_222 = arith.constant 0 : i32
        %dma_start3A_223 = tpu.memref_slice %arg8[%run_scoped3A, %dma_start3A_221, %dma_start3A_222] : memref<2x80x128xf32, #tpu.memory_space<vmem>> -> memref<1x80x128xf32, #tpu.memory_space<vmem>>
        %dma_start3A_224 = tpu.memref_squeeze %dma_start3A_223 : memref<1x80x128xf32, #tpu.memory_space<vmem>> -> memref<80x128xf32, #tpu.memory_space<vmem>>
        %dma_start3A_225 = arith.constant 0 : i32
        %dma_start3A_226 = tpu.memref_slice %arg10[%run_scoped3A_181, %dma_start3A_225] : memref<2x80xi32, #tpu.memory_space<vmem>> -> memref<1x80xi32, #tpu.memory_space<vmem>>
        %dma_start3A_227 = tpu.memref_squeeze %dma_start3A_226 : memref<1x80xi32, #tpu.memory_space<vmem>> -> memref<80xi32, #tpu.memory_space<vmem>>
        %dma_start3A_228 = arith.constant 0 : i32
        %dma_start3A_229 = arith.constant 0 : i32
        %dma_start3A_230 = tpu.memref_slice %arg12[%dma_start3A_228, %dma_start3A_229] : memref<10112x128xf32, #tpu.memory_space<vmem_shared>> -> memref<10112x128xf32, #tpu.memory_space<vmem_shared>>
        tpu.enqueue_indirect_dma source(%dma_start3A_224 : memref<80x128xf32, #tpu.memory_space<vmem>>) target(%dma_start3A_230 : memref<10112x128xf32, #tpu.memory_space<vmem_shared>>) offsets(%dma_start3A_227 : memref<80xi32, #tpu.memory_space<vmem>>) semaphore(%run_scoped3A_220 : memref<!tpu.dma_semaphore, #tpu.memory_space<semaphore_mem>>) {add = true}
        %dma_wait3A_231 = arith.constant 0 : i32
        %dma_wait3A_232 = arith.constant 0 : i32
        %dma_wait3A_233 = tpu.memref_slice %arg8[%run_scoped3A, %dma_wait3A_231, %dma_wait3A_232] : memref<2x80x128xf32, #tpu.memory_space<vmem>> -> memref<1x80x128xf32, #tpu.memory_space<vmem>>
        %dma_wait3A_234 = tpu.memref_squeeze %dma_wait3A_233 : memref<1x80x128xf32, #tpu.memory_space<vmem>> -> memref<80x128xf32, #tpu.memory_space<vmem>>
        %dma_wait3A_235 = arith.constant 0 : i32
        %dma_wait3A_236 = tpu.memref_slice %arg10[%run_scoped3A_181, %dma_wait3A_235] : memref<2x80xi32, #tpu.memory_space<vmem>> -> memref<1x80xi32, #tpu.memory_space<vmem>>
        %dma_wait3A_237 = tpu.memref_squeeze %dma_wait3A_236 : memref<1x80xi32, #tpu.memory_space<vmem>> -> memref<80xi32, #tpu.memory_space<vmem>>
        %dma_wait3A_238 = arith.constant 0 : i32
        %dma_wait3A_239 = arith.constant 0 : i32
        %dma_wait3A_240 = tpu.memref_slice %arg12[%dma_wait3A_238, %dma_wait3A_239] : memref<10112x128xf32, #tpu.memory_space<vmem_shared>> -> memref<10112x128xf32, #tpu.memory_space<vmem_shared>>
        tpu.wait_indirect_dma semaphore(%run_scoped3A_220 : memref<!tpu.dma_semaphore, #tpu.memory_space<semaphore_mem>>) src(%dma_wait3A_234 : memref<80x128xf32, #tpu.memory_space<vmem>>) dst(%dma_wait3A_240 : memref<10112x128xf32, #tpu.memory_space<vmem_shared>>)
        tpu.yield
      }) : () -> ()
      %add3A_182 = arith.constant 2 : i32
      %add3A_183 = arith.addi %add3A_167, %add3A_182 : i32
      %lt3A_184 = arith.constant 126 : i32
      %lt3A_185 = arith.cmpi slt, %add3A_183, %lt3A_184 : i32
      %convert_element_type3A_186 = arith.extui %lt3A_185 : i1 to i32
      %cond3A_187 = arith.constant 0 : i32
      %cond3A_188 = arith.cmpi ne, %convert_element_type3A_186, %cond3A_187 : i32
      scf.if %cond3A_188 {
        %add3A_220 = arith.constant 2 : i32
        %add3A_221 = arith.addi %add3A_167, %add3A_220 : i32
        %dma_start3A_222 = arith.constant 0 : i32
        %dma_start3A_223 = arith.constant 0 : i32
        %dma_start3A_224 = tpu.memref_slice %arg9[%dma_start3A_222, %dma_start3A_223] : memref<2x80xi32, #tpu.memory_space<vmem>> -> memref<1x80xi32, #tpu.memory_space<vmem>>
        %dma_start3A_225 = tpu.memref_squeeze %dma_start3A_224 : memref<1x80xi32, #tpu.memory_space<vmem>> -> memref<80xi32, #tpu.memory_space<vmem>>
        %dma_start3A_226 = arith.constant 0 : i32
        %dma_start3A_227 = tpu.memref_slice %arg3[%add3A, %add3A_221, %dma_start3A_226] : memref<32x126x80xi32, #tpu.memory_space<hbm>> -> memref<1x1x80xi32, #tpu.memory_space<hbm>>
        %dma_start3A_228 = tpu.memref_squeeze %dma_start3A_227 : memref<1x1x80xi32, #tpu.memory_space<hbm>> -> memref<80xi32, #tpu.memory_space<hbm>>
        %dma_start3A_229 = arith.constant 0 : i32
        %dma_start3A_230 = tpu.memref_slice %arg9[%dma_start3A_222, %dma_start3A_229] : memref<2x80xi32, #tpu.memory_space<vmem>> -> memref<1x80xi32, #tpu.memory_space<vmem>>
        %dma_start3A_231 = tpu.memref_squeeze %dma_start3A_230 : memref<1x80xi32, #tpu.memory_space<vmem>> -> memref<80xi32, #tpu.memory_space<vmem>>
        %dma_start3A_232 = arith.constant 0 : i32
        %dma_start3A_233 = tpu.memref_slice %arg3[%add3A, %add3A_221, %dma_start3A_232] : memref<32x126x80xi32, #tpu.memory_space<hbm>> -> memref<1x1x80xi32, #tpu.memory_space<hbm>>
        %dma_start3A_234 = tpu.memref_squeeze %dma_start3A_233 : memref<1x1x80xi32, #tpu.memory_space<hbm>> -> memref<80xi32, #tpu.memory_space<hbm>>
        tpu.enqueue_dma source(%dma_start3A_234 : memref<80xi32, #tpu.memory_space<hbm>>) target(%dma_start3A_231 : memref<80xi32, #tpu.memory_space<vmem>>) target_semaphore(%arg15 : memref<!tpu.dma_semaphore, #tpu.memory_space<semaphore_mem>>)
        %dma_start3A_235 = arith.constant 0 : i32
        %dma_start3A_236 = arith.constant 0 : i32
        %dma_start3A_237 = tpu.memref_slice %arg10[%dma_start3A_235, %dma_start3A_236] : memref<2x80xi32, #tpu.memory_space<vmem>> -> memref<1x80xi32, #tpu.memory_space<vmem>>
        %dma_start3A_238 = tpu.memref_squeeze %dma_start3A_237 : memref<1x80xi32, #tpu.memory_space<vmem>> -> memref<80xi32, #tpu.memory_space<vmem>>
        %dma_start3A_239 = arith.constant 0 : i32
        %dma_start3A_240 = tpu.memref_slice %arg4[%add3A, %add3A_221, %dma_start3A_239] : memref<32x126x80xi32, #tpu.memory_space<hbm>> -> memref<1x1x80xi32, #tpu.memory_space<hbm>>
        %dma_start3A_241 = tpu.memref_squeeze %dma_start3A_240 : memref<1x1x80xi32, #tpu.memory_space<hbm>> -> memref<80xi32, #tpu.memory_space<hbm>>
        %dma_start3A_242 = arith.constant 0 : i32
        %dma_start3A_243 = tpu.memref_slice %arg10[%dma_start3A_235, %dma_start3A_242] : memref<2x80xi32, #tpu.memory_space<vmem>> -> memref<1x80xi32, #tpu.memory_space<vmem>>
        %dma_start3A_244 = tpu.memref_squeeze %dma_start3A_243 : memref<1x80xi32, #tpu.memory_space<vmem>> -> memref<80xi32, #tpu.memory_space<vmem>>
        %dma_start3A_245 = arith.constant 0 : i32
        %dma_start3A_246 = tpu.memref_slice %arg4[%add3A, %add3A_221, %dma_start3A_245] : memref<32x126x80xi32, #tpu.memory_space<hbm>> -> memref<1x1x80xi32, #tpu.memory_space<hbm>>
        %dma_start3A_247 = tpu.memref_squeeze %dma_start3A_246 : memref<1x1x80xi32, #tpu.memory_space<hbm>> -> memref<80xi32, #tpu.memory_space<hbm>>
        tpu.enqueue_dma source(%dma_start3A_247 : memref<80xi32, #tpu.memory_space<hbm>>) target(%dma_start3A_244 : memref<80xi32, #tpu.memory_space<vmem>>) target_semaphore(%arg15 : memref<!tpu.dma_semaphore, #tpu.memory_space<semaphore_mem>>)
        %dma_start3A_248 = arith.constant 0 : i32
        %dma_start3A_249 = arith.constant 0 : i32
        %dma_start3A_250 = tpu.memref_slice %arg11[%dma_start3A_248, %dma_start3A_249] : memref<2x80xf32, #tpu.memory_space<vmem>> -> memref<1x80xf32, #tpu.memory_space<vmem>>
        %dma_start3A_251 = tpu.memref_squeeze %dma_start3A_250 : memref<1x80xf32, #tpu.memory_space<vmem>> -> memref<80xf32, #tpu.memory_space<vmem>>
        %dma_start3A_252 = arith.constant 0 : i32
        %dma_start3A_253 = tpu.memref_slice %arg5[%add3A, %add3A_221, %dma_start3A_252] : memref<32x126x80xf32, #tpu.memory_space<hbm>> -> memref<1x1x80xf32, #tpu.memory_space<hbm>>
        %dma_start3A_254 = tpu.memref_squeeze %dma_start3A_253 : memref<1x1x80xf32, #tpu.memory_space<hbm>> -> memref<80xf32, #tpu.memory_space<hbm>>
        %dma_start3A_255 = arith.constant 0 : i32
        %dma_start3A_256 = tpu.memref_slice %arg11[%dma_start3A_248, %dma_start3A_255] : memref<2x80xf32, #tpu.memory_space<vmem>> -> memref<1x80xf32, #tpu.memory_space<vmem>>
        %dma_start3A_257 = tpu.memref_squeeze %dma_start3A_256 : memref<1x80xf32, #tpu.memory_space<vmem>> -> memref<80xf32, #tpu.memory_space<vmem>>
        %dma_start3A_258 = arith.constant 0 : i32
        %dma_start3A_259 = tpu.memref_slice %arg5[%add3A, %add3A_221, %dma_start3A_258] : memref<32x126x80xf32, #tpu.memory_space<hbm>> -> memref<1x1x80xf32, #tpu.memory_space<hbm>>
        %dma_start3A_260 = tpu.memref_squeeze %dma_start3A_259 : memref<1x1x80xf32, #tpu.memory_space<hbm>> -> memref<80xf32, #tpu.memory_space<hbm>>
        tpu.enqueue_dma source(%dma_start3A_260 : memref<80xf32, #tpu.memory_space<hbm>>) target(%dma_start3A_257 : memref<80xf32, #tpu.memory_space<vmem>>) target_semaphore(%arg15 : memref<!tpu.dma_semaphore, #tpu.memory_space<semaphore_mem>>)
      } else {
      }
      %mul3A_189 = arith.constant 2 : i32
      %mul3A_190 = arith.muli %mul3A_189, %scan3A_162 : i32
      %add3A_191 = arith.constant 1 : i32
      %add3A_192 = arith.addi %mul3A_190, %add3A_191 : i32
      %add3A_193 = arith.constant 1 : i32
      %add3A_194 = arith.addi %add3A_192, %add3A_193 : i32
      %lt3A_195 = arith.constant 126 : i32
      %lt3A_196 = arith.cmpi slt, %add3A_194, %lt3A_195 : i32
      %convert_element_type3A_197 = arith.extui %lt3A_196 : i1 to i32
      %cond3A_198 = arith.constant 0 : i32
      %cond3A_199 = arith.cmpi ne, %convert_element_type3A_197, %cond3A_198 : i32
      scf.if %cond3A_199 {
        %add3A_220 = arith.constant 1 : i32
        %add3A_221 = arith.addi %add3A_192, %add3A_220 : i32
        %dma_wait3A_222 = arith.constant 0 : i32
        %dma_wait3A_223 = arith.constant 0 : i32
        %dma_wait3A_224 = tpu.memref_slice %arg9[%dma_wait3A_222, %dma_wait3A_223] : memref<2x80xi32, #tpu.memory_space<vmem>> -> memref<1x80xi32, #tpu.memory_space<vmem>>
        %dma_wait3A_225 = tpu.memref_squeeze %dma_wait3A_224 : memref<1x80xi32, #tpu.memory_space<vmem>> -> memref<80xi32, #tpu.memory_space<vmem>>
        %dma_wait3A_226 = arith.constant 0 : i32
        %dma_wait3A_227 = tpu.memref_slice %arg3[%add3A, %add3A_221, %dma_wait3A_226] : memref<32x126x80xi32, #tpu.memory_space<hbm>> -> memref<1x1x80xi32, #tpu.memory_space<hbm>>
        %dma_wait3A_228 = tpu.memref_squeeze %dma_wait3A_227 : memref<1x1x80xi32, #tpu.memory_space<hbm>> -> memref<80xi32, #tpu.memory_space<hbm>>
        %dma_wait3A_229 = arith.constant 0 : i32
        %dma_wait3A_230 = tpu.memref_slice %arg9[%dma_wait3A_222, %dma_wait3A_229] : memref<2x80xi32, #tpu.memory_space<vmem>> -> memref<1x80xi32, #tpu.memory_space<vmem>>
        %dma_wait3A_231 = tpu.memref_squeeze %dma_wait3A_230 : memref<1x80xi32, #tpu.memory_space<vmem>> -> memref<80xi32, #tpu.memory_space<vmem>>
        %dma_wait3A_232 = arith.constant 0 : i32
        %dma_wait3A_233 = tpu.memref_slice %arg3[%add3A, %add3A_221, %dma_wait3A_232] : memref<32x126x80xi32, #tpu.memory_space<hbm>> -> memref<1x1x80xi32, #tpu.memory_space<hbm>>
        %dma_wait3A_234 = tpu.memref_squeeze %dma_wait3A_233 : memref<1x1x80xi32, #tpu.memory_space<hbm>> -> memref<80xi32, #tpu.memory_space<hbm>>
        tpu.wait_dma2 semaphore(%arg15 : memref<!tpu.dma_semaphore, #tpu.memory_space<semaphore_mem>>) src(%dma_wait3A_234 : memref<80xi32, #tpu.memory_space<hbm>>) dst(%dma_wait3A_231 : memref<80xi32, #tpu.memory_space<vmem>>)
        %dma_wait3A_235 = arith.constant 0 : i32
        %dma_wait3A_236 = arith.constant 0 : i32
        %dma_wait3A_237 = tpu.memref_slice %arg10[%dma_wait3A_235, %dma_wait3A_236] : memref<2x80xi32, #tpu.memory_space<vmem>> -> memref<1x80xi32, #tpu.memory_space<vmem>>
        %dma_wait3A_238 = tpu.memref_squeeze %dma_wait3A_237 : memref<1x80xi32, #tpu.memory_space<vmem>> -> memref<80xi32, #tpu.memory_space<vmem>>
        %dma_wait3A_239 = arith.constant 0 : i32
        %dma_wait3A_240 = tpu.memref_slice %arg4[%add3A, %add3A_221, %dma_wait3A_239] : memref<32x126x80xi32, #tpu.memory_space<hbm>> -> memref<1x1x80xi32, #tpu.memory_space<hbm>>
        %dma_wait3A_241 = tpu.memref_squeeze %dma_wait3A_240 : memref<1x1x80xi32, #tpu.memory_space<hbm>> -> memref<80xi32, #tpu.memory_space<hbm>>
        %dma_wait3A_242 = arith.constant 0 : i32
        %dma_wait3A_243 = tpu.memref_slice %arg10[%dma_wait3A_235, %dma_wait3A_242] : memref<2x80xi32, #tpu.memory_space<vmem>> -> memref<1x80xi32, #tpu.memory_space<vmem>>
        %dma_wait3A_244 = tpu.memref_squeeze %dma_wait3A_243 : memref<1x80xi32, #tpu.memory_space<vmem>> -> memref<80xi32, #tpu.memory_space<vmem>>
        %dma_wait3A_245 = arith.constant 0 : i32
        %dma_wait3A_246 = tpu.memref_slice %arg4[%add3A, %add3A_221, %dma_wait3A_245] : memref<32x126x80xi32, #tpu.memory_space<hbm>> -> memref<1x1x80xi32, #tpu.memory_space<hbm>>
        %dma_wait3A_247 = tpu.memref_squeeze %dma_wait3A_246 : memref<1x1x80xi32, #tpu.memory_space<hbm>> -> memref<80xi32, #tpu.memory_space<hbm>>
        tpu.wait_dma2 semaphore(%arg15 : memref<!tpu.dma_semaphore, #tpu.memory_space<semaphore_mem>>) src(%dma_wait3A_247 : memref<80xi32, #tpu.memory_space<hbm>>) dst(%dma_wait3A_244 : memref<80xi32, #tpu.memory_space<vmem>>)
        %dma_wait3A_248 = arith.constant 0 : i32
        %dma_wait3A_249 = arith.constant 0 : i32
        %dma_wait3A_250 = tpu.memref_slice %arg11[%dma_wait3A_248, %dma_wait3A_249] : memref<2x80xf32, #tpu.memory_space<vmem>> -> memref<1x80xf32, #tpu.memory_space<vmem>>
        %dma_wait3A_251 = tpu.memref_squeeze %dma_wait3A_250 : memref<1x80xf32, #tpu.memory_space<vmem>> -> memref<80xf32, #tpu.memory_space<vmem>>
        %dma_wait3A_252 = arith.constant 0 : i32
        %dma_wait3A_253 = tpu.memref_slice %arg5[%add3A, %add3A_221, %dma_wait3A_252] : memref<32x126x80xf32, #tpu.memory_space<hbm>> -> memref<1x1x80xf32, #tpu.memory_space<hbm>>
        %dma_wait3A_254 = tpu.memref_squeeze %dma_wait3A_253 : memref<1x1x80xf32, #tpu.memory_space<hbm>> -> memref<80xf32, #tpu.memory_space<hbm>>
        %dma_wait3A_255 = arith.constant 0 : i32
        %dma_wait3A_256 = tpu.memref_slice %arg11[%dma_wait3A_248, %dma_wait3A_255] : memref<2x80xf32, #tpu.memory_space<vmem>> -> memref<1x80xf32, #tpu.memory_space<vmem>>
        %dma_wait3A_257 = tpu.memref_squeeze %dma_wait3A_256 : memref<1x80xf32, #tpu.memory_space<vmem>> -> memref<80xf32, #tpu.memory_space<vmem>>
        %dma_wait3A_258 = arith.constant 0 : i32
        %dma_wait3A_259 = tpu.memref_slice %arg5[%add3A, %add3A_221, %dma_wait3A_258] : memref<32x126x80xf32, #tpu.memory_space<hbm>> -> memref<1x1x80xf32, #tpu.memory_space<hbm>>
        %dma_wait3A_260 = tpu.memref_squeeze %dma_wait3A_259 : memref<1x1x80xf32, #tpu.memory_space<hbm>> -> memref<80xf32, #tpu.memory_space<hbm>>
        tpu.wait_dma2 semaphore(%arg15 : memref<!tpu.dma_semaphore, #tpu.memory_space<semaphore_mem>>) src(%dma_wait3A_260 : memref<80xf32, #tpu.memory_space<hbm>>) dst(%dma_wait3A_257 : memref<80xf32, #tpu.memory_space<vmem>>)
        %add3A_261 = arith.constant 1 : i32
        %add3A_262 = arith.addi %add3A_192, %add3A_261 : i32
        %dma_start3A_263 = arith.constant 0 : i32
        %dma_start3A_264 = arith.constant 0 : i32
        %dma_start3A_265 = arith.constant 0 : i32
        %dma_start3A_266 = arith.constant 0 : i32
        %dma_start3A_267 = tpu.memref_slice %arg8[%dma_start3A_264, %dma_start3A_265, %dma_start3A_266] : memref<2x80x128xf32, #tpu.memory_space<vmem>> -> memref<1x80x128xf32, #tpu.memory_space<vmem>>
        %dma_start3A_268 = tpu.memref_squeeze %dma_start3A_267 : memref<1x80x128xf32, #tpu.memory_space<vmem>> -> memref<80x128xf32, #tpu.memory_space<vmem>>
        %dma_start3A_269 = arith.constant 0 : i32
        %dma_start3A_270 = tpu.memref_slice %arg9[%dma_start3A_263, %dma_start3A_269] : memref<2x80xi32, #tpu.memory_space<vmem>> -> memref<1x80xi32, #tpu.memory_space<vmem>>
        %dma_start3A_271 = tpu.memref_squeeze %dma_start3A_270 : memref<1x80xi32, #tpu.memory_space<vmem>> -> memref<80xi32, #tpu.memory_space<vmem>>
        %dma_start3A_272 = arith.constant 0 : i32
        %dma_start3A_273 = arith.constant 0 : i32
        %dma_start3A_274 = tpu.memref_slice %arg2[%dma_start3A_272, %dma_start3A_273] : memref<10000x128xf32, #tpu.memory_space<hbm>> -> memref<10000x128xf32, #tpu.memory_space<hbm>>
        tpu.enqueue_indirect_dma source(%dma_start3A_274 : memref<10000x128xf32, #tpu.memory_space<hbm>>) target(%dma_start3A_268 : memref<80x128xf32, #tpu.memory_space<vmem>>) offsets(%dma_start3A_271 : memref<80xi32, #tpu.memory_space<vmem>>) semaphore(%arg13 : memref<!tpu.dma_semaphore, #tpu.memory_space<semaphore_mem>>)
      } else {
      }
      %parallel_loop3A_200 = arith.constant 0 : i32
      %parallel_loop3A_201 = arith.constant 80 : i32
      %parallel_loop3A_202 = arith.constant 1 : i32
      scf.for %parallel_loop3A_220 = %parallel_loop3A_200 to %parallel_loop3A_201 step %parallel_loop3A_202  : i32 {
        %parallel_loop3A_221 = arith.constant 1 : i32
        %parallel_loop3A_222 = vector.broadcast %parallel_loop3A_221 : i32 to vector<16xi32>
        %parallel_loop3A_223 = vector.broadcast %parallel_loop3A_220 : i32 to vector<16xi32>
        %parallel_loop3A_224 = tpu.vector_load_idx %arg11[%parallel_loop3A_222, %parallel_loop3A_223] : memref<2x80xf32, #tpu.memory_space<vmem>>[vector<16xi32>, vector<16xi32>], vector<16xf32>,
        %parallel_loop3A_225 = arith.constant 1 : i32
        %parallel_loop3A_226 = arith.index_cast %parallel_loop3A_225 : i32 to index
        %parallel_loop3A_227 = arith.index_cast %parallel_loop3A_220 : i32 to index
        %parallel_loop3A_228 = arith.constant 0 : index
        %parallel_loop3A_229 = tpu.vector_load %arg8[%parallel_loop3A_226, %parallel_loop3A_227, %parallel_loop3A_228] {strides = array<i32>} : memref<2x80x128xf32, #tpu.memory_space<vmem>>, vector<16xf32>,
        %parallel_loop3A_230 = arith.mulf %parallel_loop3A_229, %parallel_loop3A_224 : vector<16xf32>
        %parallel_loop3A_231 = arith.constant 0.000000e+00 : f32
        %parallel_loop3A_232 = vector.broadcast %parallel_loop3A_231 : f32 to vector<16xf32>
        %parallel_loop3A_233 = arith.maximumf %parallel_loop3A_230, %parallel_loop3A_232 : vector<16xf32>
        %parallel_loop3A_234 = arith.constant 1 : i32
        %parallel_loop3A_235 = arith.index_cast %parallel_loop3A_234 : i32 to index
        %parallel_loop3A_236 = arith.index_cast %parallel_loop3A_220 : i32 to index
        %parallel_loop3A_237 = arith.constant 0 : index
        %parallel_loop3A_238 = tpu.vector_load %arg8[%parallel_loop3A_235, %parallel_loop3A_236, %parallel_loop3A_237] {strides = array<i32>} : memref<2x80x128xf32, #tpu.memory_space<vmem>>, vector<16xf32>,
        tpu.vector_store %arg8[%parallel_loop3A_235, %parallel_loop3A_236, %parallel_loop3A_237], %parallel_loop3A_233 {strides = array<i32>} : memref<2x80x128xf32, #tpu.memory_space<vmem>>, vector<16xf32>,
        %parallel_loop3A_239 = arith.constant 1 : i32
        %parallel_loop3A_240 = arith.index_cast %parallel_loop3A_239 : i32 to index
        %parallel_loop3A_241 = arith.index_cast %parallel_loop3A_220 : i32 to index
        %parallel_loop3A_242 = arith.constant 16 : index
        %parallel_loop3A_243 = tpu.vector_load %arg8[%parallel_loop3A_240, %parallel_loop3A_241, %parallel_loop3A_242] {strides = array<i32>} : memref<2x80x128xf32, #tpu.memory_space<vmem>>, vector<16xf32>,
        %parallel_loop3A_244 = arith.mulf %parallel_loop3A_243, %parallel_loop3A_224 : vector<16xf32>
        %parallel_loop3A_245 = arith.constant 0.000000e+00 : f32
        %parallel_loop3A_246 = vector.broadcast %parallel_loop3A_245 : f32 to vector<16xf32>
        %parallel_loop3A_247 = arith.maximumf %parallel_loop3A_244, %parallel_loop3A_246 : vector<16xf32>
        %parallel_loop3A_248 = arith.constant 1 : i32
        %parallel_loop3A_249 = arith.index_cast %parallel_loop3A_248 : i32 to index
        %parallel_loop3A_250 = arith.index_cast %parallel_loop3A_220 : i32 to index
        %parallel_loop3A_251 = arith.constant 16 : index
        %parallel_loop3A_252 = tpu.vector_load %arg8[%parallel_loop3A_249, %parallel_loop3A_250, %parallel_loop3A_251] {strides = array<i32>} : memref<2x80x128xf32, #tpu.memory_space<vmem>>, vector<16xf32>,
        tpu.vector_store %arg8[%parallel_loop3A_249, %parallel_loop3A_250, %parallel_loop3A_251], %parallel_loop3A_247 {strides = array<i32>} : memref<2x80x128xf32, #tpu.memory_space<vmem>>, vector<16xf32>,
        %parallel_loop3A_253 = arith.constant 1 : i32
        %parallel_loop3A_254 = arith.index_cast %parallel_loop3A_253 : i32 to index
        %parallel_loop3A_255 = arith.index_cast %parallel_loop3A_220 : i32 to index
        %parallel_loop3A_256 = arith.constant 32 : index
        %parallel_loop3A_257 = tpu.vector_load %arg8[%parallel_loop3A_254, %parallel_loop3A_255, %parallel_loop3A_256] {strides = array<i32>} : memref<2x80x128xf32, #tpu.memory_space<vmem>>, vector<16xf32>,
        %parallel_loop3A_258 = arith.mulf %parallel_loop3A_257, %parallel_loop3A_224 : vector<16xf32>
        %parallel_loop3A_259 = arith.constant 0.000000e+00 : f32
        %parallel_loop3A_260 = vector.broadcast %parallel_loop3A_259 : f32 to vector<16xf32>
        %parallel_loop3A_261 = arith.maximumf %parallel_loop3A_258, %parallel_loop3A_260 : vector<16xf32>
        %parallel_loop3A_262 = arith.constant 1 : i32
        %parallel_loop3A_263 = arith.index_cast %parallel_loop3A_262 : i32 to index
        %parallel_loop3A_264 = arith.index_cast %parallel_loop3A_220 : i32 to index
        %parallel_loop3A_265 = arith.constant 32 : index
        %parallel_loop3A_266 = tpu.vector_load %arg8[%parallel_loop3A_263, %parallel_loop3A_264, %parallel_loop3A_265] {strides = array<i32>} : memref<2x80x128xf32, #tpu.memory_space<vmem>>, vector<16xf32>,
        tpu.vector_store %arg8[%parallel_loop3A_263, %parallel_loop3A_264, %parallel_loop3A_265], %parallel_loop3A_261 {strides = array<i32>} : memref<2x80x128xf32, #tpu.memory_space<vmem>>, vector<16xf32>,
        %parallel_loop3A_267 = arith.constant 1 : i32
        %parallel_loop3A_268 = arith.index_cast %parallel_loop3A_267 : i32 to index
        %parallel_loop3A_269 = arith.index_cast %parallel_loop3A_220 : i32 to index
        %parallel_loop3A_270 = arith.constant 48 : index
        %parallel_loop3A_271 = tpu.vector_load %arg8[%parallel_loop3A_268, %parallel_loop3A_269, %parallel_loop3A_270] {strides = array<i32>} : memref<2x80x128xf32, #tpu.memory_space<vmem>>, vector<16xf32>,
        %parallel_loop3A_272 = arith.mulf %parallel_loop3A_271, %parallel_loop3A_224 : vector<16xf32>
        %parallel_loop3A_273 = arith.constant 0.000000e+00 : f32
        %parallel_loop3A_274 = vector.broadcast %parallel_loop3A_273 : f32 to vector<16xf32>
        %parallel_loop3A_275 = arith.maximumf %parallel_loop3A_272, %parallel_loop3A_274 : vector<16xf32>
        %parallel_loop3A_276 = arith.constant 1 : i32
        %parallel_loop3A_277 = arith.index_cast %parallel_loop3A_276 : i32 to index
        %parallel_loop3A_278 = arith.index_cast %parallel_loop3A_220 : i32 to index
        %parallel_loop3A_279 = arith.constant 48 : index
        %parallel_loop3A_280 = tpu.vector_load %arg8[%parallel_loop3A_277, %parallel_loop3A_278, %parallel_loop3A_279] {strides = array<i32>} : memref<2x80x128xf32, #tpu.memory_space<vmem>>, vector<16xf32>,
        tpu.vector_store %arg8[%parallel_loop3A_277, %parallel_loop3A_278, %parallel_loop3A_279], %parallel_loop3A_275 {strides = array<i32>} : memref<2x80x128xf32, #tpu.memory_space<vmem>>, vector<16xf32>,
        %parallel_loop3A_281 = arith.constant 1 : i32
        %parallel_loop3A_282 = arith.index_cast %parallel_loop3A_281 : i32 to index
        %parallel_loop3A_283 = arith.index_cast %parallel_loop3A_220 : i32 to index
        %parallel_loop3A_284 = arith.constant 64 : index
        %parallel_loop3A_285 = tpu.vector_load %arg8[%parallel_loop3A_282, %parallel_loop3A_283, %parallel_loop3A_284] {strides = array<i32>} : memref<2x80x128xf32, #tpu.memory_space<vmem>>, vector<16xf32>,
        %parallel_loop3A_286 = arith.mulf %parallel_loop3A_285, %parallel_loop3A_224 : vector<16xf32>
        %parallel_loop3A_287 = arith.constant 0.000000e+00 : f32
        %parallel_loop3A_288 = vector.broadcast %parallel_loop3A_287 : f32 to vector<16xf32>
        %parallel_loop3A_289 = arith.maximumf %parallel_loop3A_286, %parallel_loop3A_288 : vector<16xf32>
        %parallel_loop3A_290 = arith.constant 1 : i32
        %parallel_loop3A_291 = arith.index_cast %parallel_loop3A_290 : i32 to index
        %parallel_loop3A_292 = arith.index_cast %parallel_loop3A_220 : i32 to index
        %parallel_loop3A_293 = arith.constant 64 : index
        %parallel_loop3A_294 = tpu.vector_load %arg8[%parallel_loop3A_291, %parallel_loop3A_292, %parallel_loop3A_293] {strides = array<i32>} : memref<2x80x128xf32, #tpu.memory_space<vmem>>, vector<16xf32>,
        tpu.vector_store %arg8[%parallel_loop3A_291, %parallel_loop3A_292, %parallel_loop3A_293], %parallel_loop3A_289 {strides = array<i32>} : memref<2x80x128xf32, #tpu.memory_space<vmem>>, vector<16xf32>,
        %parallel_loop3A_295 = arith.constant 1 : i32
        %parallel_loop3A_296 = arith.index_cast %parallel_loop3A_295 : i32 to index
        %parallel_loop3A_297 = arith.index_cast %parallel_loop3A_220 : i32 to index
        %parallel_loop3A_298 = arith.constant 80 : index
        %parallel_loop3A_299 = tpu.vector_load %arg8[%parallel_loop3A_296, %parallel_loop3A_297, %parallel_loop3A_298] {strides = array<i32>} : memref<2x80x128xf32, #tpu.memory_space<vmem>>, vector<16xf32>,
        %parallel_loop3A_300 = arith.mulf %parallel_loop3A_299, %parallel_loop3A_224 : vector<16xf32>
        %parallel_loop3A_301 = arith.constant 0.000000e+00 : f32
        %parallel_loop3A_302 = vector.broadcast %parallel_loop3A_301 : f32 to vector<16xf32>
        %parallel_loop3A_303 = arith.maximumf %parallel_loop3A_300, %parallel_loop3A_302 : vector<16xf32>
        %parallel_loop3A_304 = arith.constant 1 : i32
        %parallel_loop3A_305 = arith.index_cast %parallel_loop3A_304 : i32 to index
        %parallel_loop3A_306 = arith.index_cast %parallel_loop3A_220 : i32 to index
        %parallel_loop3A_307 = arith.constant 80 : index
        %parallel_loop3A_308 = tpu.vector_load %arg8[%parallel_loop3A_305, %parallel_loop3A_306, %parallel_loop3A_307] {strides = array<i32>} : memref<2x80x128xf32, #tpu.memory_space<vmem>>, vector<16xf32>,
        tpu.vector_store %arg8[%parallel_loop3A_305, %parallel_loop3A_306, %parallel_loop3A_307], %parallel_loop3A_303 {strides = array<i32>} : memref<2x80x128xf32, #tpu.memory_space<vmem>>, vector<16xf32>,
        %parallel_loop3A_309 = arith.constant 1 : i32
        %parallel_loop3A_310 = arith.index_cast %parallel_loop3A_309 : i32 to index
        %parallel_loop3A_311 = arith.index_cast %parallel_loop3A_220 : i32 to index
        %parallel_loop3A_312 = arith.constant 96 : index
        %parallel_loop3A_313 = tpu.vector_load %arg8[%parallel_loop3A_310, %parallel_loop3A_311, %parallel_loop3A_312] {strides = array<i32>} : memref<2x80x128xf32, #tpu.memory_space<vmem>>, vector<16xf32>,
        %parallel_loop3A_314 = arith.mulf %parallel_loop3A_313, %parallel_loop3A_224 : vector<16xf32>
        %parallel_loop3A_315 = arith.constant 0.000000e+00 : f32
        %parallel_loop3A_316 = vector.broadcast %parallel_loop3A_315 : f32 to vector<16xf32>
        %parallel_loop3A_317 = arith.maximumf %parallel_loop3A_314, %parallel_loop3A_316 : vector<16xf32>
        %parallel_loop3A_318 = arith.constant 1 : i32
        %parallel_loop3A_319 = arith.index_cast %parallel_loop3A_318 : i32 to index
        %parallel_loop3A_320 = arith.index_cast %parallel_loop3A_220 : i32 to index
        %parallel_loop3A_321 = arith.constant 96 : index
        %parallel_loop3A_322 = tpu.vector_load %arg8[%parallel_loop3A_319, %parallel_loop3A_320, %parallel_loop3A_321] {strides = array<i32>} : memref<2x80x128xf32, #tpu.memory_space<vmem>>, vector<16xf32>,
        tpu.vector_store %arg8[%parallel_loop3A_319, %parallel_loop3A_320, %parallel_loop3A_321], %parallel_loop3A_317 {strides = array<i32>} : memref<2x80x128xf32, #tpu.memory_space<vmem>>, vector<16xf32>,
        %parallel_loop3A_323 = arith.constant 1 : i32
        %parallel_loop3A_324 = arith.index_cast %parallel_loop3A_323 : i32 to index
        %parallel_loop3A_325 = arith.index_cast %parallel_loop3A_220 : i32 to index
        %parallel_loop3A_326 = arith.constant 112 : index
        %parallel_loop3A_327 = tpu.vector_load %arg8[%parallel_loop3A_324, %parallel_loop3A_325, %parallel_loop3A_326] {strides = array<i32>} : memref<2x80x128xf32, #tpu.memory_space<vmem>>, vector<16xf32>,
        %parallel_loop3A_328 = arith.mulf %parallel_loop3A_327, %parallel_loop3A_224 : vector<16xf32>
        %parallel_loop3A_329 = arith.constant 0.000000e+00 : f32
        %parallel_loop3A_330 = vector.broadcast %parallel_loop3A_329 : f32 to vector<16xf32>
        %parallel_loop3A_331 = arith.maximumf %parallel_loop3A_328, %parallel_loop3A_330 : vector<16xf32>
        %parallel_loop3A_332 = arith.constant 1 : i32
        %parallel_loop3A_333 = arith.index_cast %parallel_loop3A_332 : i32 to index
        %parallel_loop3A_334 = arith.index_cast %parallel_loop3A_220 : i32 to index
        %parallel_loop3A_335 = arith.constant 112 : index
        %parallel_loop3A_336 = tpu.vector_load %arg8[%parallel_loop3A_333, %parallel_loop3A_334, %parallel_loop3A_335] {strides = array<i32>} : memref<2x80x128xf32, #tpu.memory_space<vmem>>, vector<16xf32>,
        tpu.vector_store %arg8[%parallel_loop3A_333, %parallel_loop3A_334, %parallel_loop3A_335], %parallel_loop3A_331 {strides = array<i32>} : memref<2x80x128xf32, #tpu.memory_space<vmem>>, vector<16xf32>,
      } {sc.loop_unroll_factor = 4 : i64, sc.parallel_access}
      %add3A_203 = arith.constant 1 : i32
      %add3A_204 = arith.addi %add3A_192, %add3A_203 : i32
      %lt3A_205 = arith.constant 126 : i32
      %lt3A_206 = arith.cmpi slt, %add3A_204, %lt3A_205 : i32
      %convert_element_type3A_207 = arith.extui %lt3A_206 : i1 to i32
      %cond3A_208 = arith.constant 0 : i32
      %cond3A_209 = arith.cmpi ne, %convert_element_type3A_207, %cond3A_208 : i32
      scf.if %cond3A_209 {
        %add3A_220 = arith.constant 1 : i32
        %add3A_221 = arith.addi %add3A_192, %add3A_220 : i32
        %dma_wait3A_222 = arith.constant 0 : i32
        %dma_wait3A_223 = arith.constant 0 : i32
        %dma_wait3A_224 = arith.constant 0 : i32
        %dma_wait3A_225 = arith.constant 0 : i32
        %dma_wait3A_226 = tpu.memref_slice %arg8[%dma_wait3A_223, %dma_wait3A_224, %dma_wait3A_225] : memref<2x80x128xf32, #tpu.memory_space<vmem>> -> memref<1x80x128xf32, #tpu.memory_space<vmem>>
        %dma_wait3A_227 = tpu.memref_squeeze %dma_wait3A_226 : memref<1x80x128xf32, #tpu.memory_space<vmem>> -> memref<80x128xf32, #tpu.memory_space<vmem>>
        %dma_wait3A_228 = arith.constant 0 : i32
        %dma_wait3A_229 = tpu.memref_slice %arg9[%dma_wait3A_222, %dma_wait3A_228] : memref<2x80xi32, #tpu.memory_space<vmem>> -> memref<1x80xi32, #tpu.memory_space<vmem>>
        %dma_wait3A_230 = tpu.memref_squeeze %dma_wait3A_229 : memref<1x80xi32, #tpu.memory_space<vmem>> -> memref<80xi32, #tpu.memory_space<vmem>>
        %dma_wait3A_231 = arith.constant 0 : i32
        %dma_wait3A_232 = arith.constant 0 : i32
        %dma_wait3A_233 = tpu.memref_slice %arg2[%dma_wait3A_231, %dma_wait3A_232] : memref<10000x128xf32, #tpu.memory_space<hbm>> -> memref<10000x128xf32, #tpu.memory_space<hbm>>
        tpu.wait_indirect_dma semaphore(%arg13 : memref<!tpu.dma_semaphore, #tpu.memory_space<semaphore_mem>>) src(%dma_wait3A_233 : memref<10000x128xf32, #tpu.memory_space<hbm>>) dst(%dma_wait3A_227 : memref<80x128xf32, #tpu.memory_space<vmem>>)
      } else {
      }
      %run_scoped3A_210 = arith.constant 1 : i32
      %run_scoped3A_211 = arith.constant 1 : i32
      "tpu.region"() ({
        %run_scoped3A_220 = tpu.sem_alloc : memref<!tpu.dma_semaphore, #tpu.memory_space<semaphore_mem>>
        %dma_start3A_221 = arith.constant 0 : i32
        %dma_start3A_222 = arith.constant 0 : i32
        %dma_start3A_223 = tpu.memref_slice %arg8[%run_scoped3A_210, %dma_start3A_221, %dma_start3A_222] : memref<2x80x128xf32, #tpu.memory_space<vmem>> -> memref<1x80x128xf32, #tpu.memory_space<vmem>>
        %dma_start3A_224 = tpu.memref_squeeze %dma_start3A_223 : memref<1x80x128xf32, #tpu.memory_space<vmem>> -> memref<80x128xf32, #tpu.memory_space<vmem>>
        %dma_start3A_225 = arith.constant 0 : i32
        %dma_start3A_226 = tpu.memref_slice %arg10[%run_scoped3A_211, %dma_start3A_225] : memref<2x80xi32, #tpu.memory_space<vmem>> -> memref<1x80xi32, #tpu.memory_space<vmem>>
        %dma_start3A_227 = tpu.memref_squeeze %dma_start3A_226 : memref<1x80xi32, #tpu.memory_space<vmem>> -> memref<80xi32, #tpu.memory_space<vmem>>
        %dma_start3A_228 = arith.constant 0 : i32
        %dma_start3A_229 = arith.constant 0 : i32
        %dma_start3A_230 = tpu.memref_slice %arg12[%dma_start3A_228, %dma_start3A_229] : memref<10112x128xf32, #tpu.memory_space<vmem_shared>> -> memref<10112x128xf32, #tpu.memory_space<vmem_shared>>
        tpu.enqueue_indirect_dma source(%dma_start3A_224 : memref<80x128xf32, #tpu.memory_space<vmem>>) target(%dma_start3A_230 : memref<10112x128xf32, #tpu.memory_space<vmem_shared>>) offsets(%dma_start3A_227 : memref<80xi32, #tpu.memory_space<vmem>>) semaphore(%run_scoped3A_220 : memref<!tpu.dma_semaphore, #tpu.memory_space<semaphore_mem>>) {add = true}
        %dma_wait3A_231 = arith.constant 0 : i32
        %dma_wait3A_232 = arith.constant 0 : i32
        %dma_wait3A_233 = tpu.memref_slice %arg8[%run_scoped3A_210, %dma_wait3A_231, %dma_wait3A_232] : memref<2x80x128xf32, #tpu.memory_space<vmem>> -> memref<1x80x128xf32, #tpu.memory_space<vmem>>
        %dma_wait3A_234 = tpu.memref_squeeze %dma_wait3A_233 : memref<1x80x128xf32, #tpu.memory_space<vmem>> -> memref<80x128xf32, #tpu.memory_space<vmem>>
        %dma_wait3A_235 = arith.constant 0 : i32
        %dma_wait3A_236 = tpu.memref_slice %arg10[%run_scoped3A_211, %dma_wait3A_235] : memref<2x80xi32, #tpu.memory_space<vmem>> -> memref<1x80xi32, #tpu.memory_space<vmem>>
        %dma_wait3A_237 = tpu.memref_squeeze %dma_wait3A_236 : memref<1x80xi32, #tpu.memory_space<vmem>> -> memref<80xi32, #tpu.memory_space<vmem>>
        %dma_wait3A_238 = arith.constant 0 : i32
        %dma_wait3A_239 = arith.constant 0 : i32
        %dma_wait3A_240 = tpu.memref_slice %arg12[%dma_wait3A_238, %dma_wait3A_239] : memref<10112x128xf32, #tpu.memory_space<vmem_shared>> -> memref<10112x128xf32, #tpu.memory_space<vmem_shared>>
        tpu.wait_indirect_dma semaphore(%run_scoped3A_220 : memref<!tpu.dma_semaphore, #tpu.memory_space<semaphore_mem>>) src(%dma_wait3A_234 : memref<80x128xf32, #tpu.memory_space<vmem>>) dst(%dma_wait3A_240 : memref<10112x128xf32, #tpu.memory_space<vmem_shared>>)
        tpu.yield
      }) : () -> ()
      %add3A_212 = arith.constant 2 : i32
      %add3A_213 = arith.addi %add3A_192, %add3A_212 : i32
      %lt3A_214 = arith.constant 126 : i32
      %lt3A_215 = arith.cmpi slt, %add3A_213, %lt3A_214 : i32
      %convert_element_type3A_216 = arith.extui %lt3A_215 : i1 to i32
      %cond3A_217 = arith.constant 0 : i32
      %cond3A_218 = arith.cmpi ne, %convert_element_type3A_216, %cond3A_217 : i32
      scf.if %cond3A_218 {
        %add3A_220 = arith.constant 2 : i32
        %add3A_221 = arith.addi %add3A_192, %add3A_220 : i32
        %dma_start3A_222 = arith.constant 1 : i32
        %dma_start3A_223 = arith.constant 0 : i32
        %dma_start3A_224 = tpu.memref_slice %arg9[%dma_start3A_222, %dma_start3A_223] : memref<2x80xi32, #tpu.memory_space<vmem>> -> memref<1x80xi32, #tpu.memory_space<vmem>>
        %dma_start3A_225 = tpu.memref_squeeze %dma_start3A_224 : memref<1x80xi32, #tpu.memory_space<vmem>> -> memref<80xi32, #tpu.memory_space<vmem>>
        %dma_start3A_226 = arith.constant 0 : i32
        %dma_start3A_227 = tpu.memref_slice %arg3[%add3A, %add3A_221, %dma_start3A_226] : memref<32x126x80xi32, #tpu.memory_space<hbm>> -> memref<1x1x80xi32, #tpu.memory_space<hbm>>
        %dma_start3A_228 = tpu.memref_squeeze %dma_start3A_227 : memref<1x1x80xi32, #tpu.memory_space<hbm>> -> memref<80xi32, #tpu.memory_space<hbm>>
        %dma_start3A_229 = arith.constant 0 : i32
        %dma_start3A_230 = tpu.memref_slice %arg9[%dma_start3A_222, %dma_start3A_229] : memref<2x80xi32, #tpu.memory_space<vmem>> -> memref<1x80xi32, #tpu.memory_space<vmem>>
        %dma_start3A_231 = tpu.memref_squeeze %dma_start3A_230 : memref<1x80xi32, #tpu.memory_space<vmem>> -> memref<80xi32, #tpu.memory_space<vmem>>
        %dma_start3A_232 = arith.constant 0 : i32
        %dma_start3A_233 = tpu.memref_slice %arg3[%add3A, %add3A_221, %dma_start3A_232] : memref<32x126x80xi32, #tpu.memory_space<hbm>> -> memref<1x1x80xi32, #tpu.memory_space<hbm>>
        %dma_start3A_234 = tpu.memref_squeeze %dma_start3A_233 : memref<1x1x80xi32, #tpu.memory_space<hbm>> -> memref<80xi32, #tpu.memory_space<hbm>>
        tpu.enqueue_dma source(%dma_start3A_234 : memref<80xi32, #tpu.memory_space<hbm>>) target(%dma_start3A_231 : memref<80xi32, #tpu.memory_space<vmem>>) target_semaphore(%arg16 : memref<!tpu.dma_semaphore, #tpu.memory_space<semaphore_mem>>)
        %dma_start3A_235 = arith.constant 1 : i32
        %dma_start3A_236 = arith.constant 0 : i32
        %dma_start3A_237 = tpu.memref_slice %arg10[%dma_start3A_235, %dma_start3A_236] : memref<2x80xi32, #tpu.memory_space<vmem>> -> memref<1x80xi32, #tpu.memory_space<vmem>>
        %dma_start3A_238 = tpu.memref_squeeze %dma_start3A_237 : memref<1x80xi32, #tpu.memory_space<vmem>> -> memref<80xi32, #tpu.memory_space<vmem>>
        %dma_start3A_239 = arith.constant 0 : i32
        %dma_start3A_240 = tpu.memref_slice %arg4[%add3A, %add3A_221, %dma_start3A_239] : memref<32x126x80xi32, #tpu.memory_space<hbm>> -> memref<1x1x80xi32, #tpu.memory_space<hbm>>
        %dma_start3A_241 = tpu.memref_squeeze %dma_start3A_240 : memref<1x1x80xi32, #tpu.memory_space<hbm>> -> memref<80xi32, #tpu.memory_space<hbm>>
        %dma_start3A_242 = arith.constant 0 : i32
        %dma_start3A_243 = tpu.memref_slice %arg10[%dma_start3A_235, %dma_start3A_242] : memref<2x80xi32, #tpu.memory_space<vmem>> -> memref<1x80xi32, #tpu.memory_space<vmem>>
        %dma_start3A_244 = tpu.memref_squeeze %dma_start3A_243 : memref<1x80xi32, #tpu.memory_space<vmem>> -> memref<80xi32, #tpu.memory_space<vmem>>
        %dma_start3A_245 = arith.constant 0 : i32
        %dma_start3A_246 = tpu.memref_slice %arg4[%add3A, %add3A_221, %dma_start3A_245] : memref<32x126x80xi32, #tpu.memory_space<hbm>> -> memref<1x1x80xi32, #tpu.memory_space<hbm>>
        %dma_start3A_247 = tpu.memref_squeeze %dma_start3A_246 : memref<1x1x80xi32, #tpu.memory_space<hbm>> -> memref<80xi32, #tpu.memory_space<hbm>>
        tpu.enqueue_dma source(%dma_start3A_247 : memref<80xi32, #tpu.memory_space<hbm>>) target(%dma_start3A_244 : memref<80xi32, #tpu.memory_space<vmem>>) target_semaphore(%arg16 : memref<!tpu.dma_semaphore, #tpu.memory_space<semaphore_mem>>)
        %dma_start3A_248 = arith.constant 1 : i32
        %dma_start3A_249 = arith.constant 0 : i32
        %dma_start3A_250 = tpu.memref_slice %arg11[%dma_start3A_248, %dma_start3A_249] : memref<2x80xf32, #tpu.memory_space<vmem>> -> memref<1x80xf32, #tpu.memory_space<vmem>>
        %dma_start3A_251 = tpu.memref_squeeze %dma_start3A_250 : memref<1x80xf32, #tpu.memory_space<vmem>> -> memref<80xf32, #tpu.memory_space<vmem>>
        %dma_start3A_252 = arith.constant 0 : i32
        %dma_start3A_253 = tpu.memref_slice %arg5[%add3A, %add3A_221, %dma_start3A_252] : memref<32x126x80xf32, #tpu.memory_space<hbm>> -> memref<1x1x80xf32, #tpu.memory_space<hbm>>
        %dma_start3A_254 = tpu.memref_squeeze %dma_start3A_253 : memref<1x1x80xf32, #tpu.memory_space<hbm>> -> memref<80xf32, #tpu.memory_space<hbm>>
        %dma_start3A_255 = arith.constant 0 : i32
        %dma_start3A_256 = tpu.memref_slice %arg11[%dma_start3A_248, %dma_start3A_255] : memref<2x80xf32, #tpu.memory_space<vmem>> -> memref<1x80xf32, #tpu.memory_space<vmem>>
        %dma_start3A_257 = tpu.memref_squeeze %dma_start3A_256 : memref<1x80xf32, #tpu.memory_space<vmem>> -> memref<80xf32, #tpu.memory_space<vmem>>
        %dma_start3A_258 = arith.constant 0 : i32
        %dma_start3A_259 = tpu.memref_slice %arg5[%add3A, %add3A_221, %dma_start3A_258] : memref<32x126x80xf32, #tpu.memory_space<hbm>> -> memref<1x1x80xf32, #tpu.memory_space<hbm>>
        %dma_start3A_260 = tpu.memref_squeeze %dma_start3A_259 : memref<1x1x80xf32, #tpu.memory_space<hbm>> -> memref<80xf32, #tpu.memory_space<hbm>>
        tpu.enqueue_dma source(%dma_start3A_260 : memref<80xf32, #tpu.memory_space<hbm>>) target(%dma_start3A_257 : memref<80xf32, #tpu.memory_space<vmem>>) target_semaphore(%arg16 : memref<!tpu.dma_semaphore, #tpu.memory_space<semaphore_mem>>)
      } else {
      }
      %scan3A_219 = arith.constant 0 : i32
      scf.yield %scan3A_219 : i32
    }
    %scan3A_156 = arith.constant 63 : i32
    %barrier3A_157 = arith.constant 0 : index
    tpu.barrier barrier_id(%barrier3A_157)
    %mul3A_158 = arith.constant 632 : i32
    %mul3A_159 = arith.muli %arg1, %mul3A_158 : i32
    %mul3A_160 = arith.constant 632 : i32
    %mul3A_161 = arith.muli %arg1, %mul3A_160 : i32
    "tpu.region"() ({
      %run_scoped3A = tpu.sem_alloc : memref<!tpu.dma_semaphore, #tpu.memory_space<semaphore_mem>>
      %dma_start3A_162 = arith.constant 0 : i32
      %dma_start3A_163 = tpu.memref_slice %arg7[%arg0, %mul3A_161, %dma_start3A_162] : memref<2x10112x128xf32, #tpu.memory_space<hbm>> -> memref<1x632x128xf32, #tpu.memory_space<hbm>>
      %dma_start3A_164 = tpu.memref_squeeze %dma_start3A_163 : memref<1x632x128xf32, #tpu.memory_space<hbm>> -> memref<632x128xf32, #tpu.memory_space<hbm>>
      %dma_start3A_165 = arith.constant 0 : i32
      %dma_start3A_166 = tpu.memref_slice %arg12[%mul3A_159, %dma_start3A_165] : memref<10112x128xf32, #tpu.memory_space<vmem_shared>> -> memref<632x128xf32, #tpu.memory_space<vmem_shared>>
      tpu.enqueue_dma source(%dma_start3A_166 : memref<632x128xf32, #tpu.memory_space<vmem_shared>>) target(%dma_start3A_164 : memref<632x128xf32, #tpu.memory_space<hbm>>) target_semaphore(%run_scoped3A : memref<!tpu.dma_semaphore, #tpu.memory_space<semaphore_mem>>)
      %dma_wait3A_167 = arith.constant 0 : i32
      %dma_wait3A_168 = tpu.memref_slice %arg7[%arg0, %mul3A_161, %dma_wait3A_167] : memref<2x10112x128xf32, #tpu.memory_space<hbm>> -> memref<1x632x128xf32, #tpu.memory_space<hbm>>
      %dma_wait3A_169 = tpu.memref_squeeze %dma_wait3A_168 : memref<1x632x128xf32, #tpu.memory_space<hbm>> -> memref<632x128xf32, #tpu.memory_space<hbm>>
      %dma_wait3A_170 = arith.constant 0 : i32
      %dma_wait3A_171 = tpu.memref_slice %arg12[%mul3A_159, %dma_wait3A_170] : memref<10112x128xf32, #tpu.memory_space<vmem_shared>> -> memref<632x128xf32, #tpu.memory_space<vmem_shared>>
      tpu.wait_dma2 semaphore(%run_scoped3A : memref<!tpu.dma_semaphore, #tpu.memory_space<semaphore_mem>>) src(%dma_wait3A_171 : memref<632x128xf32, #tpu.memory_space<vmem_shared>>) dst(%dma_wait3A_169 : memref<632x128xf32, #tpu.memory_space<hbm>>)
      tpu.yield
    }) : () -> ()
    return
  }
}

#map = affine_map<(d0, d1) -> (0, 0)>
#map1 = affine_map<(d0, d1) -> (0, 0, 0)>
module attributes {stable_mosaic.version = 14 : i64} {
  func.func @agg_kernel(%arg0: i32, %arg1: i32, %arg2: memref<10000x128xf32, #tpu.memory_space<hbm>>, %arg3: memref<32x126x80xi32, #tpu.memory_space<hbm>>, %arg4: memref<32x126x80xi32, #tpu.memory_space<hbm>>, %arg5: memref<32x126x80xf32, #tpu.memory_space<hbm>>, %arg6: memref<632x128xf32, #tpu.memory_space<hbm>>, %arg7: memref<2x10112x128xf32, #tpu.memory_space<hbm>>, %arg8: memref<2x80x128xf32, #tpu.memory_space<vmem>>, %arg9: memref<2x80xi32, #tpu.memory_space<vmem>>, %arg10: memref<2x80xi32, #tpu.memory_space<vmem>>, %arg11: memref<2x80xf32, #tpu.memory_space<vmem>>, %arg12: memref<10112x128xf32, #tpu.memory_space<vmem_shared>>, %arg13: memref<!tpu.dma_semaphore, #tpu.memory_space<semaphore_mem>>, %arg14: memref<!tpu.dma_semaphore, #tpu.memory_space<semaphore_mem>>, %arg15: memref<!tpu.dma_semaphore, #tpu.memory_space<semaphore_mem>>, %arg16: memref<!tpu.dma_semaphore, #tpu.memory_space<semaphore_mem>>) attributes {dimension_semantics = [#tpu.dimension_semantics<core_parallel>, #tpu.dimension_semantics<subcore_parallel>], iteration_bounds = array<i64: 2, 16>, scalar_prefetch = 0 : i64, scratch_operands = 9 : i64, tpu.core_type = #tpu.core_type<sc_vector_subcore>, window_params = [{transform_indices = #map}, {transform_indices = #map1}, {transform_indices = #map1}, {transform_indices = #map1}, {transform_indices = #map}, {transform_indices = #map1}]} {
    %mul3A = arith.constant 16 : i32
    %mul3A_0 = arith.muli %arg0, %mul3A : i32
    %add3A = arith.addi %mul3A_0, %arg1 : i32
    %mul3A_1 = arith.constant 632 : i32
    %mul3A_2 = arith.muli %arg1, %mul3A_1 : i32
    "tpu.region"() ({
      %run_scoped3A = tpu.sem_alloc : memref<!tpu.dma_semaphore, #tpu.memory_space<semaphore_mem>>
      %dma_start3A_162 = arith.constant 0 : i32
      %dma_start3A_163 = tpu.memref_slice %arg12[%mul3A_2, %dma_start3A_162] : memref<10112x128xf32, #tpu.memory_space<vmem_shared>> -> memref<632x128xf32, #tpu.memory_space<vmem_shared>>
      tpu.enqueue_dma source(%arg6 : memref<632x128xf32, #tpu.memory_space<hbm>>) target(%dma_start3A_163 : memref<632x128xf32, #tpu.memory_space<vmem_shared>>) target_semaphore(%run_scoped3A : memref<!tpu.dma_semaphore, #tpu.memory_space<semaphore_mem>>)
      %dma_wait3A_164 = arith.constant 0 : i32
      %dma_wait3A_165 = tpu.memref_slice %arg12[%mul3A_2, %dma_wait3A_164] : memref<10112x128xf32, #tpu.memory_space<vmem_shared>> -> memref<632x128xf32, #tpu.memory_space<vmem_shared>>
      tpu.wait_dma2 semaphore(%run_scoped3A : memref<!tpu.dma_semaphore, #tpu.memory_space<semaphore_mem>>) src(%arg6 : memref<632x128xf32, #tpu.memory_space<hbm>>) dst(%dma_wait3A_165 : memref<632x128xf32, #tpu.memory_space<vmem_shared>>)
      tpu.yield
    }) : () -> ()
    %barrier3A = arith.constant 0 : index
    tpu.barrier barrier_id(%barrier3A)
    %dma_start3A = arith.constant 0 : i32
    %dma_start3A_3 = arith.constant 0 : i32
    %dma_start3A_4 = arith.constant 0 : i32
    %dma_start3A_5 = tpu.memref_slice %arg9[%dma_start3A_3, %dma_start3A_4] : memref<2x80xi32, #tpu.memory_space<vmem>> -> memref<1x80xi32, #tpu.memory_space<vmem>>
    %dma_start3A_6 = tpu.memref_squeeze %dma_start3A_5 : memref<1x80xi32, #tpu.memory_space<vmem>> -> memref<80xi32, #tpu.memory_space<vmem>>
    %dma_start3A_7 = arith.constant 0 : i32
    %dma_start3A_8 = tpu.memref_slice %arg3[%add3A, %dma_start3A, %dma_start3A_7] : memref<32x126x80xi32, #tpu.memory_space<hbm>> -> memref<1x1x80xi32, #tpu.memory_space<hbm>>
    %dma_start3A_9 = tpu.memref_squeeze %dma_start3A_8 : memref<1x1x80xi32, #tpu.memory_space<hbm>> -> memref<80xi32, #tpu.memory_space<hbm>>
    %dma_start3A_10 = arith.constant 0 : i32
    %dma_start3A_11 = tpu.memref_slice %arg9[%dma_start3A_3, %dma_start3A_10] : memref<2x80xi32, #tpu.memory_space<vmem>> -> memref<1x80xi32, #tpu.memory_space<vmem>>
    %dma_start3A_12 = tpu.memref_squeeze %dma_start3A_11 : memref<1x80xi32, #tpu.memory_space<vmem>> -> memref<80xi32, #tpu.memory_space<vmem>>
    %dma_start3A_13 = arith.constant 0 : i32
    %dma_start3A_14 = tpu.memref_slice %arg3[%add3A, %dma_start3A, %dma_start3A_13] : memref<32x126x80xi32, #tpu.memory_space<hbm>> -> memref<1x1x80xi32, #tpu.memory_space<hbm>>
    %dma_start3A_15 = tpu.memref_squeeze %dma_start3A_14 : memref<1x1x80xi32, #tpu.memory_space<hbm>> -> memref<80xi32, #tpu.memory_space<hbm>>
    tpu.enqueue_dma source(%dma_start3A_15 : memref<80xi32, #tpu.memory_space<hbm>>) target(%dma_start3A_12 : memref<80xi32, #tpu.memory_space<vmem>>) target_semaphore(%arg15 : memref<!tpu.dma_semaphore, #tpu.memory_space<semaphore_mem>>)
    %dma_start3A_16 = arith.constant 0 : i32
    %dma_start3A_17 = arith.constant 0 : i32
    %dma_start3A_18 = arith.constant 0 : i32
    %dma_start3A_19 = tpu.memref_slice %arg10[%dma_start3A_17, %dma_start3A_18] : memref<2x80xi32, #tpu.memory_space<vmem>> -> memref<1x80xi32, #tpu.memory_space<vmem>>
    %dma_start3A_20 = tpu.memref_squeeze %dma_start3A_19 : memref<1x80xi32, #tpu.memory_space<vmem>> -> memref<80xi32, #tpu.memory_space<vmem>>
    %dma_start3A_21 = arith.constant 0 : i32
    %dma_start3A_22 = tpu.memref_slice %arg4[%add3A, %dma_start3A_16, %dma_start3A_21] : memref<32x126x80xi32, #tpu.memory_space<hbm>> -> memref<1x1x80xi32, #tpu.memory_space<hbm>>
    %dma_start3A_23 = tpu.memref_squeeze %dma_start3A_22 : memref<1x1x80xi32, #tpu.memory_space<hbm>> -> memref<80xi32, #tpu.memory_space<hbm>>
    %dma_start3A_24 = arith.constant 0 : i32
    %dma_start3A_25 = tpu.memref_slice %arg10[%dma_start3A_17, %dma_start3A_24] : memref<2x80xi32, #tpu.memory_space<vmem>> -> memref<1x80xi32, #tpu.memory_space<vmem>>
    %dma_start3A_26 = tpu.memref_squeeze %dma_start3A_25 : memref<1x80xi32, #tpu.memory_space<vmem>> -> memref<80xi32, #tpu.memory_space<vmem>>
    %dma_start3A_27 = arith.constant 0 : i32
    %dma_start3A_28 = tpu.memref_slice %arg4[%add3A, %dma_start3A_16, %dma_start3A_27] : memref<32x126x80xi32, #tpu.memory_space<hbm>> -> memref<1x1x80xi32, #tpu.memory_space<hbm>>
    %dma_start3A_29 = tpu.memref_squeeze %dma_start3A_28 : memref<1x1x80xi32, #tpu.memory_space<hbm>> -> memref<80xi32, #tpu.memory_space<hbm>>
    tpu.enqueue_dma source(%dma_start3A_29 : memref<80xi32, #tpu.memory_space<hbm>>) target(%dma_start3A_26 : memref<80xi32, #tpu.memory_space<vmem>>) target_semaphore(%arg15 : memref<!tpu.dma_semaphore, #tpu.memory_space<semaphore_mem>>)
    %dma_start3A_30 = arith.constant 0 : i32
    %dma_start3A_31 = arith.constant 0 : i32
    %dma_start3A_32 = arith.constant 0 : i32
    %dma_start3A_33 = tpu.memref_slice %arg11[%dma_start3A_31, %dma_start3A_32] : memref<2x80xf32, #tpu.memory_space<vmem>> -> memref<1x80xf32, #tpu.memory_space<vmem>>
    %dma_start3A_34 = tpu.memref_squeeze %dma_start3A_33 : memref<1x80xf32, #tpu.memory_space<vmem>> -> memref<80xf32, #tpu.memory_space<vmem>>
    %dma_start3A_35 = arith.constant 0 : i32
    %dma_start3A_36 = tpu.memref_slice %arg5[%add3A, %dma_start3A_30, %dma_start3A_35] : memref<32x126x80xf32, #tpu.memory_space<hbm>> -> memref<1x1x80xf32, #tpu.memory_space<hbm>>
    %dma_start3A_37 = tpu.memref_squeeze %dma_start3A_36 : memref<1x1x80xf32, #tpu.memory_space<hbm>> -> memref<80xf32, #tpu.memory_space<hbm>>
    %dma_start3A_38 = arith.constant 0 : i32
    %dma_start3A_39 = tpu.memref_slice %arg11[%dma_start3A_31, %dma_start3A_38] : memref<2x80xf32, #tpu.memory_space<vmem>> -> memref<1x80xf32, #tpu.memory_space<vmem>>
    %dma_start3A_40 = tpu.memref_squeeze %dma_start3A_39 : memref<1x80xf32, #tpu.memory_space<vmem>> -> memref<80xf32, #tpu.memory_space<vmem>>
    %dma_start3A_41 = arith.constant 0 : i32
    %dma_start3A_42 = tpu.memref_slice %arg5[%add3A, %dma_start3A_30, %dma_start3A_41] : memref<32x126x80xf32, #tpu.memory_space<hbm>> -> memref<1x1x80xf32, #tpu.memory_space<hbm>>
    %dma_start3A_43 = tpu.memref_squeeze %dma_start3A_42 : memref<1x1x80xf32, #tpu.memory_space<hbm>> -> memref<80xf32, #tpu.memory_space<hbm>>
    tpu.enqueue_dma source(%dma_start3A_43 : memref<80xf32, #tpu.memory_space<hbm>>) target(%dma_start3A_40 : memref<80xf32, #tpu.memory_space<vmem>>) target_semaphore(%arg15 : memref<!tpu.dma_semaphore, #tpu.memory_space<semaphore_mem>>)
    %dma_wait3A = arith.constant 0 : i32
    %dma_wait3A_44 = arith.constant 0 : i32
    %dma_wait3A_45 = arith.constant 0 : i32
    %dma_wait3A_46 = tpu.memref_slice %arg9[%dma_wait3A_44, %dma_wait3A_45] : memref<2x80xi32, #tpu.memory_space<vmem>> -> memref<1x80xi32, #tpu.memory_space<vmem>>
    %dma_wait3A_47 = tpu.memref_squeeze %dma_wait3A_46 : memref<1x80xi32, #tpu.memory_space<vmem>> -> memref<80xi32, #tpu.memory_space<vmem>>
    %dma_wait3A_48 = arith.constant 0 : i32
    %dma_wait3A_49 = tpu.memref_slice %arg3[%add3A, %dma_wait3A, %dma_wait3A_48] : memref<32x126x80xi32, #tpu.memory_space<hbm>> -> memref<1x1x80xi32, #tpu.memory_space<hbm>>
    %dma_wait3A_50 = tpu.memref_squeeze %dma_wait3A_49 : memref<1x1x80xi32, #tpu.memory_space<hbm>> -> memref<80xi32, #tpu.memory_space<hbm>>
    %dma_wait3A_51 = arith.constant 0 : i32
    %dma_wait3A_52 = tpu.memref_slice %arg9[%dma_wait3A_44, %dma_wait3A_51] : memref<2x80xi32, #tpu.memory_space<vmem>> -> memref<1x80xi32, #tpu.memory_space<vmem>>
    %dma_wait3A_53 = tpu.memref_squeeze %dma_wait3A_52 : memref<1x80xi32, #tpu.memory_space<vmem>> -> memref<80xi32, #tpu.memory_space<vmem>>
    %dma_wait3A_54 = arith.constant 0 : i32
    %dma_wait3A_55 = tpu.memref_slice %arg3[%add3A, %dma_wait3A, %dma_wait3A_54] : memref<32x126x80xi32, #tpu.memory_space<hbm>> -> memref<1x1x80xi32, #tpu.memory_space<hbm>>
    %dma_wait3A_56 = tpu.memref_squeeze %dma_wait3A_55 : memref<1x1x80xi32, #tpu.memory_space<hbm>> -> memref<80xi32, #tpu.memory_space<hbm>>
    tpu.wait_dma2 semaphore(%arg15 : memref<!tpu.dma_semaphore, #tpu.memory_space<semaphore_mem>>) src(%dma_wait3A_56 : memref<80xi32, #tpu.memory_space<hbm>>) dst(%dma_wait3A_53 : memref<80xi32, #tpu.memory_space<vmem>>)
    %dma_wait3A_57 = arith.constant 0 : i32
    %dma_wait3A_58 = arith.constant 0 : i32
    %dma_wait3A_59 = arith.constant 0 : i32
    %dma_wait3A_60 = tpu.memref_slice %arg10[%dma_wait3A_58, %dma_wait3A_59] : memref<2x80xi32, #tpu.memory_space<vmem>> -> memref<1x80xi32, #tpu.memory_space<vmem>>
    %dma_wait3A_61 = tpu.memref_squeeze %dma_wait3A_60 : memref<1x80xi32, #tpu.memory_space<vmem>> -> memref<80xi32, #tpu.memory_space<vmem>>
    %dma_wait3A_62 = arith.constant 0 : i32
    %dma_wait3A_63 = tpu.memref_slice %arg4[%add3A, %dma_wait3A_57, %dma_wait3A_62] : memref<32x126x80xi32, #tpu.memory_space<hbm>> -> memref<1x1x80xi32, #tpu.memory_space<hbm>>
    %dma_wait3A_64 = tpu.memref_squeeze %dma_wait3A_63 : memref<1x1x80xi32, #tpu.memory_space<hbm>> -> memref<80xi32, #tpu.memory_space<hbm>>
    %dma_wait3A_65 = arith.constant 0 : i32
    %dma_wait3A_66 = tpu.memref_slice %arg10[%dma_wait3A_58, %dma_wait3A_65] : memref<2x80xi32, #tpu.memory_space<vmem>> -> memref<1x80xi32, #tpu.memory_space<vmem>>
    %dma_wait3A_67 = tpu.memref_squeeze %dma_wait3A_66 : memref<1x80xi32, #tpu.memory_space<vmem>> -> memref<80xi32, #tpu.memory_space<vmem>>
    %dma_wait3A_68 = arith.constant 0 : i32
    %dma_wait3A_69 = tpu.memref_slice %arg4[%add3A, %dma_wait3A_57, %dma_wait3A_68] : memref<32x126x80xi32, #tpu.memory_space<hbm>> -> memref<1x1x80xi32, #tpu.memory_space<hbm>>
    %dma_wait3A_70 = tpu.memref_squeeze %dma_wait3A_69 : memref<1x1x80xi32, #tpu.memory_space<hbm>> -> memref<80xi32, #tpu.memory_space<hbm>>
    tpu.wait_dma2 semaphore(%arg15 : memref<!tpu.dma_semaphore, #tpu.memory_space<semaphore_mem>>) src(%dma_wait3A_70 : memref<80xi32, #tpu.memory_space<hbm>>) dst(%dma_wait3A_67 : memref<80xi32, #tpu.memory_space<vmem>>)
    %dma_wait3A_71 = arith.constant 0 : i32
    %dma_wait3A_72 = arith.constant 0 : i32
    %dma_wait3A_73 = arith.constant 0 : i32
    %dma_wait3A_74 = tpu.memref_slice %arg11[%dma_wait3A_72, %dma_wait3A_73] : memref<2x80xf32, #tpu.memory_space<vmem>> -> memref<1x80xf32, #tpu.memory_space<vmem>>
    %dma_wait3A_75 = tpu.memref_squeeze %dma_wait3A_74 : memref<1x80xf32, #tpu.memory_space<vmem>> -> memref<80xf32, #tpu.memory_space<vmem>>
    %dma_wait3A_76 = arith.constant 0 : i32
    %dma_wait3A_77 = tpu.memref_slice %arg5[%add3A, %dma_wait3A_71, %dma_wait3A_76] : memref<32x126x80xf32, #tpu.memory_space<hbm>> -> memref<1x1x80xf32, #tpu.memory_space<hbm>>
    %dma_wait3A_78 = tpu.memref_squeeze %dma_wait3A_77 : memref<1x1x80xf32, #tpu.memory_space<hbm>> -> memref<80xf32, #tpu.memory_space<hbm>>
    %dma_wait3A_79 = arith.constant 0 : i32
    %dma_wait3A_80 = tpu.memref_slice %arg11[%dma_wait3A_72, %dma_wait3A_79] : memref<2x80xf32, #tpu.memory_space<vmem>> -> memref<1x80xf32, #tpu.memory_space<vmem>>
    %dma_wait3A_81 = tpu.memref_squeeze %dma_wait3A_80 : memref<1x80xf32, #tpu.memory_space<vmem>> -> memref<80xf32, #tpu.memory_space<vmem>>
    %dma_wait3A_82 = arith.constant 0 : i32
    %dma_wait3A_83 = tpu.memref_slice %arg5[%add3A, %dma_wait3A_71, %dma_wait3A_82] : memref<32x126x80xf32, #tpu.memory_space<hbm>> -> memref<1x1x80xf32, #tpu.memory_space<hbm>>
    %dma_wait3A_84 = tpu.memref_squeeze %dma_wait3A_83 : memref<1x1x80xf32, #tpu.memory_space<hbm>> -> memref<80xf32, #tpu.memory_space<hbm>>
    tpu.wait_dma2 semaphore(%arg15 : memref<!tpu.dma_semaphore, #tpu.memory_space<semaphore_mem>>) src(%dma_wait3A_84 : memref<80xf32, #tpu.memory_space<hbm>>) dst(%dma_wait3A_81 : memref<80xf32, #tpu.memory_space<vmem>>)
    %dma_start3A_85 = arith.constant 0 : i32
    %dma_start3A_86 = arith.constant 0 : i32
    %dma_start3A_87 = arith.constant 0 : i32
    %dma_start3A_88 = arith.constant 0 : i32
    %dma_start3A_89 = tpu.memref_slice %arg8[%dma_start3A_86, %dma_start3A_87, %dma_start3A_88] : memref<2x80x128xf32, #tpu.memory_space<vmem>> -> memref<1x80x128xf32, #tpu.memory_space<vmem>>
    %dma_start3A_90 = tpu.memref_squeeze %dma_start3A_89 : memref<1x80x128xf32, #tpu.memory_space<vmem>> -> memref<80x128xf32, #tpu.memory_space<vmem>>
    %dma_start3A_91 = arith.constant 0 : i32
    %dma_start3A_92 = tpu.memref_slice %arg9[%dma_start3A_85, %dma_start3A_91] : memref<2x80xi32, #tpu.memory_space<vmem>> -> memref<1x80xi32, #tpu.memory_space<vmem>>
    %dma_start3A_93 = tpu.memref_squeeze %dma_start3A_92 : memref<1x80xi32, #tpu.memory_space<vmem>> -> memref<80xi32, #tpu.memory_space<vmem>>
    %dma_start3A_94 = arith.constant 0 : i32
    %dma_start3A_95 = arith.constant 0 : i32
    %dma_start3A_96 = tpu.memref_slice %arg2[%dma_start3A_94, %dma_start3A_95] : memref<10000x128xf32, #tpu.memory_space<hbm>> -> memref<10000x128xf32, #tpu.memory_space<hbm>>
    tpu.enqueue_indirect_dma source(%dma_start3A_96 : memref<10000x128xf32, #tpu.memory_space<hbm>>) target(%dma_start3A_90 : memref<80x128xf32, #tpu.memory_space<vmem>>) offsets(%dma_start3A_93 : memref<80xi32, #tpu.memory_space<vmem>>) semaphore(%arg13 : memref<!tpu.dma_semaphore, #tpu.memory_space<semaphore_mem>>)
    %dma_start3A_97 = arith.constant 1 : i32
    %dma_start3A_98 = arith.constant 1 : i32
    %dma_start3A_99 = arith.constant 0 : i32
    %dma_start3A_100 = tpu.memref_slice %arg9[%dma_start3A_98, %dma_start3A_99] : memref<2x80xi32, #tpu.memory_space<vmem>> -> memref<1x80xi32, #tpu.memory_space<vmem>>
    %dma_start3A_101 = tpu.memref_squeeze %dma_start3A_100 : memref<1x80xi32, #tpu.memory_space<vmem>> -> memref<80xi32, #tpu.memory_space<vmem>>
    %dma_start3A_102 = arith.constant 0 : i32
    %dma_start3A_103 = tpu.memref_slice %arg3[%add3A, %dma_start3A_97, %dma_start3A_102] : memref<32x126x80xi32, #tpu.memory_space<hbm>> -> memref<1x1x80xi32, #tpu.memory_space<hbm>>
    %dma_start3A_104 = tpu.memref_squeeze %dma_start3A_103 : memref<1x1x80xi32, #tpu.memory_space<hbm>> -> memref<80xi32, #tpu.memory_space<hbm>>
    %dma_start3A_105 = arith.constant 0 : i32
    %dma_start3A_106 = tpu.memref_slice %arg9[%dma_start3A_98, %dma_start3A_105] : memref<2x80xi32, #tpu.memory_space<vmem>> -> memref<1x80xi32, #tpu.memory_space<vmem>>
    %dma_start3A_107 = tpu.memref_squeeze %dma_start3A_106 : memref<1x80xi32, #tpu.memory_space<vmem>> -> memref<80xi32, #tpu.memory_space<vmem>>
    %dma_start3A_108 = arith.constant 0 : i32
    %dma_start3A_109 = tpu.memref_slice %arg3[%add3A, %dma_start3A_97, %dma_start3A_108] : memref<32x126x80xi32, #tpu.memory_space<hbm>> -> memref<1x1x80xi32, #tpu.memory_space<hbm>>
    %dma_start3A_110 = tpu.memref_squeeze %dma_start3A_109 : memref<1x1x80xi32, #tpu.memory_space<hbm>> -> memref<80xi32, #tpu.memory_space<hbm>>
    tpu.enqueue_dma source(%dma_start3A_110 : memref<80xi32, #tpu.memory_space<hbm>>) target(%dma_start3A_107 : memref<80xi32, #tpu.memory_space<vmem>>) target_semaphore(%arg16 : memref<!tpu.dma_semaphore, #tpu.memory_space<semaphore_mem>>)
    %dma_start3A_111 = arith.constant 1 : i32
    %dma_start3A_112 = arith.constant 1 : i32
    %dma_start3A_113 = arith.constant 0 : i32
    %dma_start3A_114 = tpu.memref_slice %arg10[%dma_start3A_112, %dma_start3A_113] : memref<2x80xi32, #tpu.memory_space<vmem>> -> memref<1x80xi32, #tpu.memory_space<vmem>>
    %dma_start3A_115 = tpu.memref_squeeze %dma_start3A_114 : memref<1x80xi32, #tpu.memory_space<vmem>> -> memref<80xi32, #tpu.memory_space<vmem>>
    %dma_start3A_116 = arith.constant 0 : i32
    %dma_start3A_117 = tpu.memref_slice %arg4[%add3A, %dma_start3A_111, %dma_start3A_116] : memref<32x126x80xi32, #tpu.memory_space<hbm>> -> memref<1x1x80xi32, #tpu.memory_space<hbm>>
    %dma_start3A_118 = tpu.memref_squeeze %dma_start3A_117 : memref<1x1x80xi32, #tpu.memory_space<hbm>> -> memref<80xi32, #tpu.memory_space<hbm>>
    %dma_start3A_119 = arith.constant 0 : i32
    %dma_start3A_120 = tpu.memref_slice %arg10[%dma_start3A_112, %dma_start3A_119] : memref<2x80xi32, #tpu.memory_space<vmem>> -> memref<1x80xi32, #tpu.memory_space<vmem>>
    %dma_start3A_121 = tpu.memref_squeeze %dma_start3A_120 : memref<1x80xi32, #tpu.memory_space<vmem>> -> memref<80xi32, #tpu.memory_space<vmem>>
    %dma_start3A_122 = arith.constant 0 : i32
    %dma_start3A_123 = tpu.memref_slice %arg4[%add3A, %dma_start3A_111, %dma_start3A_122] : memref<32x126x80xi32, #tpu.memory_space<hbm>> -> memref<1x1x80xi32, #tpu.memory_space<hbm>>
    %dma_start3A_124 = tpu.memref_squeeze %dma_start3A_123 : memref<1x1x80xi32, #tpu.memory_space<hbm>> -> memref<80xi32, #tpu.memory_space<hbm>>
    tpu.enqueue_dma source(%dma_start3A_124 : memref<80xi32, #tpu.memory_space<hbm>>) target(%dma_start3A_121 : memref<80xi32, #tpu.memory_space<vmem>>) target_semaphore(%arg16 : memref<!tpu.dma_semaphore, #tpu.memory_space<semaphore_mem>>)
    %dma_start3A_125 = arith.constant 1 : i32
    %dma_start3A_126 = arith.constant 1 : i32
    %dma_start3A_127 = arith.constant 0 : i32
    %dma_start3A_128 = tpu.memref_slice %arg11[%dma_start3A_126, %dma_start3A_127] : memref<2x80xf32, #tpu.memory_space<vmem>> -> memref<1x80xf32, #tpu.memory_space<vmem>>
    %dma_start3A_129 = tpu.memref_squeeze %dma_start3A_128 : memref<1x80xf32, #tpu.memory_space<vmem>> -> memref<80xf32, #tpu.memory_space<vmem>>
    %dma_start3A_130 = arith.constant 0 : i32
    %dma_start3A_131 = tpu.memref_slice %arg5[%add3A, %dma_start3A_125, %dma_start3A_130] : memref<32x126x80xf32, #tpu.memory_space<hbm>> -> memref<1x1x80xf32, #tpu.memory_space<hbm>>
    %dma_start3A_132 = tpu.memref_squeeze %dma_start3A_131 : memref<1x1x80xf32, #tpu.memory_space<hbm>> -> memref<80xf32, #tpu.memory_space<hbm>>
    %dma_start3A_133 = arith.constant 0 : i32
    %dma_start3A_134 = tpu.memref_slice %arg11[%dma_start3A_126, %dma_start3A_133] : memref<2x80xf32, #tpu.memory_space<vmem>> -> memref<1x80xf32, #tpu.memory_space<vmem>>
    %dma_start3A_135 = tpu.memref_squeeze %dma_start3A_134 : memref<1x80xf32, #tpu.memory_space<vmem>> -> memref<80xf32, #tpu.memory_space<vmem>>
    %dma_start3A_136 = arith.constant 0 : i32
    %dma_start3A_137 = tpu.memref_slice %arg5[%add3A, %dma_start3A_125, %dma_start3A_136] : memref<32x126x80xf32, #tpu.memory_space<hbm>> -> memref<1x1x80xf32, #tpu.memory_space<hbm>>
    %dma_start3A_138 = tpu.memref_squeeze %dma_start3A_137 : memref<1x1x80xf32, #tpu.memory_space<hbm>> -> memref<80xf32, #tpu.memory_space<hbm>>
    tpu.enqueue_dma source(%dma_start3A_138 : memref<80xf32, #tpu.memory_space<hbm>>) target(%dma_start3A_135 : memref<80xf32, #tpu.memory_space<vmem>>) target_semaphore(%arg16 : memref<!tpu.dma_semaphore, #tpu.memory_space<semaphore_mem>>)
    %dma_wait3A_139 = arith.constant 0 : i32
    %dma_wait3A_140 = arith.constant 0 : i32
    %dma_wait3A_141 = arith.constant 0 : i32
    %dma_wait3A_142 = arith.constant 0 : i32
    %dma_wait3A_143 = tpu.memref_slice %arg8[%dma_wait3A_140, %dma_wait3A_141, %dma_wait3A_142] : memref<2x80x128xf32, #tpu.memory_space<vmem>> -> memref<1x80x128xf32, #tpu.memory_space<vmem>>
    %dma_wait3A_144 = tpu.memref_squeeze %dma_wait3A_143 : memref<1x80x128xf32, #tpu.memory_space<vmem>> -> memref<80x128xf32, #tpu.memory_space<vmem>>
    %dma_wait3A_145 = arith.constant 0 : i32
    %dma_wait3A_146 = tpu.memref_slice %arg9[%dma_wait3A_139, %dma_wait3A_145] : memref<2x80xi32, #tpu.memory_space<vmem>> -> memref<1x80xi32, #tpu.memory_space<vmem>>
    %dma_wait3A_147 = tpu.memref_squeeze %dma_wait3A_146 : memref<1x80xi32, #tpu.memory_space<vmem>> -> memref<80xi32, #tpu.memory_space<vmem>>
    %dma_wait3A_148 = arith.constant 0 : i32
    %dma_wait3A_149 = arith.constant 0 : i32
    %dma_wait3A_150 = tpu.memref_slice %arg2[%dma_wait3A_148, %dma_wait3A_149] : memref<10000x128xf32, #tpu.memory_space<hbm>> -> memref<10000x128xf32, #tpu.memory_space<hbm>>
    tpu.wait_indirect_dma semaphore(%arg13 : memref<!tpu.dma_semaphore, #tpu.memory_space<semaphore_mem>>) src(%dma_wait3A_150 : memref<10000x128xf32, #tpu.memory_space<hbm>>) dst(%dma_wait3A_144 : memref<80x128xf32, #tpu.memory_space<vmem>>)
    %scan3A = arith.constant 0 : i32
    %scan3A_151 = arith.constant 0 : i32
    %scan3A_152 = arith.constant 63 : i32
    %scan3A_153 = arith.addi %scan3A_151, %scan3A_152 : i32
    %scan3A_154 = arith.constant 1 : i32
    %scan3A_155 = scf.for %scan3A_162 = %scan3A_151 to %scan3A_153 step %scan3A_154 iter_args(%scan3A_163 = %scan3A) -> (i32)  : i32 {
      %mul3A_164 = arith.constant 2 : i32
      %mul3A_165 = arith.muli %mul3A_164, %scan3A_162 : i32
      %add3A_166 = arith.constant 0 : i32
      %add3A_167 = arith.addi %mul3A_165, %add3A_166 : i32
      %add3A_168 = arith.constant 1 : i32
      %add3A_169 = arith.addi %add3A_167, %add3A_168 : i32
      %lt3A = arith.constant 126 : i32
      %lt3A_170 = arith.cmpi slt, %add3A_169, %lt3A : i32
      %convert_element_type3A = arith.extui %lt3A_170 : i1 to i32
      %cond3A = arith.constant 0 : i32
      %cond3A_171 = arith.cmpi ne, %convert_element_type3A, %cond3A : i32
      scf.if %cond3A_171 {
        %add3A_220 = arith.constant 1 : i32
        %add3A_221 = arith.addi %add3A_167, %add3A_220 : i32
        %dma_wait3A_222 = arith.constant 1 : i32
        %dma_wait3A_223 = arith.constant 0 : i32
        %dma_wait3A_224 = tpu.memref_slice %arg9[%dma_wait3A_222, %dma_wait3A_223] : memref<2x80xi32, #tpu.memory_space<vmem>> -> memref<1x80xi32, #tpu.memory_space<vmem>>
        %dma_wait3A_225 = tpu.memref_squeeze %dma_wait3A_224 : memref<1x80xi32, #tpu.memory_space<vmem>> -> memref<80xi32, #tpu.memory_space<vmem>>
        %dma_wait3A_226 = arith.constant 0 : i32
        %dma_wait3A_227 = tpu.memref_slice %arg3[%add3A, %add3A_221, %dma_wait3A_226] : memref<32x126x80xi32, #tpu.memory_space<hbm>> -> memref<1x1x80xi32, #tpu.memory_space<hbm>>
        %dma_wait3A_228 = tpu.memref_squeeze %dma_wait3A_227 : memref<1x1x80xi32, #tpu.memory_space<hbm>> -> memref<80xi32, #tpu.memory_space<hbm>>
        %dma_wait3A_229 = arith.constant 0 : i32
        %dma_wait3A_230 = tpu.memref_slice %arg9[%dma_wait3A_222, %dma_wait3A_229] : memref<2x80xi32, #tpu.memory_space<vmem>> -> memref<1x80xi32, #tpu.memory_space<vmem>>
        %dma_wait3A_231 = tpu.memref_squeeze %dma_wait3A_230 : memref<1x80xi32, #tpu.memory_space<vmem>> -> memref<80xi32, #tpu.memory_space<vmem>>
        %dma_wait3A_232 = arith.constant 0 : i32
        %dma_wait3A_233 = tpu.memref_slice %arg3[%add3A, %add3A_221, %dma_wait3A_232] : memref<32x126x80xi32, #tpu.memory_space<hbm>> -> memref<1x1x80xi32, #tpu.memory_space<hbm>>
        %dma_wait3A_234 = tpu.memref_squeeze %dma_wait3A_233 : memref<1x1x80xi32, #tpu.memory_space<hbm>> -> memref<80xi32, #tpu.memory_space<hbm>>
        tpu.wait_dma2 semaphore(%arg16 : memref<!tpu.dma_semaphore, #tpu.memory_space<semaphore_mem>>) src(%dma_wait3A_234 : memref<80xi32, #tpu.memory_space<hbm>>) dst(%dma_wait3A_231 : memref<80xi32, #tpu.memory_space<vmem>>)
        %dma_wait3A_235 = arith.constant 1 : i32
        %dma_wait3A_236 = arith.constant 0 : i32
        %dma_wait3A_237 = tpu.memref_slice %arg10[%dma_wait3A_235, %dma_wait3A_236] : memref<2x80xi32, #tpu.memory_space<vmem>> -> memref<1x80xi32, #tpu.memory_space<vmem>>
        %dma_wait3A_238 = tpu.memref_squeeze %dma_wait3A_237 : memref<1x80xi32, #tpu.memory_space<vmem>> -> memref<80xi32, #tpu.memory_space<vmem>>
        %dma_wait3A_239 = arith.constant 0 : i32
        %dma_wait3A_240 = tpu.memref_slice %arg4[%add3A, %add3A_221, %dma_wait3A_239] : memref<32x126x80xi32, #tpu.memory_space<hbm>> -> memref<1x1x80xi32, #tpu.memory_space<hbm>>
        %dma_wait3A_241 = tpu.memref_squeeze %dma_wait3A_240 : memref<1x1x80xi32, #tpu.memory_space<hbm>> -> memref<80xi32, #tpu.memory_space<hbm>>
        %dma_wait3A_242 = arith.constant 0 : i32
        %dma_wait3A_243 = tpu.memref_slice %arg10[%dma_wait3A_235, %dma_wait3A_242] : memref<2x80xi32, #tpu.memory_space<vmem>> -> memref<1x80xi32, #tpu.memory_space<vmem>>
        %dma_wait3A_244 = tpu.memref_squeeze %dma_wait3A_243 : memref<1x80xi32, #tpu.memory_space<vmem>> -> memref<80xi32, #tpu.memory_space<vmem>>
        %dma_wait3A_245 = arith.constant 0 : i32
        %dma_wait3A_246 = tpu.memref_slice %arg4[%add3A, %add3A_221, %dma_wait3A_245] : memref<32x126x80xi32, #tpu.memory_space<hbm>> -> memref<1x1x80xi32, #tpu.memory_space<hbm>>
        %dma_wait3A_247 = tpu.memref_squeeze %dma_wait3A_246 : memref<1x1x80xi32, #tpu.memory_space<hbm>> -> memref<80xi32, #tpu.memory_space<hbm>>
        tpu.wait_dma2 semaphore(%arg16 : memref<!tpu.dma_semaphore, #tpu.memory_space<semaphore_mem>>) src(%dma_wait3A_247 : memref<80xi32, #tpu.memory_space<hbm>>) dst(%dma_wait3A_244 : memref<80xi32, #tpu.memory_space<vmem>>)
        %dma_wait3A_248 = arith.constant 1 : i32
        %dma_wait3A_249 = arith.constant 0 : i32
        %dma_wait3A_250 = tpu.memref_slice %arg11[%dma_wait3A_248, %dma_wait3A_249] : memref<2x80xf32, #tpu.memory_space<vmem>> -> memref<1x80xf32, #tpu.memory_space<vmem>>
        %dma_wait3A_251 = tpu.memref_squeeze %dma_wait3A_250 : memref<1x80xf32, #tpu.memory_space<vmem>> -> memref<80xf32, #tpu.memory_space<vmem>>
        %dma_wait3A_252 = arith.constant 0 : i32
        %dma_wait3A_253 = tpu.memref_slice %arg5[%add3A, %add3A_221, %dma_wait3A_252] : memref<32x126x80xf32, #tpu.memory_space<hbm>> -> memref<1x1x80xf32, #tpu.memory_space<hbm>>
        %dma_wait3A_254 = tpu.memref_squeeze %dma_wait3A_253 : memref<1x1x80xf32, #tpu.memory_space<hbm>> -> memref<80xf32, #tpu.memory_space<hbm>>
        %dma_wait3A_255 = arith.constant 0 : i32
        %dma_wait3A_256 = tpu.memref_slice %arg11[%dma_wait3A_248, %dma_wait3A_255] : memref<2x80xf32, #tpu.memory_space<vmem>> -> memref<1x80xf32, #tpu.memory_space<vmem>>
        %dma_wait3A_257 = tpu.memref_squeeze %dma_wait3A_256 : memref<1x80xf32, #tpu.memory_space<vmem>> -> memref<80xf32, #tpu.memory_space<vmem>>
        %dma_wait3A_258 = arith.constant 0 : i32
        %dma_wait3A_259 = tpu.memref_slice %arg5[%add3A, %add3A_221, %dma_wait3A_258] : memref<32x126x80xf32, #tpu.memory_space<hbm>> -> memref<1x1x80xf32, #tpu.memory_space<hbm>>
        %dma_wait3A_260 = tpu.memref_squeeze %dma_wait3A_259 : memref<1x1x80xf32, #tpu.memory_space<hbm>> -> memref<80xf32, #tpu.memory_space<hbm>>
        tpu.wait_dma2 semaphore(%arg16 : memref<!tpu.dma_semaphore, #tpu.memory_space<semaphore_mem>>) src(%dma_wait3A_260 : memref<80xf32, #tpu.memory_space<hbm>>) dst(%dma_wait3A_257 : memref<80xf32, #tpu.memory_space<vmem>>)
        %add3A_261 = arith.constant 1 : i32
        %add3A_262 = arith.addi %add3A_167, %add3A_261 : i32
        %dma_start3A_263 = arith.constant 1 : i32
        %dma_start3A_264 = arith.constant 1 : i32
        %dma_start3A_265 = arith.constant 0 : i32
        %dma_start3A_266 = arith.constant 0 : i32
        %dma_start3A_267 = tpu.memref_slice %arg8[%dma_start3A_264, %dma_start3A_265, %dma_start3A_266] : memref<2x80x128xf32, #tpu.memory_space<vmem>> -> memref<1x80x128xf32, #tpu.memory_space<vmem>>
        %dma_start3A_268 = tpu.memref_squeeze %dma_start3A_267 : memref<1x80x128xf32, #tpu.memory_space<vmem>> -> memref<80x128xf32, #tpu.memory_space<vmem>>
        %dma_start3A_269 = arith.constant 0 : i32
        %dma_start3A_270 = tpu.memref_slice %arg9[%dma_start3A_263, %dma_start3A_269] : memref<2x80xi32, #tpu.memory_space<vmem>> -> memref<1x80xi32, #tpu.memory_space<vmem>>
        %dma_start3A_271 = tpu.memref_squeeze %dma_start3A_270 : memref<1x80xi32, #tpu.memory_space<vmem>> -> memref<80xi32, #tpu.memory_space<vmem>>
        %dma_start3A_272 = arith.constant 0 : i32
        %dma_start3A_273 = arith.constant 0 : i32
        %dma_start3A_274 = tpu.memref_slice %arg2[%dma_start3A_272, %dma_start3A_273] : memref<10000x128xf32, #tpu.memory_space<hbm>> -> memref<10000x128xf32, #tpu.memory_space<hbm>>
        tpu.enqueue_indirect_dma source(%dma_start3A_274 : memref<10000x128xf32, #tpu.memory_space<hbm>>) target(%dma_start3A_268 : memref<80x128xf32, #tpu.memory_space<vmem>>) offsets(%dma_start3A_271 : memref<80xi32, #tpu.memory_space<vmem>>) semaphore(%arg14 : memref<!tpu.dma_semaphore, #tpu.memory_space<semaphore_mem>>)
      } else {
      }
      %parallel_loop3A = arith.constant 0 : i32
      %parallel_loop3A_172 = arith.constant 80 : i32
      %parallel_loop3A_173 = arith.constant 1 : i32
      scf.for %parallel_loop3A_220 = %parallel_loop3A to %parallel_loop3A_172 step %parallel_loop3A_173  : i32 {
        %parallel_loop3A_221 = arith.constant 0 : i32
        %parallel_loop3A_222 = vector.broadcast %parallel_loop3A_221 : i32 to vector<16xi32>
        %parallel_loop3A_223 = vector.broadcast %parallel_loop3A_220 : i32 to vector<16xi32>
        %parallel_loop3A_224 = tpu.vector_load_idx %arg11[%parallel_loop3A_222, %parallel_loop3A_223] : memref<2x80xf32, #tpu.memory_space<vmem>>[vector<16xi32>, vector<16xi32>], vector<16xf32>,
        %parallel_loop3A_225 = arith.constant 0 : i32
        %parallel_loop3A_226 = arith.index_cast %parallel_loop3A_225 : i32 to index
        %parallel_loop3A_227 = arith.index_cast %parallel_loop3A_220 : i32 to index
        %parallel_loop3A_228 = arith.constant 0 : index
        %parallel_loop3A_229 = tpu.vector_load %arg8[%parallel_loop3A_226, %parallel_loop3A_227, %parallel_loop3A_228] {strides = array<i32>} : memref<2x80x128xf32, #tpu.memory_space<vmem>>, vector<16xf32>,
        %parallel_loop3A_230 = arith.mulf %parallel_loop3A_229, %parallel_loop3A_224 : vector<16xf32>
        %parallel_loop3A_231 = arith.constant 0.000000e+00 : f32
        %parallel_loop3A_232 = vector.broadcast %parallel_loop3A_231 : f32 to vector<16xf32>
        %parallel_loop3A_233 = arith.maximumf %parallel_loop3A_230, %parallel_loop3A_232 : vector<16xf32>
        %parallel_loop3A_234 = arith.constant 0 : i32
        %parallel_loop3A_235 = arith.index_cast %parallel_loop3A_234 : i32 to index
        %parallel_loop3A_236 = arith.index_cast %parallel_loop3A_220 : i32 to index
        %parallel_loop3A_237 = arith.constant 0 : index
        %parallel_loop3A_238 = tpu.vector_load %arg8[%parallel_loop3A_235, %parallel_loop3A_236, %parallel_loop3A_237] {strides = array<i32>} : memref<2x80x128xf32, #tpu.memory_space<vmem>>, vector<16xf32>,
        tpu.vector_store %arg8[%parallel_loop3A_235, %parallel_loop3A_236, %parallel_loop3A_237], %parallel_loop3A_233 {strides = array<i32>} : memref<2x80x128xf32, #tpu.memory_space<vmem>>, vector<16xf32>,
        %parallel_loop3A_239 = arith.constant 0 : i32
        %parallel_loop3A_240 = arith.index_cast %parallel_loop3A_239 : i32 to index
        %parallel_loop3A_241 = arith.index_cast %parallel_loop3A_220 : i32 to index
        %parallel_loop3A_242 = arith.constant 16 : index
        %parallel_loop3A_243 = tpu.vector_load %arg8[%parallel_loop3A_240, %parallel_loop3A_241, %parallel_loop3A_242] {strides = array<i32>} : memref<2x80x128xf32, #tpu.memory_space<vmem>>, vector<16xf32>,
        %parallel_loop3A_244 = arith.mulf %parallel_loop3A_243, %parallel_loop3A_224 : vector<16xf32>
        %parallel_loop3A_245 = arith.constant 0.000000e+00 : f32
        %parallel_loop3A_246 = vector.broadcast %parallel_loop3A_245 : f32 to vector<16xf32>
        %parallel_loop3A_247 = arith.maximumf %parallel_loop3A_244, %parallel_loop3A_246 : vector<16xf32>
        %parallel_loop3A_248 = arith.constant 0 : i32
        %parallel_loop3A_249 = arith.index_cast %parallel_loop3A_248 : i32 to index
        %parallel_loop3A_250 = arith.index_cast %parallel_loop3A_220 : i32 to index
        %parallel_loop3A_251 = arith.constant 16 : index
        %parallel_loop3A_252 = tpu.vector_load %arg8[%parallel_loop3A_249, %parallel_loop3A_250, %parallel_loop3A_251] {strides = array<i32>} : memref<2x80x128xf32, #tpu.memory_space<vmem>>, vector<16xf32>,
        tpu.vector_store %arg8[%parallel_loop3A_249, %parallel_loop3A_250, %parallel_loop3A_251], %parallel_loop3A_247 {strides = array<i32>} : memref<2x80x128xf32, #tpu.memory_space<vmem>>, vector<16xf32>,
        %parallel_loop3A_253 = arith.constant 0 : i32
        %parallel_loop3A_254 = arith.index_cast %parallel_loop3A_253 : i32 to index
        %parallel_loop3A_255 = arith.index_cast %parallel_loop3A_220 : i32 to index
        %parallel_loop3A_256 = arith.constant 32 : index
        %parallel_loop3A_257 = tpu.vector_load %arg8[%parallel_loop3A_254, %parallel_loop3A_255, %parallel_loop3A_256] {strides = array<i32>} : memref<2x80x128xf32, #tpu.memory_space<vmem>>, vector<16xf32>,
        %parallel_loop3A_258 = arith.mulf %parallel_loop3A_257, %parallel_loop3A_224 : vector<16xf32>
        %parallel_loop3A_259 = arith.constant 0.000000e+00 : f32
        %parallel_loop3A_260 = vector.broadcast %parallel_loop3A_259 : f32 to vector<16xf32>
        %parallel_loop3A_261 = arith.maximumf %parallel_loop3A_258, %parallel_loop3A_260 : vector<16xf32>
        %parallel_loop3A_262 = arith.constant 0 : i32
        %parallel_loop3A_263 = arith.index_cast %parallel_loop3A_262 : i32 to index
        %parallel_loop3A_264 = arith.index_cast %parallel_loop3A_220 : i32 to index
        %parallel_loop3A_265 = arith.constant 32 : index
        %parallel_loop3A_266 = tpu.vector_load %arg8[%parallel_loop3A_263, %parallel_loop3A_264, %parallel_loop3A_265] {strides = array<i32>} : memref<2x80x128xf32, #tpu.memory_space<vmem>>, vector<16xf32>,
        tpu.vector_store %arg8[%parallel_loop3A_263, %parallel_loop3A_264, %parallel_loop3A_265], %parallel_loop3A_261 {strides = array<i32>} : memref<2x80x128xf32, #tpu.memory_space<vmem>>, vector<16xf32>,
        %parallel_loop3A_267 = arith.constant 0 : i32
        %parallel_loop3A_268 = arith.index_cast %parallel_loop3A_267 : i32 to index
        %parallel_loop3A_269 = arith.index_cast %parallel_loop3A_220 : i32 to index
        %parallel_loop3A_270 = arith.constant 48 : index
        %parallel_loop3A_271 = tpu.vector_load %arg8[%parallel_loop3A_268, %parallel_loop3A_269, %parallel_loop3A_270] {strides = array<i32>} : memref<2x80x128xf32, #tpu.memory_space<vmem>>, vector<16xf32>,
        %parallel_loop3A_272 = arith.mulf %parallel_loop3A_271, %parallel_loop3A_224 : vector<16xf32>
        %parallel_loop3A_273 = arith.constant 0.000000e+00 : f32
        %parallel_loop3A_274 = vector.broadcast %parallel_loop3A_273 : f32 to vector<16xf32>
        %parallel_loop3A_275 = arith.maximumf %parallel_loop3A_272, %parallel_loop3A_274 : vector<16xf32>
        %parallel_loop3A_276 = arith.constant 0 : i32
        %parallel_loop3A_277 = arith.index_cast %parallel_loop3A_276 : i32 to index
        %parallel_loop3A_278 = arith.index_cast %parallel_loop3A_220 : i32 to index
        %parallel_loop3A_279 = arith.constant 48 : index
        %parallel_loop3A_280 = tpu.vector_load %arg8[%parallel_loop3A_277, %parallel_loop3A_278, %parallel_loop3A_279] {strides = array<i32>} : memref<2x80x128xf32, #tpu.memory_space<vmem>>, vector<16xf32>,
        tpu.vector_store %arg8[%parallel_loop3A_277, %parallel_loop3A_278, %parallel_loop3A_279], %parallel_loop3A_275 {strides = array<i32>} : memref<2x80x128xf32, #tpu.memory_space<vmem>>, vector<16xf32>,
        %parallel_loop3A_281 = arith.constant 0 : i32
        %parallel_loop3A_282 = arith.index_cast %parallel_loop3A_281 : i32 to index
        %parallel_loop3A_283 = arith.index_cast %parallel_loop3A_220 : i32 to index
        %parallel_loop3A_284 = arith.constant 64 : index
        %parallel_loop3A_285 = tpu.vector_load %arg8[%parallel_loop3A_282, %parallel_loop3A_283, %parallel_loop3A_284] {strides = array<i32>} : memref<2x80x128xf32, #tpu.memory_space<vmem>>, vector<16xf32>,
        %parallel_loop3A_286 = arith.mulf %parallel_loop3A_285, %parallel_loop3A_224 : vector<16xf32>
        %parallel_loop3A_287 = arith.constant 0.000000e+00 : f32
        %parallel_loop3A_288 = vector.broadcast %parallel_loop3A_287 : f32 to vector<16xf32>
        %parallel_loop3A_289 = arith.maximumf %parallel_loop3A_286, %parallel_loop3A_288 : vector<16xf32>
        %parallel_loop3A_290 = arith.constant 0 : i32
        %parallel_loop3A_291 = arith.index_cast %parallel_loop3A_290 : i32 to index
        %parallel_loop3A_292 = arith.index_cast %parallel_loop3A_220 : i32 to index
        %parallel_loop3A_293 = arith.constant 64 : index
        %parallel_loop3A_294 = tpu.vector_load %arg8[%parallel_loop3A_291, %parallel_loop3A_292, %parallel_loop3A_293] {strides = array<i32>} : memref<2x80x128xf32, #tpu.memory_space<vmem>>, vector<16xf32>,
        tpu.vector_store %arg8[%parallel_loop3A_291, %parallel_loop3A_292, %parallel_loop3A_293], %parallel_loop3A_289 {strides = array<i32>} : memref<2x80x128xf32, #tpu.memory_space<vmem>>, vector<16xf32>,
        %parallel_loop3A_295 = arith.constant 0 : i32
        %parallel_loop3A_296 = arith.index_cast %parallel_loop3A_295 : i32 to index
        %parallel_loop3A_297 = arith.index_cast %parallel_loop3A_220 : i32 to index
        %parallel_loop3A_298 = arith.constant 80 : index
        %parallel_loop3A_299 = tpu.vector_load %arg8[%parallel_loop3A_296, %parallel_loop3A_297, %parallel_loop3A_298] {strides = array<i32>} : memref<2x80x128xf32, #tpu.memory_space<vmem>>, vector<16xf32>,
        %parallel_loop3A_300 = arith.mulf %parallel_loop3A_299, %parallel_loop3A_224 : vector<16xf32>
        %parallel_loop3A_301 = arith.constant 0.000000e+00 : f32
        %parallel_loop3A_302 = vector.broadcast %parallel_loop3A_301 : f32 to vector<16xf32>
        %parallel_loop3A_303 = arith.maximumf %parallel_loop3A_300, %parallel_loop3A_302 : vector<16xf32>
        %parallel_loop3A_304 = arith.constant 0 : i32
        %parallel_loop3A_305 = arith.index_cast %parallel_loop3A_304 : i32 to index
        %parallel_loop3A_306 = arith.index_cast %parallel_loop3A_220 : i32 to index
        %parallel_loop3A_307 = arith.constant 80 : index
        %parallel_loop3A_308 = tpu.vector_load %arg8[%parallel_loop3A_305, %parallel_loop3A_306, %parallel_loop3A_307] {strides = array<i32>} : memref<2x80x128xf32, #tpu.memory_space<vmem>>, vector<16xf32>,
        tpu.vector_store %arg8[%parallel_loop3A_305, %parallel_loop3A_306, %parallel_loop3A_307], %parallel_loop3A_303 {strides = array<i32>} : memref<2x80x128xf32, #tpu.memory_space<vmem>>, vector<16xf32>,
        %parallel_loop3A_309 = arith.constant 0 : i32
        %parallel_loop3A_310 = arith.index_cast %parallel_loop3A_309 : i32 to index
        %parallel_loop3A_311 = arith.index_cast %parallel_loop3A_220 : i32 to index
        %parallel_loop3A_312 = arith.constant 96 : index
        %parallel_loop3A_313 = tpu.vector_load %arg8[%parallel_loop3A_310, %parallel_loop3A_311, %parallel_loop3A_312] {strides = array<i32>} : memref<2x80x128xf32, #tpu.memory_space<vmem>>, vector<16xf32>,
        %parallel_loop3A_314 = arith.mulf %parallel_loop3A_313, %parallel_loop3A_224 : vector<16xf32>
        %parallel_loop3A_315 = arith.constant 0.000000e+00 : f32
        %parallel_loop3A_316 = vector.broadcast %parallel_loop3A_315 : f32 to vector<16xf32>
        %parallel_loop3A_317 = arith.maximumf %parallel_loop3A_314, %parallel_loop3A_316 : vector<16xf32>
        %parallel_loop3A_318 = arith.constant 0 : i32
        %parallel_loop3A_319 = arith.index_cast %parallel_loop3A_318 : i32 to index
        %parallel_loop3A_320 = arith.index_cast %parallel_loop3A_220 : i32 to index
        %parallel_loop3A_321 = arith.constant 96 : index
        %parallel_loop3A_322 = tpu.vector_load %arg8[%parallel_loop3A_319, %parallel_loop3A_320, %parallel_loop3A_321] {strides = array<i32>} : memref<2x80x128xf32, #tpu.memory_space<vmem>>, vector<16xf32>,
        tpu.vector_store %arg8[%parallel_loop3A_319, %parallel_loop3A_320, %parallel_loop3A_321], %parallel_loop3A_317 {strides = array<i32>} : memref<2x80x128xf32, #tpu.memory_space<vmem>>, vector<16xf32>,
        %parallel_loop3A_323 = arith.constant 0 : i32
        %parallel_loop3A_324 = arith.index_cast %parallel_loop3A_323 : i32 to index
        %parallel_loop3A_325 = arith.index_cast %parallel_loop3A_220 : i32 to index
        %parallel_loop3A_326 = arith.constant 112 : index
        %parallel_loop3A_327 = tpu.vector_load %arg8[%parallel_loop3A_324, %parallel_loop3A_325, %parallel_loop3A_326] {strides = array<i32>} : memref<2x80x128xf32, #tpu.memory_space<vmem>>, vector<16xf32>,
        %parallel_loop3A_328 = arith.mulf %parallel_loop3A_327, %parallel_loop3A_224 : vector<16xf32>
        %parallel_loop3A_329 = arith.constant 0.000000e+00 : f32
        %parallel_loop3A_330 = vector.broadcast %parallel_loop3A_329 : f32 to vector<16xf32>
        %parallel_loop3A_331 = arith.maximumf %parallel_loop3A_328, %parallel_loop3A_330 : vector<16xf32>
        %parallel_loop3A_332 = arith.constant 0 : i32
        %parallel_loop3A_333 = arith.index_cast %parallel_loop3A_332 : i32 to index
        %parallel_loop3A_334 = arith.index_cast %parallel_loop3A_220 : i32 to index
        %parallel_loop3A_335 = arith.constant 112 : index
        %parallel_loop3A_336 = tpu.vector_load %arg8[%parallel_loop3A_333, %parallel_loop3A_334, %parallel_loop3A_335] {strides = array<i32>} : memref<2x80x128xf32, #tpu.memory_space<vmem>>, vector<16xf32>,
        tpu.vector_store %arg8[%parallel_loop3A_333, %parallel_loop3A_334, %parallel_loop3A_335], %parallel_loop3A_331 {strides = array<i32>} : memref<2x80x128xf32, #tpu.memory_space<vmem>>, vector<16xf32>,
      } {sc.loop_unroll_factor = 4 : i64, sc.parallel_access}
      %add3A_174 = arith.constant 1 : i32
      %add3A_175 = arith.addi %add3A_167, %add3A_174 : i32
      %lt3A_176 = arith.constant 126 : i32
      %lt3A_177 = arith.cmpi slt, %add3A_175, %lt3A_176 : i32
      %convert_element_type3A_178 = arith.extui %lt3A_177 : i1 to i32
      %cond3A_179 = arith.constant 0 : i32
      %cond3A_180 = arith.cmpi ne, %convert_element_type3A_178, %cond3A_179 : i32
      scf.if %cond3A_180 {
        %add3A_220 = arith.constant 1 : i32
        %add3A_221 = arith.addi %add3A_167, %add3A_220 : i32
        %dma_wait3A_222 = arith.constant 1 : i32
        %dma_wait3A_223 = arith.constant 1 : i32
        %dma_wait3A_224 = arith.constant 0 : i32
        %dma_wait3A_225 = arith.constant 0 : i32
        %dma_wait3A_226 = tpu.memref_slice %arg8[%dma_wait3A_223, %dma_wait3A_224, %dma_wait3A_225] : memref<2x80x128xf32, #tpu.memory_space<vmem>> -> memref<1x80x128xf32, #tpu.memory_space<vmem>>
        %dma_wait3A_227 = tpu.memref_squeeze %dma_wait3A_226 : memref<1x80x128xf32, #tpu.memory_space<vmem>> -> memref<80x128xf32, #tpu.memory_space<vmem>>
        %dma_wait3A_228 = arith.constant 0 : i32
        %dma_wait3A_229 = tpu.memref_slice %arg9[%dma_wait3A_222, %dma_wait3A_228] : memref<2x80xi32, #tpu.memory_space<vmem>> -> memref<1x80xi32, #tpu.memory_space<vmem>>
        %dma_wait3A_230 = tpu.memref_squeeze %dma_wait3A_229 : memref<1x80xi32, #tpu.memory_space<vmem>> -> memref<80xi32, #tpu.memory_space<vmem>>
        %dma_wait3A_231 = arith.constant 0 : i32
        %dma_wait3A_232 = arith.constant 0 : i32
        %dma_wait3A_233 = tpu.memref_slice %arg2[%dma_wait3A_231, %dma_wait3A_232] : memref<10000x128xf32, #tpu.memory_space<hbm>> -> memref<10000x128xf32, #tpu.memory_space<hbm>>
        tpu.wait_indirect_dma semaphore(%arg14 : memref<!tpu.dma_semaphore, #tpu.memory_space<semaphore_mem>>) src(%dma_wait3A_233 : memref<10000x128xf32, #tpu.memory_space<hbm>>) dst(%dma_wait3A_227 : memref<80x128xf32, #tpu.memory_space<vmem>>)
      } else {
      }
      %run_scoped3A = arith.constant 0 : i32
      %run_scoped3A_181 = arith.constant 0 : i32
      "tpu.region"() ({
        %run_scoped3A_220 = tpu.sem_alloc : memref<!tpu.dma_semaphore, #tpu.memory_space<semaphore_mem>>
        %dma_start3A_221 = arith.constant 0 : i32
        %dma_start3A_222 = arith.constant 0 : i32
        %dma_start3A_223 = tpu.memref_slice %arg8[%run_scoped3A, %dma_start3A_221, %dma_start3A_222] : memref<2x80x128xf32, #tpu.memory_space<vmem>> -> memref<1x80x128xf32, #tpu.memory_space<vmem>>
        %dma_start3A_224 = tpu.memref_squeeze %dma_start3A_223 : memref<1x80x128xf32, #tpu.memory_space<vmem>> -> memref<80x128xf32, #tpu.memory_space<vmem>>
        %dma_start3A_225 = arith.constant 0 : i32
        %dma_start3A_226 = tpu.memref_slice %arg10[%run_scoped3A_181, %dma_start3A_225] : memref<2x80xi32, #tpu.memory_space<vmem>> -> memref<1x80xi32, #tpu.memory_space<vmem>>
        %dma_start3A_227 = tpu.memref_squeeze %dma_start3A_226 : memref<1x80xi32, #tpu.memory_space<vmem>> -> memref<80xi32, #tpu.memory_space<vmem>>
        %dma_start3A_228 = arith.constant 0 : i32
        %dma_start3A_229 = arith.constant 0 : i32
        %dma_start3A_230 = tpu.memref_slice %arg12[%dma_start3A_228, %dma_start3A_229] : memref<10112x128xf32, #tpu.memory_space<vmem_shared>> -> memref<10112x128xf32, #tpu.memory_space<vmem_shared>>
        tpu.enqueue_indirect_dma source(%dma_start3A_224 : memref<80x128xf32, #tpu.memory_space<vmem>>) target(%dma_start3A_230 : memref<10112x128xf32, #tpu.memory_space<vmem_shared>>) offsets(%dma_start3A_227 : memref<80xi32, #tpu.memory_space<vmem>>) semaphore(%run_scoped3A_220 : memref<!tpu.dma_semaphore, #tpu.memory_space<semaphore_mem>>) {add = true}
        %dma_wait3A_231 = arith.constant 0 : i32
        %dma_wait3A_232 = arith.constant 0 : i32
        %dma_wait3A_233 = tpu.memref_slice %arg8[%run_scoped3A, %dma_wait3A_231, %dma_wait3A_232] : memref<2x80x128xf32, #tpu.memory_space<vmem>> -> memref<1x80x128xf32, #tpu.memory_space<vmem>>
        %dma_wait3A_234 = tpu.memref_squeeze %dma_wait3A_233 : memref<1x80x128xf32, #tpu.memory_space<vmem>> -> memref<80x128xf32, #tpu.memory_space<vmem>>
        %dma_wait3A_235 = arith.constant 0 : i32
        %dma_wait3A_236 = tpu.memref_slice %arg10[%run_scoped3A_181, %dma_wait3A_235] : memref<2x80xi32, #tpu.memory_space<vmem>> -> memref<1x80xi32, #tpu.memory_space<vmem>>
        %dma_wait3A_237 = tpu.memref_squeeze %dma_wait3A_236 : memref<1x80xi32, #tpu.memory_space<vmem>> -> memref<80xi32, #tpu.memory_space<vmem>>
        %dma_wait3A_238 = arith.constant 0 : i32
        %dma_wait3A_239 = arith.constant 0 : i32
        %dma_wait3A_240 = tpu.memref_slice %arg12[%dma_wait3A_238, %dma_wait3A_239] : memref<10112x128xf32, #tpu.memory_space<vmem_shared>> -> memref<10112x128xf32, #tpu.memory_space<vmem_shared>>
        tpu.wait_indirect_dma semaphore(%run_scoped3A_220 : memref<!tpu.dma_semaphore, #tpu.memory_space<semaphore_mem>>) src(%dma_wait3A_234 : memref<80x128xf32, #tpu.memory_space<vmem>>) dst(%dma_wait3A_240 : memref<10112x128xf32, #tpu.memory_space<vmem_shared>>)
        tpu.yield
      }) : () -> ()
      %add3A_182 = arith.constant 2 : i32
      %add3A_183 = arith.addi %add3A_167, %add3A_182 : i32
      %lt3A_184 = arith.constant 126 : i32
      %lt3A_185 = arith.cmpi slt, %add3A_183, %lt3A_184 : i32
      %convert_element_type3A_186 = arith.extui %lt3A_185 : i1 to i32
      %cond3A_187 = arith.constant 0 : i32
      %cond3A_188 = arith.cmpi ne, %convert_element_type3A_186, %cond3A_187 : i32
      scf.if %cond3A_188 {
        %add3A_220 = arith.constant 2 : i32
        %add3A_221 = arith.addi %add3A_167, %add3A_220 : i32
        %dma_start3A_222 = arith.constant 0 : i32
        %dma_start3A_223 = arith.constant 0 : i32
        %dma_start3A_224 = tpu.memref_slice %arg9[%dma_start3A_222, %dma_start3A_223] : memref<2x80xi32, #tpu.memory_space<vmem>> -> memref<1x80xi32, #tpu.memory_space<vmem>>
        %dma_start3A_225 = tpu.memref_squeeze %dma_start3A_224 : memref<1x80xi32, #tpu.memory_space<vmem>> -> memref<80xi32, #tpu.memory_space<vmem>>
        %dma_start3A_226 = arith.constant 0 : i32
        %dma_start3A_227 = tpu.memref_slice %arg3[%add3A, %add3A_221, %dma_start3A_226] : memref<32x126x80xi32, #tpu.memory_space<hbm>> -> memref<1x1x80xi32, #tpu.memory_space<hbm>>
        %dma_start3A_228 = tpu.memref_squeeze %dma_start3A_227 : memref<1x1x80xi32, #tpu.memory_space<hbm>> -> memref<80xi32, #tpu.memory_space<hbm>>
        %dma_start3A_229 = arith.constant 0 : i32
        %dma_start3A_230 = tpu.memref_slice %arg9[%dma_start3A_222, %dma_start3A_229] : memref<2x80xi32, #tpu.memory_space<vmem>> -> memref<1x80xi32, #tpu.memory_space<vmem>>
        %dma_start3A_231 = tpu.memref_squeeze %dma_start3A_230 : memref<1x80xi32, #tpu.memory_space<vmem>> -> memref<80xi32, #tpu.memory_space<vmem>>
        %dma_start3A_232 = arith.constant 0 : i32
        %dma_start3A_233 = tpu.memref_slice %arg3[%add3A, %add3A_221, %dma_start3A_232] : memref<32x126x80xi32, #tpu.memory_space<hbm>> -> memref<1x1x80xi32, #tpu.memory_space<hbm>>
        %dma_start3A_234 = tpu.memref_squeeze %dma_start3A_233 : memref<1x1x80xi32, #tpu.memory_space<hbm>> -> memref<80xi32, #tpu.memory_space<hbm>>
        tpu.enqueue_dma source(%dma_start3A_234 : memref<80xi32, #tpu.memory_space<hbm>>) target(%dma_start3A_231 : memref<80xi32, #tpu.memory_space<vmem>>) target_semaphore(%arg15 : memref<!tpu.dma_semaphore, #tpu.memory_space<semaphore_mem>>)
        %dma_start3A_235 = arith.constant 0 : i32
        %dma_start3A_236 = arith.constant 0 : i32
        %dma_start3A_237 = tpu.memref_slice %arg10[%dma_start3A_235, %dma_start3A_236] : memref<2x80xi32, #tpu.memory_space<vmem>> -> memref<1x80xi32, #tpu.memory_space<vmem>>
        %dma_start3A_238 = tpu.memref_squeeze %dma_start3A_237 : memref<1x80xi32, #tpu.memory_space<vmem>> -> memref<80xi32, #tpu.memory_space<vmem>>
        %dma_start3A_239 = arith.constant 0 : i32
        %dma_start3A_240 = tpu.memref_slice %arg4[%add3A, %add3A_221, %dma_start3A_239] : memref<32x126x80xi32, #tpu.memory_space<hbm>> -> memref<1x1x80xi32, #tpu.memory_space<hbm>>
        %dma_start3A_241 = tpu.memref_squeeze %dma_start3A_240 : memref<1x1x80xi32, #tpu.memory_space<hbm>> -> memref<80xi32, #tpu.memory_space<hbm>>
        %dma_start3A_242 = arith.constant 0 : i32
        %dma_start3A_243 = tpu.memref_slice %arg10[%dma_start3A_235, %dma_start3A_242] : memref<2x80xi32, #tpu.memory_space<vmem>> -> memref<1x80xi32, #tpu.memory_space<vmem>>
        %dma_start3A_244 = tpu.memref_squeeze %dma_start3A_243 : memref<1x80xi32, #tpu.memory_space<vmem>> -> memref<80xi32, #tpu.memory_space<vmem>>
        %dma_start3A_245 = arith.constant 0 : i32
        %dma_start3A_246 = tpu.memref_slice %arg4[%add3A, %add3A_221, %dma_start3A_245] : memref<32x126x80xi32, #tpu.memory_space<hbm>> -> memref<1x1x80xi32, #tpu.memory_space<hbm>>
        %dma_start3A_247 = tpu.memref_squeeze %dma_start3A_246 : memref<1x1x80xi32, #tpu.memory_space<hbm>> -> memref<80xi32, #tpu.memory_space<hbm>>
        tpu.enqueue_dma source(%dma_start3A_247 : memref<80xi32, #tpu.memory_space<hbm>>) target(%dma_start3A_244 : memref<80xi32, #tpu.memory_space<vmem>>) target_semaphore(%arg15 : memref<!tpu.dma_semaphore, #tpu.memory_space<semaphore_mem>>)
        %dma_start3A_248 = arith.constant 0 : i32
        %dma_start3A_249 = arith.constant 0 : i32
        %dma_start3A_250 = tpu.memref_slice %arg11[%dma_start3A_248, %dma_start3A_249] : memref<2x80xf32, #tpu.memory_space<vmem>> -> memref<1x80xf32, #tpu.memory_space<vmem>>
        %dma_start3A_251 = tpu.memref_squeeze %dma_start3A_250 : memref<1x80xf32, #tpu.memory_space<vmem>> -> memref<80xf32, #tpu.memory_space<vmem>>
        %dma_start3A_252 = arith.constant 0 : i32
        %dma_start3A_253 = tpu.memref_slice %arg5[%add3A, %add3A_221, %dma_start3A_252] : memref<32x126x80xf32, #tpu.memory_space<hbm>> -> memref<1x1x80xf32, #tpu.memory_space<hbm>>
        %dma_start3A_254 = tpu.memref_squeeze %dma_start3A_253 : memref<1x1x80xf32, #tpu.memory_space<hbm>> -> memref<80xf32, #tpu.memory_space<hbm>>
        %dma_start3A_255 = arith.constant 0 : i32
        %dma_start3A_256 = tpu.memref_slice %arg11[%dma_start3A_248, %dma_start3A_255] : memref<2x80xf32, #tpu.memory_space<vmem>> -> memref<1x80xf32, #tpu.memory_space<vmem>>
        %dma_start3A_257 = tpu.memref_squeeze %dma_start3A_256 : memref<1x80xf32, #tpu.memory_space<vmem>> -> memref<80xf32, #tpu.memory_space<vmem>>
        %dma_start3A_258 = arith.constant 0 : i32
        %dma_start3A_259 = tpu.memref_slice %arg5[%add3A, %add3A_221, %dma_start3A_258] : memref<32x126x80xf32, #tpu.memory_space<hbm>> -> memref<1x1x80xf32, #tpu.memory_space<hbm>>
        %dma_start3A_260 = tpu.memref_squeeze %dma_start3A_259 : memref<1x1x80xf32, #tpu.memory_space<hbm>> -> memref<80xf32, #tpu.memory_space<hbm>>
        tpu.enqueue_dma source(%dma_start3A_260 : memref<80xf32, #tpu.memory_space<hbm>>) target(%dma_start3A_257 : memref<80xf32, #tpu.memory_space<vmem>>) target_semaphore(%arg15 : memref<!tpu.dma_semaphore, #tpu.memory_space<semaphore_mem>>)
      } else {
      }
      %mul3A_189 = arith.constant 2 : i32
      %mul3A_190 = arith.muli %mul3A_189, %scan3A_162 : i32
      %add3A_191 = arith.constant 1 : i32
      %add3A_192 = arith.addi %mul3A_190, %add3A_191 : i32
      %add3A_193 = arith.constant 1 : i32
      %add3A_194 = arith.addi %add3A_192, %add3A_193 : i32
      %lt3A_195 = arith.constant 126 : i32
      %lt3A_196 = arith.cmpi slt, %add3A_194, %lt3A_195 : i32
      %convert_element_type3A_197 = arith.extui %lt3A_196 : i1 to i32
      %cond3A_198 = arith.constant 0 : i32
      %cond3A_199 = arith.cmpi ne, %convert_element_type3A_197, %cond3A_198 : i32
      scf.if %cond3A_199 {
        %add3A_220 = arith.constant 1 : i32
        %add3A_221 = arith.addi %add3A_192, %add3A_220 : i32
        %dma_wait3A_222 = arith.constant 0 : i32
        %dma_wait3A_223 = arith.constant 0 : i32
        %dma_wait3A_224 = tpu.memref_slice %arg9[%dma_wait3A_222, %dma_wait3A_223] : memref<2x80xi32, #tpu.memory_space<vmem>> -> memref<1x80xi32, #tpu.memory_space<vmem>>
        %dma_wait3A_225 = tpu.memref_squeeze %dma_wait3A_224 : memref<1x80xi32, #tpu.memory_space<vmem>> -> memref<80xi32, #tpu.memory_space<vmem>>
        %dma_wait3A_226 = arith.constant 0 : i32
        %dma_wait3A_227 = tpu.memref_slice %arg3[%add3A, %add3A_221, %dma_wait3A_226] : memref<32x126x80xi32, #tpu.memory_space<hbm>> -> memref<1x1x80xi32, #tpu.memory_space<hbm>>
        %dma_wait3A_228 = tpu.memref_squeeze %dma_wait3A_227 : memref<1x1x80xi32, #tpu.memory_space<hbm>> -> memref<80xi32, #tpu.memory_space<hbm>>
        %dma_wait3A_229 = arith.constant 0 : i32
        %dma_wait3A_230 = tpu.memref_slice %arg9[%dma_wait3A_222, %dma_wait3A_229] : memref<2x80xi32, #tpu.memory_space<vmem>> -> memref<1x80xi32, #tpu.memory_space<vmem>>
        %dma_wait3A_231 = tpu.memref_squeeze %dma_wait3A_230 : memref<1x80xi32, #tpu.memory_space<vmem>> -> memref<80xi32, #tpu.memory_space<vmem>>
        %dma_wait3A_232 = arith.constant 0 : i32
        %dma_wait3A_233 = tpu.memref_slice %arg3[%add3A, %add3A_221, %dma_wait3A_232] : memref<32x126x80xi32, #tpu.memory_space<hbm>> -> memref<1x1x80xi32, #tpu.memory_space<hbm>>
        %dma_wait3A_234 = tpu.memref_squeeze %dma_wait3A_233 : memref<1x1x80xi32, #tpu.memory_space<hbm>> -> memref<80xi32, #tpu.memory_space<hbm>>
        tpu.wait_dma2 semaphore(%arg15 : memref<!tpu.dma_semaphore, #tpu.memory_space<semaphore_mem>>) src(%dma_wait3A_234 : memref<80xi32, #tpu.memory_space<hbm>>) dst(%dma_wait3A_231 : memref<80xi32, #tpu.memory_space<vmem>>)
        %dma_wait3A_235 = arith.constant 0 : i32
        %dma_wait3A_236 = arith.constant 0 : i32
        %dma_wait3A_237 = tpu.memref_slice %arg10[%dma_wait3A_235, %dma_wait3A_236] : memref<2x80xi32, #tpu.memory_space<vmem>> -> memref<1x80xi32, #tpu.memory_space<vmem>>
        %dma_wait3A_238 = tpu.memref_squeeze %dma_wait3A_237 : memref<1x80xi32, #tpu.memory_space<vmem>> -> memref<80xi32, #tpu.memory_space<vmem>>
        %dma_wait3A_239 = arith.constant 0 : i32
        %dma_wait3A_240 = tpu.memref_slice %arg4[%add3A, %add3A_221, %dma_wait3A_239] : memref<32x126x80xi32, #tpu.memory_space<hbm>> -> memref<1x1x80xi32, #tpu.memory_space<hbm>>
        %dma_wait3A_241 = tpu.memref_squeeze %dma_wait3A_240 : memref<1x1x80xi32, #tpu.memory_space<hbm>> -> memref<80xi32, #tpu.memory_space<hbm>>
        %dma_wait3A_242 = arith.constant 0 : i32
        %dma_wait3A_243 = tpu.memref_slice %arg10[%dma_wait3A_235, %dma_wait3A_242] : memref<2x80xi32, #tpu.memory_space<vmem>> -> memref<1x80xi32, #tpu.memory_space<vmem>>
        %dma_wait3A_244 = tpu.memref_squeeze %dma_wait3A_243 : memref<1x80xi32, #tpu.memory_space<vmem>> -> memref<80xi32, #tpu.memory_space<vmem>>
        %dma_wait3A_245 = arith.constant 0 : i32
        %dma_wait3A_246 = tpu.memref_slice %arg4[%add3A, %add3A_221, %dma_wait3A_245] : memref<32x126x80xi32, #tpu.memory_space<hbm>> -> memref<1x1x80xi32, #tpu.memory_space<hbm>>
        %dma_wait3A_247 = tpu.memref_squeeze %dma_wait3A_246 : memref<1x1x80xi32, #tpu.memory_space<hbm>> -> memref<80xi32, #tpu.memory_space<hbm>>
        tpu.wait_dma2 semaphore(%arg15 : memref<!tpu.dma_semaphore, #tpu.memory_space<semaphore_mem>>) src(%dma_wait3A_247 : memref<80xi32, #tpu.memory_space<hbm>>) dst(%dma_wait3A_244 : memref<80xi32, #tpu.memory_space<vmem>>)
        %dma_wait3A_248 = arith.constant 0 : i32
        %dma_wait3A_249 = arith.constant 0 : i32
        %dma_wait3A_250 = tpu.memref_slice %arg11[%dma_wait3A_248, %dma_wait3A_249] : memref<2x80xf32, #tpu.memory_space<vmem>> -> memref<1x80xf32, #tpu.memory_space<vmem>>
        %dma_wait3A_251 = tpu.memref_squeeze %dma_wait3A_250 : memref<1x80xf32, #tpu.memory_space<vmem>> -> memref<80xf32, #tpu.memory_space<vmem>>
        %dma_wait3A_252 = arith.constant 0 : i32
        %dma_wait3A_253 = tpu.memref_slice %arg5[%add3A, %add3A_221, %dma_wait3A_252] : memref<32x126x80xf32, #tpu.memory_space<hbm>> -> memref<1x1x80xf32, #tpu.memory_space<hbm>>
        %dma_wait3A_254 = tpu.memref_squeeze %dma_wait3A_253 : memref<1x1x80xf32, #tpu.memory_space<hbm>> -> memref<80xf32, #tpu.memory_space<hbm>>
        %dma_wait3A_255 = arith.constant 0 : i32
        %dma_wait3A_256 = tpu.memref_slice %arg11[%dma_wait3A_248, %dma_wait3A_255] : memref<2x80xf32, #tpu.memory_space<vmem>> -> memref<1x80xf32, #tpu.memory_space<vmem>>
        %dma_wait3A_257 = tpu.memref_squeeze %dma_wait3A_256 : memref<1x80xf32, #tpu.memory_space<vmem>> -> memref<80xf32, #tpu.memory_space<vmem>>
        %dma_wait3A_258 = arith.constant 0 : i32
        %dma_wait3A_259 = tpu.memref_slice %arg5[%add3A, %add3A_221, %dma_wait3A_258] : memref<32x126x80xf32, #tpu.memory_space<hbm>> -> memref<1x1x80xf32, #tpu.memory_space<hbm>>
        %dma_wait3A_260 = tpu.memref_squeeze %dma_wait3A_259 : memref<1x1x80xf32, #tpu.memory_space<hbm>> -> memref<80xf32, #tpu.memory_space<hbm>>
        tpu.wait_dma2 semaphore(%arg15 : memref<!tpu.dma_semaphore, #tpu.memory_space<semaphore_mem>>) src(%dma_wait3A_260 : memref<80xf32, #tpu.memory_space<hbm>>) dst(%dma_wait3A_257 : memref<80xf32, #tpu.memory_space<vmem>>)
        %add3A_261 = arith.constant 1 : i32
        %add3A_262 = arith.addi %add3A_192, %add3A_261 : i32
        %dma_start3A_263 = arith.constant 0 : i32
        %dma_start3A_264 = arith.constant 0 : i32
        %dma_start3A_265 = arith.constant 0 : i32
        %dma_start3A_266 = arith.constant 0 : i32
        %dma_start3A_267 = tpu.memref_slice %arg8[%dma_start3A_264, %dma_start3A_265, %dma_start3A_266] : memref<2x80x128xf32, #tpu.memory_space<vmem>> -> memref<1x80x128xf32, #tpu.memory_space<vmem>>
        %dma_start3A_268 = tpu.memref_squeeze %dma_start3A_267 : memref<1x80x128xf32, #tpu.memory_space<vmem>> -> memref<80x128xf32, #tpu.memory_space<vmem>>
        %dma_start3A_269 = arith.constant 0 : i32
        %dma_start3A_270 = tpu.memref_slice %arg9[%dma_start3A_263, %dma_start3A_269] : memref<2x80xi32, #tpu.memory_space<vmem>> -> memref<1x80xi32, #tpu.memory_space<vmem>>
        %dma_start3A_271 = tpu.memref_squeeze %dma_start3A_270 : memref<1x80xi32, #tpu.memory_space<vmem>> -> memref<80xi32, #tpu.memory_space<vmem>>
        %dma_start3A_272 = arith.constant 0 : i32
        %dma_start3A_273 = arith.constant 0 : i32
        %dma_start3A_274 = tpu.memref_slice %arg2[%dma_start3A_272, %dma_start3A_273] : memref<10000x128xf32, #tpu.memory_space<hbm>> -> memref<10000x128xf32, #tpu.memory_space<hbm>>
        tpu.enqueue_indirect_dma source(%dma_start3A_274 : memref<10000x128xf32, #tpu.memory_space<hbm>>) target(%dma_start3A_268 : memref<80x128xf32, #tpu.memory_space<vmem>>) offsets(%dma_start3A_271 : memref<80xi32, #tpu.memory_space<vmem>>) semaphore(%arg13 : memref<!tpu.dma_semaphore, #tpu.memory_space<semaphore_mem>>)
      } else {
      }
      %parallel_loop3A_200 = arith.constant 0 : i32
      %parallel_loop3A_201 = arith.constant 80 : i32
      %parallel_loop3A_202 = arith.constant 1 : i32
      scf.for %parallel_loop3A_220 = %parallel_loop3A_200 to %parallel_loop3A_201 step %parallel_loop3A_202  : i32 {
        %parallel_loop3A_221 = arith.constant 1 : i32
        %parallel_loop3A_222 = vector.broadcast %parallel_loop3A_221 : i32 to vector<16xi32>
        %parallel_loop3A_223 = vector.broadcast %parallel_loop3A_220 : i32 to vector<16xi32>
        %parallel_loop3A_224 = tpu.vector_load_idx %arg11[%parallel_loop3A_222, %parallel_loop3A_223] : memref<2x80xf32, #tpu.memory_space<vmem>>[vector<16xi32>, vector<16xi32>], vector<16xf32>,
        %parallel_loop3A_225 = arith.constant 1 : i32
        %parallel_loop3A_226 = arith.index_cast %parallel_loop3A_225 : i32 to index
        %parallel_loop3A_227 = arith.index_cast %parallel_loop3A_220 : i32 to index
        %parallel_loop3A_228 = arith.constant 0 : index
        %parallel_loop3A_229 = tpu.vector_load %arg8[%parallel_loop3A_226, %parallel_loop3A_227, %parallel_loop3A_228] {strides = array<i32>} : memref<2x80x128xf32, #tpu.memory_space<vmem>>, vector<16xf32>,
        %parallel_loop3A_230 = arith.mulf %parallel_loop3A_229, %parallel_loop3A_224 : vector<16xf32>
        %parallel_loop3A_231 = arith.constant 0.000000e+00 : f32
        %parallel_loop3A_232 = vector.broadcast %parallel_loop3A_231 : f32 to vector<16xf32>
        %parallel_loop3A_233 = arith.maximumf %parallel_loop3A_230, %parallel_loop3A_232 : vector<16xf32>
        %parallel_loop3A_234 = arith.constant 1 : i32
        %parallel_loop3A_235 = arith.index_cast %parallel_loop3A_234 : i32 to index
        %parallel_loop3A_236 = arith.index_cast %parallel_loop3A_220 : i32 to index
        %parallel_loop3A_237 = arith.constant 0 : index
        %parallel_loop3A_238 = tpu.vector_load %arg8[%parallel_loop3A_235, %parallel_loop3A_236, %parallel_loop3A_237] {strides = array<i32>} : memref<2x80x128xf32, #tpu.memory_space<vmem>>, vector<16xf32>,
        tpu.vector_store %arg8[%parallel_loop3A_235, %parallel_loop3A_236, %parallel_loop3A_237], %parallel_loop3A_233 {strides = array<i32>} : memref<2x80x128xf32, #tpu.memory_space<vmem>>, vector<16xf32>,
        %parallel_loop3A_239 = arith.constant 1 : i32
        %parallel_loop3A_240 = arith.index_cast %parallel_loop3A_239 : i32 to index
        %parallel_loop3A_241 = arith.index_cast %parallel_loop3A_220 : i32 to index
        %parallel_loop3A_242 = arith.constant 16 : index
        %parallel_loop3A_243 = tpu.vector_load %arg8[%parallel_loop3A_240, %parallel_loop3A_241, %parallel_loop3A_242] {strides = array<i32>} : memref<2x80x128xf32, #tpu.memory_space<vmem>>, vector<16xf32>,
        %parallel_loop3A_244 = arith.mulf %parallel_loop3A_243, %parallel_loop3A_224 : vector<16xf32>
        %parallel_loop3A_245 = arith.constant 0.000000e+00 : f32
        %parallel_loop3A_246 = vector.broadcast %parallel_loop3A_245 : f32 to vector<16xf32>
        %parallel_loop3A_247 = arith.maximumf %parallel_loop3A_244, %parallel_loop3A_246 : vector<16xf32>
        %parallel_loop3A_248 = arith.constant 1 : i32
        %parallel_loop3A_249 = arith.index_cast %parallel_loop3A_248 : i32 to index
        %parallel_loop3A_250 = arith.index_cast %parallel_loop3A_220 : i32 to index
        %parallel_loop3A_251 = arith.constant 16 : index
        %parallel_loop3A_252 = tpu.vector_load %arg8[%parallel_loop3A_249, %parallel_loop3A_250, %parallel_loop3A_251] {strides = array<i32>} : memref<2x80x128xf32, #tpu.memory_space<vmem>>, vector<16xf32>,
        tpu.vector_store %arg8[%parallel_loop3A_249, %parallel_loop3A_250, %parallel_loop3A_251], %parallel_loop3A_247 {strides = array<i32>} : memref<2x80x128xf32, #tpu.memory_space<vmem>>, vector<16xf32>,
        %parallel_loop3A_253 = arith.constant 1 : i32
        %parallel_loop3A_254 = arith.index_cast %parallel_loop3A_253 : i32 to index
        %parallel_loop3A_255 = arith.index_cast %parallel_loop3A_220 : i32 to index
        %parallel_loop3A_256 = arith.constant 32 : index
        %parallel_loop3A_257 = tpu.vector_load %arg8[%parallel_loop3A_254, %parallel_loop3A_255, %parallel_loop3A_256] {strides = array<i32>} : memref<2x80x128xf32, #tpu.memory_space<vmem>>, vector<16xf32>,
        %parallel_loop3A_258 = arith.mulf %parallel_loop3A_257, %parallel_loop3A_224 : vector<16xf32>
        %parallel_loop3A_259 = arith.constant 0.000000e+00 : f32
        %parallel_loop3A_260 = vector.broadcast %parallel_loop3A_259 : f32 to vector<16xf32>
        %parallel_loop3A_261 = arith.maximumf %parallel_loop3A_258, %parallel_loop3A_260 : vector<16xf32>
        %parallel_loop3A_262 = arith.constant 1 : i32
        %parallel_loop3A_263 = arith.index_cast %parallel_loop3A_262 : i32 to index
        %parallel_loop3A_264 = arith.index_cast %parallel_loop3A_220 : i32 to index
        %parallel_loop3A_265 = arith.constant 32 : index
        %parallel_loop3A_266 = tpu.vector_load %arg8[%parallel_loop3A_263, %parallel_loop3A_264, %parallel_loop3A_265] {strides = array<i32>} : memref<2x80x128xf32, #tpu.memory_space<vmem>>, vector<16xf32>,
        tpu.vector_store %arg8[%parallel_loop3A_263, %parallel_loop3A_264, %parallel_loop3A_265], %parallel_loop3A_261 {strides = array<i32>} : memref<2x80x128xf32, #tpu.memory_space<vmem>>, vector<16xf32>,
        %parallel_loop3A_267 = arith.constant 1 : i32
        %parallel_loop3A_268 = arith.index_cast %parallel_loop3A_267 : i32 to index
        %parallel_loop3A_269 = arith.index_cast %parallel_loop3A_220 : i32 to index
        %parallel_loop3A_270 = arith.constant 48 : index
        %parallel_loop3A_271 = tpu.vector_load %arg8[%parallel_loop3A_268, %parallel_loop3A_269, %parallel_loop3A_270] {strides = array<i32>} : memref<2x80x128xf32, #tpu.memory_space<vmem>>, vector<16xf32>,
        %parallel_loop3A_272 = arith.mulf %parallel_loop3A_271, %parallel_loop3A_224 : vector<16xf32>
        %parallel_loop3A_273 = arith.constant 0.000000e+00 : f32
        %parallel_loop3A_274 = vector.broadcast %parallel_loop3A_273 : f32 to vector<16xf32>
        %parallel_loop3A_275 = arith.maximumf %parallel_loop3A_272, %parallel_loop3A_274 : vector<16xf32>
        %parallel_loop3A_276 = arith.constant 1 : i32
        %parallel_loop3A_277 = arith.index_cast %parallel_loop3A_276 : i32 to index
        %parallel_loop3A_278 = arith.index_cast %parallel_loop3A_220 : i32 to index
        %parallel_loop3A_279 = arith.constant 48 : index
        %parallel_loop3A_280 = tpu.vector_load %arg8[%parallel_loop3A_277, %parallel_loop3A_278, %parallel_loop3A_279] {strides = array<i32>} : memref<2x80x128xf32, #tpu.memory_space<vmem>>, vector<16xf32>,
        tpu.vector_store %arg8[%parallel_loop3A_277, %parallel_loop3A_278, %parallel_loop3A_279], %parallel_loop3A_275 {strides = array<i32>} : memref<2x80x128xf32, #tpu.memory_space<vmem>>, vector<16xf32>,
        %parallel_loop3A_281 = arith.constant 1 : i32
        %parallel_loop3A_282 = arith.index_cast %parallel_loop3A_281 : i32 to index
        %parallel_loop3A_283 = arith.index_cast %parallel_loop3A_220 : i32 to index
        %parallel_loop3A_284 = arith.constant 64 : index
        %parallel_loop3A_285 = tpu.vector_load %arg8[%parallel_loop3A_282, %parallel_loop3A_283, %parallel_loop3A_284] {strides = array<i32>} : memref<2x80x128xf32, #tpu.memory_space<vmem>>, vector<16xf32>,
        %parallel_loop3A_286 = arith.mulf %parallel_loop3A_285, %parallel_loop3A_224 : vector<16xf32>
        %parallel_loop3A_287 = arith.constant 0.000000e+00 : f32
        %parallel_loop3A_288 = vector.broadcast %parallel_loop3A_287 : f32 to vector<16xf32>
        %parallel_loop3A_289 = arith.maximumf %parallel_loop3A_286, %parallel_loop3A_288 : vector<16xf32>
        %parallel_loop3A_290 = arith.constant 1 : i32
        %parallel_loop3A_291 = arith.index_cast %parallel_loop3A_290 : i32 to index
        %parallel_loop3A_292 = arith.index_cast %parallel_loop3A_220 : i32 to index
        %parallel_loop3A_293 = arith.constant 64 : index
        %parallel_loop3A_294 = tpu.vector_load %arg8[%parallel_loop3A_291, %parallel_loop3A_292, %parallel_loop3A_293] {strides = array<i32>} : memref<2x80x128xf32, #tpu.memory_space<vmem>>, vector<16xf32>,
        tpu.vector_store %arg8[%parallel_loop3A_291, %parallel_loop3A_292, %parallel_loop3A_293], %parallel_loop3A_289 {strides = array<i32>} : memref<2x80x128xf32, #tpu.memory_space<vmem>>, vector<16xf32>,
        %parallel_loop3A_295 = arith.constant 1 : i32
        %parallel_loop3A_296 = arith.index_cast %parallel_loop3A_295 : i32 to index
        %parallel_loop3A_297 = arith.index_cast %parallel_loop3A_220 : i32 to index
        %parallel_loop3A_298 = arith.constant 80 : index
        %parallel_loop3A_299 = tpu.vector_load %arg8[%parallel_loop3A_296, %parallel_loop3A_297, %parallel_loop3A_298] {strides = array<i32>} : memref<2x80x128xf32, #tpu.memory_space<vmem>>, vector<16xf32>,
        %parallel_loop3A_300 = arith.mulf %parallel_loop3A_299, %parallel_loop3A_224 : vector<16xf32>
        %parallel_loop3A_301 = arith.constant 0.000000e+00 : f32
        %parallel_loop3A_302 = vector.broadcast %parallel_loop3A_301 : f32 to vector<16xf32>
        %parallel_loop3A_303 = arith.maximumf %parallel_loop3A_300, %parallel_loop3A_302 : vector<16xf32>
        %parallel_loop3A_304 = arith.constant 1 : i32
        %parallel_loop3A_305 = arith.index_cast %parallel_loop3A_304 : i32 to index
        %parallel_loop3A_306 = arith.index_cast %parallel_loop3A_220 : i32 to index
        %parallel_loop3A_307 = arith.constant 80 : index
        %parallel_loop3A_308 = tpu.vector_load %arg8[%parallel_loop3A_305, %parallel_loop3A_306, %parallel_loop3A_307] {strides = array<i32>} : memref<2x80x128xf32, #tpu.memory_space<vmem>>, vector<16xf32>,
        tpu.vector_store %arg8[%parallel_loop3A_305, %parallel_loop3A_306, %parallel_loop3A_307], %parallel_loop3A_303 {strides = array<i32>} : memref<2x80x128xf32, #tpu.memory_space<vmem>>, vector<16xf32>,
        %parallel_loop3A_309 = arith.constant 1 : i32
        %parallel_loop3A_310 = arith.index_cast %parallel_loop3A_309 : i32 to index
        %parallel_loop3A_311 = arith.index_cast %parallel_loop3A_220 : i32 to index
        %parallel_loop3A_312 = arith.constant 96 : index
        %parallel_loop3A_313 = tpu.vector_load %arg8[%parallel_loop3A_310, %parallel_loop3A_311, %parallel_loop3A_312] {strides = array<i32>} : memref<2x80x128xf32, #tpu.memory_space<vmem>>, vector<16xf32>,
        %parallel_loop3A_314 = arith.mulf %parallel_loop3A_313, %parallel_loop3A_224 : vector<16xf32>
        %parallel_loop3A_315 = arith.constant 0.000000e+00 : f32
        %parallel_loop3A_316 = vector.broadcast %parallel_loop3A_315 : f32 to vector<16xf32>
        %parallel_loop3A_317 = arith.maximumf %parallel_loop3A_314, %parallel_loop3A_316 : vector<16xf32>
        %parallel_loop3A_318 = arith.constant 1 : i32
        %parallel_loop3A_319 = arith.index_cast %parallel_loop3A_318 : i32 to index
        %parallel_loop3A_320 = arith.index_cast %parallel_loop3A_220 : i32 to index
        %parallel_loop3A_321 = arith.constant 96 : index
        %parallel_loop3A_322 = tpu.vector_load %arg8[%parallel_loop3A_319, %parallel_loop3A_320, %parallel_loop3A_321] {strides = array<i32>} : memref<2x80x128xf32, #tpu.memory_space<vmem>>, vector<16xf32>,
        tpu.vector_store %arg8[%parallel_loop3A_319, %parallel_loop3A_320, %parallel_loop3A_321], %parallel_loop3A_317 {strides = array<i32>} : memref<2x80x128xf32, #tpu.memory_space<vmem>>, vector<16xf32>,
        %parallel_loop3A_323 = arith.constant 1 : i32
        %parallel_loop3A_324 = arith.index_cast %parallel_loop3A_323 : i32 to index
        %parallel_loop3A_325 = arith.index_cast %parallel_loop3A_220 : i32 to index
        %parallel_loop3A_326 = arith.constant 112 : index
        %parallel_loop3A_327 = tpu.vector_load %arg8[%parallel_loop3A_324, %parallel_loop3A_325, %parallel_loop3A_326] {strides = array<i32>} : memref<2x80x128xf32, #tpu.memory_space<vmem>>, vector<16xf32>,
        %parallel_loop3A_328 = arith.mulf %parallel_loop3A_327, %parallel_loop3A_224 : vector<16xf32>
        %parallel_loop3A_329 = arith.constant 0.000000e+00 : f32
        %parallel_loop3A_330 = vector.broadcast %parallel_loop3A_329 : f32 to vector<16xf32>
        %parallel_loop3A_331 = arith.maximumf %parallel_loop3A_328, %parallel_loop3A_330 : vector<16xf32>
        %parallel_loop3A_332 = arith.constant 1 : i32
        %parallel_loop3A_333 = arith.index_cast %parallel_loop3A_332 : i32 to index
        %parallel_loop3A_334 = arith.index_cast %parallel_loop3A_220 : i32 to index
        %parallel_loop3A_335 = arith.constant 112 : index
        %parallel_loop3A_336 = tpu.vector_load %arg8[%parallel_loop3A_333, %parallel_loop3A_334, %parallel_loop3A_335] {strides = array<i32>} : memref<2x80x128xf32, #tpu.memory_space<vmem>>, vector<16xf32>,
        tpu.vector_store %arg8[%parallel_loop3A_333, %parallel_loop3A_334, %parallel_loop3A_335], %parallel_loop3A_331 {strides = array<i32>} : memref<2x80x128xf32, #tpu.memory_space<vmem>>, vector<16xf32>,
      } {sc.loop_unroll_factor = 4 : i64, sc.parallel_access}
      %add3A_203 = arith.constant 1 : i32
      %add3A_204 = arith.addi %add3A_192, %add3A_203 : i32
      %lt3A_205 = arith.constant 126 : i32
      %lt3A_206 = arith.cmpi slt, %add3A_204, %lt3A_205 : i32
      %convert_element_type3A_207 = arith.extui %lt3A_206 : i1 to i32
      %cond3A_208 = arith.constant 0 : i32
      %cond3A_209 = arith.cmpi ne, %convert_element_type3A_207, %cond3A_208 : i32
      scf.if %cond3A_209 {
        %add3A_220 = arith.constant 1 : i32
        %add3A_221 = arith.addi %add3A_192, %add3A_220 : i32
        %dma_wait3A_222 = arith.constant 0 : i32
        %dma_wait3A_223 = arith.constant 0 : i32
        %dma_wait3A_224 = arith.constant 0 : i32
        %dma_wait3A_225 = arith.constant 0 : i32
        %dma_wait3A_226 = tpu.memref_slice %arg8[%dma_wait3A_223, %dma_wait3A_224, %dma_wait3A_225] : memref<2x80x128xf32, #tpu.memory_space<vmem>> -> memref<1x80x128xf32, #tpu.memory_space<vmem>>
        %dma_wait3A_227 = tpu.memref_squeeze %dma_wait3A_226 : memref<1x80x128xf32, #tpu.memory_space<vmem>> -> memref<80x128xf32, #tpu.memory_space<vmem>>
        %dma_wait3A_228 = arith.constant 0 : i32
        %dma_wait3A_229 = tpu.memref_slice %arg9[%dma_wait3A_222, %dma_wait3A_228] : memref<2x80xi32, #tpu.memory_space<vmem>> -> memref<1x80xi32, #tpu.memory_space<vmem>>
        %dma_wait3A_230 = tpu.memref_squeeze %dma_wait3A_229 : memref<1x80xi32, #tpu.memory_space<vmem>> -> memref<80xi32, #tpu.memory_space<vmem>>
        %dma_wait3A_231 = arith.constant 0 : i32
        %dma_wait3A_232 = arith.constant 0 : i32
        %dma_wait3A_233 = tpu.memref_slice %arg2[%dma_wait3A_231, %dma_wait3A_232] : memref<10000x128xf32, #tpu.memory_space<hbm>> -> memref<10000x128xf32, #tpu.memory_space<hbm>>
        tpu.wait_indirect_dma semaphore(%arg13 : memref<!tpu.dma_semaphore, #tpu.memory_space<semaphore_mem>>) src(%dma_wait3A_233 : memref<10000x128xf32, #tpu.memory_space<hbm>>) dst(%dma_wait3A_227 : memref<80x128xf32, #tpu.memory_space<vmem>>)
      } else {
      }
      %run_scoped3A_210 = arith.constant 1 : i32
      %run_scoped3A_211 = arith.constant 1 : i32
      "tpu.region"() ({
        %run_scoped3A_220 = tpu.sem_alloc : memref<!tpu.dma_semaphore, #tpu.memory_space<semaphore_mem>>
        %dma_start3A_221 = arith.constant 0 : i32
        %dma_start3A_222 = arith.constant 0 : i32
        %dma_start3A_223 = tpu.memref_slice %arg8[%run_scoped3A_210, %dma_start3A_221, %dma_start3A_222] : memref<2x80x128xf32, #tpu.memory_space<vmem>> -> memref<1x80x128xf32, #tpu.memory_space<vmem>>
        %dma_start3A_224 = tpu.memref_squeeze %dma_start3A_223 : memref<1x80x128xf32, #tpu.memory_space<vmem>> -> memref<80x128xf32, #tpu.memory_space<vmem>>
        %dma_start3A_225 = arith.constant 0 : i32
        %dma_start3A_226 = tpu.memref_slice %arg10[%run_scoped3A_211, %dma_start3A_225] : memref<2x80xi32, #tpu.memory_space<vmem>> -> memref<1x80xi32, #tpu.memory_space<vmem>>
        %dma_start3A_227 = tpu.memref_squeeze %dma_start3A_226 : memref<1x80xi32, #tpu.memory_space<vmem>> -> memref<80xi32, #tpu.memory_space<vmem>>
        %dma_start3A_228 = arith.constant 0 : i32
        %dma_start3A_229 = arith.constant 0 : i32
        %dma_start3A_230 = tpu.memref_slice %arg12[%dma_start3A_228, %dma_start3A_229] : memref<10112x128xf32, #tpu.memory_space<vmem_shared>> -> memref<10112x128xf32, #tpu.memory_space<vmem_shared>>
        tpu.enqueue_indirect_dma source(%dma_start3A_224 : memref<80x128xf32, #tpu.memory_space<vmem>>) target(%dma_start3A_230 : memref<10112x128xf32, #tpu.memory_space<vmem_shared>>) offsets(%dma_start3A_227 : memref<80xi32, #tpu.memory_space<vmem>>) semaphore(%run_scoped3A_220 : memref<!tpu.dma_semaphore, #tpu.memory_space<semaphore_mem>>) {add = true}
        %dma_wait3A_231 = arith.constant 0 : i32
        %dma_wait3A_232 = arith.constant 0 : i32
        %dma_wait3A_233 = tpu.memref_slice %arg8[%run_scoped3A_210, %dma_wait3A_231, %dma_wait3A_232] : memref<2x80x128xf32, #tpu.memory_space<vmem>> -> memref<1x80x128xf32, #tpu.memory_space<vmem>>
        %dma_wait3A_234 = tpu.memref_squeeze %dma_wait3A_233 : memref<1x80x128xf32, #tpu.memory_space<vmem>> -> memref<80x128xf32, #tpu.memory_space<vmem>>
        %dma_wait3A_235 = arith.constant 0 : i32
        %dma_wait3A_236 = tpu.memref_slice %arg10[%run_scoped3A_211, %dma_wait3A_235] : memref<2x80xi32, #tpu.memory_space<vmem>> -> memref<1x80xi32, #tpu.memory_space<vmem>>
        %dma_wait3A_237 = tpu.memref_squeeze %dma_wait3A_236 : memref<1x80xi32, #tpu.memory_space<vmem>> -> memref<80xi32, #tpu.memory_space<vmem>>
        %dma_wait3A_238 = arith.constant 0 : i32
        %dma_wait3A_239 = arith.constant 0 : i32
        %dma_wait3A_240 = tpu.memref_slice %arg12[%dma_wait3A_238, %dma_wait3A_239] : memref<10112x128xf32, #tpu.memory_space<vmem_shared>> -> memref<10112x128xf32, #tpu.memory_space<vmem_shared>>
        tpu.wait_indirect_dma semaphore(%run_scoped3A_220 : memref<!tpu.dma_semaphore, #tpu.memory_space<semaphore_mem>>) src(%dma_wait3A_234 : memref<80x128xf32, #tpu.memory_space<vmem>>) dst(%dma_wait3A_240 : memref<10112x128xf32, #tpu.memory_space<vmem_shared>>)
        tpu.yield
      }) : () -> ()
      %add3A_212 = arith.constant 2 : i32
      %add3A_213 = arith.addi %add3A_192, %add3A_212 : i32
      %lt3A_214 = arith.constant 126 : i32
      %lt3A_215 = arith.cmpi slt, %add3A_213, %lt3A_214 : i32
      %convert_element_type3A_216 = arith.extui %lt3A_215 : i1 to i32
      %cond3A_217 = arith.constant 0 : i32
      %cond3A_218 = arith.cmpi ne, %convert_element_type3A_216, %cond3A_217 : i32
      scf.if %cond3A_218 {
        %add3A_220 = arith.constant 2 : i32
        %add3A_221 = arith.addi %add3A_192, %add3A_220 : i32
        %dma_start3A_222 = arith.constant 1 : i32
        %dma_start3A_223 = arith.constant 0 : i32
        %dma_start3A_224 = tpu.memref_slice %arg9[%dma_start3A_222, %dma_start3A_223] : memref<2x80xi32, #tpu.memory_space<vmem>> -> memref<1x80xi32, #tpu.memory_space<vmem>>
        %dma_start3A_225 = tpu.memref_squeeze %dma_start3A_224 : memref<1x80xi32, #tpu.memory_space<vmem>> -> memref<80xi32, #tpu.memory_space<vmem>>
        %dma_start3A_226 = arith.constant 0 : i32
        %dma_start3A_227 = tpu.memref_slice %arg3[%add3A, %add3A_221, %dma_start3A_226] : memref<32x126x80xi32, #tpu.memory_space<hbm>> -> memref<1x1x80xi32, #tpu.memory_space<hbm>>
        %dma_start3A_228 = tpu.memref_squeeze %dma_start3A_227 : memref<1x1x80xi32, #tpu.memory_space<hbm>> -> memref<80xi32, #tpu.memory_space<hbm>>
        %dma_start3A_229 = arith.constant 0 : i32
        %dma_start3A_230 = tpu.memref_slice %arg9[%dma_start3A_222, %dma_start3A_229] : memref<2x80xi32, #tpu.memory_space<vmem>> -> memref<1x80xi32, #tpu.memory_space<vmem>>
        %dma_start3A_231 = tpu.memref_squeeze %dma_start3A_230 : memref<1x80xi32, #tpu.memory_space<vmem>> -> memref<80xi32, #tpu.memory_space<vmem>>
        %dma_start3A_232 = arith.constant 0 : i32
        %dma_start3A_233 = tpu.memref_slice %arg3[%add3A, %add3A_221, %dma_start3A_232] : memref<32x126x80xi32, #tpu.memory_space<hbm>> -> memref<1x1x80xi32, #tpu.memory_space<hbm>>
        %dma_start3A_234 = tpu.memref_squeeze %dma_start3A_233 : memref<1x1x80xi32, #tpu.memory_space<hbm>> -> memref<80xi32, #tpu.memory_space<hbm>>
        tpu.enqueue_dma source(%dma_start3A_234 : memref<80xi32, #tpu.memory_space<hbm>>) target(%dma_start3A_231 : memref<80xi32, #tpu.memory_space<vmem>>) target_semaphore(%arg16 : memref<!tpu.dma_semaphore, #tpu.memory_space<semaphore_mem>>)
        %dma_start3A_235 = arith.constant 1 : i32
        %dma_start3A_236 = arith.constant 0 : i32
        %dma_start3A_237 = tpu.memref_slice %arg10[%dma_start3A_235, %dma_start3A_236] : memref<2x80xi32, #tpu.memory_space<vmem>> -> memref<1x80xi32, #tpu.memory_space<vmem>>
        %dma_start3A_238 = tpu.memref_squeeze %dma_start3A_237 : memref<1x80xi32, #tpu.memory_space<vmem>> -> memref<80xi32, #tpu.memory_space<vmem>>
        %dma_start3A_239 = arith.constant 0 : i32
        %dma_start3A_240 = tpu.memref_slice %arg4[%add3A, %add3A_221, %dma_start3A_239] : memref<32x126x80xi32, #tpu.memory_space<hbm>> -> memref<1x1x80xi32, #tpu.memory_space<hbm>>
        %dma_start3A_241 = tpu.memref_squeeze %dma_start3A_240 : memref<1x1x80xi32, #tpu.memory_space<hbm>> -> memref<80xi32, #tpu.memory_space<hbm>>
        %dma_start3A_242 = arith.constant 0 : i32
        %dma_start3A_243 = tpu.memref_slice %arg10[%dma_start3A_235, %dma_start3A_242] : memref<2x80xi32, #tpu.memory_space<vmem>> -> memref<1x80xi32, #tpu.memory_space<vmem>>
        %dma_start3A_244 = tpu.memref_squeeze %dma_start3A_243 : memref<1x80xi32, #tpu.memory_space<vmem>> -> memref<80xi32, #tpu.memory_space<vmem>>
        %dma_start3A_245 = arith.constant 0 : i32
        %dma_start3A_246 = tpu.memref_slice %arg4[%add3A, %add3A_221, %dma_start3A_245] : memref<32x126x80xi32, #tpu.memory_space<hbm>> -> memref<1x1x80xi32, #tpu.memory_space<hbm>>
        %dma_start3A_247 = tpu.memref_squeeze %dma_start3A_246 : memref<1x1x80xi32, #tpu.memory_space<hbm>> -> memref<80xi32, #tpu.memory_space<hbm>>
        tpu.enqueue_dma source(%dma_start3A_247 : memref<80xi32, #tpu.memory_space<hbm>>) target(%dma_start3A_244 : memref<80xi32, #tpu.memory_space<vmem>>) target_semaphore(%arg16 : memref<!tpu.dma_semaphore, #tpu.memory_space<semaphore_mem>>)
        %dma_start3A_248 = arith.constant 1 : i32
        %dma_start3A_249 = arith.constant 0 : i32
        %dma_start3A_250 = tpu.memref_slice %arg11[%dma_start3A_248, %dma_start3A_249] : memref<2x80xf32, #tpu.memory_space<vmem>> -> memref<1x80xf32, #tpu.memory_space<vmem>>
        %dma_start3A_251 = tpu.memref_squeeze %dma_start3A_250 : memref<1x80xf32, #tpu.memory_space<vmem>> -> memref<80xf32, #tpu.memory_space<vmem>>
        %dma_start3A_252 = arith.constant 0 : i32
        %dma_start3A_253 = tpu.memref_slice %arg5[%add3A, %add3A_221, %dma_start3A_252] : memref<32x126x80xf32, #tpu.memory_space<hbm>> -> memref<1x1x80xf32, #tpu.memory_space<hbm>>
        %dma_start3A_254 = tpu.memref_squeeze %dma_start3A_253 : memref<1x1x80xf32, #tpu.memory_space<hbm>> -> memref<80xf32, #tpu.memory_space<hbm>>
        %dma_start3A_255 = arith.constant 0 : i32
        %dma_start3A_256 = tpu.memref_slice %arg11[%dma_start3A_248, %dma_start3A_255] : memref<2x80xf32, #tpu.memory_space<vmem>> -> memref<1x80xf32, #tpu.memory_space<vmem>>
        %dma_start3A_257 = tpu.memref_squeeze %dma_start3A_256 : memref<1x80xf32, #tpu.memory_space<vmem>> -> memref<80xf32, #tpu.memory_space<vmem>>
        %dma_start3A_258 = arith.constant 0 : i32
        %dma_start3A_259 = tpu.memref_slice %arg5[%add3A, %add3A_221, %dma_start3A_258] : memref<32x126x80xf32, #tpu.memory_space<hbm>> -> memref<1x1x80xf32, #tpu.memory_space<hbm>>
        %dma_start3A_260 = tpu.memref_squeeze %dma_start3A_259 : memref<1x1x80xf32, #tpu.memory_space<hbm>> -> memref<80xf32, #tpu.memory_space<hbm>>
        tpu.enqueue_dma source(%dma_start3A_260 : memref<80xf32, #tpu.memory_space<hbm>>) target(%dma_start3A_257 : memref<80xf32, #tpu.memory_space<vmem>>) target_semaphore(%arg16 : memref<!tpu.dma_semaphore, #tpu.memory_space<semaphore_mem>>)
      } else {
      }
      %scan3A_219 = arith.constant 0 : i32
      scf.yield %scan3A_219 : i32
    }
    %scan3A_156 = arith.constant 63 : i32
    %barrier3A_157 = arith.constant 0 : index
    tpu.barrier barrier_id(%barrier3A_157)
    %mul3A_158 = arith.constant 632 : i32
    %mul3A_159 = arith.muli %arg1, %mul3A_158 : i32
    %mul3A_160 = arith.constant 632 : i32
    %mul3A_161 = arith.muli %arg1, %mul3A_160 : i32
    "tpu.region"() ({
      %run_scoped3A = tpu.sem_alloc : memref<!tpu.dma_semaphore, #tpu.memory_space<semaphore_mem>>
      %dma_start3A_162 = arith.constant 0 : i32
      %dma_start3A_163 = tpu.memref_slice %arg7[%arg0, %mul3A_161, %dma_start3A_162] : memref<2x10112x128xf32, #tpu.memory_space<hbm>> -> memref<1x632x128xf32, #tpu.memory_space<hbm>>
      %dma_start3A_164 = tpu.memref_squeeze %dma_start3A_163 : memref<1x632x128xf32, #tpu.memory_space<hbm>> -> memref<632x128xf32, #tpu.memory_space<hbm>>
      %dma_start3A_165 = arith.constant 0 : i32
      %dma_start3A_166 = tpu.memref_slice %arg12[%mul3A_159, %dma_start3A_165] : memref<10112x128xf32, #tpu.memory_space<vmem_shared>> -> memref<632x128xf32, #tpu.memory_space<vmem_shared>>
      tpu.enqueue_dma source(%dma_start3A_166 : memref<632x128xf32, #tpu.memory_space<vmem_shared>>) target(%dma_start3A_164 : memref<632x128xf32, #tpu.memory_space<hbm>>) target_semaphore(%run_scoped3A : memref<!tpu.dma_semaphore, #tpu.memory_space<semaphore_mem>>)
      %dma_wait3A_167 = arith.constant 0 : i32
      %dma_wait3A_168 = tpu.memref_slice %arg7[%arg0, %mul3A_161, %dma_wait3A_167] : memref<2x10112x128xf32, #tpu.memory_space<hbm>> -> memref<1x632x128xf32, #tpu.memory_space<hbm>>
      %dma_wait3A_169 = tpu.memref_squeeze %dma_wait3A_168 : memref<1x632x128xf32, #tpu.memory_space<hbm>> -> memref<632x128xf32, #tpu.memory_space<hbm>>
      %dma_wait3A_170 = arith.constant 0 : i32
      %dma_wait3A_171 = tpu.memref_slice %arg12[%mul3A_159, %dma_wait3A_170] : memref<10112x128xf32, #tpu.memory_space<vmem_shared>> -> memref<632x128xf32, #tpu.memory_space<vmem_shared>>
      tpu.wait_dma2 semaphore(%run_scoped3A : memref<!tpu.dma_semaphore, #tpu.memory_space<semaphore_mem>>) src(%dma_wait3A_171 : memref<632x128xf32, #tpu.memory_space<vmem_shared>>) dst(%dma_wait3A_169 : memref<632x128xf32, #tpu.memory_space<hbm>>)
      tpu.yield
    }) : () -> ()
    return
  }
}

#map = affine_map<(d0, d1) -> (0)>
module attributes {stable_mosaic.version = 14 : i64} {
  func.func @ek_kernel(%arg0: i32, %arg1: i32, %arg2: memref<10000xf32, #tpu.memory_space<hbm>>, %arg3: memref<320000xi32, #tpu.memory_space<hbm>>, %arg4: memref<320000xi32, #tpu.memory_space<hbm>>, %arg5: memref<320000xf32, #tpu.memory_space<hbm>>, %arg6: memref<10000xf32, #tpu.memory_space<vmem>>, %arg7: memref<10000xi32, #tpu.memory_space<vmem>>, %arg8: memref<10000xi32, #tpu.memory_space<vmem>>, %arg9: memref<10000xf32, #tpu.memory_space<vmem>>) attributes {dimension_semantics = [#tpu.dimension_semantics<core_parallel>, #tpu.dimension_semantics<subcore_parallel>], iteration_bounds = array<i64: 2, 16>, scalar_prefetch = 0 : i64, scratch_operands = 4 : i64, tpu.core_type = #tpu.core_type<sc_vector_subcore>, window_params = [{transform_indices = #map}, {transform_indices = #map}, {transform_indices = #map}, {transform_indices = #map}]} {
    %mul3A = arith.constant 16 : i32
    %mul3A_0 = arith.muli %arg0, %mul3A : i32
    %add3A = arith.addi %mul3A_0, %arg1 : i32
    %mul3A_1 = arith.constant 10000 : i32
    %mul3A_2 = arith.muli %add3A, %mul3A_1 : i32
    "tpu.region"() ({
      %run_scoped3A = tpu.sem_alloc : memref<!tpu.dma_semaphore, #tpu.memory_space<semaphore_mem>>
      tpu.enqueue_dma source(%arg2 : memref<10000xf32, #tpu.memory_space<hbm>>) target(%arg6 : memref<10000xf32, #tpu.memory_space<vmem>>) target_semaphore(%run_scoped3A : memref<!tpu.dma_semaphore, #tpu.memory_space<semaphore_mem>>)
      tpu.wait_dma2 semaphore(%run_scoped3A : memref<!tpu.dma_semaphore, #tpu.memory_space<semaphore_mem>>) src(%arg2 : memref<10000xf32, #tpu.memory_space<hbm>>) dst(%arg6 : memref<10000xf32, #tpu.memory_space<vmem>>)
      tpu.yield
    }) : () -> ()
    "tpu.region"() ({
      %run_scoped3A = tpu.sem_alloc : memref<!tpu.dma_semaphore, #tpu.memory_space<semaphore_mem>>
      %dma_start3A = tpu.memref_slice %arg3[%mul3A_2] : memref<320000xi32, #tpu.memory_space<hbm>> -> memref<10000xi32, #tpu.memory_space<hbm>>
      %dma_start3A_9 = tpu.memref_slice %arg3[%mul3A_2] : memref<320000xi32, #tpu.memory_space<hbm>> -> memref<10000xi32, #tpu.memory_space<hbm>>
      tpu.enqueue_dma source(%dma_start3A_9 : memref<10000xi32, #tpu.memory_space<hbm>>) target(%arg7 : memref<10000xi32, #tpu.memory_space<vmem>>) target_semaphore(%run_scoped3A : memref<!tpu.dma_semaphore, #tpu.memory_space<semaphore_mem>>)
      %dma_wait3A = tpu.memref_slice %arg3[%mul3A_2] : memref<320000xi32, #tpu.memory_space<hbm>> -> memref<10000xi32, #tpu.memory_space<hbm>>
      %dma_wait3A_10 = tpu.memref_slice %arg3[%mul3A_2] : memref<320000xi32, #tpu.memory_space<hbm>> -> memref<10000xi32, #tpu.memory_space<hbm>>
      tpu.wait_dma2 semaphore(%run_scoped3A : memref<!tpu.dma_semaphore, #tpu.memory_space<semaphore_mem>>) src(%dma_wait3A_10 : memref<10000xi32, #tpu.memory_space<hbm>>) dst(%arg7 : memref<10000xi32, #tpu.memory_space<vmem>>)
      tpu.yield
    }) : () -> ()
    "tpu.region"() ({
      %run_scoped3A = tpu.sem_alloc : memref<!tpu.dma_semaphore, #tpu.memory_space<semaphore_mem>>
      %dma_start3A = tpu.memref_slice %arg4[%mul3A_2] : memref<320000xi32, #tpu.memory_space<hbm>> -> memref<10000xi32, #tpu.memory_space<hbm>>
      %dma_start3A_9 = tpu.memref_slice %arg4[%mul3A_2] : memref<320000xi32, #tpu.memory_space<hbm>> -> memref<10000xi32, #tpu.memory_space<hbm>>
      tpu.enqueue_dma source(%dma_start3A_9 : memref<10000xi32, #tpu.memory_space<hbm>>) target(%arg8 : memref<10000xi32, #tpu.memory_space<vmem>>) target_semaphore(%run_scoped3A : memref<!tpu.dma_semaphore, #tpu.memory_space<semaphore_mem>>)
      %dma_wait3A = tpu.memref_slice %arg4[%mul3A_2] : memref<320000xi32, #tpu.memory_space<hbm>> -> memref<10000xi32, #tpu.memory_space<hbm>>
      %dma_wait3A_10 = tpu.memref_slice %arg4[%mul3A_2] : memref<320000xi32, #tpu.memory_space<hbm>> -> memref<10000xi32, #tpu.memory_space<hbm>>
      tpu.wait_dma2 semaphore(%run_scoped3A : memref<!tpu.dma_semaphore, #tpu.memory_space<semaphore_mem>>) src(%dma_wait3A_10 : memref<10000xi32, #tpu.memory_space<hbm>>) dst(%arg8 : memref<10000xi32, #tpu.memory_space<vmem>>)
      tpu.yield
    }) : () -> ()
    %scan3A = arith.constant 0 : i32
    %scan3A_3 = arith.constant 0 : i32
    %scan3A_4 = arith.constant 625 : i32
    %scan3A_5 = arith.addi %scan3A_3, %scan3A_4 : i32
    %scan3A_6 = arith.constant 1 : i32
    %scan3A_7 = scf.for %scan3A_9 = %scan3A_3 to %scan3A_5 step %scan3A_6 iter_args(%scan3A_10 = %scan3A) -> (i32)  : i32 {
      %mul3A_11 = arith.constant 16 : i32
      %mul3A_12 = arith.muli %scan3A_9, %mul3A_11 : i32
      %get3A = arith.index_cast %mul3A_12 : i32 to index
      %get3A_13 = tpu.vector_load %arg7[%get3A] {strides = array<i32>} : memref<10000xi32, #tpu.memory_space<vmem>>, vector<16xi32>,
      %mul3A_14 = arith.constant 16 : i32
      %mul3A_15 = arith.muli %scan3A_9, %mul3A_14 : i32
      %get3A_16 = arith.index_cast %mul3A_15 : i32 to index
      %get3A_17 = tpu.vector_load %arg8[%get3A_16] {strides = array<i32>} : memref<10000xi32, #tpu.memory_space<vmem>>, vector<16xi32>,
      %gather3A = tpu.vector_load_idx %arg6[%get3A_13] : memref<10000xf32, #tpu.memory_space<vmem>>[vector<16xi32>], vector<16xf32>,
      %gather3A_18 = tpu.vector_load_idx %arg6[%get3A_17] : memref<10000xf32, #tpu.memory_space<vmem>>[vector<16xi32>], vector<16xf32>,
      %mul3A_19 = arith.mulf %gather3A, %gather3A_18 : vector<16xf32>
      %mul3A_20 = arith.constant 16 : i32
      %mul3A_21 = arith.muli %scan3A_9, %mul3A_20 : i32
      %swap3A = arith.index_cast %mul3A_21 : i32 to index
      %swap3A_22 = tpu.vector_load %arg9[%swap3A] {strides = array<i32>} : memref<10000xf32, #tpu.memory_space<vmem>>, vector<16xf32>,
      tpu.vector_store %arg9[%swap3A], %mul3A_19 {strides = array<i32>} : memref<10000xf32, #tpu.memory_space<vmem>>, vector<16xf32>,
      %scan3A_23 = arith.constant 0 : i32
      scf.yield %scan3A_23 : i32
    }
    %scan3A_8 = arith.constant 625 : i32
    "tpu.region"() ({
      %run_scoped3A = tpu.sem_alloc : memref<!tpu.dma_semaphore, #tpu.memory_space<semaphore_mem>>
      %dma_start3A = tpu.memref_slice %arg5[%mul3A_2] : memref<320000xf32, #tpu.memory_space<hbm>> -> memref<10000xf32, #tpu.memory_space<hbm>>
      %dma_start3A_9 = tpu.memref_slice %arg5[%mul3A_2] : memref<320000xf32, #tpu.memory_space<hbm>> -> memref<10000xf32, #tpu.memory_space<hbm>>
      tpu.enqueue_dma source(%arg9 : memref<10000xf32, #tpu.memory_space<vmem>>) target(%dma_start3A_9 : memref<10000xf32, #tpu.memory_space<hbm>>) target_semaphore(%run_scoped3A : memref<!tpu.dma_semaphore, #tpu.memory_space<semaphore_mem>>)
      %dma_wait3A = tpu.memref_slice %arg5[%mul3A_2] : memref<320000xf32, #tpu.memory_space<hbm>> -> memref<10000xf32, #tpu.memory_space<hbm>>
      %dma_wait3A_10 = tpu.memref_slice %arg5[%mul3A_2] : memref<320000xf32, #tpu.memory_space<hbm>> -> memref<10000xf32, #tpu.memory_space<hbm>>
      tpu.wait_dma2 semaphore(%run_scoped3A : memref<!tpu.dma_semaphore, #tpu.memory_space<semaphore_mem>>) src(%arg9 : memref<10000xf32, #tpu.memory_space<vmem>>) dst(%dma_wait3A_10 : memref<10000xf32, #tpu.memory_space<hbm>>)
      tpu.yield
    }) : () -> ()
    return
  }
}

#map = affine_map<(d0, d1) -> (0, 0)>
#map1 = affine_map<(d0, d1) -> (0, 0, 0)>
module attributes {stable_mosaic.version = 14 : i64} {
  func.func @agg_kernel(%arg0: i32, %arg1: i32, %arg2: memref<10000x128xf32, #tpu.memory_space<hbm>>, %arg3: memref<32x126x80xi32, #tpu.memory_space<hbm>>, %arg4: memref<32x126x80xi32, #tpu.memory_space<hbm>>, %arg5: memref<32x126x80xf32, #tpu.memory_space<hbm>>, %arg6: memref<632x128xf32, #tpu.memory_space<hbm>>, %arg7: memref<2x10112x128xf32, #tpu.memory_space<hbm>>, %arg8: memref<2x80x128xf32, #tpu.memory_space<vmem>>, %arg9: memref<2x80xi32, #tpu.memory_space<vmem>>, %arg10: memref<2x80xi32, #tpu.memory_space<vmem>>, %arg11: memref<2x80xf32, #tpu.memory_space<vmem>>, %arg12: memref<10112x128xf32, #tpu.memory_space<vmem_shared>>, %arg13: memref<!tpu.dma_semaphore, #tpu.memory_space<semaphore_mem>>, %arg14: memref<!tpu.dma_semaphore, #tpu.memory_space<semaphore_mem>>, %arg15: memref<!tpu.dma_semaphore, #tpu.memory_space<semaphore_mem>>, %arg16: memref<!tpu.dma_semaphore, #tpu.memory_space<semaphore_mem>>) attributes {dimension_semantics = [#tpu.dimension_semantics<core_parallel>, #tpu.dimension_semantics<subcore_parallel>], iteration_bounds = array<i64: 2, 16>, scalar_prefetch = 0 : i64, scratch_operands = 9 : i64, tpu.core_type = #tpu.core_type<sc_vector_subcore>, window_params = [{transform_indices = #map}, {transform_indices = #map1}, {transform_indices = #map1}, {transform_indices = #map1}, {transform_indices = #map}, {transform_indices = #map1}]} {
    %mul3A = arith.constant 16 : i32
    %mul3A_0 = arith.muli %arg0, %mul3A : i32
    %add3A = arith.addi %mul3A_0, %arg1 : i32
    %mul3A_1 = arith.constant 632 : i32
    %mul3A_2 = arith.muli %arg1, %mul3A_1 : i32
    "tpu.region"() ({
      %run_scoped3A = tpu.sem_alloc : memref<!tpu.dma_semaphore, #tpu.memory_space<semaphore_mem>>
      %dma_start3A_162 = arith.constant 0 : i32
      %dma_start3A_163 = tpu.memref_slice %arg12[%mul3A_2, %dma_start3A_162] : memref<10112x128xf32, #tpu.memory_space<vmem_shared>> -> memref<632x128xf32, #tpu.memory_space<vmem_shared>>
      tpu.enqueue_dma source(%arg6 : memref<632x128xf32, #tpu.memory_space<hbm>>) target(%dma_start3A_163 : memref<632x128xf32, #tpu.memory_space<vmem_shared>>) target_semaphore(%run_scoped3A : memref<!tpu.dma_semaphore, #tpu.memory_space<semaphore_mem>>)
      %dma_wait3A_164 = arith.constant 0 : i32
      %dma_wait3A_165 = tpu.memref_slice %arg12[%mul3A_2, %dma_wait3A_164] : memref<10112x128xf32, #tpu.memory_space<vmem_shared>> -> memref<632x128xf32, #tpu.memory_space<vmem_shared>>
      tpu.wait_dma2 semaphore(%run_scoped3A : memref<!tpu.dma_semaphore, #tpu.memory_space<semaphore_mem>>) src(%arg6 : memref<632x128xf32, #tpu.memory_space<hbm>>) dst(%dma_wait3A_165 : memref<632x128xf32, #tpu.memory_space<vmem_shared>>)
      tpu.yield
    }) : () -> ()
    %barrier3A = arith.constant 0 : index
    tpu.barrier barrier_id(%barrier3A)
    %dma_start3A = arith.constant 0 : i32
    %dma_start3A_3 = arith.constant 0 : i32
    %dma_start3A_4 = arith.constant 0 : i32
    %dma_start3A_5 = tpu.memref_slice %arg9[%dma_start3A_3, %dma_start3A_4] : memref<2x80xi32, #tpu.memory_space<vmem>> -> memref<1x80xi32, #tpu.memory_space<vmem>>
    %dma_start3A_6 = tpu.memref_squeeze %dma_start3A_5 : memref<1x80xi32, #tpu.memory_space<vmem>> -> memref<80xi32, #tpu.memory_space<vmem>>
    %dma_start3A_7 = arith.constant 0 : i32
    %dma_start3A_8 = tpu.memref_slice %arg3[%add3A, %dma_start3A, %dma_start3A_7] : memref<32x126x80xi32, #tpu.memory_space<hbm>> -> memref<1x1x80xi32, #tpu.memory_space<hbm>>
    %dma_start3A_9 = tpu.memref_squeeze %dma_start3A_8 : memref<1x1x80xi32, #tpu.memory_space<hbm>> -> memref<80xi32, #tpu.memory_space<hbm>>
    %dma_start3A_10 = arith.constant 0 : i32
    %dma_start3A_11 = tpu.memref_slice %arg9[%dma_start3A_3, %dma_start3A_10] : memref<2x80xi32, #tpu.memory_space<vmem>> -> memref<1x80xi32, #tpu.memory_space<vmem>>
    %dma_start3A_12 = tpu.memref_squeeze %dma_start3A_11 : memref<1x80xi32, #tpu.memory_space<vmem>> -> memref<80xi32, #tpu.memory_space<vmem>>
    %dma_start3A_13 = arith.constant 0 : i32
    %dma_start3A_14 = tpu.memref_slice %arg3[%add3A, %dma_start3A, %dma_start3A_13] : memref<32x126x80xi32, #tpu.memory_space<hbm>> -> memref<1x1x80xi32, #tpu.memory_space<hbm>>
    %dma_start3A_15 = tpu.memref_squeeze %dma_start3A_14 : memref<1x1x80xi32, #tpu.memory_space<hbm>> -> memref<80xi32, #tpu.memory_space<hbm>>
    tpu.enqueue_dma source(%dma_start3A_15 : memref<80xi32, #tpu.memory_space<hbm>>) target(%dma_start3A_12 : memref<80xi32, #tpu.memory_space<vmem>>) target_semaphore(%arg15 : memref<!tpu.dma_semaphore, #tpu.memory_space<semaphore_mem>>)
    %dma_start3A_16 = arith.constant 0 : i32
    %dma_start3A_17 = arith.constant 0 : i32
    %dma_start3A_18 = arith.constant 0 : i32
    %dma_start3A_19 = tpu.memref_slice %arg10[%dma_start3A_17, %dma_start3A_18] : memref<2x80xi32, #tpu.memory_space<vmem>> -> memref<1x80xi32, #tpu.memory_space<vmem>>
    %dma_start3A_20 = tpu.memref_squeeze %dma_start3A_19 : memref<1x80xi32, #tpu.memory_space<vmem>> -> memref<80xi32, #tpu.memory_space<vmem>>
    %dma_start3A_21 = arith.constant 0 : i32
    %dma_start3A_22 = tpu.memref_slice %arg4[%add3A, %dma_start3A_16, %dma_start3A_21] : memref<32x126x80xi32, #tpu.memory_space<hbm>> -> memref<1x1x80xi32, #tpu.memory_space<hbm>>
    %dma_start3A_23 = tpu.memref_squeeze %dma_start3A_22 : memref<1x1x80xi32, #tpu.memory_space<hbm>> -> memref<80xi32, #tpu.memory_space<hbm>>
    %dma_start3A_24 = arith.constant 0 : i32
    %dma_start3A_25 = tpu.memref_slice %arg10[%dma_start3A_17, %dma_start3A_24] : memref<2x80xi32, #tpu.memory_space<vmem>> -> memref<1x80xi32, #tpu.memory_space<vmem>>
    %dma_start3A_26 = tpu.memref_squeeze %dma_start3A_25 : memref<1x80xi32, #tpu.memory_space<vmem>> -> memref<80xi32, #tpu.memory_space<vmem>>
    %dma_start3A_27 = arith.constant 0 : i32
    %dma_start3A_28 = tpu.memref_slice %arg4[%add3A, %dma_start3A_16, %dma_start3A_27] : memref<32x126x80xi32, #tpu.memory_space<hbm>> -> memref<1x1x80xi32, #tpu.memory_space<hbm>>
    %dma_start3A_29 = tpu.memref_squeeze %dma_start3A_28 : memref<1x1x80xi32, #tpu.memory_space<hbm>> -> memref<80xi32, #tpu.memory_space<hbm>>
    tpu.enqueue_dma source(%dma_start3A_29 : memref<80xi32, #tpu.memory_space<hbm>>) target(%dma_start3A_26 : memref<80xi32, #tpu.memory_space<vmem>>) target_semaphore(%arg15 : memref<!tpu.dma_semaphore, #tpu.memory_space<semaphore_mem>>)
    %dma_start3A_30 = arith.constant 0 : i32
    %dma_start3A_31 = arith.constant 0 : i32
    %dma_start3A_32 = arith.constant 0 : i32
    %dma_start3A_33 = tpu.memref_slice %arg11[%dma_start3A_31, %dma_start3A_32] : memref<2x80xf32, #tpu.memory_space<vmem>> -> memref<1x80xf32, #tpu.memory_space<vmem>>
    %dma_start3A_34 = tpu.memref_squeeze %dma_start3A_33 : memref<1x80xf32, #tpu.memory_space<vmem>> -> memref<80xf32, #tpu.memory_space<vmem>>
    %dma_start3A_35 = arith.constant 0 : i32
    %dma_start3A_36 = tpu.memref_slice %arg5[%add3A, %dma_start3A_30, %dma_start3A_35] : memref<32x126x80xf32, #tpu.memory_space<hbm>> -> memref<1x1x80xf32, #tpu.memory_space<hbm>>
    %dma_start3A_37 = tpu.memref_squeeze %dma_start3A_36 : memref<1x1x80xf32, #tpu.memory_space<hbm>> -> memref<80xf32, #tpu.memory_space<hbm>>
    %dma_start3A_38 = arith.constant 0 : i32
    %dma_start3A_39 = tpu.memref_slice %arg11[%dma_start3A_31, %dma_start3A_38] : memref<2x80xf32, #tpu.memory_space<vmem>> -> memref<1x80xf32, #tpu.memory_space<vmem>>
    %dma_start3A_40 = tpu.memref_squeeze %dma_start3A_39 : memref<1x80xf32, #tpu.memory_space<vmem>> -> memref<80xf32, #tpu.memory_space<vmem>>
    %dma_start3A_41 = arith.constant 0 : i32
    %dma_start3A_42 = tpu.memref_slice %arg5[%add3A, %dma_start3A_30, %dma_start3A_41] : memref<32x126x80xf32, #tpu.memory_space<hbm>> -> memref<1x1x80xf32, #tpu.memory_space<hbm>>
    %dma_start3A_43 = tpu.memref_squeeze %dma_start3A_42 : memref<1x1x80xf32, #tpu.memory_space<hbm>> -> memref<80xf32, #tpu.memory_space<hbm>>
    tpu.enqueue_dma source(%dma_start3A_43 : memref<80xf32, #tpu.memory_space<hbm>>) target(%dma_start3A_40 : memref<80xf32, #tpu.memory_space<vmem>>) target_semaphore(%arg15 : memref<!tpu.dma_semaphore, #tpu.memory_space<semaphore_mem>>)
    %dma_wait3A = arith.constant 0 : i32
    %dma_wait3A_44 = arith.constant 0 : i32
    %dma_wait3A_45 = arith.constant 0 : i32
    %dma_wait3A_46 = tpu.memref_slice %arg9[%dma_wait3A_44, %dma_wait3A_45] : memref<2x80xi32, #tpu.memory_space<vmem>> -> memref<1x80xi32, #tpu.memory_space<vmem>>
    %dma_wait3A_47 = tpu.memref_squeeze %dma_wait3A_46 : memref<1x80xi32, #tpu.memory_space<vmem>> -> memref<80xi32, #tpu.memory_space<vmem>>
    %dma_wait3A_48 = arith.constant 0 : i32
    %dma_wait3A_49 = tpu.memref_slice %arg3[%add3A, %dma_wait3A, %dma_wait3A_48] : memref<32x126x80xi32, #tpu.memory_space<hbm>> -> memref<1x1x80xi32, #tpu.memory_space<hbm>>
    %dma_wait3A_50 = tpu.memref_squeeze %dma_wait3A_49 : memref<1x1x80xi32, #tpu.memory_space<hbm>> -> memref<80xi32, #tpu.memory_space<hbm>>
    %dma_wait3A_51 = arith.constant 0 : i32
    %dma_wait3A_52 = tpu.memref_slice %arg9[%dma_wait3A_44, %dma_wait3A_51] : memref<2x80xi32, #tpu.memory_space<vmem>> -> memref<1x80xi32, #tpu.memory_space<vmem>>
    %dma_wait3A_53 = tpu.memref_squeeze %dma_wait3A_52 : memref<1x80xi32, #tpu.memory_space<vmem>> -> memref<80xi32, #tpu.memory_space<vmem>>
    %dma_wait3A_54 = arith.constant 0 : i32
    %dma_wait3A_55 = tpu.memref_slice %arg3[%add3A, %dma_wait3A, %dma_wait3A_54] : memref<32x126x80xi32, #tpu.memory_space<hbm>> -> memref<1x1x80xi32, #tpu.memory_space<hbm>>
    %dma_wait3A_56 = tpu.memref_squeeze %dma_wait3A_55 : memref<1x1x80xi32, #tpu.memory_space<hbm>> -> memref<80xi32, #tpu.memory_space<hbm>>
    tpu.wait_dma2 semaphore(%arg15 : memref<!tpu.dma_semaphore, #tpu.memory_space<semaphore_mem>>) src(%dma_wait3A_56 : memref<80xi32, #tpu.memory_space<hbm>>) dst(%dma_wait3A_53 : memref<80xi32, #tpu.memory_space<vmem>>)
    %dma_wait3A_57 = arith.constant 0 : i32
    %dma_wait3A_58 = arith.constant 0 : i32
    %dma_wait3A_59 = arith.constant 0 : i32
    %dma_wait3A_60 = tpu.memref_slice %arg10[%dma_wait3A_58, %dma_wait3A_59] : memref<2x80xi32, #tpu.memory_space<vmem>> -> memref<1x80xi32, #tpu.memory_space<vmem>>
    %dma_wait3A_61 = tpu.memref_squeeze %dma_wait3A_60 : memref<1x80xi32, #tpu.memory_space<vmem>> -> memref<80xi32, #tpu.memory_space<vmem>>
    %dma_wait3A_62 = arith.constant 0 : i32
    %dma_wait3A_63 = tpu.memref_slice %arg4[%add3A, %dma_wait3A_57, %dma_wait3A_62] : memref<32x126x80xi32, #tpu.memory_space<hbm>> -> memref<1x1x80xi32, #tpu.memory_space<hbm>>
    %dma_wait3A_64 = tpu.memref_squeeze %dma_wait3A_63 : memref<1x1x80xi32, #tpu.memory_space<hbm>> -> memref<80xi32, #tpu.memory_space<hbm>>
    %dma_wait3A_65 = arith.constant 0 : i32
    %dma_wait3A_66 = tpu.memref_slice %arg10[%dma_wait3A_58, %dma_wait3A_65] : memref<2x80xi32, #tpu.memory_space<vmem>> -> memref<1x80xi32, #tpu.memory_space<vmem>>
    %dma_wait3A_67 = tpu.memref_squeeze %dma_wait3A_66 : memref<1x80xi32, #tpu.memory_space<vmem>> -> memref<80xi32, #tpu.memory_space<vmem>>
    %dma_wait3A_68 = arith.constant 0 : i32
    %dma_wait3A_69 = tpu.memref_slice %arg4[%add3A, %dma_wait3A_57, %dma_wait3A_68] : memref<32x126x80xi32, #tpu.memory_space<hbm>> -> memref<1x1x80xi32, #tpu.memory_space<hbm>>
    %dma_wait3A_70 = tpu.memref_squeeze %dma_wait3A_69 : memref<1x1x80xi32, #tpu.memory_space<hbm>> -> memref<80xi32, #tpu.memory_space<hbm>>
    tpu.wait_dma2 semaphore(%arg15 : memref<!tpu.dma_semaphore, #tpu.memory_space<semaphore_mem>>) src(%dma_wait3A_70 : memref<80xi32, #tpu.memory_space<hbm>>) dst(%dma_wait3A_67 : memref<80xi32, #tpu.memory_space<vmem>>)
    %dma_wait3A_71 = arith.constant 0 : i32
    %dma_wait3A_72 = arith.constant 0 : i32
    %dma_wait3A_73 = arith.constant 0 : i32
    %dma_wait3A_74 = tpu.memref_slice %arg11[%dma_wait3A_72, %dma_wait3A_73] : memref<2x80xf32, #tpu.memory_space<vmem>> -> memref<1x80xf32, #tpu.memory_space<vmem>>
    %dma_wait3A_75 = tpu.memref_squeeze %dma_wait3A_74 : memref<1x80xf32, #tpu.memory_space<vmem>> -> memref<80xf32, #tpu.memory_space<vmem>>
    %dma_wait3A_76 = arith.constant 0 : i32
    %dma_wait3A_77 = tpu.memref_slice %arg5[%add3A, %dma_wait3A_71, %dma_wait3A_76] : memref<32x126x80xf32, #tpu.memory_space<hbm>> -> memref<1x1x80xf32, #tpu.memory_space<hbm>>
    %dma_wait3A_78 = tpu.memref_squeeze %dma_wait3A_77 : memref<1x1x80xf32, #tpu.memory_space<hbm>> -> memref<80xf32, #tpu.memory_space<hbm>>
    %dma_wait3A_79 = arith.constant 0 : i32
    %dma_wait3A_80 = tpu.memref_slice %arg11[%dma_wait3A_72, %dma_wait3A_79] : memref<2x80xf32, #tpu.memory_space<vmem>> -> memref<1x80xf32, #tpu.memory_space<vmem>>
    %dma_wait3A_81 = tpu.memref_squeeze %dma_wait3A_80 : memref<1x80xf32, #tpu.memory_space<vmem>> -> memref<80xf32, #tpu.memory_space<vmem>>
    %dma_wait3A_82 = arith.constant 0 : i32
    %dma_wait3A_83 = tpu.memref_slice %arg5[%add3A, %dma_wait3A_71, %dma_wait3A_82] : memref<32x126x80xf32, #tpu.memory_space<hbm>> -> memref<1x1x80xf32, #tpu.memory_space<hbm>>
    %dma_wait3A_84 = tpu.memref_squeeze %dma_wait3A_83 : memref<1x1x80xf32, #tpu.memory_space<hbm>> -> memref<80xf32, #tpu.memory_space<hbm>>
    tpu.wait_dma2 semaphore(%arg15 : memref<!tpu.dma_semaphore, #tpu.memory_space<semaphore_mem>>) src(%dma_wait3A_84 : memref<80xf32, #tpu.memory_space<hbm>>) dst(%dma_wait3A_81 : memref<80xf32, #tpu.memory_space<vmem>>)
    %dma_start3A_85 = arith.constant 0 : i32
    %dma_start3A_86 = arith.constant 0 : i32
    %dma_start3A_87 = arith.constant 0 : i32
    %dma_start3A_88 = arith.constant 0 : i32
    %dma_start3A_89 = tpu.memref_slice %arg8[%dma_start3A_86, %dma_start3A_87, %dma_start3A_88] : memref<2x80x128xf32, #tpu.memory_space<vmem>> -> memref<1x80x128xf32, #tpu.memory_space<vmem>>
    %dma_start3A_90 = tpu.memref_squeeze %dma_start3A_89 : memref<1x80x128xf32, #tpu.memory_space<vmem>> -> memref<80x128xf32, #tpu.memory_space<vmem>>
    %dma_start3A_91 = arith.constant 0 : i32
    %dma_start3A_92 = tpu.memref_slice %arg9[%dma_start3A_85, %dma_start3A_91] : memref<2x80xi32, #tpu.memory_space<vmem>> -> memref<1x80xi32, #tpu.memory_space<vmem>>
    %dma_start3A_93 = tpu.memref_squeeze %dma_start3A_92 : memref<1x80xi32, #tpu.memory_space<vmem>> -> memref<80xi32, #tpu.memory_space<vmem>>
    %dma_start3A_94 = arith.constant 0 : i32
    %dma_start3A_95 = arith.constant 0 : i32
    %dma_start3A_96 = tpu.memref_slice %arg2[%dma_start3A_94, %dma_start3A_95] : memref<10000x128xf32, #tpu.memory_space<hbm>> -> memref<10000x128xf32, #tpu.memory_space<hbm>>
    tpu.enqueue_indirect_dma source(%dma_start3A_96 : memref<10000x128xf32, #tpu.memory_space<hbm>>) target(%dma_start3A_90 : memref<80x128xf32, #tpu.memory_space<vmem>>) offsets(%dma_start3A_93 : memref<80xi32, #tpu.memory_space<vmem>>) semaphore(%arg13 : memref<!tpu.dma_semaphore, #tpu.memory_space<semaphore_mem>>)
    %dma_start3A_97 = arith.constant 1 : i32
    %dma_start3A_98 = arith.constant 1 : i32
    %dma_start3A_99 = arith.constant 0 : i32
    %dma_start3A_100 = tpu.memref_slice %arg9[%dma_start3A_98, %dma_start3A_99] : memref<2x80xi32, #tpu.memory_space<vmem>> -> memref<1x80xi32, #tpu.memory_space<vmem>>
    %dma_start3A_101 = tpu.memref_squeeze %dma_start3A_100 : memref<1x80xi32, #tpu.memory_space<vmem>> -> memref<80xi32, #tpu.memory_space<vmem>>
    %dma_start3A_102 = arith.constant 0 : i32
    %dma_start3A_103 = tpu.memref_slice %arg3[%add3A, %dma_start3A_97, %dma_start3A_102] : memref<32x126x80xi32, #tpu.memory_space<hbm>> -> memref<1x1x80xi32, #tpu.memory_space<hbm>>
    %dma_start3A_104 = tpu.memref_squeeze %dma_start3A_103 : memref<1x1x80xi32, #tpu.memory_space<hbm>> -> memref<80xi32, #tpu.memory_space<hbm>>
    %dma_start3A_105 = arith.constant 0 : i32
    %dma_start3A_106 = tpu.memref_slice %arg9[%dma_start3A_98, %dma_start3A_105] : memref<2x80xi32, #tpu.memory_space<vmem>> -> memref<1x80xi32, #tpu.memory_space<vmem>>
    %dma_start3A_107 = tpu.memref_squeeze %dma_start3A_106 : memref<1x80xi32, #tpu.memory_space<vmem>> -> memref<80xi32, #tpu.memory_space<vmem>>
    %dma_start3A_108 = arith.constant 0 : i32
    %dma_start3A_109 = tpu.memref_slice %arg3[%add3A, %dma_start3A_97, %dma_start3A_108] : memref<32x126x80xi32, #tpu.memory_space<hbm>> -> memref<1x1x80xi32, #tpu.memory_space<hbm>>
    %dma_start3A_110 = tpu.memref_squeeze %dma_start3A_109 : memref<1x1x80xi32, #tpu.memory_space<hbm>> -> memref<80xi32, #tpu.memory_space<hbm>>
    tpu.enqueue_dma source(%dma_start3A_110 : memref<80xi32, #tpu.memory_space<hbm>>) target(%dma_start3A_107 : memref<80xi32, #tpu.memory_space<vmem>>) target_semaphore(%arg16 : memref<!tpu.dma_semaphore, #tpu.memory_space<semaphore_mem>>)
    %dma_start3A_111 = arith.constant 1 : i32
    %dma_start3A_112 = arith.constant 1 : i32
    %dma_start3A_113 = arith.constant 0 : i32
    %dma_start3A_114 = tpu.memref_slice %arg10[%dma_start3A_112, %dma_start3A_113] : memref<2x80xi32, #tpu.memory_space<vmem>> -> memref<1x80xi32, #tpu.memory_space<vmem>>
    %dma_start3A_115 = tpu.memref_squeeze %dma_start3A_114 : memref<1x80xi32, #tpu.memory_space<vmem>> -> memref<80xi32, #tpu.memory_space<vmem>>
    %dma_start3A_116 = arith.constant 0 : i32
    %dma_start3A_117 = tpu.memref_slice %arg4[%add3A, %dma_start3A_111, %dma_start3A_116] : memref<32x126x80xi32, #tpu.memory_space<hbm>> -> memref<1x1x80xi32, #tpu.memory_space<hbm>>
    %dma_start3A_118 = tpu.memref_squeeze %dma_start3A_117 : memref<1x1x80xi32, #tpu.memory_space<hbm>> -> memref<80xi32, #tpu.memory_space<hbm>>
    %dma_start3A_119 = arith.constant 0 : i32
    %dma_start3A_120 = tpu.memref_slice %arg10[%dma_start3A_112, %dma_start3A_119] : memref<2x80xi32, #tpu.memory_space<vmem>> -> memref<1x80xi32, #tpu.memory_space<vmem>>
    %dma_start3A_121 = tpu.memref_squeeze %dma_start3A_120 : memref<1x80xi32, #tpu.memory_space<vmem>> -> memref<80xi32, #tpu.memory_space<vmem>>
    %dma_start3A_122 = arith.constant 0 : i32
    %dma_start3A_123 = tpu.memref_slice %arg4[%add3A, %dma_start3A_111, %dma_start3A_122] : memref<32x126x80xi32, #tpu.memory_space<hbm>> -> memref<1x1x80xi32, #tpu.memory_space<hbm>>
    %dma_start3A_124 = tpu.memref_squeeze %dma_start3A_123 : memref<1x1x80xi32, #tpu.memory_space<hbm>> -> memref<80xi32, #tpu.memory_space<hbm>>
    tpu.enqueue_dma source(%dma_start3A_124 : memref<80xi32, #tpu.memory_space<hbm>>) target(%dma_start3A_121 : memref<80xi32, #tpu.memory_space<vmem>>) target_semaphore(%arg16 : memref<!tpu.dma_semaphore, #tpu.memory_space<semaphore_mem>>)
    %dma_start3A_125 = arith.constant 1 : i32
    %dma_start3A_126 = arith.constant 1 : i32
    %dma_start3A_127 = arith.constant 0 : i32
    %dma_start3A_128 = tpu.memref_slice %arg11[%dma_start3A_126, %dma_start3A_127] : memref<2x80xf32, #tpu.memory_space<vmem>> -> memref<1x80xf32, #tpu.memory_space<vmem>>
    %dma_start3A_129 = tpu.memref_squeeze %dma_start3A_128 : memref<1x80xf32, #tpu.memory_space<vmem>> -> memref<80xf32, #tpu.memory_space<vmem>>
    %dma_start3A_130 = arith.constant 0 : i32
    %dma_start3A_131 = tpu.memref_slice %arg5[%add3A, %dma_start3A_125, %dma_start3A_130] : memref<32x126x80xf32, #tpu.memory_space<hbm>> -> memref<1x1x80xf32, #tpu.memory_space<hbm>>
    %dma_start3A_132 = tpu.memref_squeeze %dma_start3A_131 : memref<1x1x80xf32, #tpu.memory_space<hbm>> -> memref<80xf32, #tpu.memory_space<hbm>>
    %dma_start3A_133 = arith.constant 0 : i32
    %dma_start3A_134 = tpu.memref_slice %arg11[%dma_start3A_126, %dma_start3A_133] : memref<2x80xf32, #tpu.memory_space<vmem>> -> memref<1x80xf32, #tpu.memory_space<vmem>>
    %dma_start3A_135 = tpu.memref_squeeze %dma_start3A_134 : memref<1x80xf32, #tpu.memory_space<vmem>> -> memref<80xf32, #tpu.memory_space<vmem>>
    %dma_start3A_136 = arith.constant 0 : i32
    %dma_start3A_137 = tpu.memref_slice %arg5[%add3A, %dma_start3A_125, %dma_start3A_136] : memref<32x126x80xf32, #tpu.memory_space<hbm>> -> memref<1x1x80xf32, #tpu.memory_space<hbm>>
    %dma_start3A_138 = tpu.memref_squeeze %dma_start3A_137 : memref<1x1x80xf32, #tpu.memory_space<hbm>> -> memref<80xf32, #tpu.memory_space<hbm>>
    tpu.enqueue_dma source(%dma_start3A_138 : memref<80xf32, #tpu.memory_space<hbm>>) target(%dma_start3A_135 : memref<80xf32, #tpu.memory_space<vmem>>) target_semaphore(%arg16 : memref<!tpu.dma_semaphore, #tpu.memory_space<semaphore_mem>>)
    %dma_wait3A_139 = arith.constant 0 : i32
    %dma_wait3A_140 = arith.constant 0 : i32
    %dma_wait3A_141 = arith.constant 0 : i32
    %dma_wait3A_142 = arith.constant 0 : i32
    %dma_wait3A_143 = tpu.memref_slice %arg8[%dma_wait3A_140, %dma_wait3A_141, %dma_wait3A_142] : memref<2x80x128xf32, #tpu.memory_space<vmem>> -> memref<1x80x128xf32, #tpu.memory_space<vmem>>
    %dma_wait3A_144 = tpu.memref_squeeze %dma_wait3A_143 : memref<1x80x128xf32, #tpu.memory_space<vmem>> -> memref<80x128xf32, #tpu.memory_space<vmem>>
    %dma_wait3A_145 = arith.constant 0 : i32
    %dma_wait3A_146 = tpu.memref_slice %arg9[%dma_wait3A_139, %dma_wait3A_145] : memref<2x80xi32, #tpu.memory_space<vmem>> -> memref<1x80xi32, #tpu.memory_space<vmem>>
    %dma_wait3A_147 = tpu.memref_squeeze %dma_wait3A_146 : memref<1x80xi32, #tpu.memory_space<vmem>> -> memref<80xi32, #tpu.memory_space<vmem>>
    %dma_wait3A_148 = arith.constant 0 : i32
    %dma_wait3A_149 = arith.constant 0 : i32
    %dma_wait3A_150 = tpu.memref_slice %arg2[%dma_wait3A_148, %dma_wait3A_149] : memref<10000x128xf32, #tpu.memory_space<hbm>> -> memref<10000x128xf32, #tpu.memory_space<hbm>>
    tpu.wait_indirect_dma semaphore(%arg13 : memref<!tpu.dma_semaphore, #tpu.memory_space<semaphore_mem>>) src(%dma_wait3A_150 : memref<10000x128xf32, #tpu.memory_space<hbm>>) dst(%dma_wait3A_144 : memref<80x128xf32, #tpu.memory_space<vmem>>)
    %scan3A = arith.constant 0 : i32
    %scan3A_151 = arith.constant 0 : i32
    %scan3A_152 = arith.constant 63 : i32
    %scan3A_153 = arith.addi %scan3A_151, %scan3A_152 : i32
    %scan3A_154 = arith.constant 1 : i32
    %scan3A_155 = scf.for %scan3A_162 = %scan3A_151 to %scan3A_153 step %scan3A_154 iter_args(%scan3A_163 = %scan3A) -> (i32)  : i32 {
      %mul3A_164 = arith.constant 2 : i32
      %mul3A_165 = arith.muli %mul3A_164, %scan3A_162 : i32
      %add3A_166 = arith.constant 0 : i32
      %add3A_167 = arith.addi %mul3A_165, %add3A_166 : i32
      %add3A_168 = arith.constant 1 : i32
      %add3A_169 = arith.addi %add3A_167, %add3A_168 : i32
      %lt3A = arith.constant 126 : i32
      %lt3A_170 = arith.cmpi slt, %add3A_169, %lt3A : i32
      %convert_element_type3A = arith.extui %lt3A_170 : i1 to i32
      %cond3A = arith.constant 0 : i32
      %cond3A_171 = arith.cmpi ne, %convert_element_type3A, %cond3A : i32
      scf.if %cond3A_171 {
        %add3A_220 = arith.constant 1 : i32
        %add3A_221 = arith.addi %add3A_167, %add3A_220 : i32
        %dma_wait3A_222 = arith.constant 1 : i32
        %dma_wait3A_223 = arith.constant 0 : i32
        %dma_wait3A_224 = tpu.memref_slice %arg9[%dma_wait3A_222, %dma_wait3A_223] : memref<2x80xi32, #tpu.memory_space<vmem>> -> memref<1x80xi32, #tpu.memory_space<vmem>>
        %dma_wait3A_225 = tpu.memref_squeeze %dma_wait3A_224 : memref<1x80xi32, #tpu.memory_space<vmem>> -> memref<80xi32, #tpu.memory_space<vmem>>
        %dma_wait3A_226 = arith.constant 0 : i32
        %dma_wait3A_227 = tpu.memref_slice %arg3[%add3A, %add3A_221, %dma_wait3A_226] : memref<32x126x80xi32, #tpu.memory_space<hbm>> -> memref<1x1x80xi32, #tpu.memory_space<hbm>>
        %dma_wait3A_228 = tpu.memref_squeeze %dma_wait3A_227 : memref<1x1x80xi32, #tpu.memory_space<hbm>> -> memref<80xi32, #tpu.memory_space<hbm>>
        %dma_wait3A_229 = arith.constant 0 : i32
        %dma_wait3A_230 = tpu.memref_slice %arg9[%dma_wait3A_222, %dma_wait3A_229] : memref<2x80xi32, #tpu.memory_space<vmem>> -> memref<1x80xi32, #tpu.memory_space<vmem>>
        %dma_wait3A_231 = tpu.memref_squeeze %dma_wait3A_230 : memref<1x80xi32, #tpu.memory_space<vmem>> -> memref<80xi32, #tpu.memory_space<vmem>>
        %dma_wait3A_232 = arith.constant 0 : i32
        %dma_wait3A_233 = tpu.memref_slice %arg3[%add3A, %add3A_221, %dma_wait3A_232] : memref<32x126x80xi32, #tpu.memory_space<hbm>> -> memref<1x1x80xi32, #tpu.memory_space<hbm>>
        %dma_wait3A_234 = tpu.memref_squeeze %dma_wait3A_233 : memref<1x1x80xi32, #tpu.memory_space<hbm>> -> memref<80xi32, #tpu.memory_space<hbm>>
        tpu.wait_dma2 semaphore(%arg16 : memref<!tpu.dma_semaphore, #tpu.memory_space<semaphore_mem>>) src(%dma_wait3A_234 : memref<80xi32, #tpu.memory_space<hbm>>) dst(%dma_wait3A_231 : memref<80xi32, #tpu.memory_space<vmem>>)
        %dma_wait3A_235 = arith.constant 1 : i32
        %dma_wait3A_236 = arith.constant 0 : i32
        %dma_wait3A_237 = tpu.memref_slice %arg10[%dma_wait3A_235, %dma_wait3A_236] : memref<2x80xi32, #tpu.memory_space<vmem>> -> memref<1x80xi32, #tpu.memory_space<vmem>>
        %dma_wait3A_238 = tpu.memref_squeeze %dma_wait3A_237 : memref<1x80xi32, #tpu.memory_space<vmem>> -> memref<80xi32, #tpu.memory_space<vmem>>
        %dma_wait3A_239 = arith.constant 0 : i32
        %dma_wait3A_240 = tpu.memref_slice %arg4[%add3A, %add3A_221, %dma_wait3A_239] : memref<32x126x80xi32, #tpu.memory_space<hbm>> -> memref<1x1x80xi32, #tpu.memory_space<hbm>>
        %dma_wait3A_241 = tpu.memref_squeeze %dma_wait3A_240 : memref<1x1x80xi32, #tpu.memory_space<hbm>> -> memref<80xi32, #tpu.memory_space<hbm>>
        %dma_wait3A_242 = arith.constant 0 : i32
        %dma_wait3A_243 = tpu.memref_slice %arg10[%dma_wait3A_235, %dma_wait3A_242] : memref<2x80xi32, #tpu.memory_space<vmem>> -> memref<1x80xi32, #tpu.memory_space<vmem>>
        %dma_wait3A_244 = tpu.memref_squeeze %dma_wait3A_243 : memref<1x80xi32, #tpu.memory_space<vmem>> -> memref<80xi32, #tpu.memory_space<vmem>>
        %dma_wait3A_245 = arith.constant 0 : i32
        %dma_wait3A_246 = tpu.memref_slice %arg4[%add3A, %add3A_221, %dma_wait3A_245] : memref<32x126x80xi32, #tpu.memory_space<hbm>> -> memref<1x1x80xi32, #tpu.memory_space<hbm>>
        %dma_wait3A_247 = tpu.memref_squeeze %dma_wait3A_246 : memref<1x1x80xi32, #tpu.memory_space<hbm>> -> memref<80xi32, #tpu.memory_space<hbm>>
        tpu.wait_dma2 semaphore(%arg16 : memref<!tpu.dma_semaphore, #tpu.memory_space<semaphore_mem>>) src(%dma_wait3A_247 : memref<80xi32, #tpu.memory_space<hbm>>) dst(%dma_wait3A_244 : memref<80xi32, #tpu.memory_space<vmem>>)
        %dma_wait3A_248 = arith.constant 1 : i32
        %dma_wait3A_249 = arith.constant 0 : i32
        %dma_wait3A_250 = tpu.memref_slice %arg11[%dma_wait3A_248, %dma_wait3A_249] : memref<2x80xf32, #tpu.memory_space<vmem>> -> memref<1x80xf32, #tpu.memory_space<vmem>>
        %dma_wait3A_251 = tpu.memref_squeeze %dma_wait3A_250 : memref<1x80xf32, #tpu.memory_space<vmem>> -> memref<80xf32, #tpu.memory_space<vmem>>
        %dma_wait3A_252 = arith.constant 0 : i32
        %dma_wait3A_253 = tpu.memref_slice %arg5[%add3A, %add3A_221, %dma_wait3A_252] : memref<32x126x80xf32, #tpu.memory_space<hbm>> -> memref<1x1x80xf32, #tpu.memory_space<hbm>>
        %dma_wait3A_254 = tpu.memref_squeeze %dma_wait3A_253 : memref<1x1x80xf32, #tpu.memory_space<hbm>> -> memref<80xf32, #tpu.memory_space<hbm>>
        %dma_wait3A_255 = arith.constant 0 : i32
        %dma_wait3A_256 = tpu.memref_slice %arg11[%dma_wait3A_248, %dma_wait3A_255] : memref<2x80xf32, #tpu.memory_space<vmem>> -> memref<1x80xf32, #tpu.memory_space<vmem>>
        %dma_wait3A_257 = tpu.memref_squeeze %dma_wait3A_256 : memref<1x80xf32, #tpu.memory_space<vmem>> -> memref<80xf32, #tpu.memory_space<vmem>>
        %dma_wait3A_258 = arith.constant 0 : i32
        %dma_wait3A_259 = tpu.memref_slice %arg5[%add3A, %add3A_221, %dma_wait3A_258] : memref<32x126x80xf32, #tpu.memory_space<hbm>> -> memref<1x1x80xf32, #tpu.memory_space<hbm>>
        %dma_wait3A_260 = tpu.memref_squeeze %dma_wait3A_259 : memref<1x1x80xf32, #tpu.memory_space<hbm>> -> memref<80xf32, #tpu.memory_space<hbm>>
        tpu.wait_dma2 semaphore(%arg16 : memref<!tpu.dma_semaphore, #tpu.memory_space<semaphore_mem>>) src(%dma_wait3A_260 : memref<80xf32, #tpu.memory_space<hbm>>) dst(%dma_wait3A_257 : memref<80xf32, #tpu.memory_space<vmem>>)
        %add3A_261 = arith.constant 1 : i32
        %add3A_262 = arith.addi %add3A_167, %add3A_261 : i32
        %dma_start3A_263 = arith.constant 1 : i32
        %dma_start3A_264 = arith.constant 1 : i32
        %dma_start3A_265 = arith.constant 0 : i32
        %dma_start3A_266 = arith.constant 0 : i32
        %dma_start3A_267 = tpu.memref_slice %arg8[%dma_start3A_264, %dma_start3A_265, %dma_start3A_266] : memref<2x80x128xf32, #tpu.memory_space<vmem>> -> memref<1x80x128xf32, #tpu.memory_space<vmem>>
        %dma_start3A_268 = tpu.memref_squeeze %dma_start3A_267 : memref<1x80x128xf32, #tpu.memory_space<vmem>> -> memref<80x128xf32, #tpu.memory_space<vmem>>
        %dma_start3A_269 = arith.constant 0 : i32
        %dma_start3A_270 = tpu.memref_slice %arg9[%dma_start3A_263, %dma_start3A_269] : memref<2x80xi32, #tpu.memory_space<vmem>> -> memref<1x80xi32, #tpu.memory_space<vmem>>
        %dma_start3A_271 = tpu.memref_squeeze %dma_start3A_270 : memref<1x80xi32, #tpu.memory_space<vmem>> -> memref<80xi32, #tpu.memory_space<vmem>>
        %dma_start3A_272 = arith.constant 0 : i32
        %dma_start3A_273 = arith.constant 0 : i32
        %dma_start3A_274 = tpu.memref_slice %arg2[%dma_start3A_272, %dma_start3A_273] : memref<10000x128xf32, #tpu.memory_space<hbm>> -> memref<10000x128xf32, #tpu.memory_space<hbm>>
        tpu.enqueue_indirect_dma source(%dma_start3A_274 : memref<10000x128xf32, #tpu.memory_space<hbm>>) target(%dma_start3A_268 : memref<80x128xf32, #tpu.memory_space<vmem>>) offsets(%dma_start3A_271 : memref<80xi32, #tpu.memory_space<vmem>>) semaphore(%arg14 : memref<!tpu.dma_semaphore, #tpu.memory_space<semaphore_mem>>)
      } else {
      }
      %parallel_loop3A = arith.constant 0 : i32
      %parallel_loop3A_172 = arith.constant 80 : i32
      %parallel_loop3A_173 = arith.constant 1 : i32
      scf.for %parallel_loop3A_220 = %parallel_loop3A to %parallel_loop3A_172 step %parallel_loop3A_173  : i32 {
        %parallel_loop3A_221 = arith.constant 0 : i32
        %parallel_loop3A_222 = vector.broadcast %parallel_loop3A_221 : i32 to vector<16xi32>
        %parallel_loop3A_223 = vector.broadcast %parallel_loop3A_220 : i32 to vector<16xi32>
        %parallel_loop3A_224 = tpu.vector_load_idx %arg11[%parallel_loop3A_222, %parallel_loop3A_223] : memref<2x80xf32, #tpu.memory_space<vmem>>[vector<16xi32>, vector<16xi32>], vector<16xf32>,
        %parallel_loop3A_225 = arith.constant 0 : i32
        %parallel_loop3A_226 = arith.index_cast %parallel_loop3A_225 : i32 to index
        %parallel_loop3A_227 = arith.index_cast %parallel_loop3A_220 : i32 to index
        %parallel_loop3A_228 = arith.constant 0 : index
        %parallel_loop3A_229 = tpu.vector_load %arg8[%parallel_loop3A_226, %parallel_loop3A_227, %parallel_loop3A_228] {strides = array<i32>} : memref<2x80x128xf32, #tpu.memory_space<vmem>>, vector<16xf32>,
        %parallel_loop3A_230 = arith.mulf %parallel_loop3A_229, %parallel_loop3A_224 : vector<16xf32>
        %parallel_loop3A_231 = arith.constant 0.000000e+00 : f32
        %parallel_loop3A_232 = vector.broadcast %parallel_loop3A_231 : f32 to vector<16xf32>
        %parallel_loop3A_233 = arith.maximumf %parallel_loop3A_230, %parallel_loop3A_232 : vector<16xf32>
        %parallel_loop3A_234 = arith.constant 0 : i32
        %parallel_loop3A_235 = arith.index_cast %parallel_loop3A_234 : i32 to index
        %parallel_loop3A_236 = arith.index_cast %parallel_loop3A_220 : i32 to index
        %parallel_loop3A_237 = arith.constant 0 : index
        %parallel_loop3A_238 = tpu.vector_load %arg8[%parallel_loop3A_235, %parallel_loop3A_236, %parallel_loop3A_237] {strides = array<i32>} : memref<2x80x128xf32, #tpu.memory_space<vmem>>, vector<16xf32>,
        tpu.vector_store %arg8[%parallel_loop3A_235, %parallel_loop3A_236, %parallel_loop3A_237], %parallel_loop3A_233 {strides = array<i32>} : memref<2x80x128xf32, #tpu.memory_space<vmem>>, vector<16xf32>,
        %parallel_loop3A_239 = arith.constant 0 : i32
        %parallel_loop3A_240 = arith.index_cast %parallel_loop3A_239 : i32 to index
        %parallel_loop3A_241 = arith.index_cast %parallel_loop3A_220 : i32 to index
        %parallel_loop3A_242 = arith.constant 16 : index
        %parallel_loop3A_243 = tpu.vector_load %arg8[%parallel_loop3A_240, %parallel_loop3A_241, %parallel_loop3A_242] {strides = array<i32>} : memref<2x80x128xf32, #tpu.memory_space<vmem>>, vector<16xf32>,
        %parallel_loop3A_244 = arith.mulf %parallel_loop3A_243, %parallel_loop3A_224 : vector<16xf32>
        %parallel_loop3A_245 = arith.constant 0.000000e+00 : f32
        %parallel_loop3A_246 = vector.broadcast %parallel_loop3A_245 : f32 to vector<16xf32>
        %parallel_loop3A_247 = arith.maximumf %parallel_loop3A_244, %parallel_loop3A_246 : vector<16xf32>
        %parallel_loop3A_248 = arith.constant 0 : i32
        %parallel_loop3A_249 = arith.index_cast %parallel_loop3A_248 : i32 to index
        %parallel_loop3A_250 = arith.index_cast %parallel_loop3A_220 : i32 to index
        %parallel_loop3A_251 = arith.constant 16 : index
        %parallel_loop3A_252 = tpu.vector_load %arg8[%parallel_loop3A_249, %parallel_loop3A_250, %parallel_loop3A_251] {strides = array<i32>} : memref<2x80x128xf32, #tpu.memory_space<vmem>>, vector<16xf32>,
        tpu.vector_store %arg8[%parallel_loop3A_249, %parallel_loop3A_250, %parallel_loop3A_251], %parallel_loop3A_247 {strides = array<i32>} : memref<2x80x128xf32, #tpu.memory_space<vmem>>, vector<16xf32>,
        %parallel_loop3A_253 = arith.constant 0 : i32
        %parallel_loop3A_254 = arith.index_cast %parallel_loop3A_253 : i32 to index
        %parallel_loop3A_255 = arith.index_cast %parallel_loop3A_220 : i32 to index
        %parallel_loop3A_256 = arith.constant 32 : index
        %parallel_loop3A_257 = tpu.vector_load %arg8[%parallel_loop3A_254, %parallel_loop3A_255, %parallel_loop3A_256] {strides = array<i32>} : memref<2x80x128xf32, #tpu.memory_space<vmem>>, vector<16xf32>,
        %parallel_loop3A_258 = arith.mulf %parallel_loop3A_257, %parallel_loop3A_224 : vector<16xf32>
        %parallel_loop3A_259 = arith.constant 0.000000e+00 : f32
        %parallel_loop3A_260 = vector.broadcast %parallel_loop3A_259 : f32 to vector<16xf32>
        %parallel_loop3A_261 = arith.maximumf %parallel_loop3A_258, %parallel_loop3A_260 : vector<16xf32>
        %parallel_loop3A_262 = arith.constant 0 : i32
        %parallel_loop3A_263 = arith.index_cast %parallel_loop3A_262 : i32 to index
        %parallel_loop3A_264 = arith.index_cast %parallel_loop3A_220 : i32 to index
        %parallel_loop3A_265 = arith.constant 32 : index
        %parallel_loop3A_266 = tpu.vector_load %arg8[%parallel_loop3A_263, %parallel_loop3A_264, %parallel_loop3A_265] {strides = array<i32>} : memref<2x80x128xf32, #tpu.memory_space<vmem>>, vector<16xf32>,
        tpu.vector_store %arg8[%parallel_loop3A_263, %parallel_loop3A_264, %parallel_loop3A_265], %parallel_loop3A_261 {strides = array<i32>} : memref<2x80x128xf32, #tpu.memory_space<vmem>>, vector<16xf32>,
        %parallel_loop3A_267 = arith.constant 0 : i32
        %parallel_loop3A_268 = arith.index_cast %parallel_loop3A_267 : i32 to index
        %parallel_loop3A_269 = arith.index_cast %parallel_loop3A_220 : i32 to index
        %parallel_loop3A_270 = arith.constant 48 : index
        %parallel_loop3A_271 = tpu.vector_load %arg8[%parallel_loop3A_268, %parallel_loop3A_269, %parallel_loop3A_270] {strides = array<i32>} : memref<2x80x128xf32, #tpu.memory_space<vmem>>, vector<16xf32>,
        %parallel_loop3A_272 = arith.mulf %parallel_loop3A_271, %parallel_loop3A_224 : vector<16xf32>
        %parallel_loop3A_273 = arith.constant 0.000000e+00 : f32
        %parallel_loop3A_274 = vector.broadcast %parallel_loop3A_273 : f32 to vector<16xf32>
        %parallel_loop3A_275 = arith.maximumf %parallel_loop3A_272, %parallel_loop3A_274 : vector<16xf32>
        %parallel_loop3A_276 = arith.constant 0 : i32
        %parallel_loop3A_277 = arith.index_cast %parallel_loop3A_276 : i32 to index
        %parallel_loop3A_278 = arith.index_cast %parallel_loop3A_220 : i32 to index
        %parallel_loop3A_279 = arith.constant 48 : index
        %parallel_loop3A_280 = tpu.vector_load %arg8[%parallel_loop3A_277, %parallel_loop3A_278, %parallel_loop3A_279] {strides = array<i32>} : memref<2x80x128xf32, #tpu.memory_space<vmem>>, vector<16xf32>,
        tpu.vector_store %arg8[%parallel_loop3A_277, %parallel_loop3A_278, %parallel_loop3A_279], %parallel_loop3A_275 {strides = array<i32>} : memref<2x80x128xf32, #tpu.memory_space<vmem>>, vector<16xf32>,
        %parallel_loop3A_281 = arith.constant 0 : i32
        %parallel_loop3A_282 = arith.index_cast %parallel_loop3A_281 : i32 to index
        %parallel_loop3A_283 = arith.index_cast %parallel_loop3A_220 : i32 to index
        %parallel_loop3A_284 = arith.constant 64 : index
        %parallel_loop3A_285 = tpu.vector_load %arg8[%parallel_loop3A_282, %parallel_loop3A_283, %parallel_loop3A_284] {strides = array<i32>} : memref<2x80x128xf32, #tpu.memory_space<vmem>>, vector<16xf32>,
        %parallel_loop3A_286 = arith.mulf %parallel_loop3A_285, %parallel_loop3A_224 : vector<16xf32>
        %parallel_loop3A_287 = arith.constant 0.000000e+00 : f32
        %parallel_loop3A_288 = vector.broadcast %parallel_loop3A_287 : f32 to vector<16xf32>
        %parallel_loop3A_289 = arith.maximumf %parallel_loop3A_286, %parallel_loop3A_288 : vector<16xf32>
        %parallel_loop3A_290 = arith.constant 0 : i32
        %parallel_loop3A_291 = arith.index_cast %parallel_loop3A_290 : i32 to index
        %parallel_loop3A_292 = arith.index_cast %parallel_loop3A_220 : i32 to index
        %parallel_loop3A_293 = arith.constant 64 : index
        %parallel_loop3A_294 = tpu.vector_load %arg8[%parallel_loop3A_291, %parallel_loop3A_292, %parallel_loop3A_293] {strides = array<i32>} : memref<2x80x128xf32, #tpu.memory_space<vmem>>, vector<16xf32>,
        tpu.vector_store %arg8[%parallel_loop3A_291, %parallel_loop3A_292, %parallel_loop3A_293], %parallel_loop3A_289 {strides = array<i32>} : memref<2x80x128xf32, #tpu.memory_space<vmem>>, vector<16xf32>,
        %parallel_loop3A_295 = arith.constant 0 : i32
        %parallel_loop3A_296 = arith.index_cast %parallel_loop3A_295 : i32 to index
        %parallel_loop3A_297 = arith.index_cast %parallel_loop3A_220 : i32 to index
        %parallel_loop3A_298 = arith.constant 80 : index
        %parallel_loop3A_299 = tpu.vector_load %arg8[%parallel_loop3A_296, %parallel_loop3A_297, %parallel_loop3A_298] {strides = array<i32>} : memref<2x80x128xf32, #tpu.memory_space<vmem>>, vector<16xf32>,
        %parallel_loop3A_300 = arith.mulf %parallel_loop3A_299, %parallel_loop3A_224 : vector<16xf32>
        %parallel_loop3A_301 = arith.constant 0.000000e+00 : f32
        %parallel_loop3A_302 = vector.broadcast %parallel_loop3A_301 : f32 to vector<16xf32>
        %parallel_loop3A_303 = arith.maximumf %parallel_loop3A_300, %parallel_loop3A_302 : vector<16xf32>
        %parallel_loop3A_304 = arith.constant 0 : i32
        %parallel_loop3A_305 = arith.index_cast %parallel_loop3A_304 : i32 to index
        %parallel_loop3A_306 = arith.index_cast %parallel_loop3A_220 : i32 to index
        %parallel_loop3A_307 = arith.constant 80 : index
        %parallel_loop3A_308 = tpu.vector_load %arg8[%parallel_loop3A_305, %parallel_loop3A_306, %parallel_loop3A_307] {strides = array<i32>} : memref<2x80x128xf32, #tpu.memory_space<vmem>>, vector<16xf32>,
        tpu.vector_store %arg8[%parallel_loop3A_305, %parallel_loop3A_306, %parallel_loop3A_307], %parallel_loop3A_303 {strides = array<i32>} : memref<2x80x128xf32, #tpu.memory_space<vmem>>, vector<16xf32>,
        %parallel_loop3A_309 = arith.constant 0 : i32
        %parallel_loop3A_310 = arith.index_cast %parallel_loop3A_309 : i32 to index
        %parallel_loop3A_311 = arith.index_cast %parallel_loop3A_220 : i32 to index
        %parallel_loop3A_312 = arith.constant 96 : index
        %parallel_loop3A_313 = tpu.vector_load %arg8[%parallel_loop3A_310, %parallel_loop3A_311, %parallel_loop3A_312] {strides = array<i32>} : memref<2x80x128xf32, #tpu.memory_space<vmem>>, vector<16xf32>,
        %parallel_loop3A_314 = arith.mulf %parallel_loop3A_313, %parallel_loop3A_224 : vector<16xf32>
        %parallel_loop3A_315 = arith.constant 0.000000e+00 : f32
        %parallel_loop3A_316 = vector.broadcast %parallel_loop3A_315 : f32 to vector<16xf32>
        %parallel_loop3A_317 = arith.maximumf %parallel_loop3A_314, %parallel_loop3A_316 : vector<16xf32>
        %parallel_loop3A_318 = arith.constant 0 : i32
        %parallel_loop3A_319 = arith.index_cast %parallel_loop3A_318 : i32 to index
        %parallel_loop3A_320 = arith.index_cast %parallel_loop3A_220 : i32 to index
        %parallel_loop3A_321 = arith.constant 96 : index
        %parallel_loop3A_322 = tpu.vector_load %arg8[%parallel_loop3A_319, %parallel_loop3A_320, %parallel_loop3A_321] {strides = array<i32>} : memref<2x80x128xf32, #tpu.memory_space<vmem>>, vector<16xf32>,
        tpu.vector_store %arg8[%parallel_loop3A_319, %parallel_loop3A_320, %parallel_loop3A_321], %parallel_loop3A_317 {strides = array<i32>} : memref<2x80x128xf32, #tpu.memory_space<vmem>>, vector<16xf32>,
        %parallel_loop3A_323 = arith.constant 0 : i32
        %parallel_loop3A_324 = arith.index_cast %parallel_loop3A_323 : i32 to index
        %parallel_loop3A_325 = arith.index_cast %parallel_loop3A_220 : i32 to index
        %parallel_loop3A_326 = arith.constant 112 : index
        %parallel_loop3A_327 = tpu.vector_load %arg8[%parallel_loop3A_324, %parallel_loop3A_325, %parallel_loop3A_326] {strides = array<i32>} : memref<2x80x128xf32, #tpu.memory_space<vmem>>, vector<16xf32>,
        %parallel_loop3A_328 = arith.mulf %parallel_loop3A_327, %parallel_loop3A_224 : vector<16xf32>
        %parallel_loop3A_329 = arith.constant 0.000000e+00 : f32
        %parallel_loop3A_330 = vector.broadcast %parallel_loop3A_329 : f32 to vector<16xf32>
        %parallel_loop3A_331 = arith.maximumf %parallel_loop3A_328, %parallel_loop3A_330 : vector<16xf32>
        %parallel_loop3A_332 = arith.constant 0 : i32
        %parallel_loop3A_333 = arith.index_cast %parallel_loop3A_332 : i32 to index
        %parallel_loop3A_334 = arith.index_cast %parallel_loop3A_220 : i32 to index
        %parallel_loop3A_335 = arith.constant 112 : index
        %parallel_loop3A_336 = tpu.vector_load %arg8[%parallel_loop3A_333, %parallel_loop3A_334, %parallel_loop3A_335] {strides = array<i32>} : memref<2x80x128xf32, #tpu.memory_space<vmem>>, vector<16xf32>,
        tpu.vector_store %arg8[%parallel_loop3A_333, %parallel_loop3A_334, %parallel_loop3A_335], %parallel_loop3A_331 {strides = array<i32>} : memref<2x80x128xf32, #tpu.memory_space<vmem>>, vector<16xf32>,
      } {sc.loop_unroll_factor = 4 : i64, sc.parallel_access}
      %add3A_174 = arith.constant 1 : i32
      %add3A_175 = arith.addi %add3A_167, %add3A_174 : i32
      %lt3A_176 = arith.constant 126 : i32
      %lt3A_177 = arith.cmpi slt, %add3A_175, %lt3A_176 : i32
      %convert_element_type3A_178 = arith.extui %lt3A_177 : i1 to i32
      %cond3A_179 = arith.constant 0 : i32
      %cond3A_180 = arith.cmpi ne, %convert_element_type3A_178, %cond3A_179 : i32
      scf.if %cond3A_180 {
        %add3A_220 = arith.constant 1 : i32
        %add3A_221 = arith.addi %add3A_167, %add3A_220 : i32
        %dma_wait3A_222 = arith.constant 1 : i32
        %dma_wait3A_223 = arith.constant 1 : i32
        %dma_wait3A_224 = arith.constant 0 : i32
        %dma_wait3A_225 = arith.constant 0 : i32
        %dma_wait3A_226 = tpu.memref_slice %arg8[%dma_wait3A_223, %dma_wait3A_224, %dma_wait3A_225] : memref<2x80x128xf32, #tpu.memory_space<vmem>> -> memref<1x80x128xf32, #tpu.memory_space<vmem>>
        %dma_wait3A_227 = tpu.memref_squeeze %dma_wait3A_226 : memref<1x80x128xf32, #tpu.memory_space<vmem>> -> memref<80x128xf32, #tpu.memory_space<vmem>>
        %dma_wait3A_228 = arith.constant 0 : i32
        %dma_wait3A_229 = tpu.memref_slice %arg9[%dma_wait3A_222, %dma_wait3A_228] : memref<2x80xi32, #tpu.memory_space<vmem>> -> memref<1x80xi32, #tpu.memory_space<vmem>>
        %dma_wait3A_230 = tpu.memref_squeeze %dma_wait3A_229 : memref<1x80xi32, #tpu.memory_space<vmem>> -> memref<80xi32, #tpu.memory_space<vmem>>
        %dma_wait3A_231 = arith.constant 0 : i32
        %dma_wait3A_232 = arith.constant 0 : i32
        %dma_wait3A_233 = tpu.memref_slice %arg2[%dma_wait3A_231, %dma_wait3A_232] : memref<10000x128xf32, #tpu.memory_space<hbm>> -> memref<10000x128xf32, #tpu.memory_space<hbm>>
        tpu.wait_indirect_dma semaphore(%arg14 : memref<!tpu.dma_semaphore, #tpu.memory_space<semaphore_mem>>) src(%dma_wait3A_233 : memref<10000x128xf32, #tpu.memory_space<hbm>>) dst(%dma_wait3A_227 : memref<80x128xf32, #tpu.memory_space<vmem>>)
      } else {
      }
      %run_scoped3A = arith.constant 0 : i32
      %run_scoped3A_181 = arith.constant 0 : i32
      "tpu.region"() ({
        %run_scoped3A_220 = tpu.sem_alloc : memref<!tpu.dma_semaphore, #tpu.memory_space<semaphore_mem>>
        %dma_start3A_221 = arith.constant 0 : i32
        %dma_start3A_222 = arith.constant 0 : i32
        %dma_start3A_223 = tpu.memref_slice %arg8[%run_scoped3A, %dma_start3A_221, %dma_start3A_222] : memref<2x80x128xf32, #tpu.memory_space<vmem>> -> memref<1x80x128xf32, #tpu.memory_space<vmem>>
        %dma_start3A_224 = tpu.memref_squeeze %dma_start3A_223 : memref<1x80x128xf32, #tpu.memory_space<vmem>> -> memref<80x128xf32, #tpu.memory_space<vmem>>
        %dma_start3A_225 = arith.constant 0 : i32
        %dma_start3A_226 = tpu.memref_slice %arg10[%run_scoped3A_181, %dma_start3A_225] : memref<2x80xi32, #tpu.memory_space<vmem>> -> memref<1x80xi32, #tpu.memory_space<vmem>>
        %dma_start3A_227 = tpu.memref_squeeze %dma_start3A_226 : memref<1x80xi32, #tpu.memory_space<vmem>> -> memref<80xi32, #tpu.memory_space<vmem>>
        %dma_start3A_228 = arith.constant 0 : i32
        %dma_start3A_229 = arith.constant 0 : i32
        %dma_start3A_230 = tpu.memref_slice %arg12[%dma_start3A_228, %dma_start3A_229] : memref<10112x128xf32, #tpu.memory_space<vmem_shared>> -> memref<10112x128xf32, #tpu.memory_space<vmem_shared>>
        tpu.enqueue_indirect_dma source(%dma_start3A_224 : memref<80x128xf32, #tpu.memory_space<vmem>>) target(%dma_start3A_230 : memref<10112x128xf32, #tpu.memory_space<vmem_shared>>) offsets(%dma_start3A_227 : memref<80xi32, #tpu.memory_space<vmem>>) semaphore(%run_scoped3A_220 : memref<!tpu.dma_semaphore, #tpu.memory_space<semaphore_mem>>) {add = true}
        %dma_wait3A_231 = arith.constant 0 : i32
        %dma_wait3A_232 = arith.constant 0 : i32
        %dma_wait3A_233 = tpu.memref_slice %arg8[%run_scoped3A, %dma_wait3A_231, %dma_wait3A_232] : memref<2x80x128xf32, #tpu.memory_space<vmem>> -> memref<1x80x128xf32, #tpu.memory_space<vmem>>
        %dma_wait3A_234 = tpu.memref_squeeze %dma_wait3A_233 : memref<1x80x128xf32, #tpu.memory_space<vmem>> -> memref<80x128xf32, #tpu.memory_space<vmem>>
        %dma_wait3A_235 = arith.constant 0 : i32
        %dma_wait3A_236 = tpu.memref_slice %arg10[%run_scoped3A_181, %dma_wait3A_235] : memref<2x80xi32, #tpu.memory_space<vmem>> -> memref<1x80xi32, #tpu.memory_space<vmem>>
        %dma_wait3A_237 = tpu.memref_squeeze %dma_wait3A_236 : memref<1x80xi32, #tpu.memory_space<vmem>> -> memref<80xi32, #tpu.memory_space<vmem>>
        %dma_wait3A_238 = arith.constant 0 : i32
        %dma_wait3A_239 = arith.constant 0 : i32
        %dma_wait3A_240 = tpu.memref_slice %arg12[%dma_wait3A_238, %dma_wait3A_239] : memref<10112x128xf32, #tpu.memory_space<vmem_shared>> -> memref<10112x128xf32, #tpu.memory_space<vmem_shared>>
        tpu.wait_indirect_dma semaphore(%run_scoped3A_220 : memref<!tpu.dma_semaphore, #tpu.memory_space<semaphore_mem>>) src(%dma_wait3A_234 : memref<80x128xf32, #tpu.memory_space<vmem>>) dst(%dma_wait3A_240 : memref<10112x128xf32, #tpu.memory_space<vmem_shared>>)
        tpu.yield
      }) : () -> ()
      %add3A_182 = arith.constant 2 : i32
      %add3A_183 = arith.addi %add3A_167, %add3A_182 : i32
      %lt3A_184 = arith.constant 126 : i32
      %lt3A_185 = arith.cmpi slt, %add3A_183, %lt3A_184 : i32
      %convert_element_type3A_186 = arith.extui %lt3A_185 : i1 to i32
      %cond3A_187 = arith.constant 0 : i32
      %cond3A_188 = arith.cmpi ne, %convert_element_type3A_186, %cond3A_187 : i32
      scf.if %cond3A_188 {
        %add3A_220 = arith.constant 2 : i32
        %add3A_221 = arith.addi %add3A_167, %add3A_220 : i32
        %dma_start3A_222 = arith.constant 0 : i32
        %dma_start3A_223 = arith.constant 0 : i32
        %dma_start3A_224 = tpu.memref_slice %arg9[%dma_start3A_222, %dma_start3A_223] : memref<2x80xi32, #tpu.memory_space<vmem>> -> memref<1x80xi32, #tpu.memory_space<vmem>>
        %dma_start3A_225 = tpu.memref_squeeze %dma_start3A_224 : memref<1x80xi32, #tpu.memory_space<vmem>> -> memref<80xi32, #tpu.memory_space<vmem>>
        %dma_start3A_226 = arith.constant 0 : i32
        %dma_start3A_227 = tpu.memref_slice %arg3[%add3A, %add3A_221, %dma_start3A_226] : memref<32x126x80xi32, #tpu.memory_space<hbm>> -> memref<1x1x80xi32, #tpu.memory_space<hbm>>
        %dma_start3A_228 = tpu.memref_squeeze %dma_start3A_227 : memref<1x1x80xi32, #tpu.memory_space<hbm>> -> memref<80xi32, #tpu.memory_space<hbm>>
        %dma_start3A_229 = arith.constant 0 : i32
        %dma_start3A_230 = tpu.memref_slice %arg9[%dma_start3A_222, %dma_start3A_229] : memref<2x80xi32, #tpu.memory_space<vmem>> -> memref<1x80xi32, #tpu.memory_space<vmem>>
        %dma_start3A_231 = tpu.memref_squeeze %dma_start3A_230 : memref<1x80xi32, #tpu.memory_space<vmem>> -> memref<80xi32, #tpu.memory_space<vmem>>
        %dma_start3A_232 = arith.constant 0 : i32
        %dma_start3A_233 = tpu.memref_slice %arg3[%add3A, %add3A_221, %dma_start3A_232] : memref<32x126x80xi32, #tpu.memory_space<hbm>> -> memref<1x1x80xi32, #tpu.memory_space<hbm>>
        %dma_start3A_234 = tpu.memref_squeeze %dma_start3A_233 : memref<1x1x80xi32, #tpu.memory_space<hbm>> -> memref<80xi32, #tpu.memory_space<hbm>>
        tpu.enqueue_dma source(%dma_start3A_234 : memref<80xi32, #tpu.memory_space<hbm>>) target(%dma_start3A_231 : memref<80xi32, #tpu.memory_space<vmem>>) target_semaphore(%arg15 : memref<!tpu.dma_semaphore, #tpu.memory_space<semaphore_mem>>)
        %dma_start3A_235 = arith.constant 0 : i32
        %dma_start3A_236 = arith.constant 0 : i32
        %dma_start3A_237 = tpu.memref_slice %arg10[%dma_start3A_235, %dma_start3A_236] : memref<2x80xi32, #tpu.memory_space<vmem>> -> memref<1x80xi32, #tpu.memory_space<vmem>>
        %dma_start3A_238 = tpu.memref_squeeze %dma_start3A_237 : memref<1x80xi32, #tpu.memory_space<vmem>> -> memref<80xi32, #tpu.memory_space<vmem>>
        %dma_start3A_239 = arith.constant 0 : i32
        %dma_start3A_240 = tpu.memref_slice %arg4[%add3A, %add3A_221, %dma_start3A_239] : memref<32x126x80xi32, #tpu.memory_space<hbm>> -> memref<1x1x80xi32, #tpu.memory_space<hbm>>
        %dma_start3A_241 = tpu.memref_squeeze %dma_start3A_240 : memref<1x1x80xi32, #tpu.memory_space<hbm>> -> memref<80xi32, #tpu.memory_space<hbm>>
        %dma_start3A_242 = arith.constant 0 : i32
        %dma_start3A_243 = tpu.memref_slice %arg10[%dma_start3A_235, %dma_start3A_242] : memref<2x80xi32, #tpu.memory_space<vmem>> -> memref<1x80xi32, #tpu.memory_space<vmem>>
        %dma_start3A_244 = tpu.memref_squeeze %dma_start3A_243 : memref<1x80xi32, #tpu.memory_space<vmem>> -> memref<80xi32, #tpu.memory_space<vmem>>
        %dma_start3A_245 = arith.constant 0 : i32
        %dma_start3A_246 = tpu.memref_slice %arg4[%add3A, %add3A_221, %dma_start3A_245] : memref<32x126x80xi32, #tpu.memory_space<hbm>> -> memref<1x1x80xi32, #tpu.memory_space<hbm>>
        %dma_start3A_247 = tpu.memref_squeeze %dma_start3A_246 : memref<1x1x80xi32, #tpu.memory_space<hbm>> -> memref<80xi32, #tpu.memory_space<hbm>>
        tpu.enqueue_dma source(%dma_start3A_247 : memref<80xi32, #tpu.memory_space<hbm>>) target(%dma_start3A_244 : memref<80xi32, #tpu.memory_space<vmem>>) target_semaphore(%arg15 : memref<!tpu.dma_semaphore, #tpu.memory_space<semaphore_mem>>)
        %dma_start3A_248 = arith.constant 0 : i32
        %dma_start3A_249 = arith.constant 0 : i32
        %dma_start3A_250 = tpu.memref_slice %arg11[%dma_start3A_248, %dma_start3A_249] : memref<2x80xf32, #tpu.memory_space<vmem>> -> memref<1x80xf32, #tpu.memory_space<vmem>>
        %dma_start3A_251 = tpu.memref_squeeze %dma_start3A_250 : memref<1x80xf32, #tpu.memory_space<vmem>> -> memref<80xf32, #tpu.memory_space<vmem>>
        %dma_start3A_252 = arith.constant 0 : i32
        %dma_start3A_253 = tpu.memref_slice %arg5[%add3A, %add3A_221, %dma_start3A_252] : memref<32x126x80xf32, #tpu.memory_space<hbm>> -> memref<1x1x80xf32, #tpu.memory_space<hbm>>
        %dma_start3A_254 = tpu.memref_squeeze %dma_start3A_253 : memref<1x1x80xf32, #tpu.memory_space<hbm>> -> memref<80xf32, #tpu.memory_space<hbm>>
        %dma_start3A_255 = arith.constant 0 : i32
        %dma_start3A_256 = tpu.memref_slice %arg11[%dma_start3A_248, %dma_start3A_255] : memref<2x80xf32, #tpu.memory_space<vmem>> -> memref<1x80xf32, #tpu.memory_space<vmem>>
        %dma_start3A_257 = tpu.memref_squeeze %dma_start3A_256 : memref<1x80xf32, #tpu.memory_space<vmem>> -> memref<80xf32, #tpu.memory_space<vmem>>
        %dma_start3A_258 = arith.constant 0 : i32
        %dma_start3A_259 = tpu.memref_slice %arg5[%add3A, %add3A_221, %dma_start3A_258] : memref<32x126x80xf32, #tpu.memory_space<hbm>> -> memref<1x1x80xf32, #tpu.memory_space<hbm>>
        %dma_start3A_260 = tpu.memref_squeeze %dma_start3A_259 : memref<1x1x80xf32, #tpu.memory_space<hbm>> -> memref<80xf32, #tpu.memory_space<hbm>>
        tpu.enqueue_dma source(%dma_start3A_260 : memref<80xf32, #tpu.memory_space<hbm>>) target(%dma_start3A_257 : memref<80xf32, #tpu.memory_space<vmem>>) target_semaphore(%arg15 : memref<!tpu.dma_semaphore, #tpu.memory_space<semaphore_mem>>)
      } else {
      }
      %mul3A_189 = arith.constant 2 : i32
      %mul3A_190 = arith.muli %mul3A_189, %scan3A_162 : i32
      %add3A_191 = arith.constant 1 : i32
      %add3A_192 = arith.addi %mul3A_190, %add3A_191 : i32
      %add3A_193 = arith.constant 1 : i32
      %add3A_194 = arith.addi %add3A_192, %add3A_193 : i32
      %lt3A_195 = arith.constant 126 : i32
      %lt3A_196 = arith.cmpi slt, %add3A_194, %lt3A_195 : i32
      %convert_element_type3A_197 = arith.extui %lt3A_196 : i1 to i32
      %cond3A_198 = arith.constant 0 : i32
      %cond3A_199 = arith.cmpi ne, %convert_element_type3A_197, %cond3A_198 : i32
      scf.if %cond3A_199 {
        %add3A_220 = arith.constant 1 : i32
        %add3A_221 = arith.addi %add3A_192, %add3A_220 : i32
        %dma_wait3A_222 = arith.constant 0 : i32
        %dma_wait3A_223 = arith.constant 0 : i32
        %dma_wait3A_224 = tpu.memref_slice %arg9[%dma_wait3A_222, %dma_wait3A_223] : memref<2x80xi32, #tpu.memory_space<vmem>> -> memref<1x80xi32, #tpu.memory_space<vmem>>
        %dma_wait3A_225 = tpu.memref_squeeze %dma_wait3A_224 : memref<1x80xi32, #tpu.memory_space<vmem>> -> memref<80xi32, #tpu.memory_space<vmem>>
        %dma_wait3A_226 = arith.constant 0 : i32
        %dma_wait3A_227 = tpu.memref_slice %arg3[%add3A, %add3A_221, %dma_wait3A_226] : memref<32x126x80xi32, #tpu.memory_space<hbm>> -> memref<1x1x80xi32, #tpu.memory_space<hbm>>
        %dma_wait3A_228 = tpu.memref_squeeze %dma_wait3A_227 : memref<1x1x80xi32, #tpu.memory_space<hbm>> -> memref<80xi32, #tpu.memory_space<hbm>>
        %dma_wait3A_229 = arith.constant 0 : i32
        %dma_wait3A_230 = tpu.memref_slice %arg9[%dma_wait3A_222, %dma_wait3A_229] : memref<2x80xi32, #tpu.memory_space<vmem>> -> memref<1x80xi32, #tpu.memory_space<vmem>>
        %dma_wait3A_231 = tpu.memref_squeeze %dma_wait3A_230 : memref<1x80xi32, #tpu.memory_space<vmem>> -> memref<80xi32, #tpu.memory_space<vmem>>
        %dma_wait3A_232 = arith.constant 0 : i32
        %dma_wait3A_233 = tpu.memref_slice %arg3[%add3A, %add3A_221, %dma_wait3A_232] : memref<32x126x80xi32, #tpu.memory_space<hbm>> -> memref<1x1x80xi32, #tpu.memory_space<hbm>>
        %dma_wait3A_234 = tpu.memref_squeeze %dma_wait3A_233 : memref<1x1x80xi32, #tpu.memory_space<hbm>> -> memref<80xi32, #tpu.memory_space<hbm>>
        tpu.wait_dma2 semaphore(%arg15 : memref<!tpu.dma_semaphore, #tpu.memory_space<semaphore_mem>>) src(%dma_wait3A_234 : memref<80xi32, #tpu.memory_space<hbm>>) dst(%dma_wait3A_231 : memref<80xi32, #tpu.memory_space<vmem>>)
        %dma_wait3A_235 = arith.constant 0 : i32
        %dma_wait3A_236 = arith.constant 0 : i32
        %dma_wait3A_237 = tpu.memref_slice %arg10[%dma_wait3A_235, %dma_wait3A_236] : memref<2x80xi32, #tpu.memory_space<vmem>> -> memref<1x80xi32, #tpu.memory_space<vmem>>
        %dma_wait3A_238 = tpu.memref_squeeze %dma_wait3A_237 : memref<1x80xi32, #tpu.memory_space<vmem>> -> memref<80xi32, #tpu.memory_space<vmem>>
        %dma_wait3A_239 = arith.constant 0 : i32
        %dma_wait3A_240 = tpu.memref_slice %arg4[%add3A, %add3A_221, %dma_wait3A_239] : memref<32x126x80xi32, #tpu.memory_space<hbm>> -> memref<1x1x80xi32, #tpu.memory_space<hbm>>
        %dma_wait3A_241 = tpu.memref_squeeze %dma_wait3A_240 : memref<1x1x80xi32, #tpu.memory_space<hbm>> -> memref<80xi32, #tpu.memory_space<hbm>>
        %dma_wait3A_242 = arith.constant 0 : i32
        %dma_wait3A_243 = tpu.memref_slice %arg10[%dma_wait3A_235, %dma_wait3A_242] : memref<2x80xi32, #tpu.memory_space<vmem>> -> memref<1x80xi32, #tpu.memory_space<vmem>>
        %dma_wait3A_244 = tpu.memref_squeeze %dma_wait3A_243 : memref<1x80xi32, #tpu.memory_space<vmem>> -> memref<80xi32, #tpu.memory_space<vmem>>
        %dma_wait3A_245 = arith.constant 0 : i32
        %dma_wait3A_246 = tpu.memref_slice %arg4[%add3A, %add3A_221, %dma_wait3A_245] : memref<32x126x80xi32, #tpu.memory_space<hbm>> -> memref<1x1x80xi32, #tpu.memory_space<hbm>>
        %dma_wait3A_247 = tpu.memref_squeeze %dma_wait3A_246 : memref<1x1x80xi32, #tpu.memory_space<hbm>> -> memref<80xi32, #tpu.memory_space<hbm>>
        tpu.wait_dma2 semaphore(%arg15 : memref<!tpu.dma_semaphore, #tpu.memory_space<semaphore_mem>>) src(%dma_wait3A_247 : memref<80xi32, #tpu.memory_space<hbm>>) dst(%dma_wait3A_244 : memref<80xi32, #tpu.memory_space<vmem>>)
        %dma_wait3A_248 = arith.constant 0 : i32
        %dma_wait3A_249 = arith.constant 0 : i32
        %dma_wait3A_250 = tpu.memref_slice %arg11[%dma_wait3A_248, %dma_wait3A_249] : memref<2x80xf32, #tpu.memory_space<vmem>> -> memref<1x80xf32, #tpu.memory_space<vmem>>
        %dma_wait3A_251 = tpu.memref_squeeze %dma_wait3A_250 : memref<1x80xf32, #tpu.memory_space<vmem>> -> memref<80xf32, #tpu.memory_space<vmem>>
        %dma_wait3A_252 = arith.constant 0 : i32
        %dma_wait3A_253 = tpu.memref_slice %arg5[%add3A, %add3A_221, %dma_wait3A_252] : memref<32x126x80xf32, #tpu.memory_space<hbm>> -> memref<1x1x80xf32, #tpu.memory_space<hbm>>
        %dma_wait3A_254 = tpu.memref_squeeze %dma_wait3A_253 : memref<1x1x80xf32, #tpu.memory_space<hbm>> -> memref<80xf32, #tpu.memory_space<hbm>>
        %dma_wait3A_255 = arith.constant 0 : i32
        %dma_wait3A_256 = tpu.memref_slice %arg11[%dma_wait3A_248, %dma_wait3A_255] : memref<2x80xf32, #tpu.memory_space<vmem>> -> memref<1x80xf32, #tpu.memory_space<vmem>>
        %dma_wait3A_257 = tpu.memref_squeeze %dma_wait3A_256 : memref<1x80xf32, #tpu.memory_space<vmem>> -> memref<80xf32, #tpu.memory_space<vmem>>
        %dma_wait3A_258 = arith.constant 0 : i32
        %dma_wait3A_259 = tpu.memref_slice %arg5[%add3A, %add3A_221, %dma_wait3A_258] : memref<32x126x80xf32, #tpu.memory_space<hbm>> -> memref<1x1x80xf32, #tpu.memory_space<hbm>>
        %dma_wait3A_260 = tpu.memref_squeeze %dma_wait3A_259 : memref<1x1x80xf32, #tpu.memory_space<hbm>> -> memref<80xf32, #tpu.memory_space<hbm>>
        tpu.wait_dma2 semaphore(%arg15 : memref<!tpu.dma_semaphore, #tpu.memory_space<semaphore_mem>>) src(%dma_wait3A_260 : memref<80xf32, #tpu.memory_space<hbm>>) dst(%dma_wait3A_257 : memref<80xf32, #tpu.memory_space<vmem>>)
        %add3A_261 = arith.constant 1 : i32
        %add3A_262 = arith.addi %add3A_192, %add3A_261 : i32
        %dma_start3A_263 = arith.constant 0 : i32
        %dma_start3A_264 = arith.constant 0 : i32
        %dma_start3A_265 = arith.constant 0 : i32
        %dma_start3A_266 = arith.constant 0 : i32
        %dma_start3A_267 = tpu.memref_slice %arg8[%dma_start3A_264, %dma_start3A_265, %dma_start3A_266] : memref<2x80x128xf32, #tpu.memory_space<vmem>> -> memref<1x80x128xf32, #tpu.memory_space<vmem>>
        %dma_start3A_268 = tpu.memref_squeeze %dma_start3A_267 : memref<1x80x128xf32, #tpu.memory_space<vmem>> -> memref<80x128xf32, #tpu.memory_space<vmem>>
        %dma_start3A_269 = arith.constant 0 : i32
        %dma_start3A_270 = tpu.memref_slice %arg9[%dma_start3A_263, %dma_start3A_269] : memref<2x80xi32, #tpu.memory_space<vmem>> -> memref<1x80xi32, #tpu.memory_space<vmem>>
        %dma_start3A_271 = tpu.memref_squeeze %dma_start3A_270 : memref<1x80xi32, #tpu.memory_space<vmem>> -> memref<80xi32, #tpu.memory_space<vmem>>
        %dma_start3A_272 = arith.constant 0 : i32
        %dma_start3A_273 = arith.constant 0 : i32
        %dma_start3A_274 = tpu.memref_slice %arg2[%dma_start3A_272, %dma_start3A_273] : memref<10000x128xf32, #tpu.memory_space<hbm>> -> memref<10000x128xf32, #tpu.memory_space<hbm>>
        tpu.enqueue_indirect_dma source(%dma_start3A_274 : memref<10000x128xf32, #tpu.memory_space<hbm>>) target(%dma_start3A_268 : memref<80x128xf32, #tpu.memory_space<vmem>>) offsets(%dma_start3A_271 : memref<80xi32, #tpu.memory_space<vmem>>) semaphore(%arg13 : memref<!tpu.dma_semaphore, #tpu.memory_space<semaphore_mem>>)
      } else {
      }
      %parallel_loop3A_200 = arith.constant 0 : i32
      %parallel_loop3A_201 = arith.constant 80 : i32
      %parallel_loop3A_202 = arith.constant 1 : i32
      scf.for %parallel_loop3A_220 = %parallel_loop3A_200 to %parallel_loop3A_201 step %parallel_loop3A_202  : i32 {
        %parallel_loop3A_221 = arith.constant 1 : i32
        %parallel_loop3A_222 = vector.broadcast %parallel_loop3A_221 : i32 to vector<16xi32>
        %parallel_loop3A_223 = vector.broadcast %parallel_loop3A_220 : i32 to vector<16xi32>
        %parallel_loop3A_224 = tpu.vector_load_idx %arg11[%parallel_loop3A_222, %parallel_loop3A_223] : memref<2x80xf32, #tpu.memory_space<vmem>>[vector<16xi32>, vector<16xi32>], vector<16xf32>,
        %parallel_loop3A_225 = arith.constant 1 : i32
        %parallel_loop3A_226 = arith.index_cast %parallel_loop3A_225 : i32 to index
        %parallel_loop3A_227 = arith.index_cast %parallel_loop3A_220 : i32 to index
        %parallel_loop3A_228 = arith.constant 0 : index
        %parallel_loop3A_229 = tpu.vector_load %arg8[%parallel_loop3A_226, %parallel_loop3A_227, %parallel_loop3A_228] {strides = array<i32>} : memref<2x80x128xf32, #tpu.memory_space<vmem>>, vector<16xf32>,
        %parallel_loop3A_230 = arith.mulf %parallel_loop3A_229, %parallel_loop3A_224 : vector<16xf32>
        %parallel_loop3A_231 = arith.constant 0.000000e+00 : f32
        %parallel_loop3A_232 = vector.broadcast %parallel_loop3A_231 : f32 to vector<16xf32>
        %parallel_loop3A_233 = arith.maximumf %parallel_loop3A_230, %parallel_loop3A_232 : vector<16xf32>
        %parallel_loop3A_234 = arith.constant 1 : i32
        %parallel_loop3A_235 = arith.index_cast %parallel_loop3A_234 : i32 to index
        %parallel_loop3A_236 = arith.index_cast %parallel_loop3A_220 : i32 to index
        %parallel_loop3A_237 = arith.constant 0 : index
        %parallel_loop3A_238 = tpu.vector_load %arg8[%parallel_loop3A_235, %parallel_loop3A_236, %parallel_loop3A_237] {strides = array<i32>} : memref<2x80x128xf32, #tpu.memory_space<vmem>>, vector<16xf32>,
        tpu.vector_store %arg8[%parallel_loop3A_235, %parallel_loop3A_236, %parallel_loop3A_237], %parallel_loop3A_233 {strides = array<i32>} : memref<2x80x128xf32, #tpu.memory_space<vmem>>, vector<16xf32>,
        %parallel_loop3A_239 = arith.constant 1 : i32
        %parallel_loop3A_240 = arith.index_cast %parallel_loop3A_239 : i32 to index
        %parallel_loop3A_241 = arith.index_cast %parallel_loop3A_220 : i32 to index
        %parallel_loop3A_242 = arith.constant 16 : index
        %parallel_loop3A_243 = tpu.vector_load %arg8[%parallel_loop3A_240, %parallel_loop3A_241, %parallel_loop3A_242] {strides = array<i32>} : memref<2x80x128xf32, #tpu.memory_space<vmem>>, vector<16xf32>,
        %parallel_loop3A_244 = arith.mulf %parallel_loop3A_243, %parallel_loop3A_224 : vector<16xf32>
        %parallel_loop3A_245 = arith.constant 0.000000e+00 : f32
        %parallel_loop3A_246 = vector.broadcast %parallel_loop3A_245 : f32 to vector<16xf32>
        %parallel_loop3A_247 = arith.maximumf %parallel_loop3A_244, %parallel_loop3A_246 : vector<16xf32>
        %parallel_loop3A_248 = arith.constant 1 : i32
        %parallel_loop3A_249 = arith.index_cast %parallel_loop3A_248 : i32 to index
        %parallel_loop3A_250 = arith.index_cast %parallel_loop3A_220 : i32 to index
        %parallel_loop3A_251 = arith.constant 16 : index
        %parallel_loop3A_252 = tpu.vector_load %arg8[%parallel_loop3A_249, %parallel_loop3A_250, %parallel_loop3A_251] {strides = array<i32>} : memref<2x80x128xf32, #tpu.memory_space<vmem>>, vector<16xf32>,
        tpu.vector_store %arg8[%parallel_loop3A_249, %parallel_loop3A_250, %parallel_loop3A_251], %parallel_loop3A_247 {strides = array<i32>} : memref<2x80x128xf32, #tpu.memory_space<vmem>>, vector<16xf32>,
        %parallel_loop3A_253 = arith.constant 1 : i32
        %parallel_loop3A_254 = arith.index_cast %parallel_loop3A_253 : i32 to index
        %parallel_loop3A_255 = arith.index_cast %parallel_loop3A_220 : i32 to index
        %parallel_loop3A_256 = arith.constant 32 : index
        %parallel_loop3A_257 = tpu.vector_load %arg8[%parallel_loop3A_254, %parallel_loop3A_255, %parallel_loop3A_256] {strides = array<i32>} : memref<2x80x128xf32, #tpu.memory_space<vmem>>, vector<16xf32>,
        %parallel_loop3A_258 = arith.mulf %parallel_loop3A_257, %parallel_loop3A_224 : vector<16xf32>
        %parallel_loop3A_259 = arith.constant 0.000000e+00 : f32
        %parallel_loop3A_260 = vector.broadcast %parallel_loop3A_259 : f32 to vector<16xf32>
        %parallel_loop3A_261 = arith.maximumf %parallel_loop3A_258, %parallel_loop3A_260 : vector<16xf32>
        %parallel_loop3A_262 = arith.constant 1 : i32
        %parallel_loop3A_263 = arith.index_cast %parallel_loop3A_262 : i32 to index
        %parallel_loop3A_264 = arith.index_cast %parallel_loop3A_220 : i32 to index
        %parallel_loop3A_265 = arith.constant 32 : index
        %parallel_loop3A_266 = tpu.vector_load %arg8[%parallel_loop3A_263, %parallel_loop3A_264, %parallel_loop3A_265] {strides = array<i32>} : memref<2x80x128xf32, #tpu.memory_space<vmem>>, vector<16xf32>,
        tpu.vector_store %arg8[%parallel_loop3A_263, %parallel_loop3A_264, %parallel_loop3A_265], %parallel_loop3A_261 {strides = array<i32>} : memref<2x80x128xf32, #tpu.memory_space<vmem>>, vector<16xf32>,
        %parallel_loop3A_267 = arith.constant 1 : i32
        %parallel_loop3A_268 = arith.index_cast %parallel_loop3A_267 : i32 to index
        %parallel_loop3A_269 = arith.index_cast %parallel_loop3A_220 : i32 to index
        %parallel_loop3A_270 = arith.constant 48 : index
        %parallel_loop3A_271 = tpu.vector_load %arg8[%parallel_loop3A_268, %parallel_loop3A_269, %parallel_loop3A_270] {strides = array<i32>} : memref<2x80x128xf32, #tpu.memory_space<vmem>>, vector<16xf32>,
        %parallel_loop3A_272 = arith.mulf %parallel_loop3A_271, %parallel_loop3A_224 : vector<16xf32>
        %parallel_loop3A_273 = arith.constant 0.000000e+00 : f32
        %parallel_loop3A_274 = vector.broadcast %parallel_loop3A_273 : f32 to vector<16xf32>
        %parallel_loop3A_275 = arith.maximumf %parallel_loop3A_272, %parallel_loop3A_274 : vector<16xf32>
        %parallel_loop3A_276 = arith.constant 1 : i32
        %parallel_loop3A_277 = arith.index_cast %parallel_loop3A_276 : i32 to index
        %parallel_loop3A_278 = arith.index_cast %parallel_loop3A_220 : i32 to index
        %parallel_loop3A_279 = arith.constant 48 : index
        %parallel_loop3A_280 = tpu.vector_load %arg8[%parallel_loop3A_277, %parallel_loop3A_278, %parallel_loop3A_279] {strides = array<i32>} : memref<2x80x128xf32, #tpu.memory_space<vmem>>, vector<16xf32>,
        tpu.vector_store %arg8[%parallel_loop3A_277, %parallel_loop3A_278, %parallel_loop3A_279], %parallel_loop3A_275 {strides = array<i32>} : memref<2x80x128xf32, #tpu.memory_space<vmem>>, vector<16xf32>,
        %parallel_loop3A_281 = arith.constant 1 : i32
        %parallel_loop3A_282 = arith.index_cast %parallel_loop3A_281 : i32 to index
        %parallel_loop3A_283 = arith.index_cast %parallel_loop3A_220 : i32 to index
        %parallel_loop3A_284 = arith.constant 64 : index
        %parallel_loop3A_285 = tpu.vector_load %arg8[%parallel_loop3A_282, %parallel_loop3A_283, %parallel_loop3A_284] {strides = array<i32>} : memref<2x80x128xf32, #tpu.memory_space<vmem>>, vector<16xf32>,
        %parallel_loop3A_286 = arith.mulf %parallel_loop3A_285, %parallel_loop3A_224 : vector<16xf32>
        %parallel_loop3A_287 = arith.constant 0.000000e+00 : f32
        %parallel_loop3A_288 = vector.broadcast %parallel_loop3A_287 : f32 to vector<16xf32>
        %parallel_loop3A_289 = arith.maximumf %parallel_loop3A_286, %parallel_loop3A_288 : vector<16xf32>
        %parallel_loop3A_290 = arith.constant 1 : i32
        %parallel_loop3A_291 = arith.index_cast %parallel_loop3A_290 : i32 to index
        %parallel_loop3A_292 = arith.index_cast %parallel_loop3A_220 : i32 to index
        %parallel_loop3A_293 = arith.constant 64 : index
        %parallel_loop3A_294 = tpu.vector_load %arg8[%parallel_loop3A_291, %parallel_loop3A_292, %parallel_loop3A_293] {strides = array<i32>} : memref<2x80x128xf32, #tpu.memory_space<vmem>>, vector<16xf32>,
        tpu.vector_store %arg8[%parallel_loop3A_291, %parallel_loop3A_292, %parallel_loop3A_293], %parallel_loop3A_289 {strides = array<i32>} : memref<2x80x128xf32, #tpu.memory_space<vmem>>, vector<16xf32>,
        %parallel_loop3A_295 = arith.constant 1 : i32
        %parallel_loop3A_296 = arith.index_cast %parallel_loop3A_295 : i32 to index
        %parallel_loop3A_297 = arith.index_cast %parallel_loop3A_220 : i32 to index
        %parallel_loop3A_298 = arith.constant 80 : index
        %parallel_loop3A_299 = tpu.vector_load %arg8[%parallel_loop3A_296, %parallel_loop3A_297, %parallel_loop3A_298] {strides = array<i32>} : memref<2x80x128xf32, #tpu.memory_space<vmem>>, vector<16xf32>,
        %parallel_loop3A_300 = arith.mulf %parallel_loop3A_299, %parallel_loop3A_224 : vector<16xf32>
        %parallel_loop3A_301 = arith.constant 0.000000e+00 : f32
        %parallel_loop3A_302 = vector.broadcast %parallel_loop3A_301 : f32 to vector<16xf32>
        %parallel_loop3A_303 = arith.maximumf %parallel_loop3A_300, %parallel_loop3A_302 : vector<16xf32>
        %parallel_loop3A_304 = arith.constant 1 : i32
        %parallel_loop3A_305 = arith.index_cast %parallel_loop3A_304 : i32 to index
        %parallel_loop3A_306 = arith.index_cast %parallel_loop3A_220 : i32 to index
        %parallel_loop3A_307 = arith.constant 80 : index
        %parallel_loop3A_308 = tpu.vector_load %arg8[%parallel_loop3A_305, %parallel_loop3A_306, %parallel_loop3A_307] {strides = array<i32>} : memref<2x80x128xf32, #tpu.memory_space<vmem>>, vector<16xf32>,
        tpu.vector_store %arg8[%parallel_loop3A_305, %parallel_loop3A_306, %parallel_loop3A_307], %parallel_loop3A_303 {strides = array<i32>} : memref<2x80x128xf32, #tpu.memory_space<vmem>>, vector<16xf32>,
        %parallel_loop3A_309 = arith.constant 1 : i32
        %parallel_loop3A_310 = arith.index_cast %parallel_loop3A_309 : i32 to index
        %parallel_loop3A_311 = arith.index_cast %parallel_loop3A_220 : i32 to index
        %parallel_loop3A_312 = arith.constant 96 : index
        %parallel_loop3A_313 = tpu.vector_load %arg8[%parallel_loop3A_310, %parallel_loop3A_311, %parallel_loop3A_312] {strides = array<i32>} : memref<2x80x128xf32, #tpu.memory_space<vmem>>, vector<16xf32>,
        %parallel_loop3A_314 = arith.mulf %parallel_loop3A_313, %parallel_loop3A_224 : vector<16xf32>
        %parallel_loop3A_315 = arith.constant 0.000000e+00 : f32
        %parallel_loop3A_316 = vector.broadcast %parallel_loop3A_315 : f32 to vector<16xf32>
        %parallel_loop3A_317 = arith.maximumf %parallel_loop3A_314, %parallel_loop3A_316 : vector<16xf32>
        %parallel_loop3A_318 = arith.constant 1 : i32
        %parallel_loop3A_319 = arith.index_cast %parallel_loop3A_318 : i32 to index
        %parallel_loop3A_320 = arith.index_cast %parallel_loop3A_220 : i32 to index
        %parallel_loop3A_321 = arith.constant 96 : index
        %parallel_loop3A_322 = tpu.vector_load %arg8[%parallel_loop3A_319, %parallel_loop3A_320, %parallel_loop3A_321] {strides = array<i32>} : memref<2x80x128xf32, #tpu.memory_space<vmem>>, vector<16xf32>,
        tpu.vector_store %arg8[%parallel_loop3A_319, %parallel_loop3A_320, %parallel_loop3A_321], %parallel_loop3A_317 {strides = array<i32>} : memref<2x80x128xf32, #tpu.memory_space<vmem>>, vector<16xf32>,
        %parallel_loop3A_323 = arith.constant 1 : i32
        %parallel_loop3A_324 = arith.index_cast %parallel_loop3A_323 : i32 to index
        %parallel_loop3A_325 = arith.index_cast %parallel_loop3A_220 : i32 to index
        %parallel_loop3A_326 = arith.constant 112 : index
        %parallel_loop3A_327 = tpu.vector_load %arg8[%parallel_loop3A_324, %parallel_loop3A_325, %parallel_loop3A_326] {strides = array<i32>} : memref<2x80x128xf32, #tpu.memory_space<vmem>>, vector<16xf32>,
        %parallel_loop3A_328 = arith.mulf %parallel_loop3A_327, %parallel_loop3A_224 : vector<16xf32>
        %parallel_loop3A_329 = arith.constant 0.000000e+00 : f32
        %parallel_loop3A_330 = vector.broadcast %parallel_loop3A_329 : f32 to vector<16xf32>
        %parallel_loop3A_331 = arith.maximumf %parallel_loop3A_328, %parallel_loop3A_330 : vector<16xf32>
        %parallel_loop3A_332 = arith.constant 1 : i32
        %parallel_loop3A_333 = arith.index_cast %parallel_loop3A_332 : i32 to index
        %parallel_loop3A_334 = arith.index_cast %parallel_loop3A_220 : i32 to index
        %parallel_loop3A_335 = arith.constant 112 : index
        %parallel_loop3A_336 = tpu.vector_load %arg8[%parallel_loop3A_333, %parallel_loop3A_334, %parallel_loop3A_335] {strides = array<i32>} : memref<2x80x128xf32, #tpu.memory_space<vmem>>, vector<16xf32>,
        tpu.vector_store %arg8[%parallel_loop3A_333, %parallel_loop3A_334, %parallel_loop3A_335], %parallel_loop3A_331 {strides = array<i32>} : memref<2x80x128xf32, #tpu.memory_space<vmem>>, vector<16xf32>,
      } {sc.loop_unroll_factor = 4 : i64, sc.parallel_access}
      %add3A_203 = arith.constant 1 : i32
      %add3A_204 = arith.addi %add3A_192, %add3A_203 : i32
      %lt3A_205 = arith.constant 126 : i32
      %lt3A_206 = arith.cmpi slt, %add3A_204, %lt3A_205 : i32
      %convert_element_type3A_207 = arith.extui %lt3A_206 : i1 to i32
      %cond3A_208 = arith.constant 0 : i32
      %cond3A_209 = arith.cmpi ne, %convert_element_type3A_207, %cond3A_208 : i32
      scf.if %cond3A_209 {
        %add3A_220 = arith.constant 1 : i32
        %add3A_221 = arith.addi %add3A_192, %add3A_220 : i32
        %dma_wait3A_222 = arith.constant 0 : i32
        %dma_wait3A_223 = arith.constant 0 : i32
        %dma_wait3A_224 = arith.constant 0 : i32
        %dma_wait3A_225 = arith.constant 0 : i32
        %dma_wait3A_226 = tpu.memref_slice %arg8[%dma_wait3A_223, %dma_wait3A_224, %dma_wait3A_225] : memref<2x80x128xf32, #tpu.memory_space<vmem>> -> memref<1x80x128xf32, #tpu.memory_space<vmem>>
        %dma_wait3A_227 = tpu.memref_squeeze %dma_wait3A_226 : memref<1x80x128xf32, #tpu.memory_space<vmem>> -> memref<80x128xf32, #tpu.memory_space<vmem>>
        %dma_wait3A_228 = arith.constant 0 : i32
        %dma_wait3A_229 = tpu.memref_slice %arg9[%dma_wait3A_222, %dma_wait3A_228] : memref<2x80xi32, #tpu.memory_space<vmem>> -> memref<1x80xi32, #tpu.memory_space<vmem>>
        %dma_wait3A_230 = tpu.memref_squeeze %dma_wait3A_229 : memref<1x80xi32, #tpu.memory_space<vmem>> -> memref<80xi32, #tpu.memory_space<vmem>>
        %dma_wait3A_231 = arith.constant 0 : i32
        %dma_wait3A_232 = arith.constant 0 : i32
        %dma_wait3A_233 = tpu.memref_slice %arg2[%dma_wait3A_231, %dma_wait3A_232] : memref<10000x128xf32, #tpu.memory_space<hbm>> -> memref<10000x128xf32, #tpu.memory_space<hbm>>
        tpu.wait_indirect_dma semaphore(%arg13 : memref<!tpu.dma_semaphore, #tpu.memory_space<semaphore_mem>>) src(%dma_wait3A_233 : memref<10000x128xf32, #tpu.memory_space<hbm>>) dst(%dma_wait3A_227 : memref<80x128xf32, #tpu.memory_space<vmem>>)
      } else {
      }
      %run_scoped3A_210 = arith.constant 1 : i32
      %run_scoped3A_211 = arith.constant 1 : i32
      "tpu.region"() ({
        %run_scoped3A_220 = tpu.sem_alloc : memref<!tpu.dma_semaphore, #tpu.memory_space<semaphore_mem>>
        %dma_start3A_221 = arith.constant 0 : i32
        %dma_start3A_222 = arith.constant 0 : i32
        %dma_start3A_223 = tpu.memref_slice %arg8[%run_scoped3A_210, %dma_start3A_221, %dma_start3A_222] : memref<2x80x128xf32, #tpu.memory_space<vmem>> -> memref<1x80x128xf32, #tpu.memory_space<vmem>>
        %dma_start3A_224 = tpu.memref_squeeze %dma_start3A_223 : memref<1x80x128xf32, #tpu.memory_space<vmem>> -> memref<80x128xf32, #tpu.memory_space<vmem>>
        %dma_start3A_225 = arith.constant 0 : i32
        %dma_start3A_226 = tpu.memref_slice %arg10[%run_scoped3A_211, %dma_start3A_225] : memref<2x80xi32, #tpu.memory_space<vmem>> -> memref<1x80xi32, #tpu.memory_space<vmem>>
        %dma_start3A_227 = tpu.memref_squeeze %dma_start3A_226 : memref<1x80xi32, #tpu.memory_space<vmem>> -> memref<80xi32, #tpu.memory_space<vmem>>
        %dma_start3A_228 = arith.constant 0 : i32
        %dma_start3A_229 = arith.constant 0 : i32
        %dma_start3A_230 = tpu.memref_slice %arg12[%dma_start3A_228, %dma_start3A_229] : memref<10112x128xf32, #tpu.memory_space<vmem_shared>> -> memref<10112x128xf32, #tpu.memory_space<vmem_shared>>
        tpu.enqueue_indirect_dma source(%dma_start3A_224 : memref<80x128xf32, #tpu.memory_space<vmem>>) target(%dma_start3A_230 : memref<10112x128xf32, #tpu.memory_space<vmem_shared>>) offsets(%dma_start3A_227 : memref<80xi32, #tpu.memory_space<vmem>>) semaphore(%run_scoped3A_220 : memref<!tpu.dma_semaphore, #tpu.memory_space<semaphore_mem>>) {add = true}
        %dma_wait3A_231 = arith.constant 0 : i32
        %dma_wait3A_232 = arith.constant 0 : i32
        %dma_wait3A_233 = tpu.memref_slice %arg8[%run_scoped3A_210, %dma_wait3A_231, %dma_wait3A_232] : memref<2x80x128xf32, #tpu.memory_space<vmem>> -> memref<1x80x128xf32, #tpu.memory_space<vmem>>
        %dma_wait3A_234 = tpu.memref_squeeze %dma_wait3A_233 : memref<1x80x128xf32, #tpu.memory_space<vmem>> -> memref<80x128xf32, #tpu.memory_space<vmem>>
        %dma_wait3A_235 = arith.constant 0 : i32
        %dma_wait3A_236 = tpu.memref_slice %arg10[%run_scoped3A_211, %dma_wait3A_235] : memref<2x80xi32, #tpu.memory_space<vmem>> -> memref<1x80xi32, #tpu.memory_space<vmem>>
        %dma_wait3A_237 = tpu.memref_squeeze %dma_wait3A_236 : memref<1x80xi32, #tpu.memory_space<vmem>> -> memref<80xi32, #tpu.memory_space<vmem>>
        %dma_wait3A_238 = arith.constant 0 : i32
        %dma_wait3A_239 = arith.constant 0 : i32
        %dma_wait3A_240 = tpu.memref_slice %arg12[%dma_wait3A_238, %dma_wait3A_239] : memref<10112x128xf32, #tpu.memory_space<vmem_shared>> -> memref<10112x128xf32, #tpu.memory_space<vmem_shared>>
        tpu.wait_indirect_dma semaphore(%run_scoped3A_220 : memref<!tpu.dma_semaphore, #tpu.memory_space<semaphore_mem>>) src(%dma_wait3A_234 : memref<80x128xf32, #tpu.memory_space<vmem>>) dst(%dma_wait3A_240 : memref<10112x128xf32, #tpu.memory_space<vmem_shared>>)
        tpu.yield
      }) : () -> ()
      %add3A_212 = arith.constant 2 : i32
      %add3A_213 = arith.addi %add3A_192, %add3A_212 : i32
      %lt3A_214 = arith.constant 126 : i32
      %lt3A_215 = arith.cmpi slt, %add3A_213, %lt3A_214 : i32
      %convert_element_type3A_216 = arith.extui %lt3A_215 : i1 to i32
      %cond3A_217 = arith.constant 0 : i32
      %cond3A_218 = arith.cmpi ne, %convert_element_type3A_216, %cond3A_217 : i32
      scf.if %cond3A_218 {
        %add3A_220 = arith.constant 2 : i32
        %add3A_221 = arith.addi %add3A_192, %add3A_220 : i32
        %dma_start3A_222 = arith.constant 1 : i32
        %dma_start3A_223 = arith.constant 0 : i32
        %dma_start3A_224 = tpu.memref_slice %arg9[%dma_start3A_222, %dma_start3A_223] : memref<2x80xi32, #tpu.memory_space<vmem>> -> memref<1x80xi32, #tpu.memory_space<vmem>>
        %dma_start3A_225 = tpu.memref_squeeze %dma_start3A_224 : memref<1x80xi32, #tpu.memory_space<vmem>> -> memref<80xi32, #tpu.memory_space<vmem>>
        %dma_start3A_226 = arith.constant 0 : i32
        %dma_start3A_227 = tpu.memref_slice %arg3[%add3A, %add3A_221, %dma_start3A_226] : memref<32x126x80xi32, #tpu.memory_space<hbm>> -> memref<1x1x80xi32, #tpu.memory_space<hbm>>
        %dma_start3A_228 = tpu.memref_squeeze %dma_start3A_227 : memref<1x1x80xi32, #tpu.memory_space<hbm>> -> memref<80xi32, #tpu.memory_space<hbm>>
        %dma_start3A_229 = arith.constant 0 : i32
        %dma_start3A_230 = tpu.memref_slice %arg9[%dma_start3A_222, %dma_start3A_229] : memref<2x80xi32, #tpu.memory_space<vmem>> -> memref<1x80xi32, #tpu.memory_space<vmem>>
        %dma_start3A_231 = tpu.memref_squeeze %dma_start3A_230 : memref<1x80xi32, #tpu.memory_space<vmem>> -> memref<80xi32, #tpu.memory_space<vmem>>
        %dma_start3A_232 = arith.constant 0 : i32
        %dma_start3A_233 = tpu.memref_slice %arg3[%add3A, %add3A_221, %dma_start3A_232] : memref<32x126x80xi32, #tpu.memory_space<hbm>> -> memref<1x1x80xi32, #tpu.memory_space<hbm>>
        %dma_start3A_234 = tpu.memref_squeeze %dma_start3A_233 : memref<1x1x80xi32, #tpu.memory_space<hbm>> -> memref<80xi32, #tpu.memory_space<hbm>>
        tpu.enqueue_dma source(%dma_start3A_234 : memref<80xi32, #tpu.memory_space<hbm>>) target(%dma_start3A_231 : memref<80xi32, #tpu.memory_space<vmem>>) target_semaphore(%arg16 : memref<!tpu.dma_semaphore, #tpu.memory_space<semaphore_mem>>)
        %dma_start3A_235 = arith.constant 1 : i32
        %dma_start3A_236 = arith.constant 0 : i32
        %dma_start3A_237 = tpu.memref_slice %arg10[%dma_start3A_235, %dma_start3A_236] : memref<2x80xi32, #tpu.memory_space<vmem>> -> memref<1x80xi32, #tpu.memory_space<vmem>>
        %dma_start3A_238 = tpu.memref_squeeze %dma_start3A_237 : memref<1x80xi32, #tpu.memory_space<vmem>> -> memref<80xi32, #tpu.memory_space<vmem>>
        %dma_start3A_239 = arith.constant 0 : i32
        %dma_start3A_240 = tpu.memref_slice %arg4[%add3A, %add3A_221, %dma_start3A_239] : memref<32x126x80xi32, #tpu.memory_space<hbm>> -> memref<1x1x80xi32, #tpu.memory_space<hbm>>
        %dma_start3A_241 = tpu.memref_squeeze %dma_start3A_240 : memref<1x1x80xi32, #tpu.memory_space<hbm>> -> memref<80xi32, #tpu.memory_space<hbm>>
        %dma_start3A_242 = arith.constant 0 : i32
        %dma_start3A_243 = tpu.memref_slice %arg10[%dma_start3A_235, %dma_start3A_242] : memref<2x80xi32, #tpu.memory_space<vmem>> -> memref<1x80xi32, #tpu.memory_space<vmem>>
        %dma_start3A_244 = tpu.memref_squeeze %dma_start3A_243 : memref<1x80xi32, #tpu.memory_space<vmem>> -> memref<80xi32, #tpu.memory_space<vmem>>
        %dma_start3A_245 = arith.constant 0 : i32
        %dma_start3A_246 = tpu.memref_slice %arg4[%add3A, %add3A_221, %dma_start3A_245] : memref<32x126x80xi32, #tpu.memory_space<hbm>> -> memref<1x1x80xi32, #tpu.memory_space<hbm>>
        %dma_start3A_247 = tpu.memref_squeeze %dma_start3A_246 : memref<1x1x80xi32, #tpu.memory_space<hbm>> -> memref<80xi32, #tpu.memory_space<hbm>>
        tpu.enqueue_dma source(%dma_start3A_247 : memref<80xi32, #tpu.memory_space<hbm>>) target(%dma_start3A_244 : memref<80xi32, #tpu.memory_space<vmem>>) target_semaphore(%arg16 : memref<!tpu.dma_semaphore, #tpu.memory_space<semaphore_mem>>)
        %dma_start3A_248 = arith.constant 1 : i32
        %dma_start3A_249 = arith.constant 0 : i32
        %dma_start3A_250 = tpu.memref_slice %arg11[%dma_start3A_248, %dma_start3A_249] : memref<2x80xf32, #tpu.memory_space<vmem>> -> memref<1x80xf32, #tpu.memory_space<vmem>>
        %dma_start3A_251 = tpu.memref_squeeze %dma_start3A_250 : memref<1x80xf32, #tpu.memory_space<vmem>> -> memref<80xf32, #tpu.memory_space<vmem>>
        %dma_start3A_252 = arith.constant 0 : i32
        %dma_start3A_253 = tpu.memref_slice %arg5[%add3A, %add3A_221, %dma_start3A_252] : memref<32x126x80xf32, #tpu.memory_space<hbm>> -> memref<1x1x80xf32, #tpu.memory_space<hbm>>
        %dma_start3A_254 = tpu.memref_squeeze %dma_start3A_253 : memref<1x1x80xf32, #tpu.memory_space<hbm>> -> memref<80xf32, #tpu.memory_space<hbm>>
        %dma_start3A_255 = arith.constant 0 : i32
        %dma_start3A_256 = tpu.memref_slice %arg11[%dma_start3A_248, %dma_start3A_255] : memref<2x80xf32, #tpu.memory_space<vmem>> -> memref<1x80xf32, #tpu.memory_space<vmem>>
        %dma_start3A_257 = tpu.memref_squeeze %dma_start3A_256 : memref<1x80xf32, #tpu.memory_space<vmem>> -> memref<80xf32, #tpu.memory_space<vmem>>
        %dma_start3A_258 = arith.constant 0 : i32
        %dma_start3A_259 = tpu.memref_slice %arg5[%add3A, %add3A_221, %dma_start3A_258] : memref<32x126x80xf32, #tpu.memory_space<hbm>> -> memref<1x1x80xf32, #tpu.memory_space<hbm>>
        %dma_start3A_260 = tpu.memref_squeeze %dma_start3A_259 : memref<1x1x80xf32, #tpu.memory_space<hbm>> -> memref<80xf32, #tpu.memory_space<hbm>>
        tpu.enqueue_dma source(%dma_start3A_260 : memref<80xf32, #tpu.memory_space<hbm>>) target(%dma_start3A_257 : memref<80xf32, #tpu.memory_space<vmem>>) target_semaphore(%arg16 : memref<!tpu.dma_semaphore, #tpu.memory_space<semaphore_mem>>)
      } else {
      }
      %scan3A_219 = arith.constant 0 : i32
      scf.yield %scan3A_219 : i32
    }
    %scan3A_156 = arith.constant 63 : i32
    %barrier3A_157 = arith.constant 0 : index
    tpu.barrier barrier_id(%barrier3A_157)
    %mul3A_158 = arith.constant 632 : i32
    %mul3A_159 = arith.muli %arg1, %mul3A_158 : i32
    %mul3A_160 = arith.constant 632 : i32
    %mul3A_161 = arith.muli %arg1, %mul3A_160 : i32
    "tpu.region"() ({
      %run_scoped3A = tpu.sem_alloc : memref<!tpu.dma_semaphore, #tpu.memory_space<semaphore_mem>>
      %dma_start3A_162 = arith.constant 0 : i32
      %dma_start3A_163 = tpu.memref_slice %arg7[%arg0, %mul3A_161, %dma_start3A_162] : memref<2x10112x128xf32, #tpu.memory_space<hbm>> -> memref<1x632x128xf32, #tpu.memory_space<hbm>>
      %dma_start3A_164 = tpu.memref_squeeze %dma_start3A_163 : memref<1x632x128xf32, #tpu.memory_space<hbm>> -> memref<632x128xf32, #tpu.memory_space<hbm>>
      %dma_start3A_165 = arith.constant 0 : i32
      %dma_start3A_166 = tpu.memref_slice %arg12[%mul3A_159, %dma_start3A_165] : memref<10112x128xf32, #tpu.memory_space<vmem_shared>> -> memref<632x128xf32, #tpu.memory_space<vmem_shared>>
      tpu.enqueue_dma source(%dma_start3A_166 : memref<632x128xf32, #tpu.memory_space<vmem_shared>>) target(%dma_start3A_164 : memref<632x128xf32, #tpu.memory_space<hbm>>) target_semaphore(%run_scoped3A : memref<!tpu.dma_semaphore, #tpu.memory_space<semaphore_mem>>)
      %dma_wait3A_167 = arith.constant 0 : i32
      %dma_wait3A_168 = tpu.memref_slice %arg7[%arg0, %mul3A_161, %dma_wait3A_167] : memref<2x10112x128xf32, #tpu.memory_space<hbm>> -> memref<1x632x128xf32, #tpu.memory_space<hbm>>
      %dma_wait3A_169 = tpu.memref_squeeze %dma_wait3A_168 : memref<1x632x128xf32, #tpu.memory_space<hbm>> -> memref<632x128xf32, #tpu.memory_space<hbm>>
      %dma_wait3A_170 = arith.constant 0 : i32
      %dma_wait3A_171 = tpu.memref_slice %arg12[%mul3A_159, %dma_wait3A_170] : memref<10112x128xf32, #tpu.memory_space<vmem_shared>> -> memref<632x128xf32, #tpu.memory_space<vmem_shared>>
      tpu.wait_dma2 semaphore(%run_scoped3A : memref<!tpu.dma_semaphore, #tpu.memory_space<semaphore_mem>>) src(%dma_wait3A_171 : memref<632x128xf32, #tpu.memory_space<vmem_shared>>) dst(%dma_wait3A_169 : memref<632x128xf32, #tpu.memory_space<hbm>>)
      tpu.yield
    }) : () -> ()
    return
  }
}

module attributes {stable_mosaic.version = 14 : i64} {
  func.func @_xx_body(%arg0: i32, %arg1: memref<1000x128xf32, #tpu.memory_space<vmem>>, %arg2: memref<1000x1xf32, #tpu.memory_space<vmem>>, %arg3: memref<1000x128xf32, #tpu.memory_space<vmem>>) attributes {dimension_semantics = [#tpu.dimension_semantics<arbitrary>], iteration_bounds = array<i64: 10>, scalar_prefetch = 0 : i64, scratch_operands = 0 : i64, tpu.core_type = #tpu.core_type<tc>, window_params = [{transform_indices = @transform_0, window_bounds = array<i64: 1000, 128>}, {transform_indices = @transform_1, window_bounds = array<i64: 1000, 1>}, {transform_indices = @transform_2, window_bounds = array<i64: 1000, 128>}]} {
    %get3A = arith.constant 0 : index
    %get3A_0 = arith.constant 0 : index
    %get3A_1 = vector.load %arg1[%get3A, %get3A_0] : memref<1000x128xf32, #tpu.memory_space<vmem>>, vector<1000x128xf32>
    %get3A_2 = arith.constant 0 : index
    %get3A_3 = arith.constant 0 : index
    %get3A_4 = vector.load %arg2[%get3A_2, %get3A_3] : memref<1000x1xf32, #tpu.memory_space<vmem>>, vector<1000x1xf32>
    %mul3A = vector.broadcast %get3A_4 : vector<1000x1xf32> to vector<1000x128xf32>
    %mul3A_5 = arith.mulf %get3A_1, %mul3A : vector<1000x128xf32>
    %swap3A = arith.constant 0 : index
    %swap3A_6 = arith.constant 0 : index
    %swap3A_7 = vector.load %arg3[%swap3A, %swap3A_6] : memref<1000x128xf32, #tpu.memory_space<vmem>>, vector<1000x128xf32>
    tpu.vector_store %arg3[%swap3A, %swap3A_6], %mul3A_5 {strides = array<i32>} : memref<1000x128xf32, #tpu.memory_space<vmem>>, vector<1000x128xf32>,
    return
  }
  func.func @transform_0(%arg0: i32) -> (i32, i32) {
    %c0_i32 = arith.constant 0 : i32
    %c0_i32_0 = arith.constant 0 : i32
    return %arg0, %c0_i32 : i32, i32
  }
  func.func @transform_1(%arg0: i32) -> (i32, i32) {
    %c0_i32 = arith.constant 0 : i32
    %c0_i32_0 = arith.constant 0 : i32
    return %arg0, %c0_i32 : i32, i32
  }
  func.func @transform_2(%arg0: i32) -> (i32, i32) {
    %c0_i32 = arith.constant 0 : i32
    %c0_i32_0 = arith.constant 0 : i32
    return %arg0, %c0_i32 : i32, i32
  }
}

module attributes {stable_mosaic.version = 14 : i64} {
  func.func @_mlp_body(%arg0: i32, %arg1: memref<1xf32, #tpu.memory_space<smem>>, %arg2: memref<1000x128xf32, #tpu.memory_space<vmem>>, %arg3: memref<1000x128xf32, #tpu.memory_space<vmem>>, %arg4: memref<1000x128xf32, #tpu.memory_space<vmem>>, %arg5: memref<128x256xf32, #tpu.memory_space<vmem>>, %arg6: memref<1x256xf32, #tpu.memory_space<vmem>>, %arg7: memref<256x128xf32, #tpu.memory_space<vmem>>, %arg8: memref<1x128xf32, #tpu.memory_space<vmem>>, %arg9: memref<1000x128xf32, #tpu.memory_space<vmem>>) attributes {dimension_semantics = [#tpu.dimension_semantics<arbitrary>], iteration_bounds = array<i64: 10>, scalar_prefetch = 0 : i64, scratch_operands = 0 : i64, tpu.core_type = #tpu.core_type<tc>, window_params = [{transform_indices = @transform_0, window_bounds = array<i64: 1>}, {transform_indices = @transform_1, window_bounds = array<i64: 1000, 128>}, {transform_indices = @transform_2, window_bounds = array<i64: 1000, 128>}, {transform_indices = @transform_3, window_bounds = array<i64: 1000, 128>}, {pipeline_mode = #tpu.pipeline_mode<synchronous>, transform_indices = @transform_4, window_bounds = array<i64: 128, 256>}, {pipeline_mode = #tpu.pipeline_mode<synchronous>, transform_indices = @transform_5, window_bounds = array<i64: 1, 256>}, {pipeline_mode = #tpu.pipeline_mode<synchronous>, transform_indices = @transform_6, window_bounds = array<i64: 256, 128>}, {pipeline_mode = #tpu.pipeline_mode<synchronous>, transform_indices = @transform_7, window_bounds = array<i64: 1, 128>}, {transform_indices = @transform_8, window_bounds = array<i64: 1000, 128>}]} {
    %get3A = arith.constant 0 : index
    %get3A_0 = arith.constant 0 : index
    %get3A_1 = vector.load %arg2[%get3A, %get3A_0] : memref<1000x128xf32, #tpu.memory_space<vmem>>, vector<1000x128xf32>
    %get3A_2 = arith.constant 0 : index
    %get3A_3 = memref.load %arg1[%get3A_2] : memref<1xf32, #tpu.memory_space<smem>>
    %mul3A = vector.broadcast %get3A_3 : f32 to vector<1000x128xf32>
    %mul3A_4 = arith.mulf %get3A_1, %mul3A : vector<1000x128xf32>
    %get3A_5 = arith.constant 0 : index
    %get3A_6 = arith.constant 0 : index
    %get3A_7 = vector.load %arg3[%get3A_5, %get3A_6] : memref<1000x128xf32, #tpu.memory_space<vmem>>, vector<1000x128xf32>
    %add3A = arith.addf %mul3A_4, %get3A_7 : vector<1000x128xf32>
    %get3A_8 = arith.constant 0 : index
    %get3A_9 = arith.constant 0 : index
    %get3A_10 = vector.load %arg4[%get3A_8, %get3A_9] : memref<1000x128xf32, #tpu.memory_space<vmem>>, vector<1000x128xf32>
    %add3A_11 = arith.addf %add3A, %get3A_10 : vector<1000x128xf32>
    %get3A_12 = arith.constant 0 : index
    %get3A_13 = arith.constant 0 : index
    %get3A_14 = vector.load %arg5[%get3A_12, %get3A_13] : memref<128x256xf32, #tpu.memory_space<vmem>>, vector<128x256xf32>
    %dot_general3A = arith.constant dense<0.000000e+00> : vector<1000x256xf32>
    %dot_general3A_15 = tpu.matmul %add3A_11, %get3A_14, %dot_general3A {dimension_numbers = #tpu.dot_dimension_numbers<[1], [0], [0], [1], [0, 0, 1, 1], [], []>, transpose_lhs_hint = false} : vector<1000x128xf32>, vector<128x256xf32>, vector<1000x256xf32> -> vector<1000x256xf32>
    %get3A_16 = arith.constant 0 : index
    %get3A_17 = arith.constant 0 : index
    %get3A_18 = vector.load %arg6[%get3A_16, %get3A_17] : memref<1x256xf32, #tpu.memory_space<vmem>>, vector<1x256xf32>
    %add3A_19 = vector.broadcast %get3A_18 : vector<1x256xf32> to vector<1000x256xf32>
    %add3A_20 = arith.addf %dot_general3A_15, %add3A_19 : vector<1000x256xf32>
    %max3A = arith.constant 0.000000e+00 : f32
    %max3A_21 = vector.broadcast %max3A : f32 to vector<1000x256xf32>
    %max3A_22 = arith.maximumf %add3A_20, %max3A_21 : vector<1000x256xf32>
    %get3A_23 = arith.constant 0 : index
    %get3A_24 = arith.constant 0 : index
    %get3A_25 = vector.load %arg7[%get3A_23, %get3A_24] : memref<256x128xf32, #tpu.memory_space<vmem>>, vector<256x128xf32>
    %dot_general3A_26 = arith.constant dense<0.000000e+00> : vector<1000x128xf32>
    %dot_general3A_27 = tpu.matmul %max3A_22, %get3A_25, %dot_general3A_26 {dimension_numbers = #tpu.dot_dimension_numbers<[1], [0], [0], [1], [0, 0, 1, 1], [], []>, transpose_lhs_hint = false} : vector<1000x256xf32>, vector<256x128xf32>, vector<1000x128xf32> -> vector<1000x128xf32>
    %get3A_28 = arith.constant 0 : index
    %get3A_29 = arith.constant 0 : index
    %get3A_30 = vector.load %arg8[%get3A_28, %get3A_29] : memref<1x128xf32, #tpu.memory_space<vmem>>, vector<1x128xf32>
    %add3A_31 = vector.broadcast %get3A_30 : vector<1x128xf32> to vector<1000x128xf32>
    %add3A_32 = arith.addf %dot_general3A_27, %add3A_31 : vector<1000x128xf32>
    %max3A_33 = arith.constant 0.000000e+00 : f32
    %max3A_34 = vector.broadcast %max3A_33 : f32 to vector<1000x128xf32>
    %max3A_35 = arith.maximumf %add3A_32, %max3A_34 : vector<1000x128xf32>
    %swap3A = arith.constant 0 : index
    %swap3A_36 = arith.constant 0 : index
    %swap3A_37 = vector.load %arg9[%swap3A, %swap3A_36] : memref<1000x128xf32, #tpu.memory_space<vmem>>, vector<1000x128xf32>
    tpu.vector_store %arg9[%swap3A, %swap3A_36], %max3A_35 {strides = array<i32>} : memref<1000x128xf32, #tpu.memory_space<vmem>>, vector<1000x128xf32>,
    return
  }
  func.func @transform_0(%arg0: i32) -> i32 {
    %c0_i32 = arith.constant 0 : i32
    %c0_i32_0 = arith.constant 0 : i32
    return %c0_i32 : i32
  }
  func.func @transform_1(%arg0: i32) -> (i32, i32) {
    %c0_i32 = arith.constant 0 : i32
    %c0_i32_0 = arith.constant 0 : i32
    return %arg0, %c0_i32 : i32, i32
  }
  func.func @transform_2(%arg0: i32) -> (i32, i32) {
    %c0_i32 = arith.constant 0 : i32
    %c0_i32_0 = arith.constant 0 : i32
    return %arg0, %c0_i32 : i32, i32
  }
  func.func @transform_3(%arg0: i32) -> (i32, i32) {
    %c0_i32 = arith.constant 0 : i32
    %c0_i32_0 = arith.constant 0 : i32
    return %arg0, %c0_i32 : i32, i32
  }
  func.func @transform_4(%arg0: i32) -> (i32, i32) {
    %c0_i32 = arith.constant 0 : i32
    %c0_i32_0 = arith.constant 0 : i32
    %c0_i32_1 = arith.constant 0 : i32
    return %c0_i32, %c0_i32_0 : i32, i32
  }
  func.func @transform_5(%arg0: i32) -> (i32, i32) {
    %c0_i32 = arith.constant 0 : i32
    %c0_i32_0 = arith.constant 0 : i32
    %c0_i32_1 = arith.constant 0 : i32
    return %c0_i32, %c0_i32_0 : i32, i32
  }
  func.func @transform_6(%arg0: i32) -> (i32, i32) {
    %c0_i32 = arith.constant 0 : i32
    %c0_i32_0 = arith.constant 0 : i32
    %c0_i32_1 = arith.constant 0 : i32
    return %c0_i32, %c0_i32_0 : i32, i32
  }
  func.func @transform_7(%arg0: i32) -> (i32, i32) {
    %c0_i32 = arith.constant 0 : i32
    %c0_i32_0 = arith.constant 0 : i32
    %c0_i32_1 = arith.constant 0 : i32
    return %c0_i32, %c0_i32_0 : i32, i32
  }
  func.func @transform_8(%arg0: i32) -> (i32, i32) {
    %c0_i32 = arith.constant 0 : i32
    %c0_i32_0 = arith.constant 0 : i32
    return %arg0, %c0_i32 : i32, i32
  }
}

module attributes {stable_mosaic.version = 14 : i64} {
  func.func @_att_body(%arg0: i32, %arg1: memref<1xf32, #tpu.memory_space<smem>>, %arg2: memref<1000x128xf32, #tpu.memory_space<vmem>>, %arg3: memref<1000x128xf32, #tpu.memory_space<vmem>>, %arg4: memref<1000x128xf32, #tpu.memory_space<vmem>>, %arg5: memref<128x256xf32, #tpu.memory_space<vmem>>, %arg6: memref<1x256xf32, #tpu.memory_space<vmem>>, %arg7: memref<256x128xf32, #tpu.memory_space<vmem>>, %arg8: memref<1x128xf32, #tpu.memory_space<vmem>>, %arg9: memref<128x1xf32, #tpu.memory_space<vmem>>, %arg10: memref<1x1xf32, #tpu.memory_space<vmem>>, %arg11: memref<1000x1xf32, #tpu.memory_space<vmem>>) attributes {dimension_semantics = [#tpu.dimension_semantics<arbitrary>], iteration_bounds = array<i64: 10>, scalar_prefetch = 0 : i64, scratch_operands = 0 : i64, tpu.core_type = #tpu.core_type<tc>, window_params = [{transform_indices = @transform_0, window_bounds = array<i64: 1>}, {transform_indices = @transform_1, window_bounds = array<i64: 1000, 128>}, {transform_indices = @transform_2, window_bounds = array<i64: 1000, 128>}, {transform_indices = @transform_3, window_bounds = array<i64: 1000, 128>}, {pipeline_mode = #tpu.pipeline_mode<synchronous>, transform_indices = @transform_4, window_bounds = array<i64: 128, 256>}, {pipeline_mode = #tpu.pipeline_mode<synchronous>, transform_indices = @transform_5, window_bounds = array<i64: 1, 256>}, {pipeline_mode = #tpu.pipeline_mode<synchronous>, transform_indices = @transform_6, window_bounds = array<i64: 256, 128>}, {pipeline_mode = #tpu.pipeline_mode<synchronous>, transform_indices = @transform_7, window_bounds = array<i64: 1, 128>}, {pipeline_mode = #tpu.pipeline_mode<synchronous>, transform_indices = @transform_8, window_bounds = array<i64: 128, 1>}, {pipeline_mode = #tpu.pipeline_mode<synchronous>, transform_indices = @transform_9, window_bounds = array<i64: 1, 1>}, {transform_indices = @transform_10, window_bounds = array<i64: 1000, 1>}]} {
    %get3A = arith.constant 0 : index
    %get3A_0 = arith.constant 0 : index
    %get3A_1 = vector.load %arg2[%get3A, %get3A_0] : memref<1000x128xf32, #tpu.memory_space<vmem>>, vector<1000x128xf32>
    %get3A_2 = arith.constant 0 : index
    %get3A_3 = memref.load %arg1[%get3A_2] : memref<1xf32, #tpu.memory_space<smem>>
    %mul3A = vector.broadcast %get3A_3 : f32 to vector<1000x128xf32>
    %mul3A_4 = arith.mulf %get3A_1, %mul3A : vector<1000x128xf32>
    %get3A_5 = arith.constant 0 : index
    %get3A_6 = arith.constant 0 : index
    %get3A_7 = vector.load %arg3[%get3A_5, %get3A_6] : memref<1000x128xf32, #tpu.memory_space<vmem>>, vector<1000x128xf32>
    %add3A = arith.addf %mul3A_4, %get3A_7 : vector<1000x128xf32>
    %get3A_8 = arith.constant 0 : index
    %get3A_9 = arith.constant 0 : index
    %get3A_10 = vector.load %arg4[%get3A_8, %get3A_9] : memref<1000x128xf32, #tpu.memory_space<vmem>>, vector<1000x128xf32>
    %add3A_11 = arith.addf %add3A, %get3A_10 : vector<1000x128xf32>
    %get3A_12 = arith.constant 0 : index
    %get3A_13 = arith.constant 0 : index
    %get3A_14 = vector.load %arg5[%get3A_12, %get3A_13] : memref<128x256xf32, #tpu.memory_space<vmem>>, vector<128x256xf32>
    %dot_general3A = arith.constant dense<0.000000e+00> : vector<1000x256xf32>
    %dot_general3A_15 = tpu.matmul %add3A_11, %get3A_14, %dot_general3A {dimension_numbers = #tpu.dot_dimension_numbers<[1], [0], [0], [1], [0, 0, 1, 1], [], []>, transpose_lhs_hint = false} : vector<1000x128xf32>, vector<128x256xf32>, vector<1000x256xf32> -> vector<1000x256xf32>
    %get3A_16 = arith.constant 0 : index
    %get3A_17 = arith.constant 0 : index
    %get3A_18 = vector.load %arg6[%get3A_16, %get3A_17] : memref<1x256xf32, #tpu.memory_space<vmem>>, vector<1x256xf32>
    %add3A_19 = vector.broadcast %get3A_18 : vector<1x256xf32> to vector<1000x256xf32>
    %add3A_20 = arith.addf %dot_general3A_15, %add3A_19 : vector<1000x256xf32>
    %max3A = arith.constant 0.000000e+00 : f32
    %max3A_21 = vector.broadcast %max3A : f32 to vector<1000x256xf32>
    %max3A_22 = arith.maximumf %add3A_20, %max3A_21 : vector<1000x256xf32>
    %get3A_23 = arith.constant 0 : index
    %get3A_24 = arith.constant 0 : index
    %get3A_25 = vector.load %arg7[%get3A_23, %get3A_24] : memref<256x128xf32, #tpu.memory_space<vmem>>, vector<256x128xf32>
    %dot_general3A_26 = arith.constant dense<0.000000e+00> : vector<1000x128xf32>
    %dot_general3A_27 = tpu.matmul %max3A_22, %get3A_25, %dot_general3A_26 {dimension_numbers = #tpu.dot_dimension_numbers<[1], [0], [0], [1], [0, 0, 1, 1], [], []>, transpose_lhs_hint = false} : vector<1000x256xf32>, vector<256x128xf32>, vector<1000x128xf32> -> vector<1000x128xf32>
    %get3A_28 = arith.constant 0 : index
    %get3A_29 = arith.constant 0 : index
    %get3A_30 = vector.load %arg8[%get3A_28, %get3A_29] : memref<1x128xf32, #tpu.memory_space<vmem>>, vector<1x128xf32>
    %add3A_31 = vector.broadcast %get3A_30 : vector<1x128xf32> to vector<1000x128xf32>
    %add3A_32 = arith.addf %dot_general3A_27, %add3A_31 : vector<1000x128xf32>
    %get3A_33 = arith.constant 0 : index
    %get3A_34 = arith.constant 0 : index
    %get3A_35 = vector.load %arg9[%get3A_33, %get3A_34] : memref<128x1xf32, #tpu.memory_space<vmem>>, vector<128x1xf32>
    %dot_general3A_36 = arith.constant dense<0.000000e+00> : vector<1000x1xf32>
    %dot_general3A_37 = tpu.matmul %add3A_32, %get3A_35, %dot_general3A_36 {dimension_numbers = #tpu.dot_dimension_numbers<[1], [0], [0], [1], [0, 0, 1, 1], [], []>, transpose_lhs_hint = false} : vector<1000x128xf32>, vector<128x1xf32>, vector<1000x1xf32> -> vector<1000x1xf32>
    %get3A_38 = arith.constant 0 : index
    %get3A_39 = arith.constant 0 : index
    %get3A_40 = vector.load %arg10[%get3A_38, %get3A_39] : memref<1x1xf32, #tpu.memory_space<vmem>>, vector<1x1xf32>
    %add3A_41 = vector.broadcast %get3A_40 : vector<1x1xf32> to vector<1000x1xf32>
    %add3A_42 = arith.addf %dot_general3A_37, %add3A_41 : vector<1000x1xf32>
    %neg3A = arith.constant 0.000000e+00 : f32
    %neg3A_43 = vector.broadcast %neg3A : f32 to vector<1000x1xf32>
    %neg3A_44 = arith.subf %neg3A_43, %add3A_42 : vector<1000x1xf32>
    %exp3A = math.exp %neg3A_44 : vector<1000x1xf32>
    %add3A_45 = arith.constant 1.000000e+00 : f32
    %add3A_46 = vector.broadcast %add3A_45 : f32 to vector<1000x1xf32>
    %add3A_47 = arith.addf %add3A_46, %exp3A : vector<1000x1xf32>
    %div3A = arith.constant 1.000000e+00 : f32
    %div3A_48 = vector.broadcast %div3A : f32 to vector<1000x1xf32>
    %div3A_49 = arith.divf %div3A_48, %add3A_47 : vector<1000x1xf32>
    %swap3A = arith.constant 0 : index
    %swap3A_50 = arith.constant 0 : index
    %swap3A_51 = vector.load %arg11[%swap3A, %swap3A_50] : memref<1000x1xf32, #tpu.memory_space<vmem>>, vector<1000x1xf32>
    tpu.vector_store %arg11[%swap3A, %swap3A_50], %div3A_49 {strides = array<i32>} : memref<1000x1xf32, #tpu.memory_space<vmem>>, vector<1000x1xf32>,
    return
  }
  func.func @transform_0(%arg0: i32) -> i32 {
    %c0_i32 = arith.constant 0 : i32
    %c0_i32_0 = arith.constant 0 : i32
    return %c0_i32 : i32
  }
  func.func @transform_1(%arg0: i32) -> (i32, i32) {
    %c0_i32 = arith.constant 0 : i32
    %c0_i32_0 = arith.constant 0 : i32
    return %arg0, %c0_i32 : i32, i32
  }
  func.func @transform_2(%arg0: i32) -> (i32, i32) {
    %c0_i32 = arith.constant 0 : i32
    %c0_i32_0 = arith.constant 0 : i32
    return %arg0, %c0_i32 : i32, i32
  }
  func.func @transform_3(%arg0: i32) -> (i32, i32) {
    %c0_i32 = arith.constant 0 : i32
    %c0_i32_0 = arith.constant 0 : i32
    return %arg0, %c0_i32 : i32, i32
  }
  func.func @transform_4(%arg0: i32) -> (i32, i32) {
    %c0_i32 = arith.constant 0 : i32
    %c0_i32_0 = arith.constant 0 : i32
    %c0_i32_1 = arith.constant 0 : i32
    return %c0_i32, %c0_i32_0 : i32, i32
  }
  func.func @transform_5(%arg0: i32) -> (i32, i32) {
    %c0_i32 = arith.constant 0 : i32
    %c0_i32_0 = arith.constant 0 : i32
    %c0_i32_1 = arith.constant 0 : i32
    return %c0_i32, %c0_i32_0 : i32, i32
  }
  func.func @transform_6(%arg0: i32) -> (i32, i32) {
    %c0_i32 = arith.constant 0 : i32
    %c0_i32_0 = arith.constant 0 : i32
    %c0_i32_1 = arith.constant 0 : i32
    return %c0_i32, %c0_i32_0 : i32, i32
  }
  func.func @transform_7(%arg0: i32) -> (i32, i32) {
    %c0_i32 = arith.constant 0 : i32
    %c0_i32_0 = arith.constant 0 : i32
    %c0_i32_1 = arith.constant 0 : i32
    return %c0_i32, %c0_i32_0 : i32, i32
  }
  func.func @transform_8(%arg0: i32) -> (i32, i32) {
    %c0_i32 = arith.constant 0 : i32
    %c0_i32_0 = arith.constant 0 : i32
    %c0_i32_1 = arith.constant 0 : i32
    return %c0_i32, %c0_i32_0 : i32, i32
  }
  func.func @transform_9(%arg0: i32) -> (i32, i32) {
    %c0_i32 = arith.constant 0 : i32
    %c0_i32_0 = arith.constant 0 : i32
    %c0_i32_1 = arith.constant 0 : i32
    return %c0_i32, %c0_i32_0 : i32, i32
  }
  func.func @transform_10(%arg0: i32) -> (i32, i32) {
    %c0_i32 = arith.constant 0 : i32
    %c0_i32_0 = arith.constant 0 : i32
    return %arg0, %c0_i32 : i32, i32
  }
}

</mosaic_0001>

<sc_bundles>
// kernel: kernel.10.cloned.1.call-start
scs
__scs_entry_jumppad:
0x0: {  	(pc) =	sbr.rel $0x88, $3  }
0x1: {  	(tag) =	ssettag $0x0;
	lr =	simm.s32 $0x1  }
0x2: {  	[smem:$0x3F80] =	sst lr;
	_ =	strace $0xD0000000  }
0x3: {  	_ = 	snop  }
0x4: {  	_ = 	snop  }
0x5: {  	_ = 	snop  }
0x6: {  	_ = 	snop  }
0x7: {  	_ = 	snop  }
__scs_overlays_trampoline_lowered:
0x8: {  	[smem:$0x3F8F] =	sst s0  }
0x9: {  	[smem:$0x3F90] =	sst s1  }
0xa: {  	[smem:$0x3F91] =	sst s2  }
0xb: {  	[smem:$0x3F92] =	sst s3  }
0xc: {  	[smem:$0x3F93] =	sst s4  }
0xd: {  	[smem:$0x3F94] =	sst s5  }
0xe: {  	[smem:$0x3F95] =	sst s6  }
0xf: {  	[smem:$0x3F96] =	sst s7  }
0x10: {  	[smem:$0x3F97] =	sst s8  }
0x11: {  	[smem:$0x3F98] =	sst s9;
	s0 =	simm.s32 @!p0 $0x0  }
0x12: {  	s1 =	sld [smem:$0x3F7E];
	s0 =	simm.s32 @p0 $0x1  }
0x13: {  	[smem:$0x3F99] =	sst s0;
	s0 =	simm.s32 @!p1 $0x0  }
0x14: {  	s2 =	sld [smem:$0x3F7D];
	s0 =	simm.s32 @p1 $0x1  }
0x15: {  	[smem:$0x3F9A] =	sst s0;
	s0 =	simm.s32 @!p2 $0x0  }
0x16: {  	s3 =	sld [smem:$0x3FDB];
	s0 =	simm.s32 @p2 $0x1  }
0x17: {  	s4 =	simm.s32 $0x1BF5;
	[smem:$0x3F9C] =	sst s0  }
0x18: {  	s0 =	sld [smem:$0x3F7F];
	_ =	swait.ge [sflag:s4], $0x0  }
0x19: {  	s7 =	sld [smem:$0x3F80]  }
0x1a: {  	s8 =	sadd.s32 $0xFFFFE003, lr  }
0x1b: {  	s9 =	sadd.s32 $0xFFFFFEF7, lr;
	s5 =	simm.s32 $0xFFFFFFFF;
	p2 =	slt.u32 s8, $0xFFFFF086  }
0x1c: {  	p1 =	slt.u32 s9, $0xF7A;
	s5 =	simm.s32 @!p2 $0x0  }
0x1d: {  	s5 =	simm.s32 @p1 $0x1;
	p0 =	seq.s32 s7, s2  }
0x1e: {  	s7 =	smul.u32 @!p0 $0xF7A, s2;
	p2 =	seq.s32 @!p0 s5, $0x0  }
0x1f: {  	s9 =	smul.u32 $0xF7A, s1;
	s8 =	simm.s32 @!p0 $0x1BF5;
	p2 =	por !p2, p0  }
0x20: {  	[sflag:s8] =	ssyncset.s32 @!p0 $0xFFFFF086;
	s6 =	sadd.s32 @!p0 s3, s7;
	s7 =	simm.s32 @!p0 $0x108  }
0x21: {  	s3 =	sadd.s32 s3, s9;
	s6 =	sadd.s32 @!p0 $0x88, s6;
	s7 =	simm.s32 @p2 $0x1082  }
0x22: {  	[simem:s7], [sflag:s8] =	dma.local @!p0 [hbm:s6], $0xF7A  }
0x23: {  	s9 =	sor.u32 $0xD0000000, s2;
	s6 =	simm.s32 $0x108;
	_ =	swait.ge @!p0 [sflag:s8], $0x0  }
0x24: {  	s3 =	sadd.s32 $0x88, s3;
	s6 =	simm.s32 @!p1 $0x1082;
	[sflag:s4] =	ssyncset.s32 $0xFFFFF086  }
0x25: {  	[simem:s6], [sflag:s4] =	dma.local [hbm:s3], $0xF7A  }
0x26: {  	[smem:$0x3F80] =	sst s1;
	(tag) =	ssettag s2;
	_ =	strace s9  }
0x27: {  	s1 =	sld [smem:$0x3F90]  }
0x28: {  	s2 =	sld [smem:$0x3F91]  }
0x29: {  	s4 =	sld [smem:$0x3F93]  }
0x2a: {  	p0 =	seq.s32 s5, $0x0;
	s5 =	sld [smem:$0x3F94]  }
0x2b: {  	s6 =	sld [smem:$0x3F95]  }
0x2c: {  	s7 =	sld [smem:$0x3F96]  }
0x2d: {  	s3 =	simm.s32 $0x108;
	s8 =	sld [smem:$0x3F97]  }
0x2e: {  	s3 =	simm.s32 @!p0 $0x1082;
	s9 =	sld [smem:$0x3F98]  }
0x2f: {  	lr =	sadd.s32 s0, s3;
	s0 =	sld [smem:$0x3F8F]  }
0x30: {  	s3 =	sld [smem:$0x3F92]  }
0x31: {  	[smem:$0x3F9B] =	sst s10  }
0x32: {  	s10 =	sld [smem:$0x3F99];
	_ =	sdelay $0x3  }
0x33: {  	p0 =	seq.s32 s10, $0x1;
	s10 =	sld [smem:$0x3F9B];
	_ =	sdelay $0x3  }
0x34: {  	[smem:$0x3F9B] =	sst s10  }
0x35: {  	s10 =	sld [smem:$0x3F9A];
	_ =	sdelay $0x3  }
0x36: {  	p1 =	seq.s32 s10, $0x1;
	s10 =	sld [smem:$0x3F9B];
	_ =	sdelay $0x3  }
0x37: {  	[smem:$0x3F9B] =	sst s10  }
0x38: {  	s10 =	sld [smem:$0x3F9C]  }
0x39: {  	_ = 	snop;
	(pc) =	sbr.ind lr, $3  }
0x3a: {  	_ = 	snop  }
0x3b: {  	_ = 	snop  }
0x3c: {  	p2 =	seq.s32 s10, $0x1;
	s10 =	sld [smem:$0x3F9B]  }
0x3d: {  	_ =	shalt  }
0x3e: {  	_ =	shalt  }
0x3f: {  	_ =	shalt  }
0x40: {  	_ =	shalt  }
0x41: {  	_ =	shalt  }
0x42: {  	_ =	shalt  }
0x43: {  	_ =	shalt  }
0x44: {  	_ =	shalt  }
0x45: {  	_ =	shalt  }
0x46: {  	_ =	shalt  }
0x47: {  	_ =	shalt  }
0x48: {  	_ =	shalt  }
0x49: {  	_ =	shalt  }
0x4a: {  	_ =	shalt  }
0x4b: {  	_ =	shalt  }
0x4c: {  	_ =	shalt  }
0x4d: {  	_ =	shalt  }
0x4e: {  	_ =	shalt  }
0x4f: {  	_ =	shalt  }
0x50: {  	_ =	shalt  }
0x51: {  	_ =	shalt  }
0x52: {  	_ =	shalt  }
0x53: {  	_ =	shalt  }
0x54: {  	_ =	shalt  }
0x55: {  	_ =	shalt  }
0x56: {  	_ =	shalt  }
0x57: {  	_ =	shalt  }
0x58: {  	_ =	shalt  }
0x59: {  	_ =	shalt  }
0x5a: {  	_ =	shalt  }
0x5b: {  	_ =	shalt  }
0x5c: {  	_ =	shalt  }
0x5d: {  	_ =	shalt  }
0x5e: {  	_ =	shalt  }
0x5f: {  	_ =	shalt  }
0x60: {  	_ =	shalt  }
0x61: {  	_ =	shalt  }
0x62: {  	_ =	shalt  }
0x63: {  	_ =	shalt  }
0x64: {  	_ =	shalt  }
0x65: {  	_ =	shalt  }
0x66: {  	_ =	shalt  }
0x67: {  	_ =	shalt  }
0x68: {  	_ =	shalt  }
0x69: {  	_ =	shalt  }
0x6a: {  	_ =	shalt  }
0x6b: {  	_ =	shalt  }
0x6c: {  	_ =	shalt  }
0x6d: {  	_ =	shalt  }
0x6e: {  	_ =	shalt  }
0x6f: {  	_ =	shalt  }
0x70: {  	_ =	shalt  }
0x71: {  	_ =	shalt  }
0x72: {  	_ =	shalt  }
0x73: {  	_ =	shalt  }
0x74: {  	_ =	shalt  }
0x75: {  	_ =	shalt  }
0x76: {  	_ =	shalt  }
0x77: {  	_ =	shalt  }
0x78: {  	_ =	shalt  }
0x79: {  	_ =	shalt  }
0x7a: {  	_ =	shalt  }
0x7b: {  	_ =	shalt  }
0x7c: {  	_ =	shalt  }
0x7d: {  	_ =	shalt  }
0x7e: {  	_ =	shalt  }
0x7f: {  	_ =	shalt  }
0x80: {  	_ =	shalt  }
0x81: {  	_ =	shalt  }
0x82: {  	_ =	shalt  }
0x83: {  	_ =	shalt  }
0x84: {  	_ =	shalt  }
0x85: {  	_ =	shalt  }
0x86: {  	_ =	shalt  }
0x87: {  	_ =	shalt  }
.Lfunc_end0:
.L_simem_size_0:
called_computation_lowered:
.L_overlay_start_0:
0x88: {  	s2 =	sld [smem:$0x3FD9]  }
0x89: {  	s3 =	sld [smem:$0x3FFE];
	_ =	sdelay $0x1  }
0x8a: {  	s1 =	srdreg.scid  }
0x8b: {  	s0 =	sand.u32 $0x1, s1  }
0x8c: {  	s14 =	sshll.u32 s0, $0xA;
	s2 =	sadd.s32 s3, s2  }
0x8d: {  	s2 =	sadd.s32 s2, s14  }
0x8e: {  	[smem:$0x3FA7] =	sst s2  }
0x8f: {  	_ = 	snop  }
0x90: {  	s2 =	sld [smem:$0x3FD0];
	_ =	sdelay $0x2  }
0x91: {  	s15 =	simm.s32 $0xA;
	s4 =	simm.s32 $0x10  }
0x92: {  	[smem:s4], [sflag:s15] =	dma.local [hbm:s2], $0x1  }
0x93: {  	_ =	swait.eq [sflag:s15], $0x1  }
0x94: {  	[sflag:s15] =	ssyncset.done $0x0  }
0x95: {  	[sflag:s15] =	ssyncadd.s32 $0xFFFFFFFF  }
0x96: {  	s16 =	sld [smem:$0x11];
	(tm) =	ssettm $0x1  }
0x97: {  	s17 =	sld [smem:$0x3FFB];
	_ =	sdelay $0x3  }
0x98: {  	_ =	strace s17  }
0x99: {  	s3 =	sld [smem:$0x3FFC];
	_ =	sdelay $0x3  }
0x9a: {  	_ =	strace s3  }
0x9b: {  	s3 =	sld [smem:$0x3FFD];
	_ =	sdelay $0x3  }
0x9c: {  	_ =	strace s3  }
0x9d: {  	_ =	strace $0x8FFFFFFF  }
0x9e: {  	s18 =	sld [smem:$0x3FDB];
	_ =	sdelay $0x1  }
0x9f: {  	s19 =	simm.s32 $_scs_section_size  }
0xa0: {  	s5 =	simm.s32 $_size__tile_overlayer_lowered;
	s6 =	simm.s32 $_tile_overlayer_lowered  }
0xa1: {  	s22 =	simm.s32 $0x1BFF;
	s21 =	sshll.u32 s6, $0x1;
	s3 =	sadd.s32 s19, s18  }
0xa2: {  	s7 =	simm.s32 $0x0;
	s20 =	sshll.u32 s5, $0x1;
	s5 =	sadd.s32 s21, s3  }
0xa3: {  	[timem:s7], [sflag:s22] =	dma.local [hbm:s5], s20  }
0xa4: {  	_ =	swait.ge [sflag:s22], s20  }
0xa5: {  	s4 =	ssub.s32 $0x0, s20;
	[sflag:s22] =	ssyncset.done $0x0  }
0xa6: {  	[sflag:s22] =	ssyncadd.s32 s4;
	_ =	sdelay $0x1  }
0xa7: {  	s23 =	simm.s32 $0x1B8B  }
0xa8: {  	_ =	swait.ge [sflag:s23], $0x1  }
0xa9: {  	[sflag:s23] =	ssyncset.done $0x0  }
0xaa: {  	s25 =	simm.s32 $0x1B8E;
	s24 =	sld [smem:$0x3FFE];
	[sflag:s23] =	ssyncadd.s32 $0xFFFFFFFF  }
0xab: {  	s26 =	simm.s32 $execute0_lowered;
	[smem:$0x3FD2] =	sst s25  }
0xac: {  	s5 =	sshll.u32 s26, $0x1;
	_ =	strace $0x80000046;
	[dreg:$0x1] =	wrdreg $0xFFFFFFFF  }
0xad: {  	s28 =	simm.s32 $_size_execute0_lowered;
	s3 =	sadd.s32 s3, s5;
	[dreg:$0x0] =	wrdreg $0x0  }
0xae: {  	s5 =	sshll.u32 s28, $0x1;
	[dreg:$0x2] =	wrdreg s3  }
0xaf: {  	[dreg:$0x3] =	wrdreg s5  }
0xb0: {  	[dreg:$0x4] =	wrdreg $0xC0  }
0xb1: {  	_ =	task [dreg:s7], $0x5FFFF  }
0xb2: {  	[dreg:$0x1] =	wrdreg $0xFFFFFFFF  }
0xb3: {  	[dreg:$0x0] =	wrdreg $0x60  }
0xb4: {  	[dreg:$0x2] =	wrdreg s24  }
0xb5: {  	[dreg:$0x3] =	wrdreg s16  }
0xb6: {  	[dreg:$0x4] =	wrdreg $0x53000  }
0xb7: {  	[dreg:$0x5] =	wrdreg $0x9  }
0xb8: {  	_ =	task.clear_ibuf [dreg:s7], $0x6FFFF;
	_ =	strace $0x90000046  }
0xb9: {  	s29 =	simm.s32 $0x9;
	_ =	strace $0x80000048  }
0xba: {  	_ =	swait.ge [sflag:s29], $0x1  }
0xbb: {  	[sflag:s29] =	ssyncadd.s32 $0xFFFFFFFF  }
0xbc: {  	_ =	strace $0x90000048  }
0xbd: {  	_ =	sfence  }
0xbe: {  	s30 =	sld [smem:$0x0];
	_ =	sdelay $0x2  }
0xbf: {  	s31 =	sshll.u32 s1, $0xD;
	s1 =	sshrl.u32 s1, $0x2  }
0xc0: {  	s3 =	sand.u32 $0x4000, s31;
	s1 =	sadd.s32 s1, s30  }
0xc1: {  	s0 =	sor.u32 s3, s0;
	s1 =	sshll.u32 s1, $0x11  }
0xc2: {  	s0 =	sor.u32 s1, s0  }
0xc3: {  	s0 =	sadd.s32 $0x8F2B, s0  }
0xc4: {  	[sflag:s0] =	ssyncadd.remote.s32 $0x1  }
0xc5: {  	_ =	sfence.sel $0xFFFF  }
0xc6: {  	[dreg:$0x0] =	wrdreg $0xFFFFFFFF;
	(pc) =	sbr.abs _section_cstart, $3  }
0xc7: {  	[dreg:$0x1] =	wrdreg $0xFFFFFFFF  }
0xc8: {  	_ =	task.clear_ibuf [dreg:s7], $0x2FFFF;
	_ =	strace $0x9FFFFFFF  }
0xc9: {  	(tm) =	ssettm $0x7FFFFFFF  }
tec
execute0_lowered:
.L_overlay_start_1:
0x0: {  	(tag) =	ssettag $0x1  }
0x1: {  	s0 =	rddreg [dreg:$0x0]  }
0x2: {  	s2 =	rddreg [dreg:$0x2]  }
0x3: {  	s1 =	srdreg.scid;
	s4 =	simm.s32 $0x0;
	s11 =	stileid.u32  }
0x4: {  	s28 =	simm.s32 $0x5180;
	s29 =	simm.s32 $0x5280;
	s30 =	simm.s32 $0x1  }
0x5: {  	s31 =	simm.s32 $0x4;
	s1 =	sand.u32 $0x1, s1;
	[smem:$0x7FF] =	sst s4  }
0x6: {  	s8 =	smul.u32 $0x13C00, s11;
	s5 =	sadd.s32 $0x4AA00, s0;
	s6 =	sadd.s32 $0x1AA00, s0  }
0x7: {  	s7 =	sadd.s32 $0x2AA00, s0;
	s10 =	smul.u32 $0x4F000, s11;
	s19 =	sshll.u32 s11, $0xE  }
0x8: {  	s11 =	sshll.u32 s11, $0x6;
	s3 =	smul.u32 $0x13C000, s1;
	s9 =	ssub.s32 $0x2, s1  }
0x9: {  	_ =	strace $0x80000047;
	s1 =	sshll.u32 s1, $0x12;
	s18 =	sshrl.u32 s9, $0x1  }
0xa: {  	s10 =	sshrl.u32 s10, $0x2;
	s3 =	sadd.s32 s8, s3;
	s8 =	sadd.s32 $0x3AA00, s0  }
0xb: {  	s20 =	sadd.s32 s10, s2;
	s10 =	sor.u32 $0x1C05, s11;
	s3 =	sshrl.u32 s3, $0x3  }
0xc: {  	s0 =	sadd.s32 s3, s0;
	s3 =	ssub.s32 s9, s18;
	s9 =	sor.u32 s19, s1  }
0xd: {  	s19 =	sshrl.u32 s20, $0x3;
	s20 =	simm.s32 $0x5;
	s21 =	sshrl.u32 s9, $0x3  }
0xe: {  	s1 =	simm.s32 $0x0;
	s17 =	sadd.s32 $0x71C00, s0;
	s12 =	sadd.s32 s6, s21  }
0xf: {  	s18 =	smax.u32 s3, $0x1;
	s22 =	sadd.s32 s7, s21;
	[dreg:$0x4] =	wrdreg s12  }
0x10: {  	s23 =	sor.u32 $0x10, s21;
	s11 =	sadd.s32 s8, s21;
	[dreg:$0x5] =	wrdreg s22  }
.Ltmp0:
0x11: {  	[dreg:$0x6] =	wrdreg s11;
	s24 =	sadd.s32 s6, s23;
	(pc) =	sbr.rel .LBB2_1-.Ltmp0, $4  }
0x12: {  	s0 =	simm.s32 $0x2800;
	s25 =	sadd.s32 s7, s23;
	[dreg:$0x7] =	wrdreg s24  }
0x13: {  	s3 =	simm.s32 $0x2;
	s26 =	sadd.s32 s8, s23;
	[dreg:$0x8] =	wrdreg s25  }
0x14: {  	s22 =	simm.s32 $0x5100;
	s23 =	simm.s32 $0x5200;
	[dreg:$0x9] =	wrdreg s26  }
0x15: {  	s24 =	simm.s32 $0x3;
	s25 =	simm.s32 $0x50;
	s26 =	simm.s32 $0x5080  }
.LBB2_8:
0x16: {  	[spmem:s2] =	stream.indirect.scatter.add.f32 [tilespmem:s0], [sflag:$0x5], $0x80, s28, s25, $0xb8;
	[tilespmem:$0x18F00] =	vst v63  }
0x17: {  	_ =	swait.ge [sflag:s20], $0x2800  }
0x18: {  	s1 =	sadd.s32 $0x1, s1;
	[sflag:s20] =	ssyncset.done $0x0  }
0x19: {  	p0 =	sne.s32 s1, s18;
	[sflag:s20] =	ssyncadd.s32 $0xFFFFD800  }
.Ltmp1:
0x1a: {  	[bflag:$0x0] =	sbarrier.arrive $0xFFFF;
	(pc) =	sbr.rel @!p0 .LBB2_9-.Ltmp1, $4  }
0x1b: {  	[hbm:s17], [sflag:s10] =	dma.local [spmem:s19], $0x2780  }
0x1c: {  	_ =	swait.ge [sflag:s20], $0x2780  }
0x1d: {  	[sflag:s20] =	ssyncset.done $0x0  }
0x1e: {  	[sflag:s20] =	ssyncadd.s32 $0xFFFFD880  }
.LBB2_1:
0x1f: {  	s11 =	rddreg [dreg:$0x1]  }
0x20: {  	[spmem:s19], [sflag:s10] =	dma.local [hbm:s11], $0x2780  }
0x21: {  	_ =	swait.ge [sflag:s20], $0x2780  }
0x22: {  	[sflag:s20] =	ssyncset.done $0x0  }
0x23: {  	[sflag:s20] =	ssyncadd.s32 $0xFFFFD880  }
0x24: {  	[bflag:$0x0] =	sbarrier.arrive $0xFFFF  }
0x25: {  	s12 =	simm.s32 $0x5000;
	s21 =	rddreg [dreg:$0x4]  }
0x26: {  	[tilespmem:s12], [sflag:$0x3] =	stream.linear.gather [hbm4b:s21+s4], $0x80, $0x38;
	[tilespmem:$0x18F00] =	vst v63  }
0x27: {  	s13 =	rddreg [dreg:$0x5]  }
0x28: {  	[tilespmem:s22], [sflag:$0x3] =	stream.linear.gather [hbm4b:s13+s4], $0x80, $0x38;
	[tilespmem:$0x18F00] =	vst v63  }
0x29: {  	s14 =	rddreg [dreg:$0x6]  }
0x2a: {  	[tilespmem:s23], [sflag:$0x3] =	stream.linear.gather [hbm4b:s14+s4], $0x80, $0x38;
	[tilespmem:$0x18F00] =	vst v63  }
0x2b: {  	_ =	swait.ge [sflag:s24], $0x80  }
0x2c: {  	[sflag:s24] =	ssyncset.done $0x0  }
0x2d: {  	[sflag:s24] =	ssyncadd.s32 $0xFFFFFF80  }
0x2e: {  	_ =	swait.ge [sflag:s24], $0x80  }
0x2f: {  	[sflag:s24] =	ssyncset.done $0x0  }
0x30: {  	[sflag:s24] =	ssyncadd.s32 $0xFFFFFF80  }
0x31: {  	_ =	swait.ge [sflag:s24], $0x80  }
0x32: {  	[sflag:s24] =	ssyncset.done $0x0  }
0x33: {  	[sflag:s24] =	ssyncadd.s32 $0xFFFFFF80  }
0x34: {  	[tilespmem:s4], [sflag:$0x1] =	stream.indirect.gather [hbm4b:s5+s25], $0x80, s12, s25, $0xb8;
	[tilespmem:$0x18F00] =	vst v63  }
0x35: {  	s15 =	rddreg [dreg:$0x7]  }
0x36: {  	[tilespmem:s26], [sflag:$0x4] =	stream.linear.gather [hbm4b:s15+s4], $0x80, $0x38;
	[tilespmem:$0x18F00] =	vst v63  }
0x37: {  	s16 =	rddreg [dreg:$0x8]  }
0x38: {  	[tilespmem:s28], [sflag:$0x4] =	stream.linear.gather [hbm4b:s16+s4], $0x80, $0x38;
	[tilespmem:$0x18F00] =	vst v63  }
0x39: {  	s21 =	rddreg [dreg:$0x9]  }
0x3a: {  	[tilespmem:s29], [sflag:$0x4] =	stream.linear.gather [hbm4b:s21+s4], $0x80, $0x38;
	[tilespmem:$0x18F00] =	vst v63  }
0x3b: {  	_ =	swait.ge [sflag:s30], $0x2800  }
0x3c: {  	[sflag:s30] =	ssyncset.done $0x0  }
0x3d: {  	s21 =	simm.s32 $0x0;
	[sflag:s30] =	ssyncadd.s32 $0xFFFFD800  }
.LBB2_2:
0x3e: {  	_ =	swait.ge [sflag:s31], $0x80  }
0x3f: {  	[sflag:s31] =	ssyncset.done $0x0  }
0x40: {  	s11 =	simm.s32 $0x0;
	[sflag:s31] =	ssyncadd.s32 $0xFFFFFF80  }
0x41: {  	s12 =	simm.s32 $0x1;
	v0 =	vmov s11;
	_ =	swait.ge [sflag:s31], $0x80  }
0x42: {  	s16 =	simm.s32 $0x3;
	v2 =	vmov s12;
	v0 =	vand.u32 $0xFFFFFFFC, v0;
	[sflag:s31] =	ssyncset.done $0x0  }
0x43: {  	s13 =	simm.s32 $0x2;
	v1 =	vmov s16;
	v3 =	vbroadcast v0, $0x0;
	v0 =	vand.u32 $0xFFFFFFFD, v2;
	[sflag:s31] =	ssyncadd.s32 $0xFFFFFF80  }
0x44: {  	v2 =	vmov s13;
	v4 =	vbroadcast v0, $0x0;
	_ =	swait.ge [sflag:s31], $0x80  }
0x45: {  	v0 =	vand.u32 $0xFFFFFFFE, v2;
	[sflag:s31] =	ssyncset.done $0x0  }
0x46: {  	v2 =	vbroadcast v0, $0x0;
	[sflag:s31] =	ssyncadd.s32 $0xFFFFFF80  }
0x47: {  	[tilespmem:s0], [sflag:$0x2] =	stream.indirect.gather [hbm4b:s5+s25], $0x80, s26, s25, $0xb8;
	[tilespmem:$0x18F00] =	vst v63  }
0x48: {  	v0 =	vld.idx.msk [tilespmem:v1+s23+$0x0], $0xffff  }
0x49: {  	v3 =	vld.idx.msk [tilespmem:v3+s23+$0x0], $0xffff  }
0x4a: {  	s11 =	simm.s32 $0x100;
	v4 =	vld.idx.msk [tilespmem:v4+s23+$0x0], $0xffff  }
0x4b: {  	v5 =	vld [tilespmem:s11+$0xFFFFFF00]  }
0x4c: {  	v1 =	vld.idx.msk [tilespmem:v2+s23+$0x0], $0xffff  }
0x4d: {  	v2 =	vld [tilespmem:s11+$0x70]  }
0x4e: {  	v6 =	vld [tilespmem:s11+$0xFFFFFF10]  }
0x4f: {  	v7 =	vld [tilespmem:s11+$0xFFFFFF20]  }
0x50: {  	v8 =	vld [tilespmem:s11+$0xFFFFFF30]  }
0x51: {  	v9 =	vld [tilespmem:s11+$0xFFFFFF40];
	v5 =	vmul.f32 v5, v3  }
0x52: {  	v10 =	vld [tilespmem:s11+$0xFFFFFF50];
	v2 =	vmul.f32 v2, v1  }
0x53: {  	v11 =	vld [tilespmem:s11+$0xFFFFFF60];
	v6 =	vmul.f32 v6, v3;
	v5 =	vmax.f32 v5, $0.0e+00  }
0x54: {  	v12 =	vld [tilespmem:s11+$0xFFFFFF70];
	v7 =	vmul.f32 v7, v3;
	v2 =	vmax.f32 v2, $0.0e+00;
	[tilespmem:s11+$0xFFFFFF00] =	vst v5  }
0x55: {  	v5 =	vmul.f32 v8, v3;
	[tilespmem:s11+$0x70] =	vst v2;
	v2 =	vmax.f32 v6, $0.0e+00;
	v6 =	vld [tilespmem:s11+$0xFFFFFF80]  }
0x56: {  	v8 =	vld [tilespmem:s11+$0xFFFFFF90];
	[tilespmem:s11+$0xFFFFFF10] =	vst v2;
	v2 =	vmax.f32 v7, $0.0e+00;
	v7 =	vmul.f32 v9, v3  }
0x57: {  	v9 =	vld [tilespmem:s11+$0xFFFFFFA0];
	[tilespmem:s11+$0xFFFFFF20] =	vst v2;
	v2 =	vmax.f32 v5, $0.0e+00;
	v5 =	vmul.f32 v10, v3  }
0x58: {  	v10 =	vld [tilespmem:s11+$0xFFFFFFB0];
	[tilespmem:s11+$0xFFFFFF30] =	vst v2;
	v2 =	vmax.f32 v7, $0.0e+00;
	v7 =	vmul.f32 v11, v3  }
0x59: {  	v3 =	vmul.f32 v12, v3;
	[tilespmem:s11+$0xFFFFFF40] =	vst v2;
	v2 =	vmax.f32 v5, $0.0e+00;
	v5 =	vld [tilespmem:s11+$0xFFFFFFC0]  }
0x5a: {  	[tilespmem:s11+$0xFFFFFF50] =	vst v2;
	v2 =	vmax.f32 v7, $0.0e+00;
	v6 =	vmul.f32 v6, v4;
	v7 =	vld [tilespmem:s11+$0xFFFFFFD0]  }
0x5b: {  	[tilespmem:s11+$0xFFFFFF60] =	vst v2;
	v2 =	vmax.f32 v3, $0.0e+00;
	v3 =	vmul.f32 v8, v4;
	v8 =	vld [tilespmem:s11+$0xFFFFFFE0]  }
0x5c: {  	[tilespmem:s11+$0xFFFFFF70] =	vst v2;
	v2 =	vmax.f32 v6, $0.0e+00;
	v6 =	vmul.f32 v9, v4;
	v9 =	vld [tilespmem:s11+$0xFFFFFFF0]  }
0x5d: {  	[tilespmem:s11+$0xFFFFFF80] =	vst v2;
	v2 =	vmax.f32 v3, $0.0e+00;
	v3 =	vmul.f32 v10, v4;
	v10 =	vld [tilespmem:s11+$0x0]  }
0x5e: {  	[tilespmem:s11+$0xFFFFFF90] =	vst v2;
	v2 =	vmax.f32 v6, $0.0e+00;
	v5 =	vmul.f32 v5, v4;
	v6 =	vld [tilespmem:s11+$0x10]  }
0x5f: {  	s14 =	simm.s32 $0x4;
	[tilespmem:s11+$0xFFFFFFA0] =	vst v2;
	v2 =	vmax.f32 v3, $0.0e+00;
	v3 =	vmul.f32 v7, v4;
	v7 =	vld [tilespmem:s11+$0x20]  }
0x60: {  	v11 =	vmov s14;
	v12 =	vld [tilespmem:s11+$0x30];
	[tilespmem:s11+$0xFFFFFFB0] =	vst v2;
	v5 =	vmax.f32 v5, $0.0e+00;
	v8 =	vmul.f32 v8, v4  }
0x61: {  	s15 =	simm.s32 $0x7;
	v11 =	vand.u32 $0xFFFFFFFC, v11;
	[tilespmem:s11+$0xFFFFFFC0] =	vst v5;
	v3 =	vmax.f32 v3, $0.0e+00;
	v4 =	vmul.f32 v9, v4;
	v9 =	vld [tilespmem:s11+$0x40]  }
0x62: {  	s16 =	simm.s32 $0x5;
	v2 =	vmov s15;
	v5 =	vld [tilespmem:s11+$0x50];
	[tilespmem:s11+$0xFFFFFFD0] =	vst v3;
	v3 =	vmax.f32 v8, $0.0e+00;
	v8 =	vmul.f32 v10, v1  }
0x63: {  	v10 =	vmov s16;
	[tilespmem:s11+$0xFFFFFFE0] =	vst v3;
	v4 =	vmax.f32 v4, $0.0e+00;
	v13 =	vmul.f32 v6, v1;
	v6 =	vld [tilespmem:s11+$0x60]  }
0x64: {  	v3 =	vbroadcast v11, $0x0;
	[tilespmem:s11+$0xFFFFFFF0] =	vst v4;
	v4 =	vmax.f32 v8, $0.0e+00;
	v11 =	vmul.f32 v7, v1;
	v7 =	vld [tilespmem:s11+$0x80]  }
0x65: {  	v14 =	vand.u32 $0xFFFFFFFD, v10;
	v10 =	vmul.f32 v12, v1;
	v8 =	vld [tilespmem:s11+$0x90];
	[tilespmem:s11+$0x0] =	vst v4;
	v13 =	vmax.f32 v13, $0.0e+00  }
0x66: {  	s12 =	simm.s32 $0x100;
	s13 =	simm.s32 $0x8;
	s14 =	simm.s32 $0x6;
	v4 =	vbroadcast v14, $0x0;
	[tilespmem:s11+$0x10] =	vst v13;
	v12 =	vmax.f32 v11, $0.0e+00;
	v11 =	vmul.f32 v9, v1;
	v9 =	vld [tilespmem:s11+$0xA0]  }
.LBB2_3:
0x67: {  	p0 =	slt.u32 s13, $0x4C;
	v13 =	vmov s14;
	[tilespmem:s11+$0x20] =	vst v12;
	v10 =	vmax.f32 v10, $0.0e+00;
	v5 =	vmul.f32 v5, v1;
	v12 =	vld [tilespmem:s11+$0xB0]  }
0x68: {  	v13 =	vand.u32 $0xFFFFFFFE, v13;
	[tilespmem:s11+$0x30] =	vst v10;
	v10 =	vmax.f32 v11, $0.0e+00;
	v1 =	vmul.f32 v6, v1;
	v6 =	vld [tilespmem:s11+$0xC0]  }
0x69: {  	v11 =	vbroadcast v13, $0x0;
	[tilespmem:s11+$0x40] =	vst v10;
	v5 =	vmax.f32 v5, $0.0e+00;
	v7 =	vmul.f32 v7, v0;
	v10 =	vld [tilespmem:s11+$0xD0]  }
0x6a: {  	[tilespmem:s11+$0x50] =	vst v5;
	v1 =	vmax.f32 v1, $0.0e+00;
	v5 =	vmul.f32 v8, v0;
	v8 =	vld [tilespmem:s11+$0xE0]  }
0x6b: {  	[tilespmem:s11+$0x60] =	vst v1;
	v1 =	vmax.f32 v7, $0.0e+00;
	v7 =	vmul.f32 v9, v0;
	v9 =	vld [tilespmem:s11+$0xF0]  }
0x6c: {  	v2 =	vld.idx.msk [tilespmem:v2+s23+$0x0], $0xffff;
	[tilespmem:s11+$0x80] =	vst v1;
	v1 =	vmax.f32 v5, $0.0e+00;
	v5 =	vmul.f32 v12, v0  }
0x6d: {  	v3 =	vld.idx.msk [tilespmem:v3+s23+$0x0], $0xffff;
	[tilespmem:s11+$0x90] =	vst v1;
	v1 =	vmax.f32 v7, $0.0e+00;
	v6 =	vmul.f32 v6, v0  }
0x6e: {  	v4 =	vld.idx.msk [tilespmem:v4+s23+$0x0], $0xffff;
	[tilespmem:s11+$0xA0] =	vst v1;
	v5 =	vmax.f32 v5, $0.0e+00;
	v7 =	vmul.f32 v10, v0  }
0x6f: {  	s11 =	sadd.s32 $0x200, s11;
	v1 =	vld.idx.msk [tilespmem:v11+s23+$0x0], $0xffff;
	[tilespmem:s12+$0xB0] =	vst v5;
	v5 =	vmax.f32 v6, $0.0e+00;
	v6 =	vmul.f32 v8, v0  }
0x70: {  	v8 =	vld [tilespmem:s11+$0x70];
	[tilespmem:s12+$0xC0] =	vst v5;
	v5 =	vmax.f32 v7, $0.0e+00;
	v9 =	vmul.f32 v9, v0  }
0x71: {  	v7 =	vld [tilespmem:s11+$0xFFFFFF00];
	[tilespmem:s12+$0xD0] =	vst v5;
	v5 =	vmax.f32 v6, $0.0e+00  }
0x72: {  	v0 =	vmov v2;
	v6 =	vld [tilespmem:s11+$0xFFFFFF10];
	[tilespmem:s12+$0xE0] =	vst v5;
	v5 =	vmax.f32 v9, $0.0e+00  }
0x73: {  	v2 =	vld [tilespmem:s11+$0xFFFFFF20];
	[tilespmem:s12+$0xF0] =	vst v5;
	s12 =	smov.u32 s11  }
0x74: {  	v5 =	vld [tilespmem:s11+$0xFFFFFF30]  }
0x75: {  	v9 =	vld [tilespmem:s11+$0xFFFFFF40];
	v8 =	vmul.f32 v8, v1  }
0x76: {  	v7 =	vmul.f32 v7, v3;
	v10 =	vld [tilespmem:s11+$0xFFFFFF50]  }
0x77: {  	v6 =	vmul.f32 v6, v3;
	v11 =	vld [tilespmem:s11+$0xFFFFFF60];
	v8 =	vmax.f32 v8, $0.0e+00  }
0x78: {  	v7 =	vmax.f32 v7, $0.0e+00;
	v2 =	vmul.f32 v2, v3;
	v12 =	vld [tilespmem:s11+$0xFFFFFF70];
	[tilespmem:s11+$0x70] =	vst v8  }
0x79: {  	[tilespmem:s11+$0xFFFFFF00] =	vst v7;
	v6 =	vmax.f32 v6, $0.0e+00;
	v5 =	vmul.f32 v5, v3;
	v7 =	vld [tilespmem:s11+$0xFFFFFF80]  }
0x7a: {  	[tilespmem:s11+$0xFFFFFF10] =	vst v6;
	v2 =	vmax.f32 v2, $0.0e+00;
	v6 =	vmul.f32 v9, v3;
	v8 =	vld [tilespmem:s11+$0xFFFFFF90]  }
0x7b: {  	[tilespmem:s11+$0xFFFFFF20] =	vst v2;
	v2 =	vmax.f32 v5, $0.0e+00;
	v5 =	vmul.f32 v10, v3;
	v9 =	vld [tilespmem:s11+$0xFFFFFFA0]  }
0x7c: {  	[tilespmem:s11+$0xFFFFFF30] =	vst v2;
	v2 =	vmax.f32 v6, $0.0e+00;
	v6 =	vmul.f32 v11, v3;
	v10 =	vld [tilespmem:s11+$0xFFFFFFB0]  }
0x7d: {  	[tilespmem:s11+$0xFFFFFF40] =	vst v2;
	v2 =	vmax.f32 v5, $0.0e+00;
	v3 =	vmul.f32 v12, v3;
	v5 =	vld [tilespmem:s11+$0xFFFFFFC0]  }
0x7e: {  	[tilespmem:s11+$0xFFFFFF50] =	vst v2;
	v2 =	vmax.f32 v6, $0.0e+00;
	v6 =	vmul.f32 v7, v4;
	v7 =	vld [tilespmem:s11+$0xFFFFFFD0]  }
0x7f: {  	[tilespmem:s11+$0xFFFFFF60] =	vst v2;
	v2 =	vmax.f32 v3, $0.0e+00;
	v3 =	vmul.f32 v8, v4;
	v8 =	vld [tilespmem:s11+$0xFFFFFFE0]  }
0x80: {  	[tilespmem:s11+$0xFFFFFF70] =	vst v2;
	v2 =	vmax.f32 v6, $0.0e+00;
	v6 =	vmul.f32 v9, v4;
	v9 =	vld [tilespmem:s11+$0xFFFFFFF0]  }
0x81: {  	[tilespmem:s11+$0xFFFFFF80] =	vst v2;
	v2 =	vmax.f32 v3, $0.0e+00;
	v3 =	vmul.f32 v10, v4;
	v10 =	vld [tilespmem:s11+$0x0]  }
0x82: {  	[tilespmem:s11+$0xFFFFFF90] =	vst v2;
	v2 =	vmax.f32 v6, $0.0e+00;
	v5 =	vmul.f32 v5, v4;
	v6 =	vld [tilespmem:s11+$0x10]  }
0x83: {  	[tilespmem:s11+$0xFFFFFFA0] =	vst v2;
	v2 =	vmax.f32 v3, $0.0e+00;
	v3 =	vmul.f32 v7, v4;
	v7 =	vld [tilespmem:s11+$0x20]  }
0x84: {  	s14 =	sadd.s32 $0x3, s13;
	v11 =	vmov s13;
	[tilespmem:s11+$0xFFFFFFB0] =	vst v2;
	v5 =	vmax.f32 v5, $0.0e+00;
	v8 =	vmul.f32 v8, v4;
	v12 =	vld [tilespmem:s11+$0x30]  }
0x85: {  	v2 =	vmov s14;
	[tilespmem:s11+$0xFFFFFFC0] =	vst v5;
	v3 =	vmax.f32 v3, $0.0e+00;
	v4 =	vmul.f32 v9, v4;
	v9 =	vld [tilespmem:s11+$0x40]  }
.Ltmp2:
0x86: {  	v11 =	vand.u32 $0xFFFFFFFC, v11;
	s14 =	sadd.s32 $0x1, s13;
	[tilespmem:s11+$0xFFFFFFD0] =	vst v3;
	v3 =	vmax.f32 v8, $0.0e+00;
	v8 =	vmul.f32 v10, v1;
	v5 =	vld [tilespmem:s11+$0x50];
	(pc) =	sbr.rel @p0 .LBB2_3-.Ltmp2, $4  }
0x87: {  	v10 =	vmov s14;
	[tilespmem:s11+$0xFFFFFFE0] =	vst v3;
	v4 =	vmax.f32 v4, $0.0e+00;
	v13 =	vmul.f32 v6, v1;
	v6 =	vld [tilespmem:s11+$0x60]  }
0x88: {  	v3 =	vbroadcast v11, $0x0;
	[tilespmem:s11+$0xFFFFFFF0] =	vst v4;
	v4 =	vmax.f32 v8, $0.0e+00;
	v11 =	vmul.f32 v7, v1;
	v7 =	vld [tilespmem:s11+$0x80]  }
0x89: {  	v14 =	vand.u32 $0xFFFFFFFD, v10;
	[tilespmem:s11+$0x0] =	vst v4;
	v13 =	vmax.f32 v13, $0.0e+00;
	v10 =	vmul.f32 v12, v1;
	v8 =	vld [tilespmem:s11+$0x90]  }
0x8a: {  	s14 =	sadd.s32 $0x2, s13;
	s13 =	sadd.s32 $0x4, s13;
	v4 =	vbroadcast v14, $0x0;
	[tilespmem:s11+$0x10] =	vst v13;
	v12 =	vmax.f32 v11, $0.0e+00;
	v11 =	vmul.f32 v9, v1;
	v9 =	vld [tilespmem:s11+$0xA0]  }
0x8b: {  	v14 =	vld [tilespmem:s11+$0xB0]  }
0x8c: {  	v15 =	vld [tilespmem:s11+$0xC0]  }
0x8d: {  	v16 =	vld [tilespmem:s11+$0xD0]  }
0x8e: {  	v13 =	vmov s14;
	v17 =	vld [tilespmem:s11+$0xE0];
	[tilespmem:s11+$0x20] =	vst v12;
	v10 =	vmax.f32 v10, $0.0e+00;
	v5 =	vmul.f32 v5, v1  }
0x8f: {  	v12 =	vld [tilespmem:s11+$0xF0];
	v13 =	vand.u32 $0xFFFFFFFE, v13;
	[tilespmem:s11+$0x30] =	vst v10;
	v6 =	vmul.f32 v6, v1;
	v10 =	vmax.f32 v11, $0.0e+00  }
0x90: {  	v1 =	vld.idx.msk [tilespmem:v2+s23+$0x0], $0xffff;
	v13 =	vbroadcast v13, $0x0;
	[tilespmem:s11+$0x40] =	vst v10;
	v2 =	vmax.f32 v5, $0.0e+00;
	v5 =	vmul.f32 v7, v0  }
0x91: {  	v3 =	vld.idx.msk [tilespmem:v3+s23+$0x0], $0xffff;
	[tilespmem:s11+$0x50] =	vst v2;
	v2 =	vmax.f32 v6, $0.0e+00;
	v6 =	vmul.f32 v8, v0  }
0x92: {  	s13 =	sadd.s32 $0x200, s11;
	v4 =	vld.idx.msk [tilespmem:v4+s23+$0x0], $0xffff;
	[tilespmem:s11+$0x60] =	vst v2;
	v2 =	vmax.f32 v5, $0.0e+00;
	v5 =	vmul.f32 v9, v0  }
0x93: {  	v10 =	vld [tilespmem:s13+$0xFFFFFF10];
	[tilespmem:s11+$0x80] =	vst v2;
	v2 =	vmax.f32 v6, $0.0e+00;
	v6 =	vmul.f32 v14, v0  }
0x94: {  	v9 =	vld [tilespmem:s13+$0xFFFFFF00];
	[tilespmem:s11+$0x90] =	vst v2;
	v2 =	vmax.f32 v5, $0.0e+00;
	v5 =	vmul.f32 v15, v0  }
0x95: {  	v8 =	vld [tilespmem:s13+$0x70];
	[tilespmem:s11+$0xA0] =	vst v2;
	v2 =	vmax.f32 v6, $0.0e+00;
	v6 =	vmul.f32 v16, v0  }
0x96: {  	v7 =	vld.idx.msk [tilespmem:v13+s23+$0x0], $0xffff;
	[tilespmem:s12+$0xB0] =	vst v2;
	v2 =	vmax.f32 v5, $0.0e+00;
	v5 =	vmul.f32 v17, v0  }
0x97: {  	v11 =	vld [tilespmem:s13+$0xFFFFFF20];
	v0 =	vmul.f32 v12, v0;
	[tilespmem:s12+$0xC0] =	vst v2;
	v2 =	vmax.f32 v6, $0.0e+00  }
0x98: {  	v6 =	vld [tilespmem:s13+$0xFFFFFF30];
	[tilespmem:s12+$0xD0] =	vst v2;
	v2 =	vmax.f32 v5, $0.0e+00  }
0x99: {  	v5 =	vld [tilespmem:s13+$0xFFFFFF40];
	v0 =	vmax.f32 v0, $0.0e+00;
	[tilespmem:s12+$0xE0] =	vst v2;
	v2 =	vmul.f32 v9, v3  }
0x9a: {  	v9 =	vld [tilespmem:s13+$0xFFFFFF50];
	[tilespmem:s12+$0xF0] =	vst v0;
	v0 =	vmul.f32 v10, v3  }
0x9b: {  	v10 =	vld [tilespmem:s13+$0xFFFFFF60];
	v8 =	vmul.f32 v8, v7;
	v2 =	vmax.f32 v2, $0.0e+00  }
0x9c: {  	v11 =	vmul.f32 v11, v3;
	v12 =	vld [tilespmem:s13+$0xFFFFFF70];
	v0 =	vmax.f32 v0, $0.0e+00;
	[tilespmem:s13+$0xFFFFFF00] =	vst v2  }
0x9d: {  	v2 =	vmul.f32 v6, v3;
	v6 =	vld [tilespmem:s13+$0xFFFFFF80];
	[tilespmem:s13+$0xFFFFFF10] =	vst v0;
	v8 =	vmax.f32 v8, $0.0e+00  }
0x9e: {  	v0 =	vmax.f32 v11, $0.0e+00;
	v5 =	vmul.f32 v5, v3;
	[tilespmem:s13+$0x70] =	vst v8;
	v8 =	vld [tilespmem:s13+$0xFFFFFF90]  }
0x9f: {  	[tilespmem:s13+$0xFFFFFF20] =	vst v0;
	v0 =	vmax.f32 v2, $0.0e+00;
	v2 =	vmul.f32 v9, v3;
	v9 =	vld [tilespmem:s13+$0xFFFFFFA0]  }
0xa0: {  	[tilespmem:s13+$0xFFFFFF30] =	vst v0;
	v0 =	vmax.f32 v5, $0.0e+00;
	v5 =	vmul.f32 v10, v3;
	v10 =	vld [tilespmem:s13+$0xFFFFFFB0]  }
0xa1: {  	[tilespmem:s13+$0xFFFFFF40] =	vst v0;
	v0 =	vmax.f32 v2, $0.0e+00;
	v2 =	vmul.f32 v12, v3;
	v3 =	vld [tilespmem:s13+$0xFFFFFFC0]  }
0xa2: {  	[tilespmem:s13+$0xFFFFFF50] =	vst v0;
	v0 =	vmax.f32 v5, $0.0e+00;
	v5 =	vmul.f32 v6, v4;
	v6 =	vld [tilespmem:s13+$0xFFFFFFD0]  }
0xa3: {  	[tilespmem:s13+$0xFFFFFF60] =	vst v0;
	v0 =	vmax.f32 v2, $0.0e+00;
	v2 =	vmul.f32 v8, v4;
	v8 =	vld [tilespmem:s13+$0xFFFFFFE0]  }
0xa4: {  	[tilespmem:s13+$0xFFFFFF70] =	vst v0;
	v0 =	vmax.f32 v5, $0.0e+00;
	v5 =	vmul.f32 v9, v4;
	v9 =	vld [tilespmem:s13+$0xFFFFFFF0]  }
0xa5: {  	[tilespmem:s13+$0xFFFFFF80] =	vst v0;
	v0 =	vmax.f32 v2, $0.0e+00;
	v2 =	vmul.f32 v10, v4;
	v10 =	vld [tilespmem:s13+$0x0]  }
0xa6: {  	v3 =	vmul.f32 v3, v4;
	[tilespmem:s13+$0xFFFFFF90] =	vst v0;
	v0 =	vmax.f32 v5, $0.0e+00;
	v5 =	vld [tilespmem:s13+$0x10]  }
0xa7: {  	[tilespmem:s13+$0xFFFFFFA0] =	vst v0;
	v0 =	vmax.f32 v2, $0.0e+00;
	v2 =	vmul.f32 v6, v4;
	v6 =	vld [tilespmem:s13+$0x20]  }
0xa8: {  	[tilespmem:s13+$0xFFFFFFB0] =	vst v0;
	v0 =	vmax.f32 v3, $0.0e+00;
	v3 =	vmul.f32 v8, v4;
	v8 =	vld [tilespmem:s13+$0x30]  }
0xa9: {  	[tilespmem:s13+$0xFFFFFFC0] =	vst v0;
	v0 =	vmax.f32 v2, $0.0e+00;
	v2 =	vmul.f32 v9, v4;
	v4 =	vld [tilespmem:s13+$0x40]  }
0xaa: {  	v9 =	vld [tilespmem:s13+$0x50];
	[tilespmem:s13+$0xFFFFFFD0] =	vst v0;
	v0 =	vmax.f32 v3, $0.0e+00;
	v3 =	vmul.f32 v10, v7  }
0xab: {  	[tilespmem:s13+$0xFFFFFFE0] =	vst v0;
	v0 =	vmax.f32 v2, $0.0e+00;
	v2 =	vmul.f32 v5, v7;
	v5 =	vld [tilespmem:s13+$0x60]  }
0xac: {  	[tilespmem:s13+$0xFFFFFFF0] =	vst v0;
	v0 =	vmax.f32 v3, $0.0e+00;
	v3 =	vmul.f32 v6, v7;
	v6 =	vld [tilespmem:s13+$0x80]  }
0xad: {  	[tilespmem:s13+$0x0] =	vst v0;
	v0 =	vmax.f32 v2, $0.0e+00;
	v2 =	vmul.f32 v8, v7;
	v8 =	vld [tilespmem:s13+$0x90]  }
0xae: {  	[tilespmem:s13+$0x10] =	vst v0;
	v0 =	vmax.f32 v3, $0.0e+00;
	v3 =	vmul.f32 v4, v7;
	v4 =	vld [tilespmem:s13+$0xA0]  }
0xaf: {  	[tilespmem:s13+$0x20] =	vst v0;
	v0 =	vmax.f32 v2, $0.0e+00;
	v2 =	vmul.f32 v9, v7;
	v9 =	vld [tilespmem:s13+$0xB0]  }
0xb0: {  	[tilespmem:s13+$0x30] =	vst v0;
	v0 =	vmax.f32 v3, $0.0e+00;
	v3 =	vmul.f32 v5, v7;
	v5 =	vld [tilespmem:s13+$0xC0]  }
0xb1: {  	[tilespmem:s13+$0x40] =	vst v0;
	v0 =	vmax.f32 v2, $0.0e+00;
	v2 =	vmul.f32 v6, v1;
	v6 =	vld [tilespmem:s13+$0xD0]  }
0xb2: {  	v7 =	vld [tilespmem:s13+$0xE0];
	[tilespmem:s13+$0x50] =	vst v0;
	v0 =	vmax.f32 v3, $0.0e+00;
	v3 =	vmul.f32 v8, v1  }
0xb3: {  	[tilespmem:s13+$0x60] =	vst v0;
	v0 =	vmax.f32 v2, $0.0e+00;
	v2 =	vmul.f32 v4, v1;
	v4 =	vld [tilespmem:s13+$0xF0]  }
0xb4: {  	[tilespmem:s13+$0x80] =	vst v0;
	v0 =	vmax.f32 v3, $0.0e+00;
	v3 =	vmul.f32 v9, v1  }
0xb5: {  	[tilespmem:s13+$0x90] =	vst v0;
	v0 =	vmax.f32 v2, $0.0e+00;
	v2 =	vmul.f32 v5, v1  }
0xb6: {  	[tilespmem:s13+$0xA0] =	vst v0;
	v0 =	vmax.f32 v3, $0.0e+00;
	v3 =	vmul.f32 v6, v1  }
0xb7: {  	[tilespmem:s13+$0xB0] =	vst v0;
	v0 =	vmax.f32 v2, $0.0e+00;
	v2 =	vmul.f32 v7, v1  }
0xb8: {  	[tilespmem:s13+$0xC0] =	vst v0;
	v0 =	vmax.f32 v3, $0.0e+00;
	v1 =	vmul.f32 v4, v1  }
0xb9: {  	[tilespmem:s13+$0xD0] =	vst v0;
	v0 =	vmax.f32 v2, $0.0e+00  }
0xba: {  	[tilespmem:s13+$0xE0] =	vst v0;
	v0 =	vmax.f32 v1, $0.0e+00  }
0xbb: {  	p0 =	seq.s32 s21, $0x3E;
	s11 =	sshll.u32 s21, $0x8;
	[tilespmem:s13+$0xF0] =	vst v0  }
0xbc: {  	s12 =	sadd.s32 @!p0 $0x100, s11;
	_ =	swait.ge [sflag:s3], $0x2800  }
0xbd: {  	s13 =	sand.u32 @!p0 $0x7C00, s12;
	[sflag:s3] =	ssyncset.done $0x0  }
0xbe: {  	s12 =	sand.u32 @!p0 $0x300, s12;
	s13 =	sadd.s32 @!p0 s9, s13;
	[sflag:s3] =	ssyncadd.s32 $0xFFFFD800  }
0xbf: {  	[spmem:s2] =	stream.indirect.scatter.add.f32 [tilespmem:s4], [sflag:$0x5], $0x80, s22, s25, $0xb8;
	[tilespmem:$0x18F00] =	vst v63  }
0xc0: {  	s12 =	sor.u32 @!p0 s12, s13;
	_ =	swait.ge [sflag:s20], $0x2800  }
0xc1: {  	s14 =	simm.s32 @!p0 $0x0;
	s12 =	sshrl.u32 @!p0 s12, $0x3;
	[sflag:s20] =	ssyncset.done $0x0  }
0xc2: {  	s15 =	simm.s32 @!p0 $0x5000;
	s13 =	sadd.s32 @!p0 s6, s12;
	[sflag:s20] =	ssyncadd.s32 $0xFFFFD800  }
0xc3: {  	[tilespmem:s15], [sflag:$0x3] =	stream.linear.gather @!p0 [hbm4b:s13+s14], $0x80, $0x38;
	[tilespmem:$0x18F00] =	vst v63  }
0xc4: {  	s16 =	simm.s32 @!p0 $0x5100;
	s13 =	sadd.s32 @!p0 s7, s12  }
0xc5: {  	[tilespmem:s16], [sflag:$0x3] =	stream.linear.gather @!p0 [hbm4b:s13+s14], $0x80, $0x38;
	[tilespmem:$0x18F00] =	vst v63  }
0xc6: {  	s12 =	sadd.s32 @!p0 s8, s12;
	s13 =	simm.s32 @!p0 $0x5200  }
0xc7: {  	[tilespmem:s13], [sflag:$0x3] =	stream.linear.gather @!p0 [hbm4b:s12+s14], $0x80, $0x38;
	[tilespmem:$0x18F00] =	vst v63  }
0xc8: {  	s12 =	simm.s32 @!p0 $0x3  }
0xc9: {  	s16 =	simm.s32 $0x0;
	_ =	swait.ge @!p0 [sflag:s12], $0x80  }
0xca: {  	v0 =	vmov s16;
	s16 =	simm.s32 $0x2;
	s13 =	simm.s32 $0x1;
	[sflag:s12] =	ssyncset.done @!p0 $0x0  }
0xcb: {  	v0 =	vand.u32 $0x7C, v0;
	v2 =	vmov s16;
	v1 =	vmov s13;
	[sflag:s12] =	ssyncadd.s32 @!p0 $0xFFFFFF80  }
0xcc: {  	s16 =	simm.s32 $0x3;
	v0 =	vor.u32 $0x80, v0;
	v2 =	vand.u32 $0x7E, v2;
	v1 =	vand.u32 $0x7D, v1;
	_ =	swait.ge @!p0 [sflag:s12], $0x80  }
0xcd: {  	v3 =	vmov s16;
	v0 =	vbroadcast v0, $0x0;
	v1 =	vor.u32 $0x80, v1;
	[sflag:s12] =	ssyncset.done @!p0 $0x0  }
0xce: {  	v2 =	vor.u32 $0x80, v2;
	v3 =	vand.u32 $0x7F, v3;
	v1 =	vbroadcast v1, $0x0;
	[sflag:s12] =	ssyncadd.s32 @!p0 $0xFFFFFF80  }
0xcf: {  	v2 =	vbroadcast v2, $0x0;
	v3 =	vor.u32 $0x80, v3;
	_ =	swait.ge @!p0 [sflag:s12], $0x80  }
0xd0: {  	v3 =	vbroadcast v3, $0x0;
	[sflag:s12] =	ssyncset.done @!p0 $0x0  }
0xd1: {  	[sflag:s12] =	ssyncadd.s32 @!p0 $0xFFFFFF80;
	s12 =	simm.s32 @!p0 $0x50  }
0xd2: {  	[tilespmem:s14], [sflag:$0x1] =	stream.indirect.gather @!p0 [hbm4b:s5+s12], $0x80, s15, s12, $0xb8;
	[tilespmem:$0x18F00] =	vst v63  }
0xd3: {  	v4 =	vld.idx.msk [tilespmem:v0+s23+$0x0], $0xffff  }
0xd4: {  	v5 =	vld.idx.msk [tilespmem:v1+s23+$0x0], $0xffff  }
0xd5: {  	v1 =	vld.idx.msk [tilespmem:v2+s23+$0x0], $0xffff  }
0xd6: {  	s12 =	simm.s32 $0x29F0;
	v0 =	vld.idx.msk [tilespmem:v3+s23+$0x0], $0xffff  }
0xd7: {  	v2 =	vld [tilespmem:s12+$0x0]  }
0xd8: {  	v3 =	vld [tilespmem:s12+$0xFFFFFE10]  }
0xd9: {  	v6 =	vld [tilespmem:s12+$0xFFFFFE20]  }
0xda: {  	v7 =	vld [tilespmem:s12+$0xFFFFFE30]  }
0xdb: {  	v8 =	vld [tilespmem:s12+$0xFFFFFE40]  }
0xdc: {  	v9 =	vld [tilespmem:s12+$0xFFFFFE50]  }
0xdd: {  	v10 =	vld [tilespmem:s12+$0xFFFFFE60];
	v2 =	vmul.f32 v2, v0  }
0xde: {  	v11 =	vld [tilespmem:s12+$0xFFFFFE70];
	v3 =	vmul.f32 v3, v4  }
0xdf: {  	v12 =	vld [tilespmem:s12+$0xFFFFFE80];
	v6 =	vmul.f32 v6, v4;
	v2 =	vmax.f32 v2, $0.0e+00  }
0xe0: {  	v14 =	vld [tilespmem:s12+$0xFFFFFF20];
	v7 =	vmul.f32 v7, v4;
	v3 =	vmax.f32 v3, $0.0e+00;
	[tilespmem:s12+$0x0] =	vst v2  }
0xe1: {  	[tilespmem:s12+$0xFFFFFE10] =	vst v3;
	v2 =	vmax.f32 v6, $0.0e+00;
	v3 =	vmul.f32 v8, v4;
	v6 =	vld [tilespmem:s12+$0xFFFFFE90]  }
0xe2: {  	v8 =	vld [tilespmem:s12+$0xFFFFFEA0];
	[tilespmem:s12+$0xFFFFFE20] =	vst v2;
	v2 =	vmax.f32 v7, $0.0e+00;
	v7 =	vmul.f32 v9, v4  }
0xe3: {  	v9 =	vld [tilespmem:s12+$0xFFFFFEB0];
	[tilespmem:s12+$0xFFFFFE30] =	vst v2;
	v2 =	vmax.f32 v3, $0.0e+00;
	v3 =	vmul.f32 v10, v4  }
0xe4: {  	v10 =	vld [tilespmem:s12+$0xFFFFFEC0];
	[tilespmem:s12+$0xFFFFFE40] =	vst v2;
	v2 =	vmax.f32 v7, $0.0e+00;
	v7 =	vmul.f32 v11, v4  }
0xe5: {  	s16 =	simm.s32 $0x6;
	[tilespmem:s12+$0xFFFFFE50] =	vst v2;
	v2 =	vmax.f32 v3, $0.0e+00;
	v3 =	vmul.f32 v12, v4;
	v4 =	vld [tilespmem:s12+$0xFFFFFED0]  }
0xe6: {  	v13 =	vmov s16;
	[tilespmem:s12+$0xFFFFFE60] =	vst v2;
	v2 =	vmax.f32 v7, $0.0e+00;
	v6 =	vmul.f32 v6, v5;
	v7 =	vld [tilespmem:s12+$0xFFFFFEE0]  }
0xe7: {  	s14 =	simm.s32 $0x4;
	v14 =	vmul.f32 v14, v1;
	[tilespmem:s12+$0xFFFFFE70] =	vst v2;
	v2 =	vmax.f32 v3, $0.0e+00;
	v3 =	vmul.f32 v8, v5;
	v8 =	vld [tilespmem:s12+$0xFFFFFEF0]  }
0xe8: {  	v11 =	vmov s14;
	[tilespmem:s12+$0xFFFFFE80] =	vst v2;
	v2 =	vmax.f32 v6, $0.0e+00;
	v6 =	vmul.f32 v9, v5;
	v9 =	vld [tilespmem:s12+$0xFFFFFF00]  }
0xe9: {  	s15 =	simm.s32 $0x5;
	v11 =	vand.u32 $0x7C, v11;
	[tilespmem:s12+$0xFFFFFE90] =	vst v2;
	v2 =	vmax.f32 v3, $0.0e+00;
	v3 =	vmul.f32 v10, v5;
	v10 =	vld [tilespmem:s12+$0xFFFFFF10]  }
0xea: {  	v12 =	vmov s15;
	[tilespmem:s12+$0xFFFFFEA0] =	vst v2;
	v2 =	vmax.f32 v6, $0.0e+00;
	v4 =	vmul.f32 v4, v5  }
0xeb: {  	v6 =	vand.u32 $0x7D, v12;
	v12 =	vld [tilespmem:s12+$0xFFFFFF30];
	[tilespmem:s12+$0xFFFFFEB0] =	vst v2;
	v2 =	vmax.f32 v3, $0.0e+00;
	v3 =	vmul.f32 v7, v5  }
0xec: {  	v7 =	vand.u32 $0x7E, v13;
	v13 =	vld [tilespmem:s12+$0xFFFFFF40];
	[tilespmem:s12+$0xFFFFFEC0] =	vst v2;
	v4 =	vmax.f32 v4, $0.0e+00;
	v8 =	vmul.f32 v8, v5  }
0xed: {  	v11 =	vor.u32 $0x80, v11;
	[tilespmem:s12+$0xFFFFFED0] =	vst v4;
	v3 =	vmax.f32 v3, $0.0e+00;
	v4 =	vmul.f32 v9, v5;
	v5 =	vld [tilespmem:s12+$0xFFFFFF50]  }
0xee: {  	v9 =	vor.u32 $0x80, v6;
	v6 =	vld [tilespmem:s12+$0xFFFFFF60];
	[tilespmem:s12+$0xFFFFFEE0] =	vst v3;
	v3 =	vmax.f32 v8, $0.0e+00;
	v8 =	vmul.f32 v10, v1  }
0xef: {  	v2 =	vbroadcast v11, $0x0;
	v11 =	vor.u32 $0x80, v7;
	v7 =	vld [tilespmem:s12+$0xFFFFFF70];
	[tilespmem:s12+$0xFFFFFEF0] =	vst v3;
	v4 =	vmax.f32 v4, $0.0e+00  }
0xf0: {  	v3 =	vbroadcast v9, $0x0;
	v10 =	vmul.f32 v12, v1;
	[tilespmem:s12+$0xFFFFFF00] =	vst v4;
	v9 =	vmax.f32 v8, $0.0e+00;
	v8 =	vld [tilespmem:s12+$0xFFFFFF80]  }
0xf1: {  	s13 =	simm.s32 $0x29F0;
	s14 =	simm.s32 $0x8;
	s15 =	simm.s32 $0x7;
	v12 =	vmax.f32 v14, $0.0e+00;
	v4 =	vbroadcast v11, $0x0;
	v11 =	vmul.f32 v13, v1;
	[tilespmem:s12+$0xFFFFFF10] =	vst v9;
	v9 =	vld [tilespmem:s12+$0xFFFFFF90]  }
.LBB2_5:
0xf2: {  	p1 =	slt.u32 s14, $0x4C;
	v13 =	vmov s15;
	[tilespmem:s12+$0xFFFFFF20] =	vst v12;
	v10 =	vmax.f32 v10, $0.0e+00;
	v5 =	vmul.f32 v5, v1;
	v12 =	vld [tilespmem:s12+$0xFFFFFFA0]  }
0xf3: {  	v13 =	vand.u32 $0x7F, v13;
	[tilespmem:s12+$0xFFFFFF30] =	vst v10;
	v10 =	vmax.f32 v11, $0.0e+00;
	v6 =	vmul.f32 v6, v1;
	v11 =	vld [tilespmem:s12+$0xFFFFFFB0]  }
0xf4: {  	v13 =	vor.u32 $0x80, v13;
	[tilespmem:s12+$0xFFFFFF40] =	vst v10;
	v5 =	vmax.f32 v5, $0.0e+00;
	v7 =	vmul.f32 v7, v1;
	v10 =	vld [tilespmem:s12+$0xFFFFFFC0]  }
0xf5: {  	v13 =	vbroadcast v13, $0x0;
	[tilespmem:s12+$0xFFFFFF50] =	vst v5;
	v5 =	vmax.f32 v6, $0.0e+00;
	v1 =	vmul.f32 v8, v1;
	v6 =	vld [tilespmem:s12+$0xFFFFFFD0]  }
0xf6: {  	[tilespmem:s12+$0xFFFFFF60] =	vst v5;
	v5 =	vmax.f32 v7, $0.0e+00;
	v7 =	vmul.f32 v9, v0;
	v8 =	vld [tilespmem:s12+$0xFFFFFFE0]  }
0xf7: {  	[tilespmem:s12+$0xFFFFFF70] =	vst v5;
	v1 =	vmax.f32 v1, $0.0e+00;
	v5 =	vmul.f32 v12, v0;
	v9 =	vld [tilespmem:s12+$0xFFFFFFF0]  }
0xf8: {  	v2 =	vld.idx.msk [tilespmem:v2+s23+$0x0], $0xffff;
	[tilespmem:s12+$0xFFFFFF80] =	vst v1;
	v1 =	vmax.f32 v7, $0.0e+00;
	v7 =	vmul.f32 v11, v0  }
0xf9: {  	v3 =	vld.idx.msk [tilespmem:v3+s23+$0x0], $0xffff;
	[tilespmem:s12+$0xFFFFFF90] =	vst v1;
	v5 =	vmax.f32 v5, $0.0e+00;
	v10 =	vmul.f32 v10, v0  }
0xfa: {  	v1 =	vld.idx.msk [tilespmem:v4+s23+$0x0], $0xffff;
	[tilespmem:s12+$0xFFFFFFA0] =	vst v5;
	v4 =	vmax.f32 v7, $0.0e+00;
	v5 =	vmul.f32 v6, v0  }
0xfb: {  	s12 =	sadd.s32 $0x200, s12;
	v6 =	vld.idx.msk [tilespmem:v13+s23+$0x0], $0xffff;
	[tilespmem:s13+$0xFFFFFFB0] =	vst v4;
	v4 =	vmax.f32 v10, $0.0e+00;
	v7 =	vmul.f32 v8, v0  }
0xfc: {  	v8 =	vld [tilespmem:s12+$0x0];
	[tilespmem:s13+$0xFFFFFFC0] =	vst v4;
	v4 =	vmax.f32 v5, $0.0e+00;
	v0 =	vmul.f32 v9, v0  }
0xfd: {  	v5 =	vld [tilespmem:s12+$0xFFFFFE10];
	[tilespmem:s13+$0xFFFFFFD0] =	vst v4;
	v4 =	vmax.f32 v7, $0.0e+00  }
0xfe: {  	v7 =	vld [tilespmem:s12+$0xFFFFFE20];
	[tilespmem:s13+$0xFFFFFFE0] =	vst v4;
	v0 =	vmax.f32 v0, $0.0e+00  }
0xff: {  	v4 =	vld [tilespmem:s12+$0xFFFFFE30];
	[tilespmem:s13+$0xFFFFFFF0] =	vst v0;
	s13 =	smov.u32 s12  }
0x100: {  	v9 =	vld [tilespmem:s12+$0xFFFFFE40]  }
0x101: {  	v10 =	vld [tilespmem:s12+$0xFFFFFE50];
	v8 =	vmul.f32 v8, v6;
	v0 =	vmov v6  }
0x102: {  	v5 =	vmul.f32 v5, v2;
	v6 =	vld [tilespmem:s12+$0xFFFFFE60]  }
0x103: {  	v7 =	vmul.f32 v7, v2;
	v11 =	vld [tilespmem:s12+$0xFFFFFE70];
	v8 =	vmax.f32 v8, $0.0e+00  }
0x104: {  	v5 =	vmax.f32 v5, $0.0e+00;
	v4 =	vmul.f32 v4, v2;
	v12 =	vld [tilespmem:s12+$0xFFFFFE80];
	[tilespmem:s12+$0x0] =	vst v8  }
0x105: {  	[tilespmem:s12+$0xFFFFFE10] =	vst v5;
	v5 =	vmax.f32 v7, $0.0e+00;
	v7 =	vmul.f32 v9, v2;
	v8 =	vld [tilespmem:s12+$0xFFFFFE90]  }
0x106: {  	[tilespmem:s12+$0xFFFFFE20] =	vst v5;
	v4 =	vmax.f32 v4, $0.0e+00;
	v5 =	vmul.f32 v10, v2;
	v9 =	vld [tilespmem:s12+$0xFFFFFEA0]  }
0x107: {  	[tilespmem:s12+$0xFFFFFE30] =	vst v4;
	v4 =	vmax.f32 v7, $0.0e+00;
	v6 =	vmul.f32 v6, v2;
	v7 =	vld [tilespmem:s12+$0xFFFFFEB0]  }
0x108: {  	[tilespmem:s12+$0xFFFFFE40] =	vst v4;
	v4 =	vmax.f32 v5, $0.0e+00;
	v5 =	vmul.f32 v11, v2;
	v10 =	vld [tilespmem:s12+$0xFFFFFEC0]  }
0x109: {  	[tilespmem:s12+$0xFFFFFE50] =	vst v4;
	v4 =	vmax.f32 v6, $0.0e+00;
	v2 =	vmul.f32 v12, v2;
	v6 =	vld [tilespmem:s12+$0xFFFFFED0]  }
0x10a: {  	v11 =	vmov s14;
	[tilespmem:s12+$0xFFFFFE60] =	vst v4;
	v4 =	vmax.f32 v5, $0.0e+00;
	v5 =	vmul.f32 v8, v3;
	v8 =	vld [tilespmem:s12+$0xFFFFFEE0]  }
0x10b: {  	s15 =	sadd.s32 $0x1, s14;
	v11 =	vand.u32 $0x7C, v11;
	[tilespmem:s12+$0xFFFFFE70] =	vst v4;
	v2 =	vmax.f32 v2, $0.0e+00;
	v4 =	vmul.f32 v9, v3;
	v9 =	vld [tilespmem:s12+$0xFFFFFEF0]  }
0x10c: {  	v12 =	vmov s15;
	s15 =	sadd.s32 $0x2, s14;
	[tilespmem:s12+$0xFFFFFE80] =	vst v2;
	v2 =	vmax.f32 v5, $0.0e+00;
	v5 =	vmul.f32 v7, v3;
	v7 =	vld [tilespmem:s12+$0xFFFFFF00]  }
0x10d: {  	v13 =	vmov s15;
	[tilespmem:s12+$0xFFFFFE90] =	vst v2;
	v2 =	vmax.f32 v4, $0.0e+00;
	v4 =	vmul.f32 v10, v3;
	v10 =	vld [tilespmem:s12+$0xFFFFFF10]  }
0x10e: {  	v11 =	vor.u32 $0x80, v11;
	[tilespmem:s12+$0xFFFFFEA0] =	vst v2;
	v2 =	vmax.f32 v5, $0.0e+00;
	v5 =	vmul.f32 v6, v3;
	v14 =	vld [tilespmem:s12+$0xFFFFFF20]  }
0x10f: {  	v6 =	vand.u32 $0x7D, v12;
	[tilespmem:s12+$0xFFFFFEB0] =	vst v2;
	v2 =	vmax.f32 v4, $0.0e+00;
	v4 =	vmul.f32 v8, v3;
	v8 =	vld [tilespmem:s12+$0xFFFFFF30]  }
0x110: {  	v12 =	vand.u32 $0x7E, v13;
	[tilespmem:s12+$0xFFFFFEC0] =	vst v2;
	v5 =	vmax.f32 v5, $0.0e+00;
	v9 =	vmul.f32 v9, v3;
	v13 =	vld [tilespmem:s12+$0xFFFFFF40]  }
.Ltmp3:
0x111: {  	v2 =	vbroadcast v11, $0x0;
	[tilespmem:s12+$0xFFFFFED0] =	vst v5;
	v4 =	vmax.f32 v4, $0.0e+00;
	v3 =	vmul.f32 v7, v3;
	v5 =	vld [tilespmem:s12+$0xFFFFFF50];
	(pc) =	sbr.rel @p1 .LBB2_5-.Ltmp3, $4  }
0x112: {  	v11 =	vor.u32 $0x80, v6;
	[tilespmem:s12+$0xFFFFFEE0] =	vst v4;
	v4 =	vmax.f32 v9, $0.0e+00;
	v9 =	vmul.f32 v10, v1;
	v6 =	vld [tilespmem:s12+$0xFFFFFF60]  }
0x113: {  	v12 =	vor.u32 $0x80, v12;
	[tilespmem:s12+$0xFFFFFEF0] =	vst v4;
	v4 =	vmax.f32 v3, $0.0e+00;
	v14 =	vmul.f32 v14, v1;
	v7 =	vld [tilespmem:s12+$0xFFFFFF70]  }
0x114: {  	v3 =	vbroadcast v11, $0x0;
	[tilespmem:s12+$0xFFFFFF00] =	vst v4;
	v9 =	vmax.f32 v9, $0.0e+00;
	v10 =	vmul.f32 v8, v1;
	v8 =	vld [tilespmem:s12+$0xFFFFFF80]  }
0x115: {  	s15 =	sadd.s32 $0x3, s14;
	s14 =	sadd.s32 $0x4, s14;
	v4 =	vbroadcast v12, $0x0;
	[tilespmem:s12+$0xFFFFFF10] =	vst v9;
	v12 =	vmax.f32 v14, $0.0e+00;
	v11 =	vmul.f32 v13, v1;
	v9 =	vld [tilespmem:s12+$0xFFFFFF90]  }
0x116: {  	v14 =	vld [tilespmem:s12+$0xFFFFFFA0]  }
0x117: {  	v15 =	vld [tilespmem:s12+$0xFFFFFFB0]  }
0x118: {  	v16 =	vld [tilespmem:s12+$0xFFFFFFC0]  }
0x119: {  	v17 =	vld [tilespmem:s12+$0xFFFFFFD0]  }
0x11a: {  	v58 =	vld [tilespmem:s12+$0xFFFFFFE0]  }
0x11b: {  	[tilespmem:s12+$0xFFFFFF20] =	vst v12;
	v10 =	vmax.f32 v10, $0.0e+00;
	v5 =	vmul.f32 v5, v1;
	v60 =	vld [tilespmem:s12+$0xFFFFFFF0]  }
0x11c: {  	v2 =	vld.idx.msk [tilespmem:v2+s23+$0x0], $0xffff;
	[tilespmem:s12+$0xFFFFFF30] =	vst v10;
	v59 =	vmax.f32 v11, $0.0e+00;
	v6 =	vmul.f32 v6, v1  }
0x11d: {  	v3 =	vld.idx.msk [tilespmem:v3+s23+$0x0], $0xffff;
	[tilespmem:s12+$0xFFFFFF40] =	vst v59;
	v5 =	vmax.f32 v5, $0.0e+00;
	v7 =	vmul.f32 v7, v1  }
0x11e: {  	s14 =	sadd.s32 $0x200, s12;
	v4 =	vld.idx.msk [tilespmem:v4+s23+$0x0], $0xffff;
	[tilespmem:s12+$0xFFFFFF50] =	vst v5;
	v61 =	vmul.f32 v8, v1;
	v62 =	vmax.f32 v6, $0.0e+00  }
0x11f: {  	v21 =	vld [tilespmem:s14+$0x0];
	[tilespmem:s12+$0xFFFFFF60] =	vst v62;
	v63 =	vmax.f32 v7, $0.0e+00;
	v9 =	vmul.f32 v9, v0  }
0x120: {  	v24 =	vld [tilespmem:s14+$0xFFFFFE10];
	[tilespmem:s12+$0xFFFFFF70] =	vst v63;
	v10 =	vmax.f32 v61, $0.0e+00;
	v18 =	vmul.f32 v14, v0  }
0x121: {  	v27 =	vld [tilespmem:s14+$0xFFFFFE20];
	v20 =	vmul.f32 v15, v0;
	[tilespmem:s12+$0xFFFFFF80] =	vst v10;
	v19 =	vmax.f32 v9, $0.0e+00  }
0x122: {  	v30 =	vld [tilespmem:s14+$0xFFFFFE30];
	v23 =	vmul.f32 v16, v0;
	[tilespmem:s12+$0xFFFFFF90] =	vst v19;
	v22 =	vmax.f32 v18, $0.0e+00  }
0x123: {  	v33 =	vld [tilespmem:s14+$0xFFFFFE40];
	v26 =	vmul.f32 v17, v0;
	v25 =	vmax.f32 v20, $0.0e+00;
	[tilespmem:s12+$0xFFFFFFA0] =	vst v22  }
0x124: {  	v35 =	vld [tilespmem:s14+$0xFFFFFE50];
	v29 =	vmul.f32 v58, v0;
	v28 =	vmax.f32 v23, $0.0e+00;
	[tilespmem:s13+$0xFFFFFFB0] =	vst v25  }
0x125: {  	v37 =	vld [tilespmem:s14+$0xFFFFFE60];
	v32 =	vmul.f32 v60, v0;
	v31 =	vmax.f32 v26, $0.0e+00;
	[tilespmem:s13+$0xFFFFFFC0] =	vst v28  }
0x126: {  	v39 =	vld [tilespmem:s14+$0xFFFFFE70];
	v36 =	vmul.f32 v24, v2;
	v34 =	vmax.f32 v29, $0.0e+00;
	[tilespmem:s13+$0xFFFFFFD0] =	vst v31  }
0x127: {  	v41 =	vld [tilespmem:s14+$0xFFFFFE80];
	v40 =	vmul.f32 v30, v2;
	v0 =	vmax.f32 v32, $0.0e+00;
	[tilespmem:s13+$0xFFFFFFE0] =	vst v34  }
0x128: {  	v43 =	vld [tilespmem:s14+$0xFFFFFE90];
	v42 =	vmul.f32 v33, v2;
	v5 =	vmax.f32 v36, $0.0e+00;
	[tilespmem:s13+$0xFFFFFFF0] =	vst v0  }
0x129: {  	v13 =	vmov s15;
	v45 =	vld [tilespmem:s14+$0xFFFFFEA0];
	v7 =	vmul.f32 v35, v2;
	v44 =	vmax.f32 v40, $0.0e+00;
	[tilespmem:s14+$0xFFFFFE10] =	vst v5  }
0x12a: {  	v13 =	vand.u32 $0x7F, v13;
	v51 =	vld [tilespmem:s14+$0xFFFFFEC0];
	v47 =	vmul.f32 v37, v2;
	v46 =	vmax.f32 v42, $0.0e+00;
	[tilespmem:s14+$0xFFFFFE30] =	vst v44  }
0x12b: {  	v48 =	vld [tilespmem:s14+$0xFFFFFEB0];
	v13 =	vor.u32 $0x80, v13;
	v50 =	vmul.f32 v39, v2;
	v49 =	vmax.f32 v7, $0.0e+00;
	[tilespmem:s14+$0xFFFFFE40] =	vst v46  }
0x12c: {  	v53 =	vld [tilespmem:s14+$0xFFFFFED0];
	v38 =	vmul.f32 v27, v2;
	v2 =	vmul.f32 v41, v2;
	v52 =	vmax.f32 v47, $0.0e+00;
	[tilespmem:s14+$0xFFFFFE50] =	vst v49  }
0x12d: {  	v55 =	vld [tilespmem:s14+$0xFFFFFEE0];
	v13 =	vbroadcast v13, $0x0;
	v6 =	vmul.f32 v43, v3;
	v54 =	vmax.f32 v50, $0.0e+00;
	[tilespmem:s14+$0xFFFFFE60] =	vst v52  }
0x12e: {  	v12 =	vld [tilespmem:s14+$0xFFFFFF10];
	v57 =	vmul.f32 v45, v3;
	v56 =	vmax.f32 v2, $0.0e+00;
	[tilespmem:s14+$0xFFFFFE70] =	vst v54  }
0x12f: {  	v58 =	vld [tilespmem:s14+$0xFFFFFEF0];
	v63 =	vmul.f32 v51, v3;
	v59 =	vmax.f32 v6, $0.0e+00;
	[tilespmem:s14+$0xFFFFFE80] =	vst v56  }
0x130: {  	v61 =	vld [tilespmem:s14+$0xFFFFFF00];
	v62 =	vmax.f32 v57, $0.0e+00;
	[tilespmem:s14+$0xFFFFFE90] =	vst v59  }
0x131: {  	v14 =	vld [tilespmem:s14+$0xFFFFFF20];
	v60 =	vmul.f32 v48, v3;
	v15 =	vmax.f32 v63, $0.0e+00;
	[tilespmem:s14+$0xFFFFFEA0] =	vst v62  }
0x132: {  	v17 =	vld [tilespmem:s14+$0xFFFFFF30];
	v0 =	vmax.f32 v38, $0.0e+00;
	v5 =	vmul.f32 v53, v3;
	[tilespmem:s14+$0xFFFFFEC0] =	vst v15  }
0x133: {  	v1 =	vld.idx.msk [tilespmem:v13+s23+$0x0], $0xffff;
	v13 =	vmax.f32 v60, $0.0e+00;
	v25 =	vmul.f32 v12, v4;
	[tilespmem:s14+$0xFFFFFE20] =	vst v0  }
0x134: {  	v20 =	vld [tilespmem:s14+$0xFFFFFF40];
	[tilespmem:s14+$0xFFFFFEB0] =	vst v13;
	v19 =	vmul.f32 v58, v3;
	v18 =	vmax.f32 v5, $0.0e+00  }
0x135: {  	v23 =	vld [tilespmem:s14+$0xFFFFFF50];
	v22 =	vmul.f32 v61, v3;
	v30 =	vmax.f32 v25, $0.0e+00;
	[tilespmem:s14+$0xFFFFFED0] =	vst v18  }
0x136: {  	v26 =	vld [tilespmem:s14+$0xFFFFFF60];
	v28 =	vmul.f32 v14, v4;
	v24 =	vmax.f32 v19, $0.0e+00;
	[tilespmem:s14+$0xFFFFFF10] =	vst v30  }
0x137: {  	v29 =	vld [tilespmem:s14+$0xFFFFFF70];
	v31 =	vmul.f32 v17, v4;
	v27 =	vmax.f32 v22, $0.0e+00;
	[tilespmem:s14+$0xFFFFFEF0] =	vst v24  }
0x138: {  	v16 =	vmul.f32 v55, v3;
	v32 =	vld [tilespmem:s14+$0xFFFFFF80];
	v33 =	vmax.f32 v28, $0.0e+00;
	[tilespmem:s14+$0xFFFFFF00] =	vst v27  }
0x139: {  	v34 =	vmul.f32 v20, v4;
	v36 =	vmax.f32 v31, $0.0e+00;
	[tilespmem:s14+$0xFFFFFF20] =	vst v33  }
0x13a: {  	v35 =	vld [tilespmem:s14+$0xFFFFFF90];
	v3 =	vmul.f32 v23, v4;
	[tilespmem:s14+$0xFFFFFF30] =	vst v36;
	v8 =	vmul.f32 v21, v1;
	v21 =	vmax.f32 v16, $0.0e+00  }
0x13b: {  	v37 =	vld [tilespmem:s14+$0xFFFFFFA0];
	v39 =	vmul.f32 v26, v4;
	v38 =	vmax.f32 v34, $0.0e+00;
	[tilespmem:s14+$0xFFFFFEE0] =	vst v21  }
0x13c: {  	v40 =	vld [tilespmem:s14+$0xFFFFFFB0];
	v42 =	vmul.f32 v29, v4;
	v41 =	vmax.f32 v3, $0.0e+00;
	[tilespmem:s14+$0xFFFFFF40] =	vst v38  }
0x13d: {  	v43 =	vld [tilespmem:s14+$0xFFFFFFC0];
	v45 =	vmul.f32 v32, v4;
	v44 =	vmax.f32 v39, $0.0e+00;
	[tilespmem:s14+$0xFFFFFF50] =	vst v41  }
0x13e: {  	v46 =	vld [tilespmem:s14+$0xFFFFFFD0];
	v47 =	vmax.f32 v42, $0.0e+00;
	[tilespmem:s14+$0xFFFFFF60] =	vst v44  }
0x13f: {  	v49 =	vld [tilespmem:s14+$0xFFFFFFE0];
	v48 =	vmul.f32 v35, v1;
	v50 =	vmax.f32 v45, $0.0e+00;
	[tilespmem:s14+$0xFFFFFF70] =	vst v47  }
0x140: {  	v52 =	vld [tilespmem:s14+$0xFFFFFFF0];
	v51 =	vmul.f32 v37, v1;
	[tilespmem:s14+$0xFFFFFF80] =	vst v50;
	v8 =	vmax.f32 v8, $0.0e+00  }
0x141: {  	v54 =	vmul.f32 v40, v1;
	v53 =	vmax.f32 v48, $0.0e+00;
	[tilespmem:s14+$0x0] =	vst v8  }
0x142: {  	v56 =	vmul.f32 v43, v1;
	v55 =	vmax.f32 v51, $0.0e+00;
	[tilespmem:s14+$0xFFFFFF90] =	vst v53  }
0x143: {  	v58 =	vmul.f32 v46, v1;
	v57 =	vmax.f32 v54, $0.0e+00;
	[tilespmem:s14+$0xFFFFFFA0] =	vst v55  }
.Ltmp4:
0x144: {  	v60 =	vmul.f32 v49, v1;
	v59 =	vmax.f32 v56, $0.0e+00;
	[tilespmem:s14+$0xFFFFFFB0] =	vst v57;
	(pc) =	sbr.rel @p0 .LBB2_8-.Ltmp4, $4  }
0x145: {  	v1 =	vmul.f32 v52, v1;
	v61 =	vmax.f32 v58, $0.0e+00;
	[tilespmem:s14+$0xFFFFFFC0] =	vst v59  }
0x146: {  	v62 =	vmax.f32 v60, $0.0e+00;
	[tilespmem:s14+$0xFFFFFFD0] =	vst v61  }
0x147: {  	v63 =	vmax.f32 v1, $0.0e+00;
	[tilespmem:s14+$0xFFFFFFE0] =	vst v62  }
0x148: {  	[tilespmem:s14+$0xFFFFFFF0] =	vst v63  }
0x149: {  	_ =	swait.ge [sflag:s30], $0x2800;
	s11 =	sadd.s32 $0x180, s11  }
0x14a: {  	[sflag:s30] =	ssyncset.done $0x0;
	s12 =	sand.u32 $0x7C00, s11  }
0x14b: {  	s11 =	sand.u32 $0x380, s11;
	[sflag:s30] =	ssyncadd.s32 $0xFFFFD800;
	s12 =	sadd.s32 s9, s12  }
0x14c: {  	[spmem:s2] =	stream.indirect.scatter.add.f32 [tilespmem:s0], [sflag:$0x5], $0x80, s28, s25, $0xb8;
	[tilespmem:$0x18F00] =	vst v63  }
0x14d: {  	s11 =	sor.u32 s11, s12;
	_ =	swait.ge [sflag:s20], $0x2800  }
0x14e: {  	s11 =	sshrl.u32 s11, $0x3;
	[sflag:s20] =	ssyncset.done $0x0  }
0x14f: {  	s15 =	sadd.s32 s6, s11;
	[sflag:s20] =	ssyncadd.s32 $0xFFFFD800  }
0x150: {  	[tilespmem:s26], [sflag:$0x4] =	stream.linear.gather [hbm4b:s15+s4], $0x80, $0x38;
	[tilespmem:$0x18F00] =	vst v63  }
.Ltmp5:
0x151: {  	_ = 	snop;
	(pc) =	sbr.rel .LBB2_2-.Ltmp5, $4  }
0x152: {  	s16 =	sadd.s32 s7, s11  }
0x153: {  	[tilespmem:s28], [sflag:$0x4] =	stream.linear.gather [hbm4b:s16+s4], $0x80, $0x38;
	[tilespmem:$0x18F00] =	vst v63  }
0x154: {  	s21 =	sadd.s32 $0x1, s21;
	s11 =	sadd.s32 s8, s11  }
0x155: {  	[tilespmem:s29], [sflag:$0x4] =	stream.linear.gather [hbm4b:s11+s4], $0x80, $0x38;
	[tilespmem:$0x18F00] =	vst v63  }
.LBB2_9:
0x156: {  	_ =	sfence.sel $0x180000  }
0x157: {  	[bflag:$0x0] =	sbarrier.arrive $0xFFFF  }
0x158: {  	_ =	strace $0x90000047  }
0x159: {  	s0 =	stileid.u32;
	[bflag:$0x2] =	sbarrier.arrive $0xFFFF  }
0x15a: {  	p0 =	sne.s32 s0, $0x0;
	s0 =	rddreg [dreg:$0x3]  }
0x15b: {  	s0 =	sadd.s32 @!p0 $0x100000, s0  }
0x15c: {  	[sflag:s0] =	ssyncadd.tile.s32 @!p0 $0x1;
	_ =	shalt  }
.Lfunc_end2:
_tile_overlayer_lowered:
.L_overlay_start_2:
0x15d: {  	(tag) =	ssettag $0x2  }
0x15e: {  	s0 =	rddreg [dreg:$0x0];
	s2 =	stileid.u32  }
0x15f: {  	s1 =	rddreg [dreg:$0x1];
	p0 =	sne.s32 s2, $0x0  }
0x160: {  	s3 =	rddreg [dreg:$0x2];
	[bflag:$0x3] =	sbarrier.arrive $0xFFFF;
	s2 =	simm.s32 @!p0 $0x1C05  }
0x161: {  	[timem:s3], [sflag:s2] =	dma.local @!p0 [hbm:s0], s1  }
0x162: {  	s0 =	simm.s32 @!p0 $0x5  }
0x163: {  	_ =	swait.ge @!p0 [sflag:s0], s1  }
0x164: {  	s1 =	ssub.s32 @!p0 $0x0, s1;
	[sflag:s0] =	ssyncset.done @!p0 $0x0  }
0x165: {  	[sflag:s0] =	ssyncadd.s32 @!p0 s1  }
0x166: {  	[bflag:$0x3] =	sbarrier.arrive $0xFFFF  }
0x167: {  	_ =	shalt  }

// kernel: kernel.13.cloned.1.call-start
scs
__scs_entry_jumppad:
0x0: {  	(pc) =	sbr.rel $0x88, $3  }
0x1: {  	(tag) =	ssettag $0x0;
	lr =	simm.s32 $0x1  }
0x2: {  	[smem:$0x3F80] =	sst lr;
	_ =	strace $0xD0000000  }
0x3: {  	_ = 	snop  }
0x4: {  	_ = 	snop  }
0x5: {  	_ = 	snop  }
0x6: {  	_ = 	snop  }
0x7: {  	_ = 	snop  }
__scs_overlays_trampoline_lowered:
0x8: {  	[smem:$0x3F8F] =	sst s0  }
0x9: {  	[smem:$0x3F90] =	sst s1  }
0xa: {  	[smem:$0x3F91] =	sst s2  }
0xb: {  	[smem:$0x3F92] =	sst s3  }
0xc: {  	[smem:$0x3F93] =	sst s4  }
0xd: {  	[smem:$0x3F94] =	sst s5  }
0xe: {  	[smem:$0x3F95] =	sst s6  }
0xf: {  	[smem:$0x3F96] =	sst s7  }
0x10: {  	[smem:$0x3F97] =	sst s8  }
0x11: {  	[smem:$0x3F98] =	sst s9;
	s0 =	simm.s32 @!p0 $0x0  }
0x12: {  	s1 =	sld [smem:$0x3F7E];
	s0 =	simm.s32 @p0 $0x1  }
0x13: {  	[smem:$0x3F99] =	sst s0;
	s0 =	simm.s32 @!p1 $0x0  }
0x14: {  	s2 =	sld [smem:$0x3F7D];
	s0 =	simm.s32 @p1 $0x1  }
0x15: {  	[smem:$0x3F9A] =	sst s0;
	s0 =	simm.s32 @!p2 $0x0  }
0x16: {  	s3 =	sld [smem:$0x3FDB];
	s0 =	simm.s32 @p2 $0x1  }
0x17: {  	s4 =	simm.s32 $0x1BF5;
	[smem:$0x3F9C] =	sst s0  }
0x18: {  	s0 =	sld [smem:$0x3F7F];
	_ =	swait.ge [sflag:s4], $0x0  }
0x19: {  	s7 =	sld [smem:$0x3F80]  }
0x1a: {  	s8 =	sadd.s32 $0xFFFFE003, lr  }
0x1b: {  	s9 =	sadd.s32 $0xFFFFFEF7, lr;
	s5 =	simm.s32 $0xFFFFFFFF;
	p2 =	slt.u32 s8, $0xFFFFF086  }
0x1c: {  	p1 =	slt.u32 s9, $0xF7A;
	s5 =	simm.s32 @!p2 $0x0  }
0x1d: {  	s5 =	simm.s32 @p1 $0x1;
	p0 =	seq.s32 s7, s2  }
0x1e: {  	s7 =	smul.u32 @!p0 $0xF7A, s2;
	p2 =	seq.s32 @!p0 s5, $0x0  }
0x1f: {  	s9 =	smul.u32 $0xF7A, s1;
	s8 =	simm.s32 @!p0 $0x1BF5;
	p2 =	por !p2, p0  }
0x20: {  	[sflag:s8] =	ssyncset.s32 @!p0 $0xFFFFF086;
	s6 =	sadd.s32 @!p0 s3, s7;
	s7 =	simm.s32 @!p0 $0x108  }
0x21: {  	s3 =	sadd.s32 s3, s9;
	s6 =	sadd.s32 @!p0 $0x88, s6;
	s7 =	simm.s32 @p2 $0x1082  }
0x22: {  	[simem:s7], [sflag:s8] =	dma.local @!p0 [hbm:s6], $0xF7A  }
0x23: {  	s9 =	sor.u32 $0xD0000000, s2;
	s6 =	simm.s32 $0x108;
	_ =	swait.ge @!p0 [sflag:s8], $0x0  }
0x24: {  	s3 =	sadd.s32 $0x88, s3;
	s6 =	simm.s32 @!p1 $0x1082;
	[sflag:s4] =	ssyncset.s32 $0xFFFFF086  }
0x25: {  	[simem:s6], [sflag:s4] =	dma.local [hbm:s3], $0xF7A  }
0x26: {  	[smem:$0x3F80] =	sst s1;
	(tag) =	ssettag s2;
	_ =	strace s9  }
0x27: {  	s1 =	sld [smem:$0x3F90]  }
0x28: {  	s2 =	sld [smem:$0x3F91]  }
0x29: {  	s4 =	sld [smem:$0x3F93]  }
0x2a: {  	p0 =	seq.s32 s5, $0x0;
	s5 =	sld [smem:$0x3F94]  }
0x2b: {  	s6 =	sld [smem:$0x3F95]  }
0x2c: {  	s7 =	sld [smem:$0x3F96]  }
0x2d: {  	s3 =	simm.s32 $0x108;
	s8 =	sld [smem:$0x3F97]  }
0x2e: {  	s3 =	simm.s32 @!p0 $0x1082;
	s9 =	sld [smem:$0x3F98]  }
0x2f: {  	lr =	sadd.s32 s0, s3;
	s0 =	sld [smem:$0x3F8F]  }
0x30: {  	s3 =	sld [smem:$0x3F92]  }
0x31: {  	[smem:$0x3F9B] =	sst s10  }
0x32: {  	s10 =	sld [smem:$0x3F99];
	_ =	sdelay $0x3  }
0x33: {  	p0 =	seq.s32 s10, $0x1;
	s10 =	sld [smem:$0x3F9B];
	_ =	sdelay $0x3  }
0x34: {  	[smem:$0x3F9B] =	sst s10  }
0x35: {  	s10 =	sld [smem:$0x3F9A];
	_ =	sdelay $0x3  }
0x36: {  	p1 =	seq.s32 s10, $0x1;
	s10 =	sld [smem:$0x3F9B];
	_ =	sdelay $0x3  }
0x37: {  	[smem:$0x3F9B] =	sst s10  }
0x38: {  	s10 =	sld [smem:$0x3F9C]  }
0x39: {  	_ = 	snop;
	(pc) =	sbr.ind lr, $3  }
0x3a: {  	_ = 	snop  }
0x3b: {  	_ = 	snop  }
0x3c: {  	p2 =	seq.s32 s10, $0x1;
	s10 =	sld [smem:$0x3F9B]  }
0x3d: {  	_ =	shalt  }
0x3e: {  	_ =	shalt  }
0x3f: {  	_ =	shalt  }
0x40: {  	_ =	shalt  }
0x41: {  	_ =	shalt  }
0x42: {  	_ =	shalt  }
0x43: {  	_ =	shalt  }
0x44: {  	_ =	shalt  }
0x45: {  	_ =	shalt  }
0x46: {  	_ =	shalt  }
0x47: {  	_ =	shalt  }
0x48: {  	_ =	shalt  }
0x49: {  	_ =	shalt  }
0x4a: {  	_ =	shalt  }
0x4b: {  	_ =	shalt  }
0x4c: {  	_ =	shalt  }
0x4d: {  	_ =	shalt  }
0x4e: {  	_ =	shalt  }
0x4f: {  	_ =	shalt  }
0x50: {  	_ =	shalt  }
0x51: {  	_ =	shalt  }
0x52: {  	_ =	shalt  }
0x53: {  	_ =	shalt  }
0x54: {  	_ =	shalt  }
0x55: {  	_ =	shalt  }
0x56: {  	_ =	shalt  }
0x57: {  	_ =	shalt  }
0x58: {  	_ =	shalt  }
0x59: {  	_ =	shalt  }
0x5a: {  	_ =	shalt  }
0x5b: {  	_ =	shalt  }
0x5c: {  	_ =	shalt  }
0x5d: {  	_ =	shalt  }
0x5e: {  	_ =	shalt  }
0x5f: {  	_ =	shalt  }
0x60: {  	_ =	shalt  }
0x61: {  	_ =	shalt  }
0x62: {  	_ =	shalt  }
0x63: {  	_ =	shalt  }
0x64: {  	_ =	shalt  }
0x65: {  	_ =	shalt  }
0x66: {  	_ =	shalt  }
0x67: {  	_ =	shalt  }
0x68: {  	_ =	shalt  }
0x69: {  	_ =	shalt  }
0x6a: {  	_ =	shalt  }
0x6b: {  	_ =	shalt  }
0x6c: {  	_ =	shalt  }
0x6d: {  	_ =	shalt  }
0x6e: {  	_ =	shalt  }
0x6f: {  	_ =	shalt  }
0x70: {  	_ =	shalt  }
0x71: {  	_ =	shalt  }
0x72: {  	_ =	shalt  }
0x73: {  	_ =	shalt  }
0x74: {  	_ =	shalt  }
0x75: {  	_ =	shalt  }
0x76: {  	_ =	shalt  }
0x77: {  	_ =	shalt  }
0x78: {  	_ =	shalt  }
0x79: {  	_ =	shalt  }
0x7a: {  	_ =	shalt  }
0x7b: {  	_ =	shalt  }
0x7c: {  	_ =	shalt  }
0x7d: {  	_ =	shalt  }
0x7e: {  	_ =	shalt  }
0x7f: {  	_ =	shalt  }
0x80: {  	_ =	shalt  }
0x81: {  	_ =	shalt  }
0x82: {  	_ =	shalt  }
0x83: {  	_ =	shalt  }
0x84: {  	_ =	shalt  }
0x85: {  	_ =	shalt  }
0x86: {  	_ =	shalt  }
0x87: {  	_ =	shalt  }
.Lfunc_end0:
.L_simem_size_0:
called_computation.1_lowered:
.L_overlay_start_0:
0x88: {  	s2 =	sld [smem:$0x3FD9]  }
0x89: {  	s3 =	sld [smem:$0x3FFE];
	_ =	sdelay $0x1  }
0x8a: {  	s1 =	srdreg.scid  }
0x8b: {  	s0 =	sand.u32 $0x1, s1  }
0x8c: {  	s14 =	sshll.u32 s0, $0xA;
	s2 =	sadd.s32 s3, s2  }
0x8d: {  	s2 =	sadd.s32 s2, s14  }
0x8e: {  	[smem:$0x3FA7] =	sst s2  }
0x8f: {  	_ = 	snop  }
0x90: {  	s2 =	sld [smem:$0x3FD0];
	_ =	sdelay $0x2  }
0x91: {  	s15 =	simm.s32 $0xA;
	s4 =	simm.s32 $0x10  }
0x92: {  	[smem:s4], [sflag:s15] =	dma.local [hbm:s2], $0x1  }
0x93: {  	_ =	swait.eq [sflag:s15], $0x1  }
0x94: {  	[sflag:s15] =	ssyncset.done $0x0  }
0x95: {  	[sflag:s15] =	ssyncadd.s32 $0xFFFFFFFF  }
0x96: {  	s16 =	sld [smem:$0x11];
	(tm) =	ssettm $0x1  }
0x97: {  	s17 =	sld [smem:$0x3FFB];
	_ =	sdelay $0x3  }
0x98: {  	_ =	strace s17  }
0x99: {  	s3 =	sld [smem:$0x3FFC];
	_ =	sdelay $0x3  }
0x9a: {  	_ =	strace s3  }
0x9b: {  	s3 =	sld [smem:$0x3FFD];
	_ =	sdelay $0x3  }
0x9c: {  	_ =	strace s3  }
0x9d: {  	_ =	strace $0x8FFFFFFF  }
0x9e: {  	s18 =	sld [smem:$0x3FDB];
	_ =	sdelay $0x1  }
0x9f: {  	s19 =	simm.s32 $_scs_section_size  }
0xa0: {  	s5 =	simm.s32 $_size__tile_overlayer_lowered;
	s6 =	simm.s32 $_tile_overlayer_lowered  }
0xa1: {  	s22 =	simm.s32 $0x1BFF;
	s21 =	sshll.u32 s6, $0x1;
	s3 =	sadd.s32 s19, s18  }
0xa2: {  	s7 =	simm.s32 $0x0;
	s20 =	sshll.u32 s5, $0x1;
	s5 =	sadd.s32 s21, s3  }
0xa3: {  	[timem:s7], [sflag:s22] =	dma.local [hbm:s5], s20  }
0xa4: {  	_ =	swait.ge [sflag:s22], s20  }
0xa5: {  	s4 =	ssub.s32 $0x0, s20;
	[sflag:s22] =	ssyncset.done $0x0  }
0xa6: {  	[sflag:s22] =	ssyncadd.s32 s4;
	_ =	sdelay $0x1  }
0xa7: {  	s23 =	simm.s32 $0x1B8B  }
0xa8: {  	_ =	swait.ge [sflag:s23], $0x1  }
0xa9: {  	[sflag:s23] =	ssyncset.done $0x0  }
0xaa: {  	s25 =	simm.s32 $0x1B8E;
	s24 =	sld [smem:$0x3FFE];
	[sflag:s23] =	ssyncadd.s32 $0xFFFFFFFF  }
0xab: {  	s26 =	simm.s32 $execute0_lowered;
	[smem:$0x3FD2] =	sst s25  }
0xac: {  	s5 =	sshll.u32 s26, $0x1;
	_ =	strace $0x80000049;
	[dreg:$0x1] =	wrdreg $0xFFFFFFFF  }
0xad: {  	s28 =	simm.s32 $_size_execute0_lowered;
	s3 =	sadd.s32 s3, s5;
	[dreg:$0x0] =	wrdreg $0x0  }
0xae: {  	s5 =	sshll.u32 s28, $0x1;
	[dreg:$0x2] =	wrdreg s3  }
0xaf: {  	[dreg:$0x3] =	wrdreg s5  }
0xb0: {  	[dreg:$0x4] =	wrdreg $0xC0  }
0xb1: {  	_ =	task [dreg:s7], $0x5FFFF  }
0xb2: {  	[dreg:$0x1] =	wrdreg $0xFFFFFFFF  }
0xb3: {  	[dreg:$0x0] =	wrdreg $0x60  }
0xb4: {  	[dreg:$0x2] =	wrdreg s24  }
0xb5: {  	[dreg:$0x3] =	wrdreg s16  }
0xb6: {  	[dreg:$0x4] =	wrdreg $0x53000  }
0xb7: {  	[dreg:$0x5] =	wrdreg $0x9  }
0xb8: {  	_ =	task.clear_ibuf [dreg:s7], $0x6FFFF;
	_ =	strace $0x90000049  }
0xb9: {  	s29 =	simm.s32 $0x9;
	_ =	strace $0x8000004B  }
0xba: {  	_ =	swait.ge [sflag:s29], $0x1  }
0xbb: {  	[sflag:s29] =	ssyncadd.s32 $0xFFFFFFFF  }
0xbc: {  	_ =	strace $0x9000004B  }
0xbd: {  	_ =	sfence  }
0xbe: {  	s30 =	sld [smem:$0x0];
	_ =	sdelay $0x2  }
0xbf: {  	s31 =	sshll.u32 s1, $0xD;
	s1 =	sshrl.u32 s1, $0x2  }
0xc0: {  	s3 =	sand.u32 $0x4000, s31;
	s1 =	sadd.s32 s1, s30  }
0xc1: {  	s0 =	sor.u32 s3, s0;
	s1 =	sshll.u32 s1, $0x11  }
0xc2: {  	s0 =	sor.u32 s1, s0  }
0xc3: {  	s0 =	sadd.s32 $0x8F2B, s0  }
0xc4: {  	[sflag:s0] =	ssyncadd.remote.s32 $0x1  }
0xc5: {  	_ =	sfence.sel $0xFFFF  }
0xc6: {  	[dreg:$0x0] =	wrdreg $0xFFFFFFFF;
	(pc) =	sbr.abs _section_cstart, $3  }
0xc7: {  	[dreg:$0x1] =	wrdreg $0xFFFFFFFF  }
0xc8: {  	_ =	task.clear_ibuf [dreg:s7], $0x2FFFF;
	_ =	strace $0x9FFFFFFF  }
0xc9: {  	(tm) =	ssettm $0x7FFFFFFF  }
tec
execute0_lowered:
.L_overlay_start_1:
0x0: {  	(tag) =	ssettag $0x1  }
0x1: {  	s0 =	rddreg [dreg:$0x0]  }
0x2: {  	s2 =	rddreg [dreg:$0x2]  }
0x3: {  	s1 =	srdreg.scid;
	s4 =	simm.s32 $0x0;
	s11 =	stileid.u32  }
0x4: {  	s28 =	simm.s32 $0x5180;
	s29 =	simm.s32 $0x5280;
	s30 =	simm.s32 $0x1  }
0x5: {  	s31 =	simm.s32 $0x4;
	s1 =	sand.u32 $0x1, s1;
	[smem:$0x7FF] =	sst s4  }
0x6: {  	s8 =	smul.u32 $0x13C00, s11;
	s5 =	sadd.s32 $0x4AA00, s0;
	s6 =	sadd.s32 $0x1AA00, s0  }
0x7: {  	s7 =	sadd.s32 $0x2AA00, s0;
	s10 =	smul.u32 $0x4F000, s11;
	s19 =	sshll.u32 s11, $0xE  }
0x8: {  	s11 =	sshll.u32 s11, $0x6;
	s3 =	smul.u32 $0x13C000, s1;
	s9 =	ssub.s32 $0x2, s1  }
0x9: {  	_ =	strace $0x8000004A;
	s1 =	sshll.u32 s1, $0x12;
	s18 =	sshrl.u32 s9, $0x1  }
0xa: {  	s10 =	sshrl.u32 s10, $0x2;
	s3 =	sadd.s32 s8, s3;
	s8 =	sadd.s32 $0x3AA00, s0  }
0xb: {  	s20 =	sadd.s32 s10, s2;
	s10 =	sor.u32 $0x1C05, s11;
	s3 =	sshrl.u32 s3, $0x3  }
0xc: {  	s0 =	sadd.s32 s3, s0;
	s3 =	ssub.s32 s9, s18;
	s9 =	sor.u32 s19, s1  }
0xd: {  	s19 =	sshrl.u32 s20, $0x3;
	s20 =	simm.s32 $0x5;
	s21 =	sshrl.u32 s9, $0x3  }
0xe: {  	s1 =	simm.s32 $0x0;
	s17 =	sadd.s32 $0x71C00, s0;
	s12 =	sadd.s32 s6, s21  }
0xf: {  	s18 =	smax.u32 s3, $0x1;
	s22 =	sadd.s32 s7, s21;
	[dreg:$0x4] =	wrdreg s12  }
0x10: {  	s23 =	sor.u32 $0x10, s21;
	s11 =	sadd.s32 s8, s21;
	[dreg:$0x5] =	wrdreg s22  }
.Ltmp0:
0x11: {  	[dreg:$0x6] =	wrdreg s11;
	s24 =	sadd.s32 s6, s23;
	(pc) =	sbr.rel .LBB2_1-.Ltmp0, $4  }
0x12: {  	s0 =	simm.s32 $0x2800;
	s25 =	sadd.s32 s7, s23;
	[dreg:$0x7] =	wrdreg s24  }
0x13: {  	s3 =	simm.s32 $0x2;
	s26 =	sadd.s32 s8, s23;
	[dreg:$0x8] =	wrdreg s25  }
0x14: {  	s22 =	simm.s32 $0x5100;
	s23 =	simm.s32 $0x5200;
	[dreg:$0x9] =	wrdreg s26  }
0x15: {  	s24 =	simm.s32 $0x3;
	s25 =	simm.s32 $0x50;
	s26 =	simm.s32 $0x5080  }
.LBB2_8:
0x16: {  	[spmem:s2] =	stream.indirect.scatter.add.f32 [tilespmem:s0], [sflag:$0x5], $0x80, s28, s25, $0xb8;
	[tilespmem:$0x18F00] =	vst v63  }
0x17: {  	_ =	swait.ge [sflag:s20], $0x2800  }
0x18: {  	s1 =	sadd.s32 $0x1, s1;
	[sflag:s20] =	ssyncset.done $0x0  }
0x19: {  	p0 =	sne.s32 s1, s18;
	[sflag:s20] =	ssyncadd.s32 $0xFFFFD800  }
.Ltmp1:
0x1a: {  	[bflag:$0x0] =	sbarrier.arrive $0xFFFF;
	(pc) =	sbr.rel @!p0 .LBB2_9-.Ltmp1, $4  }
0x1b: {  	[hbm:s17], [sflag:s10] =	dma.local [spmem:s19], $0x2780  }
0x1c: {  	_ =	swait.ge [sflag:s20], $0x2780  }
0x1d: {  	[sflag:s20] =	ssyncset.done $0x0  }
0x1e: {  	[sflag:s20] =	ssyncadd.s32 $0xFFFFD880  }
.LBB2_1:
0x1f: {  	s11 =	rddreg [dreg:$0x1]  }
0x20: {  	[spmem:s19], [sflag:s10] =	dma.local [hbm:s11], $0x2780  }
0x21: {  	_ =	swait.ge [sflag:s20], $0x2780  }
0x22: {  	[sflag:s20] =	ssyncset.done $0x0  }
0x23: {  	[sflag:s20] =	ssyncadd.s32 $0xFFFFD880  }
0x24: {  	[bflag:$0x0] =	sbarrier.arrive $0xFFFF  }
0x25: {  	s12 =	simm.s32 $0x5000;
	s21 =	rddreg [dreg:$0x4]  }
0x26: {  	[tilespmem:s12], [sflag:$0x3] =	stream.linear.gather [hbm4b:s21+s4], $0x80, $0x38;
	[tilespmem:$0x18F00] =	vst v63  }
0x27: {  	s13 =	rddreg [dreg:$0x5]  }
0x28: {  	[tilespmem:s22], [sflag:$0x3] =	stream.linear.gather [hbm4b:s13+s4], $0x80, $0x38;
	[tilespmem:$0x18F00] =	vst v63  }
0x29: {  	s14 =	rddreg [dreg:$0x6]  }
0x2a: {  	[tilespmem:s23], [sflag:$0x3] =	stream.linear.gather [hbm4b:s14+s4], $0x80, $0x38;
	[tilespmem:$0x18F00] =	vst v63  }
0x2b: {  	_ =	swait.ge [sflag:s24], $0x80  }
0x2c: {  	[sflag:s24] =	ssyncset.done $0x0  }
0x2d: {  	[sflag:s24] =	ssyncadd.s32 $0xFFFFFF80  }
0x2e: {  	_ =	swait.ge [sflag:s24], $0x80  }
0x2f: {  	[sflag:s24] =	ssyncset.done $0x0  }
0x30: {  	[sflag:s24] =	ssyncadd.s32 $0xFFFFFF80  }
0x31: {  	_ =	swait.ge [sflag:s24], $0x80  }
0x32: {  	[sflag:s24] =	ssyncset.done $0x0  }
0x33: {  	[sflag:s24] =	ssyncadd.s32 $0xFFFFFF80  }
0x34: {  	[tilespmem:s4], [sflag:$0x1] =	stream.indirect.gather [hbm4b:s5+s25], $0x80, s12, s25, $0xb8;
	[tilespmem:$0x18F00] =	vst v63  }
0x35: {  	s15 =	rddreg [dreg:$0x7]  }
0x36: {  	[tilespmem:s26], [sflag:$0x4] =	stream.linear.gather [hbm4b:s15+s4], $0x80, $0x38;
	[tilespmem:$0x18F00] =	vst v63  }
0x37: {  	s16 =	rddreg [dreg:$0x8]  }
0x38: {  	[tilespmem:s28], [sflag:$0x4] =	stream.linear.gather [hbm4b:s16+s4], $0x80, $0x38;
	[tilespmem:$0x18F00] =	vst v63  }
0x39: {  	s21 =	rddreg [dreg:$0x9]  }
0x3a: {  	[tilespmem:s29], [sflag:$0x4] =	stream.linear.gather [hbm4b:s21+s4], $0x80, $0x38;
	[tilespmem:$0x18F00] =	vst v63  }
0x3b: {  	_ =	swait.ge [sflag:s30], $0x2800  }
0x3c: {  	[sflag:s30] =	ssyncset.done $0x0  }
0x3d: {  	s21 =	simm.s32 $0x0;
	[sflag:s30] =	ssyncadd.s32 $0xFFFFD800  }
.LBB2_2:
0x3e: {  	_ =	swait.ge [sflag:s31], $0x80  }
0x3f: {  	[sflag:s31] =	ssyncset.done $0x0  }
0x40: {  	s11 =	simm.s32 $0x0;
	[sflag:s31] =	ssyncadd.s32 $0xFFFFFF80  }
0x41: {  	s12 =	simm.s32 $0x1;
	v0 =	vmov s11;
	_ =	swait.ge [sflag:s31], $0x80  }
0x42: {  	s16 =	simm.s32 $0x3;
	v2 =	vmov s12;
	v0 =	vand.u32 $0xFFFFFFFC, v0;
	[sflag:s31] =	ssyncset.done $0x0  }
0x43: {  	s13 =	simm.s32 $0x2;
	v1 =	vmov s16;
	v3 =	vbroadcast v0, $0x0;
	v0 =	vand.u32 $0xFFFFFFFD, v2;
	[sflag:s31] =	ssyncadd.s32 $0xFFFFFF80  }
0x44: {  	v2 =	vmov s13;
	v4 =	vbroadcast v0, $0x0;
	_ =	swait.ge [sflag:s31], $0x80  }
0x45: {  	v0 =	vand.u32 $0xFFFFFFFE, v2;
	[sflag:s31] =	ssyncset.done $0x0  }
0x46: {  	v2 =	vbroadcast v0, $0x0;
	[sflag:s31] =	ssyncadd.s32 $0xFFFFFF80  }
0x47: {  	[tilespmem:s0], [sflag:$0x2] =	stream.indirect.gather [hbm4b:s5+s25], $0x80, s26, s25, $0xb8;
	[tilespmem:$0x18F00] =	vst v63  }
0x48: {  	v0 =	vld.idx.msk [tilespmem:v1+s23+$0x0], $0xffff  }
0x49: {  	v3 =	vld.idx.msk [tilespmem:v3+s23+$0x0], $0xffff  }
0x4a: {  	s11 =	simm.s32 $0x100;
	v4 =	vld.idx.msk [tilespmem:v4+s23+$0x0], $0xffff  }
0x4b: {  	v5 =	vld [tilespmem:s11+$0xFFFFFF00]  }
0x4c: {  	v1 =	vld.idx.msk [tilespmem:v2+s23+$0x0], $0xffff  }
0x4d: {  	v2 =	vld [tilespmem:s11+$0x70]  }
0x4e: {  	v6 =	vld [tilespmem:s11+$0xFFFFFF10]  }
0x4f: {  	v7 =	vld [tilespmem:s11+$0xFFFFFF20]  }
0x50: {  	v8 =	vld [tilespmem:s11+$0xFFFFFF30]  }
0x51: {  	v9 =	vld [tilespmem:s11+$0xFFFFFF40];
	v5 =	vmul.f32 v5, v3  }
0x52: {  	v10 =	vld [tilespmem:s11+$0xFFFFFF50];
	v2 =	vmul.f32 v2, v1  }
0x53: {  	v11 =	vld [tilespmem:s11+$0xFFFFFF60];
	v6 =	vmul.f32 v6, v3;
	v5 =	vmax.f32 v5, $0.0e+00  }
0x54: {  	v12 =	vld [tilespmem:s11+$0xFFFFFF70];
	v7 =	vmul.f32 v7, v3;
	v2 =	vmax.f32 v2, $0.0e+00;
	[tilespmem:s11+$0xFFFFFF00] =	vst v5  }
0x55: {  	v5 =	vmul.f32 v8, v3;
	[tilespmem:s11+$0x70] =	vst v2;
	v2 =	vmax.f32 v6, $0.0e+00;
	v6 =	vld [tilespmem:s11+$0xFFFFFF80]  }
0x56: {  	v8 =	vld [tilespmem:s11+$0xFFFFFF90];
	[tilespmem:s11+$0xFFFFFF10] =	vst v2;
	v2 =	vmax.f32 v7, $0.0e+00;
	v7 =	vmul.f32 v9, v3  }
0x57: {  	v9 =	vld [tilespmem:s11+$0xFFFFFFA0];
	[tilespmem:s11+$0xFFFFFF20] =	vst v2;
	v2 =	vmax.f32 v5, $0.0e+00;
	v5 =	vmul.f32 v10, v3  }
0x58: {  	v10 =	vld [tilespmem:s11+$0xFFFFFFB0];
	[tilespmem:s11+$0xFFFFFF30] =	vst v2;
	v2 =	vmax.f32 v7, $0.0e+00;
	v7 =	vmul.f32 v11, v3  }
0x59: {  	v3 =	vmul.f32 v12, v3;
	[tilespmem:s11+$0xFFFFFF40] =	vst v2;
	v2 =	vmax.f32 v5, $0.0e+00;
	v5 =	vld [tilespmem:s11+$0xFFFFFFC0]  }
0x5a: {  	[tilespmem:s11+$0xFFFFFF50] =	vst v2;
	v2 =	vmax.f32 v7, $0.0e+00;
	v6 =	vmul.f32 v6, v4;
	v7 =	vld [tilespmem:s11+$0xFFFFFFD0]  }
0x5b: {  	[tilespmem:s11+$0xFFFFFF60] =	vst v2;
	v2 =	vmax.f32 v3, $0.0e+00;
	v3 =	vmul.f32 v8, v4;
	v8 =	vld [tilespmem:s11+$0xFFFFFFE0]  }
0x5c: {  	[tilespmem:s11+$0xFFFFFF70] =	vst v2;
	v2 =	vmax.f32 v6, $0.0e+00;
	v6 =	vmul.f32 v9, v4;
	v9 =	vld [tilespmem:s11+$0xFFFFFFF0]  }
0x5d: {  	[tilespmem:s11+$0xFFFFFF80] =	vst v2;
	v2 =	vmax.f32 v3, $0.0e+00;
	v3 =	vmul.f32 v10, v4;
	v10 =	vld [tilespmem:s11+$0x0]  }
0x5e: {  	[tilespmem:s11+$0xFFFFFF90] =	vst v2;
	v2 =	vmax.f32 v6, $0.0e+00;
	v5 =	vmul.f32 v5, v4;
	v6 =	vld [tilespmem:s11+$0x10]  }
0x5f: {  	s14 =	simm.s32 $0x4;
	[tilespmem:s11+$0xFFFFFFA0] =	vst v2;
	v2 =	vmax.f32 v3, $0.0e+00;
	v3 =	vmul.f32 v7, v4;
	v7 =	vld [tilespmem:s11+$0x20]  }
0x60: {  	v11 =	vmov s14;
	v12 =	vld [tilespmem:s11+$0x30];
	[tilespmem:s11+$0xFFFFFFB0] =	vst v2;
	v5 =	vmax.f32 v5, $0.0e+00;
	v8 =	vmul.f32 v8, v4  }
0x61: {  	s15 =	simm.s32 $0x7;
	v11 =	vand.u32 $0xFFFFFFFC, v11;
	[tilespmem:s11+$0xFFFFFFC0] =	vst v5;
	v3 =	vmax.f32 v3, $0.0e+00;
	v4 =	vmul.f32 v9, v4;
	v9 =	vld [tilespmem:s11+$0x40]  }
0x62: {  	s16 =	simm.s32 $0x5;
	v2 =	vmov s15;
	v5 =	vld [tilespmem:s11+$0x50];
	[tilespmem:s11+$0xFFFFFFD0] =	vst v3;
	v3 =	vmax.f32 v8, $0.0e+00;
	v8 =	vmul.f32 v10, v1  }
0x63: {  	v10 =	vmov s16;
	[tilespmem:s11+$0xFFFFFFE0] =	vst v3;
	v4 =	vmax.f32 v4, $0.0e+00;
	v13 =	vmul.f32 v6, v1;
	v6 =	vld [tilespmem:s11+$0x60]  }
0x64: {  	v3 =	vbroadcast v11, $0x0;
	[tilespmem:s11+$0xFFFFFFF0] =	vst v4;
	v4 =	vmax.f32 v8, $0.0e+00;
	v11 =	vmul.f32 v7, v1;
	v7 =	vld [tilespmem:s11+$0x80]  }
0x65: {  	v14 =	vand.u32 $0xFFFFFFFD, v10;
	v10 =	vmul.f32 v12, v1;
	v8 =	vld [tilespmem:s11+$0x90];
	[tilespmem:s11+$0x0] =	vst v4;
	v13 =	vmax.f32 v13, $0.0e+00  }
0x66: {  	s12 =	simm.s32 $0x100;
	s13 =	simm.s32 $0x8;
	s14 =	simm.s32 $0x6;
	v4 =	vbroadcast v14, $0x0;
	[tilespmem:s11+$0x10] =	vst v13;
	v12 =	vmax.f32 v11, $0.0e+00;
	v11 =	vmul.f32 v9, v1;
	v9 =	vld [tilespmem:s11+$0xA0]  }
.LBB2_3:
0x67: {  	p0 =	slt.u32 s13, $0x4C;
	v13 =	vmov s14;
	[tilespmem:s11+$0x20] =	vst v12;
	v10 =	vmax.f32 v10, $0.0e+00;
	v5 =	vmul.f32 v5, v1;
	v12 =	vld [tilespmem:s11+$0xB0]  }
0x68: {  	v13 =	vand.u32 $0xFFFFFFFE, v13;
	[tilespmem:s11+$0x30] =	vst v10;
	v10 =	vmax.f32 v11, $0.0e+00;
	v1 =	vmul.f32 v6, v1;
	v6 =	vld [tilespmem:s11+$0xC0]  }
0x69: {  	v11 =	vbroadcast v13, $0x0;
	[tilespmem:s11+$0x40] =	vst v10;
	v5 =	vmax.f32 v5, $0.0e+00;
	v7 =	vmul.f32 v7, v0;
	v10 =	vld [tilespmem:s11+$0xD0]  }
0x6a: {  	[tilespmem:s11+$0x50] =	vst v5;
	v1 =	vmax.f32 v1, $0.0e+00;
	v5 =	vmul.f32 v8, v0;
	v8 =	vld [tilespmem:s11+$0xE0]  }
0x6b: {  	[tilespmem:s11+$0x60] =	vst v1;
	v1 =	vmax.f32 v7, $0.0e+00;
	v7 =	vmul.f32 v9, v0;
	v9 =	vld [tilespmem:s11+$0xF0]  }
0x6c: {  	v2 =	vld.idx.msk [tilespmem:v2+s23+$0x0], $0xffff;
	[tilespmem:s11+$0x80] =	vst v1;
	v1 =	vmax.f32 v5, $0.0e+00;
	v5 =	vmul.f32 v12, v0  }
0x6d: {  	v3 =	vld.idx.msk [tilespmem:v3+s23+$0x0], $0xffff;
	[tilespmem:s11+$0x90] =	vst v1;
	v1 =	vmax.f32 v7, $0.0e+00;
	v6 =	vmul.f32 v6, v0  }
0x6e: {  	v4 =	vld.idx.msk [tilespmem:v4+s23+$0x0], $0xffff;
	[tilespmem:s11+$0xA0] =	vst v1;
	v5 =	vmax.f32 v5, $0.0e+00;
	v7 =	vmul.f32 v10, v0  }
0x6f: {  	s11 =	sadd.s32 $0x200, s11;
	v1 =	vld.idx.msk [tilespmem:v11+s23+$0x0], $0xffff;
	[tilespmem:s12+$0xB0] =	vst v5;
	v5 =	vmax.f32 v6, $0.0e+00;
	v6 =	vmul.f32 v8, v0  }
0x70: {  	v8 =	vld [tilespmem:s11+$0x70];
	[tilespmem:s12+$0xC0] =	vst v5;
	v5 =	vmax.f32 v7, $0.0e+00;
	v9 =	vmul.f32 v9, v0  }
0x71: {  	v7 =	vld [tilespmem:s11+$0xFFFFFF00];
	[tilespmem:s12+$0xD0] =	vst v5;
	v5 =	vmax.f32 v6, $0.0e+00  }
0x72: {  	v0 =	vmov v2;
	v6 =	vld [tilespmem:s11+$0xFFFFFF10];
	[tilespmem:s12+$0xE0] =	vst v5;
	v5 =	vmax.f32 v9, $0.0e+00  }
0x73: {  	v2 =	vld [tilespmem:s11+$0xFFFFFF20];
	[tilespmem:s12+$0xF0] =	vst v5;
	s12 =	smov.u32 s11  }
0x74: {  	v5 =	vld [tilespmem:s11+$0xFFFFFF30]  }
0x75: {  	v9 =	vld [tilespmem:s11+$0xFFFFFF40];
	v8 =	vmul.f32 v8, v1  }
0x76: {  	v7 =	vmul.f32 v7, v3;
	v10 =	vld [tilespmem:s11+$0xFFFFFF50]  }
0x77: {  	v6 =	vmul.f32 v6, v3;
	v11 =	vld [tilespmem:s11+$0xFFFFFF60];
	v8 =	vmax.f32 v8, $0.0e+00  }
0x78: {  	v7 =	vmax.f32 v7, $0.0e+00;
	v2 =	vmul.f32 v2, v3;
	v12 =	vld [tilespmem:s11+$0xFFFFFF70];
	[tilespmem:s11+$0x70] =	vst v8  }
0x79: {  	[tilespmem:s11+$0xFFFFFF00] =	vst v7;
	v6 =	vmax.f32 v6, $0.0e+00;
	v5 =	vmul.f32 v5, v3;
	v7 =	vld [tilespmem:s11+$0xFFFFFF80]  }
0x7a: {  	[tilespmem:s11+$0xFFFFFF10] =	vst v6;
	v2 =	vmax.f32 v2, $0.0e+00;
	v6 =	vmul.f32 v9, v3;
	v8 =	vld [tilespmem:s11+$0xFFFFFF90]  }
0x7b: {  	[tilespmem:s11+$0xFFFFFF20] =	vst v2;
	v2 =	vmax.f32 v5, $0.0e+00;
	v5 =	vmul.f32 v10, v3;
	v9 =	vld [tilespmem:s11+$0xFFFFFFA0]  }
0x7c: {  	[tilespmem:s11+$0xFFFFFF30] =	vst v2;
	v2 =	vmax.f32 v6, $0.0e+00;
	v6 =	vmul.f32 v11, v3;
	v10 =	vld [tilespmem:s11+$0xFFFFFFB0]  }
0x7d: {  	[tilespmem:s11+$0xFFFFFF40] =	vst v2;
	v2 =	vmax.f32 v5, $0.0e+00;
	v3 =	vmul.f32 v12, v3;
	v5 =	vld [tilespmem:s11+$0xFFFFFFC0]  }
0x7e: {  	[tilespmem:s11+$0xFFFFFF50] =	vst v2;
	v2 =	vmax.f32 v6, $0.0e+00;
	v6 =	vmul.f32 v7, v4;
	v7 =	vld [tilespmem:s11+$0xFFFFFFD0]  }
0x7f: {  	[tilespmem:s11+$0xFFFFFF60] =	vst v2;
	v2 =	vmax.f32 v3, $0.0e+00;
	v3 =	vmul.f32 v8, v4;
	v8 =	vld [tilespmem:s11+$0xFFFFFFE0]  }
0x80: {  	[tilespmem:s11+$0xFFFFFF70] =	vst v2;
	v2 =	vmax.f32 v6, $0.0e+00;
	v6 =	vmul.f32 v9, v4;
	v9 =	vld [tilespmem:s11+$0xFFFFFFF0]  }
0x81: {  	[tilespmem:s11+$0xFFFFFF80] =	vst v2;
	v2 =	vmax.f32 v3, $0.0e+00;
	v3 =	vmul.f32 v10, v4;
	v10 =	vld [tilespmem:s11+$0x0]  }
0x82: {  	[tilespmem:s11+$0xFFFFFF90] =	vst v2;
	v2 =	vmax.f32 v6, $0.0e+00;
	v5 =	vmul.f32 v5, v4;
	v6 =	vld [tilespmem:s11+$0x10]  }
0x83: {  	[tilespmem:s11+$0xFFFFFFA0] =	vst v2;
	v2 =	vmax.f32 v3, $0.0e+00;
	v3 =	vmul.f32 v7, v4;
	v7 =	vld [tilespmem:s11+$0x20]  }
0x84: {  	s14 =	sadd.s32 $0x3, s13;
	v11 =	vmov s13;
	[tilespmem:s11+$0xFFFFFFB0] =	vst v2;
	v5 =	vmax.f32 v5, $0.0e+00;
	v8 =	vmul.f32 v8, v4;
	v12 =	vld [tilespmem:s11+$0x30]  }
0x85: {  	v2 =	vmov s14;
	[tilespmem:s11+$0xFFFFFFC0] =	vst v5;
	v3 =	vmax.f32 v3, $0.0e+00;
	v4 =	vmul.f32 v9, v4;
	v9 =	vld [tilespmem:s11+$0x40]  }
.Ltmp2:
0x86: {  	v11 =	vand.u32 $0xFFFFFFFC, v11;
	s14 =	sadd.s32 $0x1, s13;
	[tilespmem:s11+$0xFFFFFFD0] =	vst v3;
	v3 =	vmax.f32 v8, $0.0e+00;
	v8 =	vmul.f32 v10, v1;
	v5 =	vld [tilespmem:s11+$0x50];
	(pc) =	sbr.rel @p0 .LBB2_3-.Ltmp2, $4  }
0x87: {  	v10 =	vmov s14;
	[tilespmem:s11+$0xFFFFFFE0] =	vst v3;
	v4 =	vmax.f32 v4, $0.0e+00;
	v13 =	vmul.f32 v6, v1;
	v6 =	vld [tilespmem:s11+$0x60]  }
0x88: {  	v3 =	vbroadcast v11, $0x0;
	[tilespmem:s11+$0xFFFFFFF0] =	vst v4;
	v4 =	vmax.f32 v8, $0.0e+00;
	v11 =	vmul.f32 v7, v1;
	v7 =	vld [tilespmem:s11+$0x80]  }
0x89: {  	v14 =	vand.u32 $0xFFFFFFFD, v10;
	[tilespmem:s11+$0x0] =	vst v4;
	v13 =	vmax.f32 v13, $0.0e+00;
	v10 =	vmul.f32 v12, v1;
	v8 =	vld [tilespmem:s11+$0x90]  }
0x8a: {  	s14 =	sadd.s32 $0x2, s13;
	s13 =	sadd.s32 $0x4, s13;
	v4 =	vbroadcast v14, $0x0;
	[tilespmem:s11+$0x10] =	vst v13;
	v12 =	vmax.f32 v11, $0.0e+00;
	v11 =	vmul.f32 v9, v1;
	v9 =	vld [tilespmem:s11+$0xA0]  }
0x8b: {  	v14 =	vld [tilespmem:s11+$0xB0]  }
0x8c: {  	v15 =	vld [tilespmem:s11+$0xC0]  }
0x8d: {  	v16 =	vld [tilespmem:s11+$0xD0]  }
0x8e: {  	v13 =	vmov s14;
	v17 =	vld [tilespmem:s11+$0xE0];
	[tilespmem:s11+$0x20] =	vst v12;
	v10 =	vmax.f32 v10, $0.0e+00;
	v5 =	vmul.f32 v5, v1  }
0x8f: {  	v12 =	vld [tilespmem:s11+$0xF0];
	v13 =	vand.u32 $0xFFFFFFFE, v13;
	[tilespmem:s11+$0x30] =	vst v10;
	v6 =	vmul.f32 v6, v1;
	v10 =	vmax.f32 v11, $0.0e+00  }
0x90: {  	v1 =	vld.idx.msk [tilespmem:v2+s23+$0x0], $0xffff;
	v13 =	vbroadcast v13, $0x0;
	[tilespmem:s11+$0x40] =	vst v10;
	v2 =	vmax.f32 v5, $0.0e+00;
	v5 =	vmul.f32 v7, v0  }
0x91: {  	v3 =	vld.idx.msk [tilespmem:v3+s23+$0x0], $0xffff;
	[tilespmem:s11+$0x50] =	vst v2;
	v2 =	vmax.f32 v6, $0.0e+00;
	v6 =	vmul.f32 v8, v0  }
0x92: {  	s13 =	sadd.s32 $0x200, s11;
	v4 =	vld.idx.msk [tilespmem:v4+s23+$0x0], $0xffff;
	[tilespmem:s11+$0x60] =	vst v2;
	v2 =	vmax.f32 v5, $0.0e+00;
	v5 =	vmul.f32 v9, v0  }
0x93: {  	v10 =	vld [tilespmem:s13+$0xFFFFFF10];
	[tilespmem:s11+$0x80] =	vst v2;
	v2 =	vmax.f32 v6, $0.0e+00;
	v6 =	vmul.f32 v14, v0  }
0x94: {  	v9 =	vld [tilespmem:s13+$0xFFFFFF00];
	[tilespmem:s11+$0x90] =	vst v2;
	v2 =	vmax.f32 v5, $0.0e+00;
	v5 =	vmul.f32 v15, v0  }
0x95: {  	v8 =	vld [tilespmem:s13+$0x70];
	[tilespmem:s11+$0xA0] =	vst v2;
	v2 =	vmax.f32 v6, $0.0e+00;
	v6 =	vmul.f32 v16, v0  }
0x96: {  	v7 =	vld.idx.msk [tilespmem:v13+s23+$0x0], $0xffff;
	[tilespmem:s12+$0xB0] =	vst v2;
	v2 =	vmax.f32 v5, $0.0e+00;
	v5 =	vmul.f32 v17, v0  }
0x97: {  	v11 =	vld [tilespmem:s13+$0xFFFFFF20];
	v0 =	vmul.f32 v12, v0;
	[tilespmem:s12+$0xC0] =	vst v2;
	v2 =	vmax.f32 v6, $0.0e+00  }
0x98: {  	v6 =	vld [tilespmem:s13+$0xFFFFFF30];
	[tilespmem:s12+$0xD0] =	vst v2;
	v2 =	vmax.f32 v5, $0.0e+00  }
0x99: {  	v5 =	vld [tilespmem:s13+$0xFFFFFF40];
	v0 =	vmax.f32 v0, $0.0e+00;
	[tilespmem:s12+$0xE0] =	vst v2;
	v2 =	vmul.f32 v9, v3  }
0x9a: {  	v9 =	vld [tilespmem:s13+$0xFFFFFF50];
	[tilespmem:s12+$0xF0] =	vst v0;
	v0 =	vmul.f32 v10, v3  }
0x9b: {  	v10 =	vld [tilespmem:s13+$0xFFFFFF60];
	v8 =	vmul.f32 v8, v7;
	v2 =	vmax.f32 v2, $0.0e+00  }
0x9c: {  	v11 =	vmul.f32 v11, v3;
	v12 =	vld [tilespmem:s13+$0xFFFFFF70];
	v0 =	vmax.f32 v0, $0.0e+00;
	[tilespmem:s13+$0xFFFFFF00] =	vst v2  }
0x9d: {  	v2 =	vmul.f32 v6, v3;
	v6 =	vld [tilespmem:s13+$0xFFFFFF80];
	[tilespmem:s13+$0xFFFFFF10] =	vst v0;
	v8 =	vmax.f32 v8, $0.0e+00  }
0x9e: {  	v0 =	vmax.f32 v11, $0.0e+00;
	v5 =	vmul.f32 v5, v3;
	[tilespmem:s13+$0x70] =	vst v8;
	v8 =	vld [tilespmem:s13+$0xFFFFFF90]  }
0x9f: {  	[tilespmem:s13+$0xFFFFFF20] =	vst v0;
	v0 =	vmax.f32 v2, $0.0e+00;
	v2 =	vmul.f32 v9, v3;
	v9 =	vld [tilespmem:s13+$0xFFFFFFA0]  }
0xa0: {  	[tilespmem:s13+$0xFFFFFF30] =	vst v0;
	v0 =	vmax.f32 v5, $0.0e+00;
	v5 =	vmul.f32 v10, v3;
	v10 =	vld [tilespmem:s13+$0xFFFFFFB0]  }
0xa1: {  	[tilespmem:s13+$0xFFFFFF40] =	vst v0;
	v0 =	vmax.f32 v2, $0.0e+00;
	v2 =	vmul.f32 v12, v3;
	v3 =	vld [tilespmem:s13+$0xFFFFFFC0]  }
0xa2: {  	[tilespmem:s13+$0xFFFFFF50] =	vst v0;
	v0 =	vmax.f32 v5, $0.0e+00;
	v5 =	vmul.f32 v6, v4;
	v6 =	vld [tilespmem:s13+$0xFFFFFFD0]  }
0xa3: {  	[tilespmem:s13+$0xFFFFFF60] =	vst v0;
	v0 =	vmax.f32 v2, $0.0e+00;
	v2 =	vmul.f32 v8, v4;
	v8 =	vld [tilespmem:s13+$0xFFFFFFE0]  }
0xa4: {  	[tilespmem:s13+$0xFFFFFF70] =	vst v0;
	v0 =	vmax.f32 v5, $0.0e+00;
	v5 =	vmul.f32 v9, v4;
	v9 =	vld [tilespmem:s13+$0xFFFFFFF0]  }
0xa5: {  	[tilespmem:s13+$0xFFFFFF80] =	vst v0;
	v0 =	vmax.f32 v2, $0.0e+00;
	v2 =	vmul.f32 v10, v4;
	v10 =	vld [tilespmem:s13+$0x0]  }
0xa6: {  	v3 =	vmul.f32 v3, v4;
	[tilespmem:s13+$0xFFFFFF90] =	vst v0;
	v0 =	vmax.f32 v5, $0.0e+00;
	v5 =	vld [tilespmem:s13+$0x10]  }
0xa7: {  	[tilespmem:s13+$0xFFFFFFA0] =	vst v0;
	v0 =	vmax.f32 v2, $0.0e+00;
	v2 =	vmul.f32 v6, v4;
	v6 =	vld [tilespmem:s13+$0x20]  }
0xa8: {  	[tilespmem:s13+$0xFFFFFFB0] =	vst v0;
	v0 =	vmax.f32 v3, $0.0e+00;
	v3 =	vmul.f32 v8, v4;
	v8 =	vld [tilespmem:s13+$0x30]  }
0xa9: {  	[tilespmem:s13+$0xFFFFFFC0] =	vst v0;
	v0 =	vmax.f32 v2, $0.0e+00;
	v2 =	vmul.f32 v9, v4;
	v4 =	vld [tilespmem:s13+$0x40]  }
0xaa: {  	v9 =	vld [tilespmem:s13+$0x50];
	[tilespmem:s13+$0xFFFFFFD0] =	vst v0;
	v0 =	vmax.f32 v3, $0.0e+00;
	v3 =	vmul.f32 v10, v7  }
0xab: {  	[tilespmem:s13+$0xFFFFFFE0] =	vst v0;
	v0 =	vmax.f32 v2, $0.0e+00;
	v2 =	vmul.f32 v5, v7;
	v5 =	vld [tilespmem:s13+$0x60]  }
0xac: {  	[tilespmem:s13+$0xFFFFFFF0] =	vst v0;
	v0 =	vmax.f32 v3, $0.0e+00;
	v3 =	vmul.f32 v6, v7;
	v6 =	vld [tilespmem:s13+$0x80]  }
0xad: {  	[tilespmem:s13+$0x0] =	vst v0;
	v0 =	vmax.f32 v2, $0.0e+00;
	v2 =	vmul.f32 v8, v7;
	v8 =	vld [tilespmem:s13+$0x90]  }
0xae: {  	[tilespmem:s13+$0x10] =	vst v0;
	v0 =	vmax.f32 v3, $0.0e+00;
	v3 =	vmul.f32 v4, v7;
	v4 =	vld [tilespmem:s13+$0xA0]  }
0xaf: {  	[tilespmem:s13+$0x20] =	vst v0;
	v0 =	vmax.f32 v2, $0.0e+00;
	v2 =	vmul.f32 v9, v7;
	v9 =	vld [tilespmem:s13+$0xB0]  }
0xb0: {  	[tilespmem:s13+$0x30] =	vst v0;
	v0 =	vmax.f32 v3, $0.0e+00;
	v3 =	vmul.f32 v5, v7;
	v5 =	vld [tilespmem:s13+$0xC0]  }
0xb1: {  	[tilespmem:s13+$0x40] =	vst v0;
	v0 =	vmax.f32 v2, $0.0e+00;
	v2 =	vmul.f32 v6, v1;
	v6 =	vld [tilespmem:s13+$0xD0]  }
0xb2: {  	v7 =	vld [tilespmem:s13+$0xE0];
	[tilespmem:s13+$0x50] =	vst v0;
	v0 =	vmax.f32 v3, $0.0e+00;
	v3 =	vmul.f32 v8, v1  }
0xb3: {  	[tilespmem:s13+$0x60] =	vst v0;
	v0 =	vmax.f32 v2, $0.0e+00;
	v2 =	vmul.f32 v4, v1;
	v4 =	vld [tilespmem:s13+$0xF0]  }
0xb4: {  	[tilespmem:s13+$0x80] =	vst v0;
	v0 =	vmax.f32 v3, $0.0e+00;
	v3 =	vmul.f32 v9, v1  }
0xb5: {  	[tilespmem:s13+$0x90] =	vst v0;
	v0 =	vmax.f32 v2, $0.0e+00;
	v2 =	vmul.f32 v5, v1  }
0xb6: {  	[tilespmem:s13+$0xA0] =	vst v0;
	v0 =	vmax.f32 v3, $0.0e+00;
	v3 =	vmul.f32 v6, v1  }
0xb7: {  	[tilespmem:s13+$0xB0] =	vst v0;
	v0 =	vmax.f32 v2, $0.0e+00;
	v2 =	vmul.f32 v7, v1  }
0xb8: {  	[tilespmem:s13+$0xC0] =	vst v0;
	v0 =	vmax.f32 v3, $0.0e+00;
	v1 =	vmul.f32 v4, v1  }
0xb9: {  	[tilespmem:s13+$0xD0] =	vst v0;
	v0 =	vmax.f32 v2, $0.0e+00  }
0xba: {  	[tilespmem:s13+$0xE0] =	vst v0;
	v0 =	vmax.f32 v1, $0.0e+00  }
0xbb: {  	p0 =	seq.s32 s21, $0x3E;
	s11 =	sshll.u32 s21, $0x8;
	[tilespmem:s13+$0xF0] =	vst v0  }
0xbc: {  	s12 =	sadd.s32 @!p0 $0x100, s11;
	_ =	swait.ge [sflag:s3], $0x2800  }
0xbd: {  	s13 =	sand.u32 @!p0 $0x7C00, s12;
	[sflag:s3] =	ssyncset.done $0x0  }
0xbe: {  	s12 =	sand.u32 @!p0 $0x300, s12;
	s13 =	sadd.s32 @!p0 s9, s13;
	[sflag:s3] =	ssyncadd.s32 $0xFFFFD800  }
0xbf: {  	[spmem:s2] =	stream.indirect.scatter.add.f32 [tilespmem:s4], [sflag:$0x5], $0x80, s22, s25, $0xb8;
	[tilespmem:$0x18F00] =	vst v63  }
0xc0: {  	s12 =	sor.u32 @!p0 s12, s13;
	_ =	swait.ge [sflag:s20], $0x2800  }
0xc1: {  	s14 =	simm.s32 @!p0 $0x0;
	s12 =	sshrl.u32 @!p0 s12, $0x3;
	[sflag:s20] =	ssyncset.done $0x0  }
0xc2: {  	s15 =	simm.s32 @!p0 $0x5000;
	s13 =	sadd.s32 @!p0 s6, s12;
	[sflag:s20] =	ssyncadd.s32 $0xFFFFD800  }
0xc3: {  	[tilespmem:s15], [sflag:$0x3] =	stream.linear.gather @!p0 [hbm4b:s13+s14], $0x80, $0x38;
	[tilespmem:$0x18F00] =	vst v63  }
0xc4: {  	s16 =	simm.s32 @!p0 $0x5100;
	s13 =	sadd.s32 @!p0 s7, s12  }
0xc5: {  	[tilespmem:s16], [sflag:$0x3] =	stream.linear.gather @!p0 [hbm4b:s13+s14], $0x80, $0x38;
	[tilespmem:$0x18F00] =	vst v63  }
0xc6: {  	s12 =	sadd.s32 @!p0 s8, s12;
	s13 =	simm.s32 @!p0 $0x5200  }
0xc7: {  	[tilespmem:s13], [sflag:$0x3] =	stream.linear.gather @!p0 [hbm4b:s12+s14], $0x80, $0x38;
	[tilespmem:$0x18F00] =	vst v63  }
0xc8: {  	s12 =	simm.s32 @!p0 $0x3  }
0xc9: {  	s16 =	simm.s32 $0x0;
	_ =	swait.ge @!p0 [sflag:s12], $0x80  }
0xca: {  	v0 =	vmov s16;
	s16 =	simm.s32 $0x2;
	s13 =	simm.s32 $0x1;
	[sflag:s12] =	ssyncset.done @!p0 $0x0  }
0xcb: {  	v0 =	vand.u32 $0x7C, v0;
	v2 =	vmov s16;
	v1 =	vmov s13;
	[sflag:s12] =	ssyncadd.s32 @!p0 $0xFFFFFF80  }
0xcc: {  	s16 =	simm.s32 $0x3;
	v0 =	vor.u32 $0x80, v0;
	v2 =	vand.u32 $0x7E, v2;
	v1 =	vand.u32 $0x7D, v1;
	_ =	swait.ge @!p0 [sflag:s12], $0x80  }
0xcd: {  	v3 =	vmov s16;
	v0 =	vbroadcast v0, $0x0;
	v1 =	vor.u32 $0x80, v1;
	[sflag:s12] =	ssyncset.done @!p0 $0x0  }
0xce: {  	v2 =	vor.u32 $0x80, v2;
	v3 =	vand.u32 $0x7F, v3;
	v1 =	vbroadcast v1, $0x0;
	[sflag:s12] =	ssyncadd.s32 @!p0 $0xFFFFFF80  }
0xcf: {  	v2 =	vbroadcast v2, $0x0;
	v3 =	vor.u32 $0x80, v3;
	_ =	swait.ge @!p0 [sflag:s12], $0x80  }
0xd0: {  	v3 =	vbroadcast v3, $0x0;
	[sflag:s12] =	ssyncset.done @!p0 $0x0  }
0xd1: {  	[sflag:s12] =	ssyncadd.s32 @!p0 $0xFFFFFF80;
	s12 =	simm.s32 @!p0 $0x50  }
0xd2: {  	[tilespmem:s14], [sflag:$0x1] =	stream.indirect.gather @!p0 [hbm4b:s5+s12], $0x80, s15, s12, $0xb8;
	[tilespmem:$0x18F00] =	vst v63  }
0xd3: {  	v4 =	vld.idx.msk [tilespmem:v0+s23+$0x0], $0xffff  }
0xd4: {  	v5 =	vld.idx.msk [tilespmem:v1+s23+$0x0], $0xffff  }
0xd5: {  	v1 =	vld.idx.msk [tilespmem:v2+s23+$0x0], $0xffff  }
0xd6: {  	s12 =	simm.s32 $0x29F0;
	v0 =	vld.idx.msk [tilespmem:v3+s23+$0x0], $0xffff  }
0xd7: {  	v2 =	vld [tilespmem:s12+$0x0]  }
0xd8: {  	v3 =	vld [tilespmem:s12+$0xFFFFFE10]  }
0xd9: {  	v6 =	vld [tilespmem:s12+$0xFFFFFE20]  }
0xda: {  	v7 =	vld [tilespmem:s12+$0xFFFFFE30]  }
0xdb: {  	v8 =	vld [tilespmem:s12+$0xFFFFFE40]  }
0xdc: {  	v9 =	vld [tilespmem:s12+$0xFFFFFE50]  }
0xdd: {  	v10 =	vld [tilespmem:s12+$0xFFFFFE60];
	v2 =	vmul.f32 v2, v0  }
0xde: {  	v11 =	vld [tilespmem:s12+$0xFFFFFE70];
	v3 =	vmul.f32 v3, v4  }
0xdf: {  	v12 =	vld [tilespmem:s12+$0xFFFFFE80];
	v6 =	vmul.f32 v6, v4;
	v2 =	vmax.f32 v2, $0.0e+00  }
0xe0: {  	v14 =	vld [tilespmem:s12+$0xFFFFFF20];
	v7 =	vmul.f32 v7, v4;
	v3 =	vmax.f32 v3, $0.0e+00;
	[tilespmem:s12+$0x0] =	vst v2  }
0xe1: {  	[tilespmem:s12+$0xFFFFFE10] =	vst v3;
	v2 =	vmax.f32 v6, $0.0e+00;
	v3 =	vmul.f32 v8, v4;
	v6 =	vld [tilespmem:s12+$0xFFFFFE90]  }
0xe2: {  	v8 =	vld [tilespmem:s12+$0xFFFFFEA0];
	[tilespmem:s12+$0xFFFFFE20] =	vst v2;
	v2 =	vmax.f32 v7, $0.0e+00;
	v7 =	vmul.f32 v9, v4  }
0xe3: {  	v9 =	vld [tilespmem:s12+$0xFFFFFEB0];
	[tilespmem:s12+$0xFFFFFE30] =	vst v2;
	v2 =	vmax.f32 v3, $0.0e+00;
	v3 =	vmul.f32 v10, v4  }
0xe4: {  	v10 =	vld [tilespmem:s12+$0xFFFFFEC0];
	[tilespmem:s12+$0xFFFFFE40] =	vst v2;
	v2 =	vmax.f32 v7, $0.0e+00;
	v7 =	vmul.f32 v11, v4  }
0xe5: {  	s16 =	simm.s32 $0x6;
	[tilespmem:s12+$0xFFFFFE50] =	vst v2;
	v2 =	vmax.f32 v3, $0.0e+00;
	v3 =	vmul.f32 v12, v4;
	v4 =	vld [tilespmem:s12+$0xFFFFFED0]  }
0xe6: {  	v13 =	vmov s16;
	[tilespmem:s12+$0xFFFFFE60] =	vst v2;
	v2 =	vmax.f32 v7, $0.0e+00;
	v6 =	vmul.f32 v6, v5;
	v7 =	vld [tilespmem:s12+$0xFFFFFEE0]  }
0xe7: {  	s14 =	simm.s32 $0x4;
	v14 =	vmul.f32 v14, v1;
	[tilespmem:s12+$0xFFFFFE70] =	vst v2;
	v2 =	vmax.f32 v3, $0.0e+00;
	v3 =	vmul.f32 v8, v5;
	v8 =	vld [tilespmem:s12+$0xFFFFFEF0]  }
0xe8: {  	v11 =	vmov s14;
	[tilespmem:s12+$0xFFFFFE80] =	vst v2;
	v2 =	vmax.f32 v6, $0.0e+00;
	v6 =	vmul.f32 v9, v5;
	v9 =	vld [tilespmem:s12+$0xFFFFFF00]  }
0xe9: {  	s15 =	simm.s32 $0x5;
	v11 =	vand.u32 $0x7C, v11;
	[tilespmem:s12+$0xFFFFFE90] =	vst v2;
	v2 =	vmax.f32 v3, $0.0e+00;
	v3 =	vmul.f32 v10, v5;
	v10 =	vld [tilespmem:s12+$0xFFFFFF10]  }
0xea: {  	v12 =	vmov s15;
	[tilespmem:s12+$0xFFFFFEA0] =	vst v2;
	v2 =	vmax.f32 v6, $0.0e+00;
	v4 =	vmul.f32 v4, v5  }
0xeb: {  	v6 =	vand.u32 $0x7D, v12;
	v12 =	vld [tilespmem:s12+$0xFFFFFF30];
	[tilespmem:s12+$0xFFFFFEB0] =	vst v2;
	v2 =	vmax.f32 v3, $0.0e+00;
	v3 =	vmul.f32 v7, v5  }
0xec: {  	v7 =	vand.u32 $0x7E, v13;
	v13 =	vld [tilespmem:s12+$0xFFFFFF40];
	[tilespmem:s12+$0xFFFFFEC0] =	vst v2;
	v4 =	vmax.f32 v4, $0.0e+00;
	v8 =	vmul.f32 v8, v5  }
0xed: {  	v11 =	vor.u32 $0x80, v11;
	[tilespmem:s12+$0xFFFFFED0] =	vst v4;
	v3 =	vmax.f32 v3, $0.0e+00;
	v4 =	vmul.f32 v9, v5;
	v5 =	vld [tilespmem:s12+$0xFFFFFF50]  }
0xee: {  	v9 =	vor.u32 $0x80, v6;
	v6 =	vld [tilespmem:s12+$0xFFFFFF60];
	[tilespmem:s12+$0xFFFFFEE0] =	vst v3;
	v3 =	vmax.f32 v8, $0.0e+00;
	v8 =	vmul.f32 v10, v1  }
0xef: {  	v2 =	vbroadcast v11, $0x0;
	v11 =	vor.u32 $0x80, v7;
	v7 =	vld [tilespmem:s12+$0xFFFFFF70];
	[tilespmem:s12+$0xFFFFFEF0] =	vst v3;
	v4 =	vmax.f32 v4, $0.0e+00  }
0xf0: {  	v3 =	vbroadcast v9, $0x0;
	v10 =	vmul.f32 v12, v1;
	[tilespmem:s12+$0xFFFFFF00] =	vst v4;
	v9 =	vmax.f32 v8, $0.0e+00;
	v8 =	vld [tilespmem:s12+$0xFFFFFF80]  }
0xf1: {  	s13 =	simm.s32 $0x29F0;
	s14 =	simm.s32 $0x8;
	s15 =	simm.s32 $0x7;
	v12 =	vmax.f32 v14, $0.0e+00;
	v4 =	vbroadcast v11, $0x0;
	v11 =	vmul.f32 v13, v1;
	[tilespmem:s12+$0xFFFFFF10] =	vst v9;
	v9 =	vld [tilespmem:s12+$0xFFFFFF90]  }
.LBB2_5:
0xf2: {  	p1 =	slt.u32 s14, $0x4C;
	v13 =	vmov s15;
	[tilespmem:s12+$0xFFFFFF20] =	vst v12;
	v10 =	vmax.f32 v10, $0.0e+00;
	v5 =	vmul.f32 v5, v1;
	v12 =	vld [tilespmem:s12+$0xFFFFFFA0]  }
0xf3: {  	v13 =	vand.u32 $0x7F, v13;
	[tilespmem:s12+$0xFFFFFF30] =	vst v10;
	v10 =	vmax.f32 v11, $0.0e+00;
	v6 =	vmul.f32 v6, v1;
	v11 =	vld [tilespmem:s12+$0xFFFFFFB0]  }
0xf4: {  	v13 =	vor.u32 $0x80, v13;
	[tilespmem:s12+$0xFFFFFF40] =	vst v10;
	v5 =	vmax.f32 v5, $0.0e+00;
	v7 =	vmul.f32 v7, v1;
	v10 =	vld [tilespmem:s12+$0xFFFFFFC0]  }
0xf5: {  	v13 =	vbroadcast v13, $0x0;
	[tilespmem:s12+$0xFFFFFF50] =	vst v5;
	v5 =	vmax.f32 v6, $0.0e+00;
	v1 =	vmul.f32 v8, v1;
	v6 =	vld [tilespmem:s12+$0xFFFFFFD0]  }
0xf6: {  	[tilespmem:s12+$0xFFFFFF60] =	vst v5;
	v5 =	vmax.f32 v7, $0.0e+00;
	v7 =	vmul.f32 v9, v0;
	v8 =	vld [tilespmem:s12+$0xFFFFFFE0]  }
0xf7: {  	[tilespmem:s12+$0xFFFFFF70] =	vst v5;
	v1 =	vmax.f32 v1, $0.0e+00;
	v5 =	vmul.f32 v12, v0;
	v9 =	vld [tilespmem:s12+$0xFFFFFFF0]  }
0xf8: {  	v2 =	vld.idx.msk [tilespmem:v2+s23+$0x0], $0xffff;
	[tilespmem:s12+$0xFFFFFF80] =	vst v1;
	v1 =	vmax.f32 v7, $0.0e+00;
	v7 =	vmul.f32 v11, v0  }
0xf9: {  	v3 =	vld.idx.msk [tilespmem:v3+s23+$0x0], $0xffff;
	[tilespmem:s12+$0xFFFFFF90] =	vst v1;
	v5 =	vmax.f32 v5, $0.0e+00;
	v10 =	vmul.f32 v10, v0  }
0xfa: {  	v1 =	vld.idx.msk [tilespmem:v4+s23+$0x0], $0xffff;
	[tilespmem:s12+$0xFFFFFFA0] =	vst v5;
	v4 =	vmax.f32 v7, $0.0e+00;
	v5 =	vmul.f32 v6, v0  }
0xfb: {  	s12 =	sadd.s32 $0x200, s12;
	v6 =	vld.idx.msk [tilespmem:v13+s23+$0x0], $0xffff;
	[tilespmem:s13+$0xFFFFFFB0] =	vst v4;
	v4 =	vmax.f32 v10, $0.0e+00;
	v7 =	vmul.f32 v8, v0  }
0xfc: {  	v8 =	vld [tilespmem:s12+$0x0];
	[tilespmem:s13+$0xFFFFFFC0] =	vst v4;
	v4 =	vmax.f32 v5, $0.0e+00;
	v0 =	vmul.f32 v9, v0  }
0xfd: {  	v5 =	vld [tilespmem:s12+$0xFFFFFE10];
	[tilespmem:s13+$0xFFFFFFD0] =	vst v4;
	v4 =	vmax.f32 v7, $0.0e+00  }
0xfe: {  	v7 =	vld [tilespmem:s12+$0xFFFFFE20];
	[tilespmem:s13+$0xFFFFFFE0] =	vst v4;
	v0 =	vmax.f32 v0, $0.0e+00  }
0xff: {  	v4 =	vld [tilespmem:s12+$0xFFFFFE30];
	[tilespmem:s13+$0xFFFFFFF0] =	vst v0;
	s13 =	smov.u32 s12  }
0x100: {  	v9 =	vld [tilespmem:s12+$0xFFFFFE40]  }
0x101: {  	v10 =	vld [tilespmem:s12+$0xFFFFFE50];
	v8 =	vmul.f32 v8, v6;
	v0 =	vmov v6  }
0x102: {  	v5 =	vmul.f32 v5, v2;
	v6 =	vld [tilespmem:s12+$0xFFFFFE60]  }
0x103: {  	v7 =	vmul.f32 v7, v2;
	v11 =	vld [tilespmem:s12+$0xFFFFFE70];
	v8 =	vmax.f32 v8, $0.0e+00  }
0x104: {  	v5 =	vmax.f32 v5, $0.0e+00;
	v4 =	vmul.f32 v4, v2;
	v12 =	vld [tilespmem:s12+$0xFFFFFE80];
	[tilespmem:s12+$0x0] =	vst v8  }
0x105: {  	[tilespmem:s12+$0xFFFFFE10] =	vst v5;
	v5 =	vmax.f32 v7, $0.0e+00;
	v7 =	vmul.f32 v9, v2;
	v8 =	vld [tilespmem:s12+$0xFFFFFE90]  }
0x106: {  	[tilespmem:s12+$0xFFFFFE20] =	vst v5;
	v4 =	vmax.f32 v4, $0.0e+00;
	v5 =	vmul.f32 v10, v2;
	v9 =	vld [tilespmem:s12+$0xFFFFFEA0]  }
0x107: {  	[tilespmem:s12+$0xFFFFFE30] =	vst v4;
	v4 =	vmax.f32 v7, $0.0e+00;
	v6 =	vmul.f32 v6, v2;
	v7 =	vld [tilespmem:s12+$0xFFFFFEB0]  }
0x108: {  	[tilespmem:s12+$0xFFFFFE40] =	vst v4;
	v4 =	vmax.f32 v5, $0.0e+00;
	v5 =	vmul.f32 v11, v2;
	v10 =	vld [tilespmem:s12+$0xFFFFFEC0]  }
0x109: {  	[tilespmem:s12+$0xFFFFFE50] =	vst v4;
	v4 =	vmax.f32 v6, $0.0e+00;
	v2 =	vmul.f32 v12, v2;
	v6 =	vld [tilespmem:s12+$0xFFFFFED0]  }
0x10a: {  	v11 =	vmov s14;
	[tilespmem:s12+$0xFFFFFE60] =	vst v4;
	v4 =	vmax.f32 v5, $0.0e+00;
	v5 =	vmul.f32 v8, v3;
	v8 =	vld [tilespmem:s12+$0xFFFFFEE0]  }
0x10b: {  	s15 =	sadd.s32 $0x1, s14;
	v11 =	vand.u32 $0x7C, v11;
	[tilespmem:s12+$0xFFFFFE70] =	vst v4;
	v2 =	vmax.f32 v2, $0.0e+00;
	v4 =	vmul.f32 v9, v3;
	v9 =	vld [tilespmem:s12+$0xFFFFFEF0]  }
0x10c: {  	v12 =	vmov s15;
	s15 =	sadd.s32 $0x2, s14;
	[tilespmem:s12+$0xFFFFFE80] =	vst v2;
	v2 =	vmax.f32 v5, $0.0e+00;
	v5 =	vmul.f32 v7, v3;
	v7 =	vld [tilespmem:s12+$0xFFFFFF00]  }
0x10d: {  	v13 =	vmov s15;
	[tilespmem:s12+$0xFFFFFE90] =	vst v2;
	v2 =	vmax.f32 v4, $0.0e+00;
	v4 =	vmul.f32 v10, v3;
	v10 =	vld [tilespmem:s12+$0xFFFFFF10]  }
0x10e: {  	v11 =	vor.u32 $0x80, v11;
	[tilespmem:s12+$0xFFFFFEA0] =	vst v2;
	v2 =	vmax.f32 v5, $0.0e+00;
	v5 =	vmul.f32 v6, v3;
	v14 =	vld [tilespmem:s12+$0xFFFFFF20]  }
0x10f: {  	v6 =	vand.u32 $0x7D, v12;
	[tilespmem:s12+$0xFFFFFEB0] =	vst v2;
	v2 =	vmax.f32 v4, $0.0e+00;
	v4 =	vmul.f32 v8, v3;
	v8 =	vld [tilespmem:s12+$0xFFFFFF30]  }
0x110: {  	v12 =	vand.u32 $0x7E, v13;
	[tilespmem:s12+$0xFFFFFEC0] =	vst v2;
	v5 =	vmax.f32 v5, $0.0e+00;
	v9 =	vmul.f32 v9, v3;
	v13 =	vld [tilespmem:s12+$0xFFFFFF40]  }
.Ltmp3:
0x111: {  	v2 =	vbroadcast v11, $0x0;
	[tilespmem:s12+$0xFFFFFED0] =	vst v5;
	v4 =	vmax.f32 v4, $0.0e+00;
	v3 =	vmul.f32 v7, v3;
	v5 =	vld [tilespmem:s12+$0xFFFFFF50];
	(pc) =	sbr.rel @p1 .LBB2_5-.Ltmp3, $4  }
0x112: {  	v11 =	vor.u32 $0x80, v6;
	[tilespmem:s12+$0xFFFFFEE0] =	vst v4;
	v4 =	vmax.f32 v9, $0.0e+00;
	v9 =	vmul.f32 v10, v1;
	v6 =	vld [tilespmem:s12+$0xFFFFFF60]  }
0x113: {  	v12 =	vor.u32 $0x80, v12;
	[tilespmem:s12+$0xFFFFFEF0] =	vst v4;
	v4 =	vmax.f32 v3, $0.0e+00;
	v14 =	vmul.f32 v14, v1;
	v7 =	vld [tilespmem:s12+$0xFFFFFF70]  }
0x114: {  	v3 =	vbroadcast v11, $0x0;
	[tilespmem:s12+$0xFFFFFF00] =	vst v4;
	v9 =	vmax.f32 v9, $0.0e+00;
	v10 =	vmul.f32 v8, v1;
	v8 =	vld [tilespmem:s12+$0xFFFFFF80]  }
0x115: {  	s15 =	sadd.s32 $0x3, s14;
	s14 =	sadd.s32 $0x4, s14;
	v4 =	vbroadcast v12, $0x0;
	[tilespmem:s12+$0xFFFFFF10] =	vst v9;
	v12 =	vmax.f32 v14, $0.0e+00;
	v11 =	vmul.f32 v13, v1;
	v9 =	vld [tilespmem:s12+$0xFFFFFF90]  }
0x116: {  	v14 =	vld [tilespmem:s12+$0xFFFFFFA0]  }
0x117: {  	v15 =	vld [tilespmem:s12+$0xFFFFFFB0]  }
0x118: {  	v16 =	vld [tilespmem:s12+$0xFFFFFFC0]  }
0x119: {  	v17 =	vld [tilespmem:s12+$0xFFFFFFD0]  }
0x11a: {  	v58 =	vld [tilespmem:s12+$0xFFFFFFE0]  }
0x11b: {  	[tilespmem:s12+$0xFFFFFF20] =	vst v12;
	v10 =	vmax.f32 v10, $0.0e+00;
	v5 =	vmul.f32 v5, v1;
	v60 =	vld [tilespmem:s12+$0xFFFFFFF0]  }
0x11c: {  	v2 =	vld.idx.msk [tilespmem:v2+s23+$0x0], $0xffff;
	[tilespmem:s12+$0xFFFFFF30] =	vst v10;
	v59 =	vmax.f32 v11, $0.0e+00;
	v6 =	vmul.f32 v6, v1  }
0x11d: {  	v3 =	vld.idx.msk [tilespmem:v3+s23+$0x0], $0xffff;
	[tilespmem:s12+$0xFFFFFF40] =	vst v59;
	v5 =	vmax.f32 v5, $0.0e+00;
	v7 =	vmul.f32 v7, v1  }
0x11e: {  	s14 =	sadd.s32 $0x200, s12;
	v4 =	vld.idx.msk [tilespmem:v4+s23+$0x0], $0xffff;
	[tilespmem:s12+$0xFFFFFF50] =	vst v5;
	v61 =	vmul.f32 v8, v1;
	v62 =	vmax.f32 v6, $0.0e+00  }
0x11f: {  	v21 =	vld [tilespmem:s14+$0x0];
	[tilespmem:s12+$0xFFFFFF60] =	vst v62;
	v63 =	vmax.f32 v7, $0.0e+00;
	v9 =	vmul.f32 v9, v0  }
0x120: {  	v24 =	vld [tilespmem:s14+$0xFFFFFE10];
	[tilespmem:s12+$0xFFFFFF70] =	vst v63;
	v10 =	vmax.f32 v61, $0.0e+00;
	v18 =	vmul.f32 v14, v0  }
0x121: {  	v27 =	vld [tilespmem:s14+$0xFFFFFE20];
	v20 =	vmul.f32 v15, v0;
	[tilespmem:s12+$0xFFFFFF80] =	vst v10;
	v19 =	vmax.f32 v9, $0.0e+00  }
0x122: {  	v30 =	vld [tilespmem:s14+$0xFFFFFE30];
	v23 =	vmul.f32 v16, v0;
	[tilespmem:s12+$0xFFFFFF90] =	vst v19;
	v22 =	vmax.f32 v18, $0.0e+00  }
0x123: {  	v33 =	vld [tilespmem:s14+$0xFFFFFE40];
	v26 =	vmul.f32 v17, v0;
	v25 =	vmax.f32 v20, $0.0e+00;
	[tilespmem:s12+$0xFFFFFFA0] =	vst v22  }
0x124: {  	v35 =	vld [tilespmem:s14+$0xFFFFFE50];
	v29 =	vmul.f32 v58, v0;
	v28 =	vmax.f32 v23, $0.0e+00;
	[tilespmem:s13+$0xFFFFFFB0] =	vst v25  }
0x125: {  	v37 =	vld [tilespmem:s14+$0xFFFFFE60];
	v32 =	vmul.f32 v60, v0;
	v31 =	vmax.f32 v26, $0.0e+00;
	[tilespmem:s13+$0xFFFFFFC0] =	vst v28  }
0x126: {  	v39 =	vld [tilespmem:s14+$0xFFFFFE70];
	v36 =	vmul.f32 v24, v2;
	v34 =	vmax.f32 v29, $0.0e+00;
	[tilespmem:s13+$0xFFFFFFD0] =	vst v31  }
0x127: {  	v41 =	vld [tilespmem:s14+$0xFFFFFE80];
	v40 =	vmul.f32 v30, v2;
	v0 =	vmax.f32 v32, $0.0e+00;
	[tilespmem:s13+$0xFFFFFFE0] =	vst v34  }
0x128: {  	v43 =	vld [tilespmem:s14+$0xFFFFFE90];
	v42 =	vmul.f32 v33, v2;
	v5 =	vmax.f32 v36, $0.0e+00;
	[tilespmem:s13+$0xFFFFFFF0] =	vst v0  }
0x129: {  	v13 =	vmov s15;
	v45 =	vld [tilespmem:s14+$0xFFFFFEA0];
	v7 =	vmul.f32 v35, v2;
	v44 =	vmax.f32 v40, $0.0e+00;
	[tilespmem:s14+$0xFFFFFE10] =	vst v5  }
0x12a: {  	v13 =	vand.u32 $0x7F, v13;
	v51 =	vld [tilespmem:s14+$0xFFFFFEC0];
	v47 =	vmul.f32 v37, v2;
	v46 =	vmax.f32 v42, $0.0e+00;
	[tilespmem:s14+$0xFFFFFE30] =	vst v44  }
0x12b: {  	v48 =	vld [tilespmem:s14+$0xFFFFFEB0];
	v13 =	vor.u32 $0x80, v13;
	v50 =	vmul.f32 v39, v2;
	v49 =	vmax.f32 v7, $0.0e+00;
	[tilespmem:s14+$0xFFFFFE40] =	vst v46  }
0x12c: {  	v53 =	vld [tilespmem:s14+$0xFFFFFED0];
	v38 =	vmul.f32 v27, v2;
	v2 =	vmul.f32 v41, v2;
	v52 =	vmax.f32 v47, $0.0e+00;
	[tilespmem:s14+$0xFFFFFE50] =	vst v49  }
0x12d: {  	v55 =	vld [tilespmem:s14+$0xFFFFFEE0];
	v13 =	vbroadcast v13, $0x0;
	v6 =	vmul.f32 v43, v3;
	v54 =	vmax.f32 v50, $0.0e+00;
	[tilespmem:s14+$0xFFFFFE60] =	vst v52  }
0x12e: {  	v12 =	vld [tilespmem:s14+$0xFFFFFF10];
	v57 =	vmul.f32 v45, v3;
	v56 =	vmax.f32 v2, $0.0e+00;
	[tilespmem:s14+$0xFFFFFE70] =	vst v54  }
0x12f: {  	v58 =	vld [tilespmem:s14+$0xFFFFFEF0];
	v63 =	vmul.f32 v51, v3;
	v59 =	vmax.f32 v6, $0.0e+00;
	[tilespmem:s14+$0xFFFFFE80] =	vst v56  }
0x130: {  	v61 =	vld [tilespmem:s14+$0xFFFFFF00];
	v62 =	vmax.f32 v57, $0.0e+00;
	[tilespmem:s14+$0xFFFFFE90] =	vst v59  }
0x131: {  	v14 =	vld [tilespmem:s14+$0xFFFFFF20];
	v60 =	vmul.f32 v48, v3;
	v15 =	vmax.f32 v63, $0.0e+00;
	[tilespmem:s14+$0xFFFFFEA0] =	vst v62  }
0x132: {  	v17 =	vld [tilespmem:s14+$0xFFFFFF30];
	v0 =	vmax.f32 v38, $0.0e+00;
	v5 =	vmul.f32 v53, v3;
	[tilespmem:s14+$0xFFFFFEC0] =	vst v15  }
0x133: {  	v1 =	vld.idx.msk [tilespmem:v13+s23+$0x0], $0xffff;
	v13 =	vmax.f32 v60, $0.0e+00;
	v25 =	vmul.f32 v12, v4;
	[tilespmem:s14+$0xFFFFFE20] =	vst v0  }
0x134: {  	v20 =	vld [tilespmem:s14+$0xFFFFFF40];
	[tilespmem:s14+$0xFFFFFEB0] =	vst v13;
	v19 =	vmul.f32 v58, v3;
	v18 =	vmax.f32 v5, $0.0e+00  }
0x135: {  	v23 =	vld [tilespmem:s14+$0xFFFFFF50];
	v22 =	vmul.f32 v61, v3;
	v30 =	vmax.f32 v25, $0.0e+00;
	[tilespmem:s14+$0xFFFFFED0] =	vst v18  }
0x136: {  	v26 =	vld [tilespmem:s14+$0xFFFFFF60];
	v28 =	vmul.f32 v14, v4;
	v24 =	vmax.f32 v19, $0.0e+00;
	[tilespmem:s14+$0xFFFFFF10] =	vst v30  }
0x137: {  	v29 =	vld [tilespmem:s14+$0xFFFFFF70];
	v31 =	vmul.f32 v17, v4;
	v27 =	vmax.f32 v22, $0.0e+00;
	[tilespmem:s14+$0xFFFFFEF0] =	vst v24  }
0x138: {  	v16 =	vmul.f32 v55, v3;
	v32 =	vld [tilespmem:s14+$0xFFFFFF80];
	v33 =	vmax.f32 v28, $0.0e+00;
	[tilespmem:s14+$0xFFFFFF00] =	vst v27  }
0x139: {  	v34 =	vmul.f32 v20, v4;
	v36 =	vmax.f32 v31, $0.0e+00;
	[tilespmem:s14+$0xFFFFFF20] =	vst v33  }
0x13a: {  	v35 =	vld [tilespmem:s14+$0xFFFFFF90];
	v3 =	vmul.f32 v23, v4;
	[tilespmem:s14+$0xFFFFFF30] =	vst v36;
	v8 =	vmul.f32 v21, v1;
	v21 =	vmax.f32 v16, $0.0e+00  }
0x13b: {  	v37 =	vld [tilespmem:s14+$0xFFFFFFA0];
	v39 =	vmul.f32 v26, v4;
	v38 =	vmax.f32 v34, $0.0e+00;
	[tilespmem:s14+$0xFFFFFEE0] =	vst v21  }
0x13c: {  	v40 =	vld [tilespmem:s14+$0xFFFFFFB0];
	v42 =	vmul.f32 v29, v4;
	v41 =	vmax.f32 v3, $0.0e+00;
	[tilespmem:s14+$0xFFFFFF40] =	vst v38  }
0x13d: {  	v43 =	vld [tilespmem:s14+$0xFFFFFFC0];
	v45 =	vmul.f32 v32, v4;
	v44 =	vmax.f32 v39, $0.0e+00;
	[tilespmem:s14+$0xFFFFFF50] =	vst v41  }
0x13e: {  	v46 =	vld [tilespmem:s14+$0xFFFFFFD0];
	v47 =	vmax.f32 v42, $0.0e+00;
	[tilespmem:s14+$0xFFFFFF60] =	vst v44  }
0x13f: {  	v49 =	vld [tilespmem:s14+$0xFFFFFFE0];
	v48 =	vmul.f32 v35, v1;
	v50 =	vmax.f32 v45, $0.0e+00;
	[tilespmem:s14+$0xFFFFFF70] =	vst v47  }
0x140: {  	v52 =	vld [tilespmem:s14+$0xFFFFFFF0];
	v51 =	vmul.f32 v37, v1;
	[tilespmem:s14+$0xFFFFFF80] =	vst v50;
	v8 =	vmax.f32 v8, $0.0e+00  }
0x141: {  	v54 =	vmul.f32 v40, v1;
	v53 =	vmax.f32 v48, $0.0e+00;
	[tilespmem:s14+$0x0] =	vst v8  }
0x142: {  	v56 =	vmul.f32 v43, v1;
	v55 =	vmax.f32 v51, $0.0e+00;
	[tilespmem:s14+$0xFFFFFF90] =	vst v53  }
0x143: {  	v58 =	vmul.f32 v46, v1;
	v57 =	vmax.f32 v54, $0.0e+00;
	[tilespmem:s14+$0xFFFFFFA0] =	vst v55  }
.Ltmp4:
0x144: {  	v60 =	vmul.f32 v49, v1;
	v59 =	vmax.f32 v56, $0.0e+00;
	[tilespmem:s14+$0xFFFFFFB0] =	vst v57;
	(pc) =	sbr.rel @p0 .LBB2_8-.Ltmp4, $4  }
0x145: {  	v1 =	vmul.f32 v52, v1;
	v61 =	vmax.f32 v58, $0.0e+00;
	[tilespmem:s14+$0xFFFFFFC0] =	vst v59  }
0x146: {  	v62 =	vmax.f32 v60, $0.0e+00;
	[tilespmem:s14+$0xFFFFFFD0] =	vst v61  }
0x147: {  	v63 =	vmax.f32 v1, $0.0e+00;
	[tilespmem:s14+$0xFFFFFFE0] =	vst v62  }
0x148: {  	[tilespmem:s14+$0xFFFFFFF0] =	vst v63  }
0x149: {  	_ =	swait.ge [sflag:s30], $0x2800;
	s11 =	sadd.s32 $0x180, s11  }
0x14a: {  	[sflag:s30] =	ssyncset.done $0x0;
	s12 =	sand.u32 $0x7C00, s11  }
0x14b: {  	s11 =	sand.u32 $0x380, s11;
	[sflag:s30] =	ssyncadd.s32 $0xFFFFD800;
	s12 =	sadd.s32 s9, s12  }
0x14c: {  	[spmem:s2] =	stream.indirect.scatter.add.f32 [tilespmem:s0], [sflag:$0x5], $0x80, s28, s25, $0xb8;
	[tilespmem:$0x18F00] =	vst v63  }
0x14d: {  	s11 =	sor.u32 s11, s12;
	_ =	swait.ge [sflag:s20], $0x2800  }
0x14e: {  	s11 =	sshrl.u32 s11, $0x3;
	[sflag:s20] =	ssyncset.done $0x0  }
0x14f: {  	s15 =	sadd.s32 s6, s11;
	[sflag:s20] =	ssyncadd.s32 $0xFFFFD800  }
0x150: {  	[tilespmem:s26], [sflag:$0x4] =	stream.linear.gather [hbm4b:s15+s4], $0x80, $0x38;
	[tilespmem:$0x18F00] =	vst v63  }
.Ltmp5:
0x151: {  	_ = 	snop;
	(pc) =	sbr.rel .LBB2_2-.Ltmp5, $4  }
0x152: {  	s16 =	sadd.s32 s7, s11  }
0x153: {  	[tilespmem:s28], [sflag:$0x4] =	stream.linear.gather [hbm4b:s16+s4], $0x80, $0x38;
	[tilespmem:$0x18F00] =	vst v63  }
0x154: {  	s21 =	sadd.s32 $0x1, s21;
	s11 =	sadd.s32 s8, s11  }
0x155: {  	[tilespmem:s29], [sflag:$0x4] =	stream.linear.gather [hbm4b:s11+s4], $0x80, $0x38;
	[tilespmem:$0x18F00] =	vst v63  }
.LBB2_9:
0x156: {  	_ =	sfence.sel $0x180000  }
0x157: {  	[bflag:$0x0] =	sbarrier.arrive $0xFFFF  }
0x158: {  	_ =	strace $0x9000004A  }
0x159: {  	s0 =	stileid.u32;
	[bflag:$0x2] =	sbarrier.arrive $0xFFFF  }
0x15a: {  	p0 =	sne.s32 s0, $0x0;
	s0 =	rddreg [dreg:$0x3]  }
0x15b: {  	s0 =	sadd.s32 @!p0 $0x100000, s0  }
0x15c: {  	[sflag:s0] =	ssyncadd.tile.s32 @!p0 $0x1;
	_ =	shalt  }
.Lfunc_end2:
_tile_overlayer_lowered:
.L_overlay_start_2:
0x15d: {  	(tag) =	ssettag $0x2  }
0x15e: {  	s0 =	rddreg [dreg:$0x0];
	s2 =	stileid.u32  }
0x15f: {  	s1 =	rddreg [dreg:$0x1];
	p0 =	sne.s32 s2, $0x0  }
0x160: {  	s3 =	rddreg [dreg:$0x2];
	[bflag:$0x3] =	sbarrier.arrive $0xFFFF;
	s2 =	simm.s32 @!p0 $0x1C05  }
0x161: {  	[timem:s3], [sflag:s2] =	dma.local @!p0 [hbm:s0], s1  }
0x162: {  	s0 =	simm.s32 @!p0 $0x5  }
0x163: {  	_ =	swait.ge @!p0 [sflag:s0], s1  }
0x164: {  	s1 =	ssub.s32 @!p0 $0x0, s1;
	[sflag:s0] =	ssyncset.done @!p0 $0x0  }
0x165: {  	[sflag:s0] =	ssyncadd.s32 @!p0 s1  }
0x166: {  	[bflag:$0x3] =	sbarrier.arrive $0xFFFF  }
0x167: {  	_ =	shalt  }

// kernel: kernel.16.cloned.1.call-start
scs
__scs_entry_jumppad:
0x0: {  	(pc) =	sbr.rel $0x88, $3  }
0x1: {  	(tag) =	ssettag $0x0;
	lr =	simm.s32 $0x1  }
0x2: {  	[smem:$0x3F80] =	sst lr;
	_ =	strace $0xD0000000  }
0x3: {  	_ = 	snop  }
0x4: {  	_ = 	snop  }
0x5: {  	_ = 	snop  }
0x6: {  	_ = 	snop  }
0x7: {  	_ = 	snop  }
__scs_overlays_trampoline_lowered:
0x8: {  	[smem:$0x3F8F] =	sst s0  }
0x9: {  	[smem:$0x3F90] =	sst s1  }
0xa: {  	[smem:$0x3F91] =	sst s2  }
0xb: {  	[smem:$0x3F92] =	sst s3  }
0xc: {  	[smem:$0x3F93] =	sst s4  }
0xd: {  	[smem:$0x3F94] =	sst s5  }
0xe: {  	[smem:$0x3F95] =	sst s6  }
0xf: {  	[smem:$0x3F96] =	sst s7  }
0x10: {  	[smem:$0x3F97] =	sst s8  }
0x11: {  	[smem:$0x3F98] =	sst s9;
	s0 =	simm.s32 @!p0 $0x0  }
0x12: {  	s1 =	sld [smem:$0x3F7E];
	s0 =	simm.s32 @p0 $0x1  }
0x13: {  	[smem:$0x3F99] =	sst s0;
	s0 =	simm.s32 @!p1 $0x0  }
0x14: {  	s2 =	sld [smem:$0x3F7D];
	s0 =	simm.s32 @p1 $0x1  }
0x15: {  	[smem:$0x3F9A] =	sst s0;
	s0 =	simm.s32 @!p2 $0x0  }
0x16: {  	s3 =	sld [smem:$0x3FDB];
	s0 =	simm.s32 @p2 $0x1  }
0x17: {  	s4 =	simm.s32 $0x1BF5;
	[smem:$0x3F9C] =	sst s0  }
0x18: {  	s0 =	sld [smem:$0x3F7F];
	_ =	swait.ge [sflag:s4], $0x0  }
0x19: {  	s7 =	sld [smem:$0x3F80]  }
0x1a: {  	s8 =	sadd.s32 $0xFFFFE003, lr  }
0x1b: {  	s9 =	sadd.s32 $0xFFFFFEF7, lr;
	s5 =	simm.s32 $0xFFFFFFFF;
	p2 =	slt.u32 s8, $0xFFFFF086  }
0x1c: {  	p1 =	slt.u32 s9, $0xF7A;
	s5 =	simm.s32 @!p2 $0x0  }
0x1d: {  	s5 =	simm.s32 @p1 $0x1;
	p0 =	seq.s32 s7, s2  }
0x1e: {  	s7 =	smul.u32 @!p0 $0xF7A, s2;
	p2 =	seq.s32 @!p0 s5, $0x0  }
0x1f: {  	s9 =	smul.u32 $0xF7A, s1;
	s8 =	simm.s32 @!p0 $0x1BF5;
	p2 =	por !p2, p0  }
0x20: {  	[sflag:s8] =	ssyncset.s32 @!p0 $0xFFFFF086;
	s6 =	sadd.s32 @!p0 s3, s7;
	s7 =	simm.s32 @!p0 $0x108  }
0x21: {  	s3 =	sadd.s32 s3, s9;
	s6 =	sadd.s32 @!p0 $0x88, s6;
	s7 =	simm.s32 @p2 $0x1082  }
0x22: {  	[simem:s7], [sflag:s8] =	dma.local @!p0 [hbm:s6], $0xF7A  }
0x23: {  	s9 =	sor.u32 $0xD0000000, s2;
	s6 =	simm.s32 $0x108;
	_ =	swait.ge @!p0 [sflag:s8], $0x0  }
0x24: {  	s3 =	sadd.s32 $0x88, s3;
	s6 =	simm.s32 @!p1 $0x1082;
	[sflag:s4] =	ssyncset.s32 $0xFFFFF086  }
0x25: {  	[simem:s6], [sflag:s4] =	dma.local [hbm:s3], $0xF7A  }
0x26: {  	[smem:$0x3F80] =	sst s1;
	(tag) =	ssettag s2;
	_ =	strace s9  }
0x27: {  	s1 =	sld [smem:$0x3F90]  }
0x28: {  	s2 =	sld [smem:$0x3F91]  }
0x29: {  	s4 =	sld [smem:$0x3F93]  }
0x2a: {  	p0 =	seq.s32 s5, $0x0;
	s5 =	sld [smem:$0x3F94]  }
0x2b: {  	s6 =	sld [smem:$0x3F95]  }
0x2c: {  	s7 =	sld [smem:$0x3F96]  }
0x2d: {  	s3 =	simm.s32 $0x108;
	s8 =	sld [smem:$0x3F97]  }
0x2e: {  	s3 =	simm.s32 @!p0 $0x1082;
	s9 =	sld [smem:$0x3F98]  }
0x2f: {  	lr =	sadd.s32 s0, s3;
	s0 =	sld [smem:$0x3F8F]  }
0x30: {  	s3 =	sld [smem:$0x3F92]  }
0x31: {  	[smem:$0x3F9B] =	sst s10  }
0x32: {  	s10 =	sld [smem:$0x3F99];
	_ =	sdelay $0x3  }
0x33: {  	p0 =	seq.s32 s10, $0x1;
	s10 =	sld [smem:$0x3F9B];
	_ =	sdelay $0x3  }
0x34: {  	[smem:$0x3F9B] =	sst s10  }
0x35: {  	s10 =	sld [smem:$0x3F9A];
	_ =	sdelay $0x3  }
0x36: {  	p1 =	seq.s32 s10, $0x1;
	s10 =	sld [smem:$0x3F9B];
	_ =	sdelay $0x3  }
0x37: {  	[smem:$0x3F9B] =	sst s10  }
0x38: {  	s10 =	sld [smem:$0x3F9C]  }
0x39: {  	_ = 	snop;
	(pc) =	sbr.ind lr, $3  }
0x3a: {  	_ = 	snop  }
0x3b: {  	_ = 	snop  }
0x3c: {  	p2 =	seq.s32 s10, $0x1;
	s10 =	sld [smem:$0x3F9B]  }
0x3d: {  	_ =	shalt  }
0x3e: {  	_ =	shalt  }
0x3f: {  	_ =	shalt  }
0x40: {  	_ =	shalt  }
0x41: {  	_ =	shalt  }
0x42: {  	_ =	shalt  }
0x43: {  	_ =	shalt  }
0x44: {  	_ =	shalt  }
0x45: {  	_ =	shalt  }
0x46: {  	_ =	shalt  }
0x47: {  	_ =	shalt  }
0x48: {  	_ =	shalt  }
0x49: {  	_ =	shalt  }
0x4a: {  	_ =	shalt  }
0x4b: {  	_ =	shalt  }
0x4c: {  	_ =	shalt  }
0x4d: {  	_ =	shalt  }
0x4e: {  	_ =	shalt  }
0x4f: {  	_ =	shalt  }
0x50: {  	_ =	shalt  }
0x51: {  	_ =	shalt  }
0x52: {  	_ =	shalt  }
0x53: {  	_ =	shalt  }
0x54: {  	_ =	shalt  }
0x55: {  	_ =	shalt  }
0x56: {  	_ =	shalt  }
0x57: {  	_ =	shalt  }
0x58: {  	_ =	shalt  }
0x59: {  	_ =	shalt  }
0x5a: {  	_ =	shalt  }
0x5b: {  	_ =	shalt  }
0x5c: {  	_ =	shalt  }
0x5d: {  	_ =	shalt  }
0x5e: {  	_ =	shalt  }
0x5f: {  	_ =	shalt  }
0x60: {  	_ =	shalt  }
0x61: {  	_ =	shalt  }
0x62: {  	_ =	shalt  }
0x63: {  	_ =	shalt  }
0x64: {  	_ =	shalt  }
0x65: {  	_ =	shalt  }
0x66: {  	_ =	shalt  }
0x67: {  	_ =	shalt  }
0x68: {  	_ =	shalt  }
0x69: {  	_ =	shalt  }
0x6a: {  	_ =	shalt  }
0x6b: {  	_ =	shalt  }
0x6c: {  	_ =	shalt  }
0x6d: {  	_ =	shalt  }
0x6e: {  	_ =	shalt  }
0x6f: {  	_ =	shalt  }
0x70: {  	_ =	shalt  }
0x71: {  	_ =	shalt  }
0x72: {  	_ =	shalt  }
0x73: {  	_ =	shalt  }
0x74: {  	_ =	shalt  }
0x75: {  	_ =	shalt  }
0x76: {  	_ =	shalt  }
0x77: {  	_ =	shalt  }
0x78: {  	_ =	shalt  }
0x79: {  	_ =	shalt  }
0x7a: {  	_ =	shalt  }
0x7b: {  	_ =	shalt  }
0x7c: {  	_ =	shalt  }
0x7d: {  	_ =	shalt  }
0x7e: {  	_ =	shalt  }
0x7f: {  	_ =	shalt  }
0x80: {  	_ =	shalt  }
0x81: {  	_ =	shalt  }
0x82: {  	_ =	shalt  }
0x83: {  	_ =	shalt  }
0x84: {  	_ =	shalt  }
0x85: {  	_ =	shalt  }
0x86: {  	_ =	shalt  }
0x87: {  	_ =	shalt  }
.Lfunc_end0:
.L_simem_size_0:
called_computation.2_lowered:
.L_overlay_start_0:
0x88: {  	s2 =	sld [smem:$0x3FD9]  }
0x89: {  	s3 =	sld [smem:$0x3FFE];
	_ =	sdelay $0x1  }
0x8a: {  	s1 =	srdreg.scid  }
0x8b: {  	s0 =	sand.u32 $0x1, s1  }
0x8c: {  	s14 =	sshll.u32 s0, $0xA;
	s2 =	sadd.s32 s3, s2  }
0x8d: {  	s2 =	sadd.s32 s2, s14  }
0x8e: {  	[smem:$0x3FA7] =	sst s2  }
0x8f: {  	_ = 	snop  }
0x90: {  	s2 =	sld [smem:$0x3FD0];
	_ =	sdelay $0x2  }
0x91: {  	s15 =	simm.s32 $0xA;
	s4 =	simm.s32 $0x10  }
0x92: {  	[smem:s4], [sflag:s15] =	dma.local [hbm:s2], $0x1  }
0x93: {  	_ =	swait.eq [sflag:s15], $0x1  }
0x94: {  	[sflag:s15] =	ssyncset.done $0x0  }
0x95: {  	[sflag:s15] =	ssyncadd.s32 $0xFFFFFFFF  }
0x96: {  	s16 =	sld [smem:$0x11];
	(tm) =	ssettm $0x1  }
0x97: {  	s17 =	sld [smem:$0x3FFB];
	_ =	sdelay $0x3  }
0x98: {  	_ =	strace s17  }
0x99: {  	s3 =	sld [smem:$0x3FFC];
	_ =	sdelay $0x3  }
0x9a: {  	_ =	strace s3  }
0x9b: {  	s3 =	sld [smem:$0x3FFD];
	_ =	sdelay $0x3  }
0x9c: {  	_ =	strace s3  }
0x9d: {  	_ =	strace $0x8FFFFFFF  }
0x9e: {  	s18 =	sld [smem:$0x3FDB];
	_ =	sdelay $0x1  }
0x9f: {  	s19 =	simm.s32 $_scs_section_size  }
0xa0: {  	s5 =	simm.s32 $_size__tile_overlayer_lowered;
	s6 =	simm.s32 $_tile_overlayer_lowered  }
0xa1: {  	s22 =	simm.s32 $0x1BFF;
	s21 =	sshll.u32 s6, $0x1;
	s3 =	sadd.s32 s19, s18  }
0xa2: {  	s7 =	simm.s32 $0x0;
	s20 =	sshll.u32 s5, $0x1;
	s5 =	sadd.s32 s21, s3  }
0xa3: {  	[timem:s7], [sflag:s22] =	dma.local [hbm:s5], s20  }
0xa4: {  	_ =	swait.ge [sflag:s22], s20  }
0xa5: {  	s4 =	ssub.s32 $0x0, s20;
	[sflag:s22] =	ssyncset.done $0x0  }
0xa6: {  	[sflag:s22] =	ssyncadd.s32 s4;
	_ =	sdelay $0x1  }
0xa7: {  	s23 =	simm.s32 $0x1B8B  }
0xa8: {  	_ =	swait.ge [sflag:s23], $0x1  }
0xa9: {  	[sflag:s23] =	ssyncset.done $0x0  }
0xaa: {  	s25 =	simm.s32 $0x1B8E;
	s24 =	sld [smem:$0x3FFE];
	[sflag:s23] =	ssyncadd.s32 $0xFFFFFFFF  }
0xab: {  	s26 =	simm.s32 $execute0_lowered;
	[smem:$0x3FD2] =	sst s25  }
0xac: {  	s5 =	sshll.u32 s26, $0x1;
	_ =	strace $0x8000004C;
	[dreg:$0x1] =	wrdreg $0xFFFFFFFF  }
0xad: {  	s28 =	simm.s32 $_size_execute0_lowered;
	s3 =	sadd.s32 s3, s5;
	[dreg:$0x0] =	wrdreg $0x0  }
0xae: {  	s5 =	sshll.u32 s28, $0x1;
	[dreg:$0x2] =	wrdreg s3  }
0xaf: {  	[dreg:$0x3] =	wrdreg s5  }
0xb0: {  	[dreg:$0x4] =	wrdreg $0xC0  }
0xb1: {  	_ =	task [dreg:s7], $0x5FFFF  }
0xb2: {  	[dreg:$0x1] =	wrdreg $0xFFFFFFFF  }
0xb3: {  	[dreg:$0x0] =	wrdreg $0x60  }
0xb4: {  	[dreg:$0x2] =	wrdreg s24  }
0xb5: {  	[dreg:$0x3] =	wrdreg s16  }
0xb6: {  	[dreg:$0x4] =	wrdreg $0x53000  }
0xb7: {  	[dreg:$0x5] =	wrdreg $0x9  }
0xb8: {  	_ =	task.clear_ibuf [dreg:s7], $0x6FFFF;
	_ =	strace $0x9000004C  }
0xb9: {  	s29 =	simm.s32 $0x9;
	_ =	strace $0x8000004E  }
0xba: {  	_ =	swait.ge [sflag:s29], $0x1  }
0xbb: {  	[sflag:s29] =	ssyncadd.s32 $0xFFFFFFFF  }
0xbc: {  	_ =	strace $0x9000004E  }
0xbd: {  	_ =	sfence  }
0xbe: {  	s30 =	sld [smem:$0x0];
	_ =	sdelay $0x2  }
0xbf: {  	s31 =	sshll.u32 s1, $0xD;
	s1 =	sshrl.u32 s1, $0x2  }
0xc0: {  	s3 =	sand.u32 $0x4000, s31;
	s1 =	sadd.s32 s1, s30  }
0xc1: {  	s0 =	sor.u32 s3, s0;
	s1 =	sshll.u32 s1, $0x11  }
0xc2: {  	s0 =	sor.u32 s1, s0  }
0xc3: {  	s0 =	sadd.s32 $0x8F2B, s0  }
0xc4: {  	[sflag:s0] =	ssyncadd.remote.s32 $0x1  }
0xc5: {  	_ =	sfence.sel $0xFFFF  }
0xc6: {  	[dreg:$0x0] =	wrdreg $0xFFFFFFFF;
	(pc) =	sbr.abs _section_cstart, $3  }
0xc7: {  	[dreg:$0x1] =	wrdreg $0xFFFFFFFF  }
0xc8: {  	_ =	task.clear_ibuf [dreg:s7], $0x2FFFF;
	_ =	strace $0x9FFFFFFF  }
0xc9: {  	(tm) =	ssettm $0x7FFFFFFF  }
tec
execute0_lowered:
.L_overlay_start_1:
0x0: {  	(tag) =	ssettag $0x1  }
0x1: {  	s0 =	rddreg [dreg:$0x0]  }
0x2: {  	s2 =	rddreg [dreg:$0x2]  }
0x3: {  	s1 =	srdreg.scid;
	s4 =	simm.s32 $0x0;
	s11 =	stileid.u32  }
0x4: {  	s28 =	simm.s32 $0x5180;
	s29 =	simm.s32 $0x5280;
	s30 =	simm.s32 $0x1  }
0x5: {  	s31 =	simm.s32 $0x4;
	s1 =	sand.u32 $0x1, s1;
	[smem:$0x7FF] =	sst s4  }
0x6: {  	s8 =	smul.u32 $0x13C00, s11;
	s5 =	sadd.s32 $0x4AA00, s0;
	s6 =	sadd.s32 $0x1AA00, s0  }
0x7: {  	s7 =	sadd.s32 $0x2AA00, s0;
	s10 =	smul.u32 $0x4F000, s11;
	s19 =	sshll.u32 s11, $0xE  }
0x8: {  	s11 =	sshll.u32 s11, $0x6;
	s3 =	smul.u32 $0x13C000, s1;
	s9 =	ssub.s32 $0x2, s1  }
0x9: {  	_ =	strace $0x8000004D;
	s1 =	sshll.u32 s1, $0x12;
	s18 =	sshrl.u32 s9, $0x1  }
0xa: {  	s10 =	sshrl.u32 s10, $0x2;
	s3 =	sadd.s32 s8, s3;
	s8 =	sadd.s32 $0x3AA00, s0  }
0xb: {  	s20 =	sadd.s32 s10, s2;
	s10 =	sor.u32 $0x1C05, s11;
	s3 =	sshrl.u32 s3, $0x3  }
0xc: {  	s0 =	sadd.s32 s3, s0;
	s3 =	ssub.s32 s9, s18;
	s9 =	sor.u32 s19, s1  }
0xd: {  	s19 =	sshrl.u32 s20, $0x3;
	s20 =	simm.s32 $0x5;
	s21 =	sshrl.u32 s9, $0x3  }
0xe: {  	s1 =	simm.s32 $0x0;
	s17 =	sadd.s32 $0x71C00, s0;
	s12 =	sadd.s32 s6, s21  }
0xf: {  	s18 =	smax.u32 s3, $0x1;
	s22 =	sadd.s32 s7, s21;
	[dreg:$0x4] =	wrdreg s12  }
0x10: {  	s23 =	sor.u32 $0x10, s21;
	s11 =	sadd.s32 s8, s21;
	[dreg:$0x5] =	wrdreg s22  }
.Ltmp0:
0x11: {  	[dreg:$0x6] =	wrdreg s11;
	s24 =	sadd.s32 s6, s23;
	(pc) =	sbr.rel .LBB2_1-.Ltmp0, $4  }
0x12: {  	s0 =	simm.s32 $0x2800;
	s25 =	sadd.s32 s7, s23;
	[dreg:$0x7] =	wrdreg s24  }
0x13: {  	s3 =	simm.s32 $0x2;
	s26 =	sadd.s32 s8, s23;
	[dreg:$0x8] =	wrdreg s25  }
0x14: {  	s22 =	simm.s32 $0x5100;
	s23 =	simm.s32 $0x5200;
	[dreg:$0x9] =	wrdreg s26  }
0x15: {  	s24 =	simm.s32 $0x3;
	s25 =	simm.s32 $0x50;
	s26 =	simm.s32 $0x5080  }
.LBB2_8:
0x16: {  	[spmem:s2] =	stream.indirect.scatter.add.f32 [tilespmem:s0], [sflag:$0x5], $0x80, s28, s25, $0xb8;
	[tilespmem:$0x18F00] =	vst v63  }
0x17: {  	_ =	swait.ge [sflag:s20], $0x2800  }
0x18: {  	s1 =	sadd.s32 $0x1, s1;
	[sflag:s20] =	ssyncset.done $0x0  }
0x19: {  	p0 =	sne.s32 s1, s18;
	[sflag:s20] =	ssyncadd.s32 $0xFFFFD800  }
.Ltmp1:
0x1a: {  	[bflag:$0x0] =	sbarrier.arrive $0xFFFF;
	(pc) =	sbr.rel @!p0 .LBB2_9-.Ltmp1, $4  }
0x1b: {  	[hbm:s17], [sflag:s10] =	dma.local [spmem:s19], $0x2780  }
0x1c: {  	_ =	swait.ge [sflag:s20], $0x2780  }
0x1d: {  	[sflag:s20] =	ssyncset.done $0x0  }
0x1e: {  	[sflag:s20] =	ssyncadd.s32 $0xFFFFD880  }
.LBB2_1:
0x1f: {  	s11 =	rddreg [dreg:$0x1]  }
0x20: {  	[spmem:s19], [sflag:s10] =	dma.local [hbm:s11], $0x2780  }
0x21: {  	_ =	swait.ge [sflag:s20], $0x2780  }
0x22: {  	[sflag:s20] =	ssyncset.done $0x0  }
0x23: {  	[sflag:s20] =	ssyncadd.s32 $0xFFFFD880  }
0x24: {  	[bflag:$0x0] =	sbarrier.arrive $0xFFFF  }
0x25: {  	s12 =	simm.s32 $0x5000;
	s21 =	rddreg [dreg:$0x4]  }
0x26: {  	[tilespmem:s12], [sflag:$0x3] =	stream.linear.gather [hbm4b:s21+s4], $0x80, $0x38;
	[tilespmem:$0x18F00] =	vst v63  }
0x27: {  	s13 =	rddreg [dreg:$0x5]  }
0x28: {  	[tilespmem:s22], [sflag:$0x3] =	stream.linear.gather [hbm4b:s13+s4], $0x80, $0x38;
	[tilespmem:$0x18F00] =	vst v63  }
0x29: {  	s14 =	rddreg [dreg:$0x6]  }
0x2a: {  	[tilespmem:s23], [sflag:$0x3] =	stream.linear.gather [hbm4b:s14+s4], $0x80, $0x38;
	[tilespmem:$0x18F00] =	vst v63  }
0x2b: {  	_ =	swait.ge [sflag:s24], $0x80  }
0x2c: {  	[sflag:s24] =	ssyncset.done $0x0  }
0x2d: {  	[sflag:s24] =	ssyncadd.s32 $0xFFFFFF80  }
0x2e: {  	_ =	swait.ge [sflag:s24], $0x80  }
0x2f: {  	[sflag:s24] =	ssyncset.done $0x0  }
0x30: {  	[sflag:s24] =	ssyncadd.s32 $0xFFFFFF80  }
0x31: {  	_ =	swait.ge [sflag:s24], $0x80  }
0x32: {  	[sflag:s24] =	ssyncset.done $0x0  }
0x33: {  	[sflag:s24] =	ssyncadd.s32 $0xFFFFFF80  }
0x34: {  	[tilespmem:s4], [sflag:$0x1] =	stream.indirect.gather [hbm4b:s5+s25], $0x80, s12, s25, $0xb8;
	[tilespmem:$0x18F00] =	vst v63  }
0x35: {  	s15 =	rddreg [dreg:$0x7]  }
0x36: {  	[tilespmem:s26], [sflag:$0x4] =	stream.linear.gather [hbm4b:s15+s4], $0x80, $0x38;
	[tilespmem:$0x18F00] =	vst v63  }
0x37: {  	s16 =	rddreg [dreg:$0x8]  }
0x38: {  	[tilespmem:s28], [sflag:$0x4] =	stream.linear.gather [hbm4b:s16+s4], $0x80, $0x38;
	[tilespmem:$0x18F00] =	vst v63  }
0x39: {  	s21 =	rddreg [dreg:$0x9]  }
0x3a: {  	[tilespmem:s29], [sflag:$0x4] =	stream.linear.gather [hbm4b:s21+s4], $0x80, $0x38;
	[tilespmem:$0x18F00] =	vst v63  }
0x3b: {  	_ =	swait.ge [sflag:s30], $0x2800  }
0x3c: {  	[sflag:s30] =	ssyncset.done $0x0  }
0x3d: {  	s21 =	simm.s32 $0x0;
	[sflag:s30] =	ssyncadd.s32 $0xFFFFD800  }
.LBB2_2:
0x3e: {  	_ =	swait.ge [sflag:s31], $0x80  }
0x3f: {  	[sflag:s31] =	ssyncset.done $0x0  }
0x40: {  	s11 =	simm.s32 $0x0;
	[sflag:s31] =	ssyncadd.s32 $0xFFFFFF80  }
0x41: {  	s12 =	simm.s32 $0x1;
	v0 =	vmov s11;
	_ =	swait.ge [sflag:s31], $0x80  }
0x42: {  	s16 =	simm.s32 $0x3;
	v2 =	vmov s12;
	v0 =	vand.u32 $0xFFFFFFFC, v0;
	[sflag:s31] =	ssyncset.done $0x0  }
0x43: {  	s13 =	simm.s32 $0x2;
	v1 =	vmov s16;
	v3 =	vbroadcast v0, $0x0;
	v0 =	vand.u32 $0xFFFFFFFD, v2;
	[sflag:s31] =	ssyncadd.s32 $0xFFFFFF80  }
0x44: {  	v2 =	vmov s13;
	v4 =	vbroadcast v0, $0x0;
	_ =	swait.ge [sflag:s31], $0x80  }
0x45: {  	v0 =	vand.u32 $0xFFFFFFFE, v2;
	[sflag:s31] =	ssyncset.done $0x0  }
0x46: {  	v2 =	vbroadcast v0, $0x0;
	[sflag:s31] =	ssyncadd.s32 $0xFFFFFF80  }
0x47: {  	[tilespmem:s0], [sflag:$0x2] =	stream.indirect.gather [hbm4b:s5+s25], $0x80, s26, s25, $0xb8;
	[tilespmem:$0x18F00] =	vst v63  }
0x48: {  	v0 =	vld.idx.msk [tilespmem:v1+s23+$0x0], $0xffff  }
0x49: {  	v3 =	vld.idx.msk [tilespmem:v3+s23+$0x0], $0xffff  }
0x4a: {  	s11 =	simm.s32 $0x100;
	v4 =	vld.idx.msk [tilespmem:v4+s23+$0x0], $0xffff  }
0x4b: {  	v5 =	vld [tilespmem:s11+$0xFFFFFF00]  }
0x4c: {  	v1 =	vld.idx.msk [tilespmem:v2+s23+$0x0], $0xffff  }
0x4d: {  	v2 =	vld [tilespmem:s11+$0x70]  }
0x4e: {  	v6 =	vld [tilespmem:s11+$0xFFFFFF10]  }
0x4f: {  	v7 =	vld [tilespmem:s11+$0xFFFFFF20]  }
0x50: {  	v8 =	vld [tilespmem:s11+$0xFFFFFF30]  }
0x51: {  	v9 =	vld [tilespmem:s11+$0xFFFFFF40];
	v5 =	vmul.f32 v5, v3  }
0x52: {  	v10 =	vld [tilespmem:s11+$0xFFFFFF50];
	v2 =	vmul.f32 v2, v1  }
0x53: {  	v11 =	vld [tilespmem:s11+$0xFFFFFF60];
	v6 =	vmul.f32 v6, v3;
	v5 =	vmax.f32 v5, $0.0e+00  }
0x54: {  	v12 =	vld [tilespmem:s11+$0xFFFFFF70];
	v7 =	vmul.f32 v7, v3;
	v2 =	vmax.f32 v2, $0.0e+00;
	[tilespmem:s11+$0xFFFFFF00] =	vst v5  }
0x55: {  	v5 =	vmul.f32 v8, v3;
	[tilespmem:s11+$0x70] =	vst v2;
	v2 =	vmax.f32 v6, $0.0e+00;
	v6 =	vld [tilespmem:s11+$0xFFFFFF80]  }
0x56: {  	v8 =	vld [tilespmem:s11+$0xFFFFFF90];
	[tilespmem:s11+$0xFFFFFF10] =	vst v2;
	v2 =	vmax.f32 v7, $0.0e+00;
	v7 =	vmul.f32 v9, v3  }
0x57: {  	v9 =	vld [tilespmem:s11+$0xFFFFFFA0];
	[tilespmem:s11+$0xFFFFFF20] =	vst v2;
	v2 =	vmax.f32 v5, $0.0e+00;
	v5 =	vmul.f32 v10, v3  }
0x58: {  	v10 =	vld [tilespmem:s11+$0xFFFFFFB0];
	[tilespmem:s11+$0xFFFFFF30] =	vst v2;
	v2 =	vmax.f32 v7, $0.0e+00;
	v7 =	vmul.f32 v11, v3  }
0x59: {  	v3 =	vmul.f32 v12, v3;
	[tilespmem:s11+$0xFFFFFF40] =	vst v2;
	v2 =	vmax.f32 v5, $0.0e+00;
	v5 =	vld [tilespmem:s11+$0xFFFFFFC0]  }
0x5a: {  	[tilespmem:s11+$0xFFFFFF50] =	vst v2;
	v2 =	vmax.f32 v7, $0.0e+00;
	v6 =	vmul.f32 v6, v4;
	v7 =	vld [tilespmem:s11+$0xFFFFFFD0]  }
0x5b: {  	[tilespmem:s11+$0xFFFFFF60] =	vst v2;
	v2 =	vmax.f32 v3, $0.0e+00;
	v3 =	vmul.f32 v8, v4;
	v8 =	vld [tilespmem:s11+$0xFFFFFFE0]  }
0x5c: {  	[tilespmem:s11+$0xFFFFFF70] =	vst v2;
	v2 =	vmax.f32 v6, $0.0e+00;
	v6 =	vmul.f32 v9, v4;
	v9 =	vld [tilespmem:s11+$0xFFFFFFF0]  }
0x5d: {  	[tilespmem:s11+$0xFFFFFF80] =	vst v2;
	v2 =	vmax.f32 v3, $0.0e+00;
	v3 =	vmul.f32 v10, v4;
	v10 =	vld [tilespmem:s11+$0x0]  }
0x5e: {  	[tilespmem:s11+$0xFFFFFF90] =	vst v2;
	v2 =	vmax.f32 v6, $0.0e+00;
	v5 =	vmul.f32 v5, v4;
	v6 =	vld [tilespmem:s11+$0x10]  }
0x5f: {  	s14 =	simm.s32 $0x4;
	[tilespmem:s11+$0xFFFFFFA0] =	vst v2;
	v2 =	vmax.f32 v3, $0.0e+00;
	v3 =	vmul.f32 v7, v4;
	v7 =	vld [tilespmem:s11+$0x20]  }
0x60: {  	v11 =	vmov s14;
	v12 =	vld [tilespmem:s11+$0x30];
	[tilespmem:s11+$0xFFFFFFB0] =	vst v2;
	v5 =	vmax.f32 v5, $0.0e+00;
	v8 =	vmul.f32 v8, v4  }
0x61: {  	s15 =	simm.s32 $0x7;
	v11 =	vand.u32 $0xFFFFFFFC, v11;
	[tilespmem:s11+$0xFFFFFFC0] =	vst v5;
	v3 =	vmax.f32 v3, $0.0e+00;
	v4 =	vmul.f32 v9, v4;
	v9 =	vld [tilespmem:s11+$0x40]  }
0x62: {  	s16 =	simm.s32 $0x5;
	v2 =	vmov s15;
	v5 =	vld [tilespmem:s11+$0x50];
	[tilespmem:s11+$0xFFFFFFD0] =	vst v3;
	v3 =	vmax.f32 v8, $0.0e+00;
	v8 =	vmul.f32 v10, v1  }
0x63: {  	v10 =	vmov s16;
	[tilespmem:s11+$0xFFFFFFE0] =	vst v3;
	v4 =	vmax.f32 v4, $0.0e+00;
	v13 =	vmul.f32 v6, v1;
	v6 =	vld [tilespmem:s11+$0x60]  }
0x64: {  	v3 =	vbroadcast v11, $0x0;
	[tilespmem:s11+$0xFFFFFFF0] =	vst v4;
	v4 =	vmax.f32 v8, $0.0e+00;
	v11 =	vmul.f32 v7, v1;
	v7 =	vld [tilespmem:s11+$0x80]  }
0x65: {  	v14 =	vand.u32 $0xFFFFFFFD, v10;
	v10 =	vmul.f32 v12, v1;
	v8 =	vld [tilespmem:s11+$0x90];
	[tilespmem:s11+$0x0] =	vst v4;
	v13 =	vmax.f32 v13, $0.0e+00  }
0x66: {  	s12 =	simm.s32 $0x100;
	s13 =	simm.s32 $0x8;
	s14 =	simm.s32 $0x6;
	v4 =	vbroadcast v14, $0x0;
	[tilespmem:s11+$0x10] =	vst v13;
	v12 =	vmax.f32 v11, $0.0e+00;
	v11 =	vmul.f32 v9, v1;
	v9 =	vld [tilespmem:s11+$0xA0]  }
.LBB2_3:
0x67: {  	p0 =	slt.u32 s13, $0x4C;
	v13 =	vmov s14;
	[tilespmem:s11+$0x20] =	vst v12;
	v10 =	vmax.f32 v10, $0.0e+00;
	v5 =	vmul.f32 v5, v1;
	v12 =	vld [tilespmem:s11+$0xB0]  }
0x68: {  	v13 =	vand.u32 $0xFFFFFFFE, v13;
	[tilespmem:s11+$0x30] =	vst v10;
	v10 =	vmax.f32 v11, $0.0e+00;
	v1 =	vmul.f32 v6, v1;
	v6 =	vld [tilespmem:s11+$0xC0]  }
0x69: {  	v11 =	vbroadcast v13, $0x0;
	[tilespmem:s11+$0x40] =	vst v10;
	v5 =	vmax.f32 v5, $0.0e+00;
	v7 =	vmul.f32 v7, v0;
	v10 =	vld [tilespmem:s11+$0xD0]  }
0x6a: {  	[tilespmem:s11+$0x50] =	vst v5;
	v1 =	vmax.f32 v1, $0.0e+00;
	v5 =	vmul.f32 v8, v0;
	v8 =	vld [tilespmem:s11+$0xE0]  }
0x6b: {  	[tilespmem:s11+$0x60] =	vst v1;
	v1 =	vmax.f32 v7, $0.0e+00;
	v7 =	vmul.f32 v9, v0;
	v9 =	vld [tilespmem:s11+$0xF0]  }
0x6c: {  	v2 =	vld.idx.msk [tilespmem:v2+s23+$0x0], $0xffff;
	[tilespmem:s11+$0x80] =	vst v1;
	v1 =	vmax.f32 v5, $0.0e+00;
	v5 =	vmul.f32 v12, v0  }
0x6d: {  	v3 =	vld.idx.msk [tilespmem:v3+s23+$0x0], $0xffff;
	[tilespmem:s11+$0x90] =	vst v1;
	v1 =	vmax.f32 v7, $0.0e+00;
	v6 =	vmul.f32 v6, v0  }
0x6e: {  	v4 =	vld.idx.msk [tilespmem:v4+s23+$0x0], $0xffff;
	[tilespmem:s11+$0xA0] =	vst v1;
	v5 =	vmax.f32 v5, $0.0e+00;
	v7 =	vmul.f32 v10, v0  }
0x6f: {  	s11 =	sadd.s32 $0x200, s11;
	v1 =	vld.idx.msk [tilespmem:v11+s23+$0x0], $0xffff;
	[tilespmem:s12+$0xB0] =	vst v5;
	v5 =	vmax.f32 v6, $0.0e+00;
	v6 =	vmul.f32 v8, v0  }
0x70: {  	v8 =	vld [tilespmem:s11+$0x70];
	[tilespmem:s12+$0xC0] =	vst v5;
	v5 =	vmax.f32 v7, $0.0e+00;
	v9 =	vmul.f32 v9, v0  }
0x71: {  	v7 =	vld [tilespmem:s11+$0xFFFFFF00];
	[tilespmem:s12+$0xD0] =	vst v5;
	v5 =	vmax.f32 v6, $0.0e+00  }
0x72: {  	v0 =	vmov v2;
	v6 =	vld [tilespmem:s11+$0xFFFFFF10];
	[tilespmem:s12+$0xE0] =	vst v5;
	v5 =	vmax.f32 v9, $0.0e+00  }
0x73: {  	v2 =	vld [tilespmem:s11+$0xFFFFFF20];
	[tilespmem:s12+$0xF0] =	vst v5;
	s12 =	smov.u32 s11  }
0x74: {  	v5 =	vld [tilespmem:s11+$0xFFFFFF30]  }
0x75: {  	v9 =	vld [tilespmem:s11+$0xFFFFFF40];
	v8 =	vmul.f32 v8, v1  }
0x76: {  	v7 =	vmul.f32 v7, v3;
	v10 =	vld [tilespmem:s11+$0xFFFFFF50]  }
0x77: {  	v6 =	vmul.f32 v6, v3;
	v11 =	vld [tilespmem:s11+$0xFFFFFF60];
	v8 =	vmax.f32 v8, $0.0e+00  }
0x78: {  	v7 =	vmax.f32 v7, $0.0e+00;
	v2 =	vmul.f32 v2, v3;
	v12 =	vld [tilespmem:s11+$0xFFFFFF70];
	[tilespmem:s11+$0x70] =	vst v8  }
0x79: {  	[tilespmem:s11+$0xFFFFFF00] =	vst v7;
	v6 =	vmax.f32 v6, $0.0e+00;
	v5 =	vmul.f32 v5, v3;
	v7 =	vld [tilespmem:s11+$0xFFFFFF80]  }
0x7a: {  	[tilespmem:s11+$0xFFFFFF10] =	vst v6;
	v2 =	vmax.f32 v2, $0.0e+00;
	v6 =	vmul.f32 v9, v3;
	v8 =	vld [tilespmem:s11+$0xFFFFFF90]  }
0x7b: {  	[tilespmem:s11+$0xFFFFFF20] =	vst v2;
	v2 =	vmax.f32 v5, $0.0e+00;
	v5 =	vmul.f32 v10, v3;
	v9 =	vld [tilespmem:s11+$0xFFFFFFA0]  }
0x7c: {  	[tilespmem:s11+$0xFFFFFF30] =	vst v2;
	v2 =	vmax.f32 v6, $0.0e+00;
	v6 =	vmul.f32 v11, v3;
	v10 =	vld [tilespmem:s11+$0xFFFFFFB0]  }
0x7d: {  	[tilespmem:s11+$0xFFFFFF40] =	vst v2;
	v2 =	vmax.f32 v5, $0.0e+00;
	v3 =	vmul.f32 v12, v3;
	v5 =	vld [tilespmem:s11+$0xFFFFFFC0]  }
0x7e: {  	[tilespmem:s11+$0xFFFFFF50] =	vst v2;
	v2 =	vmax.f32 v6, $0.0e+00;
	v6 =	vmul.f32 v7, v4;
	v7 =	vld [tilespmem:s11+$0xFFFFFFD0]  }
0x7f: {  	[tilespmem:s11+$0xFFFFFF60] =	vst v2;
	v2 =	vmax.f32 v3, $0.0e+00;
	v3 =	vmul.f32 v8, v4;
	v8 =	vld [tilespmem:s11+$0xFFFFFFE0]  }
0x80: {  	[tilespmem:s11+$0xFFFFFF70] =	vst v2;
	v2 =	vmax.f32 v6, $0.0e+00;
	v6 =	vmul.f32 v9, v4;
	v9 =	vld [tilespmem:s11+$0xFFFFFFF0]  }
0x81: {  	[tilespmem:s11+$0xFFFFFF80] =	vst v2;
	v2 =	vmax.f32 v3, $0.0e+00;
	v3 =	vmul.f32 v10, v4;
	v10 =	vld [tilespmem:s11+$0x0]  }
0x82: {  	[tilespmem:s11+$0xFFFFFF90] =	vst v2;
	v2 =	vmax.f32 v6, $0.0e+00;
	v5 =	vmul.f32 v5, v4;
	v6 =	vld [tilespmem:s11+$0x10]  }
0x83: {  	[tilespmem:s11+$0xFFFFFFA0] =	vst v2;
	v2 =	vmax.f32 v3, $0.0e+00;
	v3 =	vmul.f32 v7, v4;
	v7 =	vld [tilespmem:s11+$0x20]  }
0x84: {  	s14 =	sadd.s32 $0x3, s13;
	v11 =	vmov s13;
	[tilespmem:s11+$0xFFFFFFB0] =	vst v2;
	v5 =	vmax.f32 v5, $0.0e+00;
	v8 =	vmul.f32 v8, v4;
	v12 =	vld [tilespmem:s11+$0x30]  }
0x85: {  	v2 =	vmov s14;
	[tilespmem:s11+$0xFFFFFFC0] =	vst v5;
	v3 =	vmax.f32 v3, $0.0e+00;
	v4 =	vmul.f32 v9, v4;
	v9 =	vld [tilespmem:s11+$0x40]  }
.Ltmp2:
0x86: {  	v11 =	vand.u32 $0xFFFFFFFC, v11;
	s14 =	sadd.s32 $0x1, s13;
	[tilespmem:s11+$0xFFFFFFD0] =	vst v3;
	v3 =	vmax.f32 v8, $0.0e+00;
	v8 =	vmul.f32 v10, v1;
	v5 =	vld [tilespmem:s11+$0x50];
	(pc) =	sbr.rel @p0 .LBB2_3-.Ltmp2, $4  }
0x87: {  	v10 =	vmov s14;
	[tilespmem:s11+$0xFFFFFFE0] =	vst v3;
	v4 =	vmax.f32 v4, $0.0e+00;
	v13 =	vmul.f32 v6, v1;
	v6 =	vld [tilespmem:s11+$0x60]  }
0x88: {  	v3 =	vbroadcast v11, $0x0;
	[tilespmem:s11+$0xFFFFFFF0] =	vst v4;
	v4 =	vmax.f32 v8, $0.0e+00;
	v11 =	vmul.f32 v7, v1;
	v7 =	vld [tilespmem:s11+$0x80]  }
0x89: {  	v14 =	vand.u32 $0xFFFFFFFD, v10;
	[tilespmem:s11+$0x0] =	vst v4;
	v13 =	vmax.f32 v13, $0.0e+00;
	v10 =	vmul.f32 v12, v1;
	v8 =	vld [tilespmem:s11+$0x90]  }
0x8a: {  	s14 =	sadd.s32 $0x2, s13;
	s13 =	sadd.s32 $0x4, s13;
	v4 =	vbroadcast v14, $0x0;
	[tilespmem:s11+$0x10] =	vst v13;
	v12 =	vmax.f32 v11, $0.0e+00;
	v11 =	vmul.f32 v9, v1;
	v9 =	vld [tilespmem:s11+$0xA0]  }
0x8b: {  	v14 =	vld [tilespmem:s11+$0xB0]  }
0x8c: {  	v15 =	vld [tilespmem:s11+$0xC0]  }
0x8d: {  	v16 =	vld [tilespmem:s11+$0xD0]  }
0x8e: {  	v13 =	vmov s14;
	v17 =	vld [tilespmem:s11+$0xE0];
	[tilespmem:s11+$0x20] =	vst v12;
	v10 =	vmax.f32 v10, $0.0e+00;
	v5 =	vmul.f32 v5, v1  }
0x8f: {  	v12 =	vld [tilespmem:s11+$0xF0];
	v13 =	vand.u32 $0xFFFFFFFE, v13;
	[tilespmem:s11+$0x30] =	vst v10;
	v6 =	vmul.f32 v6, v1;
	v10 =	vmax.f32 v11, $0.0e+00  }
0x90: {  	v1 =	vld.idx.msk [tilespmem:v2+s23+$0x0], $0xffff;
	v13 =	vbroadcast v13, $0x0;
	[tilespmem:s11+$0x40] =	vst v10;
	v2 =	vmax.f32 v5, $0.0e+00;
	v5 =	vmul.f32 v7, v0  }
0x91: {  	v3 =	vld.idx.msk [tilespmem:v3+s23+$0x0], $0xffff;
	[tilespmem:s11+$0x50] =	vst v2;
	v2 =	vmax.f32 v6, $0.0e+00;
	v6 =	vmul.f32 v8, v0  }
0x92: {  	s13 =	sadd.s32 $0x200, s11;
	v4 =	vld.idx.msk [tilespmem:v4+s23+$0x0], $0xffff;
	[tilespmem:s11+$0x60] =	vst v2;
	v2 =	vmax.f32 v5, $0.0e+00;
	v5 =	vmul.f32 v9, v0  }
0x93: {  	v10 =	vld [tilespmem:s13+$0xFFFFFF10];
	[tilespmem:s11+$0x80] =	vst v2;
	v2 =	vmax.f32 v6, $0.0e+00;
	v6 =	vmul.f32 v14, v0  }
0x94: {  	v9 =	vld [tilespmem:s13+$0xFFFFFF00];
	[tilespmem:s11+$0x90] =	vst v2;
	v2 =	vmax.f32 v5, $0.0e+00;
	v5 =	vmul.f32 v15, v0  }
0x95: {  	v8 =	vld [tilespmem:s13+$0x70];
	[tilespmem:s11+$0xA0] =	vst v2;
	v2 =	vmax.f32 v6, $0.0e+00;
	v6 =	vmul.f32 v16, v0  }
0x96: {  	v7 =	vld.idx.msk [tilespmem:v13+s23+$0x0], $0xffff;
	[tilespmem:s12+$0xB0] =	vst v2;
	v2 =	vmax.f32 v5, $0.0e+00;
	v5 =	vmul.f32 v17, v0  }
0x97: {  	v11 =	vld [tilespmem:s13+$0xFFFFFF20];
	v0 =	vmul.f32 v12, v0;
	[tilespmem:s12+$0xC0] =	vst v2;
	v2 =	vmax.f32 v6, $0.0e+00  }
0x98: {  	v6 =	vld [tilespmem:s13+$0xFFFFFF30];
	[tilespmem:s12+$0xD0] =	vst v2;
	v2 =	vmax.f32 v5, $0.0e+00  }
0x99: {  	v5 =	vld [tilespmem:s13+$0xFFFFFF40];
	v0 =	vmax.f32 v0, $0.0e+00;
	[tilespmem:s12+$0xE0] =	vst v2;
	v2 =	vmul.f32 v9, v3  }
0x9a: {  	v9 =	vld [tilespmem:s13+$0xFFFFFF50];
	[tilespmem:s12+$0xF0] =	vst v0;
	v0 =	vmul.f32 v10, v3  }
0x9b: {  	v10 =	vld [tilespmem:s13+$0xFFFFFF60];
	v8 =	vmul.f32 v8, v7;
	v2 =	vmax.f32 v2, $0.0e+00  }
0x9c: {  	v11 =	vmul.f32 v11, v3;
	v12 =	vld [tilespmem:s13+$0xFFFFFF70];
	v0 =	vmax.f32 v0, $0.0e+00;
	[tilespmem:s13+$0xFFFFFF00] =	vst v2  }
0x9d: {  	v2 =	vmul.f32 v6, v3;
	v6 =	vld [tilespmem:s13+$0xFFFFFF80];
	[tilespmem:s13+$0xFFFFFF10] =	vst v0;
	v8 =	vmax.f32 v8, $0.0e+00  }
0x9e: {  	v0 =	vmax.f32 v11, $0.0e+00;
	v5 =	vmul.f32 v5, v3;
	[tilespmem:s13+$0x70] =	vst v8;
	v8 =	vld [tilespmem:s13+$0xFFFFFF90]  }
0x9f: {  	[tilespmem:s13+$0xFFFFFF20] =	vst v0;
	v0 =	vmax.f32 v2, $0.0e+00;
	v2 =	vmul.f32 v9, v3;
	v9 =	vld [tilespmem:s13+$0xFFFFFFA0]  }
0xa0: {  	[tilespmem:s13+$0xFFFFFF30] =	vst v0;
	v0 =	vmax.f32 v5, $0.0e+00;
	v5 =	vmul.f32 v10, v3;
	v10 =	vld [tilespmem:s13+$0xFFFFFFB0]  }
0xa1: {  	[tilespmem:s13+$0xFFFFFF40] =	vst v0;
	v0 =	vmax.f32 v2, $0.0e+00;
	v2 =	vmul.f32 v12, v3;
	v3 =	vld [tilespmem:s13+$0xFFFFFFC0]  }
0xa2: {  	[tilespmem:s13+$0xFFFFFF50] =	vst v0;
	v0 =	vmax.f32 v5, $0.0e+00;
	v5 =	vmul.f32 v6, v4;
	v6 =	vld [tilespmem:s13+$0xFFFFFFD0]  }
0xa3: {  	[tilespmem:s13+$0xFFFFFF60] =	vst v0;
	v0 =	vmax.f32 v2, $0.0e+00;
	v2 =	vmul.f32 v8, v4;
	v8 =	vld [tilespmem:s13+$0xFFFFFFE0]  }
0xa4: {  	[tilespmem:s13+$0xFFFFFF70] =	vst v0;
	v0 =	vmax.f32 v5, $0.0e+00;
	v5 =	vmul.f32 v9, v4;
	v9 =	vld [tilespmem:s13+$0xFFFFFFF0]  }
0xa5: {  	[tilespmem:s13+$0xFFFFFF80] =	vst v0;
	v0 =	vmax.f32 v2, $0.0e+00;
	v2 =	vmul.f32 v10, v4;
	v10 =	vld [tilespmem:s13+$0x0]  }
0xa6: {  	v3 =	vmul.f32 v3, v4;
	[tilespmem:s13+$0xFFFFFF90] =	vst v0;
	v0 =	vmax.f32 v5, $0.0e+00;
	v5 =	vld [tilespmem:s13+$0x10]  }
0xa7: {  	[tilespmem:s13+$0xFFFFFFA0] =	vst v0;
	v0 =	vmax.f32 v2, $0.0e+00;
	v2 =	vmul.f32 v6, v4;
	v6 =	vld [tilespmem:s13+$0x20]  }
0xa8: {  	[tilespmem:s13+$0xFFFFFFB0] =	vst v0;
	v0 =	vmax.f32 v3, $0.0e+00;
	v3 =	vmul.f32 v8, v4;
	v8 =	vld [tilespmem:s13+$0x30]  }
0xa9: {  	[tilespmem:s13+$0xFFFFFFC0] =	vst v0;
	v0 =	vmax.f32 v2, $0.0e+00;
	v2 =	vmul.f32 v9, v4;
	v4 =	vld [tilespmem:s13+$0x40]  }
0xaa: {  	v9 =	vld [tilespmem:s13+$0x50];
	[tilespmem:s13+$0xFFFFFFD0] =	vst v0;
	v0 =	vmax.f32 v3, $0.0e+00;
	v3 =	vmul.f32 v10, v7  }
0xab: {  	[tilespmem:s13+$0xFFFFFFE0] =	vst v0;
	v0 =	vmax.f32 v2, $0.0e+00;
	v2 =	vmul.f32 v5, v7;
	v5 =	vld [tilespmem:s13+$0x60]  }
0xac: {  	[tilespmem:s13+$0xFFFFFFF0] =	vst v0;
	v0 =	vmax.f32 v3, $0.0e+00;
	v3 =	vmul.f32 v6, v7;
	v6 =	vld [tilespmem:s13+$0x80]  }
0xad: {  	[tilespmem:s13+$0x0] =	vst v0;
	v0 =	vmax.f32 v2, $0.0e+00;
	v2 =	vmul.f32 v8, v7;
	v8 =	vld [tilespmem:s13+$0x90]  }
0xae: {  	[tilespmem:s13+$0x10] =	vst v0;
	v0 =	vmax.f32 v3, $0.0e+00;
	v3 =	vmul.f32 v4, v7;
	v4 =	vld [tilespmem:s13+$0xA0]  }
0xaf: {  	[tilespmem:s13+$0x20] =	vst v0;
	v0 =	vmax.f32 v2, $0.0e+00;
	v2 =	vmul.f32 v9, v7;
	v9 =	vld [tilespmem:s13+$0xB0]  }
0xb0: {  	[tilespmem:s13+$0x30] =	vst v0;
	v0 =	vmax.f32 v3, $0.0e+00;
	v3 =	vmul.f32 v5, v7;
	v5 =	vld [tilespmem:s13+$0xC0]  }
0xb1: {  	[tilespmem:s13+$0x40] =	vst v0;
	v0 =	vmax.f32 v2, $0.0e+00;
	v2 =	vmul.f32 v6, v1;
	v6 =	vld [tilespmem:s13+$0xD0]  }
0xb2: {  	v7 =	vld [tilespmem:s13+$0xE0];
	[tilespmem:s13+$0x50] =	vst v0;
	v0 =	vmax.f32 v3, $0.0e+00;
	v3 =	vmul.f32 v8, v1  }
0xb3: {  	[tilespmem:s13+$0x60] =	vst v0;
	v0 =	vmax.f32 v2, $0.0e+00;
	v2 =	vmul.f32 v4, v1;
	v4 =	vld [tilespmem:s13+$0xF0]  }
0xb4: {  	[tilespmem:s13+$0x80] =	vst v0;
	v0 =	vmax.f32 v3, $0.0e+00;
	v3 =	vmul.f32 v9, v1  }
0xb5: {  	[tilespmem:s13+$0x90] =	vst v0;
	v0 =	vmax.f32 v2, $0.0e+00;
	v2 =	vmul.f32 v5, v1  }
0xb6: {  	[tilespmem:s13+$0xA0] =	vst v0;
	v0 =	vmax.f32 v3, $0.0e+00;
	v3 =	vmul.f32 v6, v1  }
0xb7: {  	[tilespmem:s13+$0xB0] =	vst v0;
	v0 =	vmax.f32 v2, $0.0e+00;
	v2 =	vmul.f32 v7, v1  }
0xb8: {  	[tilespmem:s13+$0xC0] =	vst v0;
	v0 =	vmax.f32 v3, $0.0e+00;
	v1 =	vmul.f32 v4, v1  }
0xb9: {  	[tilespmem:s13+$0xD0] =	vst v0;
	v0 =	vmax.f32 v2, $0.0e+00  }
0xba: {  	[tilespmem:s13+$0xE0] =	vst v0;
	v0 =	vmax.f32 v1, $0.0e+00  }
0xbb: {  	p0 =	seq.s32 s21, $0x3E;
	s11 =	sshll.u32 s21, $0x8;
	[tilespmem:s13+$0xF0] =	vst v0  }
0xbc: {  	s12 =	sadd.s32 @!p0 $0x100, s11;
	_ =	swait.ge [sflag:s3], $0x2800  }
0xbd: {  	s13 =	sand.u32 @!p0 $0x7C00, s12;
	[sflag:s3] =	ssyncset.done $0x0  }
0xbe: {  	s12 =	sand.u32 @!p0 $0x300, s12;
	s13 =	sadd.s32 @!p0 s9, s13;
	[sflag:s3] =	ssyncadd.s32 $0xFFFFD800  }
0xbf: {  	[spmem:s2] =	stream.indirect.scatter.add.f32 [tilespmem:s4], [sflag:$0x5], $0x80, s22, s25, $0xb8;
	[tilespmem:$0x18F00] =	vst v63  }
0xc0: {  	s12 =	sor.u32 @!p0 s12, s13;
	_ =	swait.ge [sflag:s20], $0x2800  }
0xc1: {  	s14 =	simm.s32 @!p0 $0x0;
	s12 =	sshrl.u32 @!p0 s12, $0x3;
	[sflag:s20] =	ssyncset.done $0x0  }
0xc2: {  	s15 =	simm.s32 @!p0 $0x5000;
	s13 =	sadd.s32 @!p0 s6, s12;
	[sflag:s20] =	ssyncadd.s32 $0xFFFFD800  }
0xc3: {  	[tilespmem:s15], [sflag:$0x3] =	stream.linear.gather @!p0 [hbm4b:s13+s14], $0x80, $0x38;
	[tilespmem:$0x18F00] =	vst v63  }
0xc4: {  	s16 =	simm.s32 @!p0 $0x5100;
	s13 =	sadd.s32 @!p0 s7, s12  }
0xc5: {  	[tilespmem:s16], [sflag:$0x3] =	stream.linear.gather @!p0 [hbm4b:s13+s14], $0x80, $0x38;
	[tilespmem:$0x18F00] =	vst v63  }
0xc6: {  	s12 =	sadd.s32 @!p0 s8, s12;
	s13 =	simm.s32 @!p0 $0x5200  }
0xc7: {  	[tilespmem:s13], [sflag:$0x3] =	stream.linear.gather @!p0 [hbm4b:s12+s14], $0x80, $0x38;
	[tilespmem:$0x18F00] =	vst v63  }
0xc8: {  	s12 =	simm.s32 @!p0 $0x3  }
0xc9: {  	s16 =	simm.s32 $0x0;
	_ =	swait.ge @!p0 [sflag:s12], $0x80  }
0xca: {  	v0 =	vmov s16;
	s16 =	simm.s32 $0x2;
	s13 =	simm.s32 $0x1;
	[sflag:s12] =	ssyncset.done @!p0 $0x0  }
0xcb: {  	v0 =	vand.u32 $0x7C, v0;
	v2 =	vmov s16;
	v1 =	vmov s13;
	[sflag:s12] =	ssyncadd.s32 @!p0 $0xFFFFFF80  }
0xcc: {  	s16 =	simm.s32 $0x3;
	v0 =	vor.u32 $0x80, v0;
	v2 =	vand.u32 $0x7E, v2;
	v1 =	vand.u32 $0x7D, v1;
	_ =	swait.ge @!p0 [sflag:s12], $0x80  }
0xcd: {  	v3 =	vmov s16;
	v0 =	vbroadcast v0, $0x0;
	v1 =	vor.u32 $0x80, v1;
	[sflag:s12] =	ssyncset.done @!p0 $0x0  }
0xce: {  	v2 =	vor.u32 $0x80, v2;
	v3 =	vand.u32 $0x7F, v3;
	v1 =	vbroadcast v1, $0x0;
	[sflag:s12] =	ssyncadd.s32 @!p0 $0xFFFFFF80  }
0xcf: {  	v2 =	vbroadcast v2, $0x0;
	v3 =	vor.u32 $0x80, v3;
	_ =	swait.ge @!p0 [sflag:s12], $0x80  }
0xd0: {  	v3 =	vbroadcast v3, $0x0;
	[sflag:s12] =	ssyncset.done @!p0 $0x0  }
0xd1: {  	[sflag:s12] =	ssyncadd.s32 @!p0 $0xFFFFFF80;
	s12 =	simm.s32 @!p0 $0x50  }
0xd2: {  	[tilespmem:s14], [sflag:$0x1] =	stream.indirect.gather @!p0 [hbm4b:s5+s12], $0x80, s15, s12, $0xb8;
	[tilespmem:$0x18F00] =	vst v63  }
0xd3: {  	v4 =	vld.idx.msk [tilespmem:v0+s23+$0x0], $0xffff  }
0xd4: {  	v5 =	vld.idx.msk [tilespmem:v1+s23+$0x0], $0xffff  }
0xd5: {  	v1 =	vld.idx.msk [tilespmem:v2+s23+$0x0], $0xffff  }
0xd6: {  	s12 =	simm.s32 $0x29F0;
	v0 =	vld.idx.msk [tilespmem:v3+s23+$0x0], $0xffff  }
0xd7: {  	v2 =	vld [tilespmem:s12+$0x0]  }
0xd8: {  	v3 =	vld [tilespmem:s12+$0xFFFFFE10]  }
0xd9: {  	v6 =	vld [tilespmem:s12+$0xFFFFFE20]  }
0xda: {  	v7 =	vld [tilespmem:s12+$0xFFFFFE30]  }
0xdb: {  	v8 =	vld [tilespmem:s12+$0xFFFFFE40]  }
0xdc: {  	v9 =	vld [tilespmem:s12+$0xFFFFFE50]  }
0xdd: {  	v10 =	vld [tilespmem:s12+$0xFFFFFE60];
	v2 =	vmul.f32 v2, v0  }
0xde: {  	v11 =	vld [tilespmem:s12+$0xFFFFFE70];
	v3 =	vmul.f32 v3, v4  }
0xdf: {  	v12 =	vld [tilespmem:s12+$0xFFFFFE80];
	v6 =	vmul.f32 v6, v4;
	v2 =	vmax.f32 v2, $0.0e+00  }
0xe0: {  	v14 =	vld [tilespmem:s12+$0xFFFFFF20];
	v7 =	vmul.f32 v7, v4;
	v3 =	vmax.f32 v3, $0.0e+00;
	[tilespmem:s12+$0x0] =	vst v2  }
0xe1: {  	[tilespmem:s12+$0xFFFFFE10] =	vst v3;
	v2 =	vmax.f32 v6, $0.0e+00;
	v3 =	vmul.f32 v8, v4;
	v6 =	vld [tilespmem:s12+$0xFFFFFE90]  }
0xe2: {  	v8 =	vld [tilespmem:s12+$0xFFFFFEA0];
	[tilespmem:s12+$0xFFFFFE20] =	vst v2;
	v2 =	vmax.f32 v7, $0.0e+00;
	v7 =	vmul.f32 v9, v4  }
0xe3: {  	v9 =	vld [tilespmem:s12+$0xFFFFFEB0];
	[tilespmem:s12+$0xFFFFFE30] =	vst v2;
	v2 =	vmax.f32 v3, $0.0e+00;
	v3 =	vmul.f32 v10, v4  }
0xe4: {  	v10 =	vld [tilespmem:s12+$0xFFFFFEC0];
	[tilespmem:s12+$0xFFFFFE40] =	vst v2;
	v2 =	vmax.f32 v7, $0.0e+00;
	v7 =	vmul.f32 v11, v4  }
0xe5: {  	s16 =	simm.s32 $0x6;
	[tilespmem:s12+$0xFFFFFE50] =	vst v2;
	v2 =	vmax.f32 v3, $0.0e+00;
	v3 =	vmul.f32 v12, v4;
	v4 =	vld [tilespmem:s12+$0xFFFFFED0]  }
0xe6: {  	v13 =	vmov s16;
	[tilespmem:s12+$0xFFFFFE60] =	vst v2;
	v2 =	vmax.f32 v7, $0.0e+00;
	v6 =	vmul.f32 v6, v5;
	v7 =	vld [tilespmem:s12+$0xFFFFFEE0]  }
0xe7: {  	s14 =	simm.s32 $0x4;
	v14 =	vmul.f32 v14, v1;
	[tilespmem:s12+$0xFFFFFE70] =	vst v2;
	v2 =	vmax.f32 v3, $0.0e+00;
	v3 =	vmul.f32 v8, v5;
	v8 =	vld [tilespmem:s12+$0xFFFFFEF0]  }
0xe8: {  	v11 =	vmov s14;
	[tilespmem:s12+$0xFFFFFE80] =	vst v2;
	v2 =	vmax.f32 v6, $0.0e+00;
	v6 =	vmul.f32 v9, v5;
	v9 =	vld [tilespmem:s12+$0xFFFFFF00]  }
0xe9: {  	s15 =	simm.s32 $0x5;
	v11 =	vand.u32 $0x7C, v11;
	[tilespmem:s12+$0xFFFFFE90] =	vst v2;
	v2 =	vmax.f32 v3, $0.0e+00;
	v3 =	vmul.f32 v10, v5;
	v10 =	vld [tilespmem:s12+$0xFFFFFF10]  }
0xea: {  	v12 =	vmov s15;
	[tilespmem:s12+$0xFFFFFEA0] =	vst v2;
	v2 =	vmax.f32 v6, $0.0e+00;
	v4 =	vmul.f32 v4, v5  }
0xeb: {  	v6 =	vand.u32 $0x7D, v12;
	v12 =	vld [tilespmem:s12+$0xFFFFFF30];
	[tilespmem:s12+$0xFFFFFEB0] =	vst v2;
	v2 =	vmax.f32 v3, $0.0e+00;
	v3 =	vmul.f32 v7, v5  }
0xec: {  	v7 =	vand.u32 $0x7E, v13;
	v13 =	vld [tilespmem:s12+$0xFFFFFF40];
	[tilespmem:s12+$0xFFFFFEC0] =	vst v2;
	v4 =	vmax.f32 v4, $0.0e+00;
	v8 =	vmul.f32 v8, v5  }
0xed: {  	v11 =	vor.u32 $0x80, v11;
	[tilespmem:s12+$0xFFFFFED0] =	vst v4;
	v3 =	vmax.f32 v3, $0.0e+00;
	v4 =	vmul.f32 v9, v5;
	v5 =	vld [tilespmem:s12+$0xFFFFFF50]  }
0xee: {  	v9 =	vor.u32 $0x80, v6;
	v6 =	vld [tilespmem:s12+$0xFFFFFF60];
	[tilespmem:s12+$0xFFFFFEE0] =	vst v3;
	v3 =	vmax.f32 v8, $0.0e+00;
	v8 =	vmul.f32 v10, v1  }
0xef: {  	v2 =	vbroadcast v11, $0x0;
	v11 =	vor.u32 $0x80, v7;
	v7 =	vld [tilespmem:s12+$0xFFFFFF70];
	[tilespmem:s12+$0xFFFFFEF0] =	vst v3;
	v4 =	vmax.f32 v4, $0.0e+00  }
0xf0: {  	v3 =	vbroadcast v9, $0x0;
	v10 =	vmul.f32 v12, v1;
	[tilespmem:s12+$0xFFFFFF00] =	vst v4;
	v9 =	vmax.f32 v8, $0.0e+00;
	v8 =	vld [tilespmem:s12+$0xFFFFFF80]  }
0xf1: {  	s13 =	simm.s32 $0x29F0;
	s14 =	simm.s32 $0x8;
	s15 =	simm.s32 $0x7;
	v12 =	vmax.f32 v14, $0.0e+00;
	v4 =	vbroadcast v11, $0x0;
	v11 =	vmul.f32 v13, v1;
	[tilespmem:s12+$0xFFFFFF10] =	vst v9;
	v9 =	vld [tilespmem:s12+$0xFFFFFF90]  }
.LBB2_5:
0xf2: {  	p1 =	slt.u32 s14, $0x4C;
	v13 =	vmov s15;
	[tilespmem:s12+$0xFFFFFF20] =	vst v12;
	v10 =	vmax.f32 v10, $0.0e+00;
	v5 =	vmul.f32 v5, v1;
	v12 =	vld [tilespmem:s12+$0xFFFFFFA0]  }
0xf3: {  	v13 =	vand.u32 $0x7F, v13;
	[tilespmem:s12+$0xFFFFFF30] =	vst v10;
	v10 =	vmax.f32 v11, $0.0e+00;
	v6 =	vmul.f32 v6, v1;
	v11 =	vld [tilespmem:s12+$0xFFFFFFB0]  }
0xf4: {  	v13 =	vor.u32 $0x80, v13;
	[tilespmem:s12+$0xFFFFFF40] =	vst v10;
	v5 =	vmax.f32 v5, $0.0e+00;
	v7 =	vmul.f32 v7, v1;
	v10 =	vld [tilespmem:s12+$0xFFFFFFC0]  }
0xf5: {  	v13 =	vbroadcast v13, $0x0;
	[tilespmem:s12+$0xFFFFFF50] =	vst v5;
	v5 =	vmax.f32 v6, $0.0e+00;
	v1 =	vmul.f32 v8, v1;
	v6 =	vld [tilespmem:s12+$0xFFFFFFD0]  }
0xf6: {  	[tilespmem:s12+$0xFFFFFF60] =	vst v5;
	v5 =	vmax.f32 v7, $0.0e+00;
	v7 =	vmul.f32 v9, v0;
	v8 =	vld [tilespmem:s12+$0xFFFFFFE0]  }
0xf7: {  	[tilespmem:s12+$0xFFFFFF70] =	vst v5;
	v1 =	vmax.f32 v1, $0.0e+00;
	v5 =	vmul.f32 v12, v0;
	v9 =	vld [tilespmem:s12+$0xFFFFFFF0]  }
0xf8: {  	v2 =	vld.idx.msk [tilespmem:v2+s23+$0x0], $0xffff;
	[tilespmem:s12+$0xFFFFFF80] =	vst v1;
	v1 =	vmax.f32 v7, $0.0e+00;
	v7 =	vmul.f32 v11, v0  }
0xf9: {  	v3 =	vld.idx.msk [tilespmem:v3+s23+$0x0], $0xffff;
	[tilespmem:s12+$0xFFFFFF90] =	vst v1;
	v5 =	vmax.f32 v5, $0.0e+00;
	v10 =	vmul.f32 v10, v0  }
0xfa: {  	v1 =	vld.idx.msk [tilespmem:v4+s23+$0x0], $0xffff;
	[tilespmem:s12+$0xFFFFFFA0] =	vst v5;
	v4 =	vmax.f32 v7, $0.0e+00;
	v5 =	vmul.f32 v6, v0  }
0xfb: {  	s12 =	sadd.s32 $0x200, s12;
	v6 =	vld.idx.msk [tilespmem:v13+s23+$0x0], $0xffff;
	[tilespmem:s13+$0xFFFFFFB0] =	vst v4;
	v4 =	vmax.f32 v10, $0.0e+00;
	v7 =	vmul.f32 v8, v0  }
0xfc: {  	v8 =	vld [tilespmem:s12+$0x0];
	[tilespmem:s13+$0xFFFFFFC0] =	vst v4;
	v4 =	vmax.f32 v5, $0.0e+00;
	v0 =	vmul.f32 v9, v0  }
0xfd: {  	v5 =	vld [tilespmem:s12+$0xFFFFFE10];
	[tilespmem:s13+$0xFFFFFFD0] =	vst v4;
	v4 =	vmax.f32 v7, $0.0e+00  }
0xfe: {  	v7 =	vld [tilespmem:s12+$0xFFFFFE20];
	[tilespmem:s13+$0xFFFFFFE0] =	vst v4;
	v0 =	vmax.f32 v0, $0.0e+00  }
0xff: {  	v4 =	vld [tilespmem:s12+$0xFFFFFE30];
	[tilespmem:s13+$0xFFFFFFF0] =	vst v0;
	s13 =	smov.u32 s12  }
0x100: {  	v9 =	vld [tilespmem:s12+$0xFFFFFE40]  }
0x101: {  	v10 =	vld [tilespmem:s12+$0xFFFFFE50];
	v8 =	vmul.f32 v8, v6;
	v0 =	vmov v6  }
0x102: {  	v5 =	vmul.f32 v5, v2;
	v6 =	vld [tilespmem:s12+$0xFFFFFE60]  }
0x103: {  	v7 =	vmul.f32 v7, v2;
	v11 =	vld [tilespmem:s12+$0xFFFFFE70];
	v8 =	vmax.f32 v8, $0.0e+00  }
0x104: {  	v5 =	vmax.f32 v5, $0.0e+00;
	v4 =	vmul.f32 v4, v2;
	v12 =	vld [tilespmem:s12+$0xFFFFFE80];
	[tilespmem:s12+$0x0] =	vst v8  }
0x105: {  	[tilespmem:s12+$0xFFFFFE10] =	vst v5;
	v5 =	vmax.f32 v7, $0.0e+00;
	v7 =	vmul.f32 v9, v2;
	v8 =	vld [tilespmem:s12+$0xFFFFFE90]  }
0x106: {  	[tilespmem:s12+$0xFFFFFE20] =	vst v5;
	v4 =	vmax.f32 v4, $0.0e+00;
	v5 =	vmul.f32 v10, v2;
	v9 =	vld [tilespmem:s12+$0xFFFFFEA0]  }
0x107: {  	[tilespmem:s12+$0xFFFFFE30] =	vst v4;
	v4 =	vmax.f32 v7, $0.0e+00;
	v6 =	vmul.f32 v6, v2;
	v7 =	vld [tilespmem:s12+$0xFFFFFEB0]  }
0x108: {  	[tilespmem:s12+$0xFFFFFE40] =	vst v4;
	v4 =	vmax.f32 v5, $0.0e+00;
	v5 =	vmul.f32 v11, v2;
	v10 =	vld [tilespmem:s12+$0xFFFFFEC0]  }
0x109: {  	[tilespmem:s12+$0xFFFFFE50] =	vst v4;
	v4 =	vmax.f32 v6, $0.0e+00;
	v2 =	vmul.f32 v12, v2;
	v6 =	vld [tilespmem:s12+$0xFFFFFED0]  }
0x10a: {  	v11 =	vmov s14;
	[tilespmem:s12+$0xFFFFFE60] =	vst v4;
	v4 =	vmax.f32 v5, $0.0e+00;
	v5 =	vmul.f32 v8, v3;
	v8 =	vld [tilespmem:s12+$0xFFFFFEE0]  }
0x10b: {  	s15 =	sadd.s32 $0x1, s14;
	v11 =	vand.u32 $0x7C, v11;
	[tilespmem:s12+$0xFFFFFE70] =	vst v4;
	v2 =	vmax.f32 v2, $0.0e+00;
	v4 =	vmul.f32 v9, v3;
	v9 =	vld [tilespmem:s12+$0xFFFFFEF0]  }
0x10c: {  	v12 =	vmov s15;
	s15 =	sadd.s32 $0x2, s14;
	[tilespmem:s12+$0xFFFFFE80] =	vst v2;
	v2 =	vmax.f32 v5, $0.0e+00;
	v5 =	vmul.f32 v7, v3;
	v7 =	vld [tilespmem:s12+$0xFFFFFF00]  }
0x10d: {  	v13 =	vmov s15;
	[tilespmem:s12+$0xFFFFFE90] =	vst v2;
	v2 =	vmax.f32 v4, $0.0e+00;
	v4 =	vmul.f32 v10, v3;
	v10 =	vld [tilespmem:s12+$0xFFFFFF10]  }
0x10e: {  	v11 =	vor.u32 $0x80, v11;
	[tilespmem:s12+$0xFFFFFEA0] =	vst v2;
	v2 =	vmax.f32 v5, $0.0e+00;
	v5 =	vmul.f32 v6, v3;
	v14 =	vld [tilespmem:s12+$0xFFFFFF20]  }
0x10f: {  	v6 =	vand.u32 $0x7D, v12;
	[tilespmem:s12+$0xFFFFFEB0] =	vst v2;
	v2 =	vmax.f32 v4, $0.0e+00;
	v4 =	vmul.f32 v8, v3;
	v8 =	vld [tilespmem:s12+$0xFFFFFF30]  }
0x110: {  	v12 =	vand.u32 $0x7E, v13;
	[tilespmem:s12+$0xFFFFFEC0] =	vst v2;
	v5 =	vmax.f32 v5, $0.0e+00;
	v9 =	vmul.f32 v9, v3;
	v13 =	vld [tilespmem:s12+$0xFFFFFF40]  }
.Ltmp3:
0x111: {  	v2 =	vbroadcast v11, $0x0;
	[tilespmem:s12+$0xFFFFFED0] =	vst v5;
	v4 =	vmax.f32 v4, $0.0e+00;
	v3 =	vmul.f32 v7, v3;
	v5 =	vld [tilespmem:s12+$0xFFFFFF50];
	(pc) =	sbr.rel @p1 .LBB2_5-.Ltmp3, $4  }
0x112: {  	v11 =	vor.u32 $0x80, v6;
	[tilespmem:s12+$0xFFFFFEE0] =	vst v4;
	v4 =	vmax.f32 v9, $0.0e+00;
	v9 =	vmul.f32 v10, v1;
	v6 =	vld [tilespmem:s12+$0xFFFFFF60]  }
0x113: {  	v12 =	vor.u32 $0x80, v12;
	[tilespmem:s12+$0xFFFFFEF0] =	vst v4;
	v4 =	vmax.f32 v3, $0.0e+00;
	v14 =	vmul.f32 v14, v1;
	v7 =	vld [tilespmem:s12+$0xFFFFFF70]  }
0x114: {  	v3 =	vbroadcast v11, $0x0;
	[tilespmem:s12+$0xFFFFFF00] =	vst v4;
	v9 =	vmax.f32 v9, $0.0e+00;
	v10 =	vmul.f32 v8, v1;
	v8 =	vld [tilespmem:s12+$0xFFFFFF80]  }
0x115: {  	s15 =	sadd.s32 $0x3, s14;
	s14 =	sadd.s32 $0x4, s14;
	v4 =	vbroadcast v12, $0x0;
	[tilespmem:s12+$0xFFFFFF10] =	vst v9;
	v12 =	vmax.f32 v14, $0.0e+00;
	v11 =	vmul.f32 v13, v1;
	v9 =	vld [tilespmem:s12+$0xFFFFFF90]  }
0x116: {  	v14 =	vld [tilespmem:s12+$0xFFFFFFA0]  }
0x117: {  	v15 =	vld [tilespmem:s12+$0xFFFFFFB0]  }
0x118: {  	v16 =	vld [tilespmem:s12+$0xFFFFFFC0]  }
0x119: {  	v17 =	vld [tilespmem:s12+$0xFFFFFFD0]  }
0x11a: {  	v58 =	vld [tilespmem:s12+$0xFFFFFFE0]  }
0x11b: {  	[tilespmem:s12+$0xFFFFFF20] =	vst v12;
	v10 =	vmax.f32 v10, $0.0e+00;
	v5 =	vmul.f32 v5, v1;
	v60 =	vld [tilespmem:s12+$0xFFFFFFF0]  }
0x11c: {  	v2 =	vld.idx.msk [tilespmem:v2+s23+$0x0], $0xffff;
	[tilespmem:s12+$0xFFFFFF30] =	vst v10;
	v59 =	vmax.f32 v11, $0.0e+00;
	v6 =	vmul.f32 v6, v1  }
0x11d: {  	v3 =	vld.idx.msk [tilespmem:v3+s23+$0x0], $0xffff;
	[tilespmem:s12+$0xFFFFFF40] =	vst v59;
	v5 =	vmax.f32 v5, $0.0e+00;
	v7 =	vmul.f32 v7, v1  }
0x11e: {  	s14 =	sadd.s32 $0x200, s12;
	v4 =	vld.idx.msk [tilespmem:v4+s23+$0x0], $0xffff;
	[tilespmem:s12+$0xFFFFFF50] =	vst v5;
	v61 =	vmul.f32 v8, v1;
	v62 =	vmax.f32 v6, $0.0e+00  }
0x11f: {  	v21 =	vld [tilespmem:s14+$0x0];
	[tilespmem:s12+$0xFFFFFF60] =	vst v62;
	v63 =	vmax.f32 v7, $0.0e+00;
	v9 =	vmul.f32 v9, v0  }
0x120: {  	v24 =	vld [tilespmem:s14+$0xFFFFFE10];
	[tilespmem:s12+$0xFFFFFF70] =	vst v63;
	v10 =	vmax.f32 v61, $0.0e+00;
	v18 =	vmul.f32 v14, v0  }
0x121: {  	v27 =	vld [tilespmem:s14+$0xFFFFFE20];
	v20 =	vmul.f32 v15, v0;
	[tilespmem:s12+$0xFFFFFF80] =	vst v10;
	v19 =	vmax.f32 v9, $0.0e+00  }
0x122: {  	v30 =	vld [tilespmem:s14+$0xFFFFFE30];
	v23 =	vmul.f32 v16, v0;
	[tilespmem:s12+$0xFFFFFF90] =	vst v19;
	v22 =	vmax.f32 v18, $0.0e+00  }
0x123: {  	v33 =	vld [tilespmem:s14+$0xFFFFFE40];
	v26 =	vmul.f32 v17, v0;
	v25 =	vmax.f32 v20, $0.0e+00;
	[tilespmem:s12+$0xFFFFFFA0] =	vst v22  }
0x124: {  	v35 =	vld [tilespmem:s14+$0xFFFFFE50];
	v29 =	vmul.f32 v58, v0;
	v28 =	vmax.f32 v23, $0.0e+00;
	[tilespmem:s13+$0xFFFFFFB0] =	vst v25  }
0x125: {  	v37 =	vld [tilespmem:s14+$0xFFFFFE60];
	v32 =	vmul.f32 v60, v0;
	v31 =	vmax.f32 v26, $0.0e+00;
	[tilespmem:s13+$0xFFFFFFC0] =	vst v28  }
0x126: {  	v39 =	vld [tilespmem:s14+$0xFFFFFE70];
	v36 =	vmul.f32 v24, v2;
	v34 =	vmax.f32 v29, $0.0e+00;
	[tilespmem:s13+$0xFFFFFFD0] =	vst v31  }
0x127: {  	v41 =	vld [tilespmem:s14+$0xFFFFFE80];
	v40 =	vmul.f32 v30, v2;
	v0 =	vmax.f32 v32, $0.0e+00;
	[tilespmem:s13+$0xFFFFFFE0] =	vst v34  }
0x128: {  	v43 =	vld [tilespmem:s14+$0xFFFFFE90];
	v42 =	vmul.f32 v33, v2;
	v5 =	vmax.f32 v36, $0.0e+00;
	[tilespmem:s13+$0xFFFFFFF0] =	vst v0  }
0x129: {  	v13 =	vmov s15;
	v45 =	vld [tilespmem:s14+$0xFFFFFEA0];
	v7 =	vmul.f32 v35, v2;
	v44 =	vmax.f32 v40, $0.0e+00;
	[tilespmem:s14+$0xFFFFFE10] =	vst v5  }
0x12a: {  	v13 =	vand.u32 $0x7F, v13;
	v51 =	vld [tilespmem:s14+$0xFFFFFEC0];
	v47 =	vmul.f32 v37, v2;
	v46 =	vmax.f32 v42, $0.0e+00;
	[tilespmem:s14+$0xFFFFFE30] =	vst v44  }
0x12b: {  	v48 =	vld [tilespmem:s14+$0xFFFFFEB0];
	v13 =	vor.u32 $0x80, v13;
	v50 =	vmul.f32 v39, v2;
	v49 =	vmax.f32 v7, $0.0e+00;
	[tilespmem:s14+$0xFFFFFE40] =	vst v46  }
0x12c: {  	v53 =	vld [tilespmem:s14+$0xFFFFFED0];
	v38 =	vmul.f32 v27, v2;
	v2 =	vmul.f32 v41, v2;
	v52 =	vmax.f32 v47, $0.0e+00;
	[tilespmem:s14+$0xFFFFFE50] =	vst v49  }
0x12d: {  	v55 =	vld [tilespmem:s14+$0xFFFFFEE0];
	v13 =	vbroadcast v13, $0x0;
	v6 =	vmul.f32 v43, v3;
	v54 =	vmax.f32 v50, $0.0e+00;
	[tilespmem:s14+$0xFFFFFE60] =	vst v52  }
0x12e: {  	v12 =	vld [tilespmem:s14+$0xFFFFFF10];
	v57 =	vmul.f32 v45, v3;
	v56 =	vmax.f32 v2, $0.0e+00;
	[tilespmem:s14+$0xFFFFFE70] =	vst v54  }
0x12f: {  	v58 =	vld [tilespmem:s14+$0xFFFFFEF0];
	v63 =	vmul.f32 v51, v3;
	v59 =	vmax.f32 v6, $0.0e+00;
	[tilespmem:s14+$0xFFFFFE80] =	vst v56  }
0x130: {  	v61 =	vld [tilespmem:s14+$0xFFFFFF00];
	v62 =	vmax.f32 v57, $0.0e+00;
	[tilespmem:s14+$0xFFFFFE90] =	vst v59  }
0x131: {  	v14 =	vld [tilespmem:s14+$0xFFFFFF20];
	v60 =	vmul.f32 v48, v3;
	v15 =	vmax.f32 v63, $0.0e+00;
	[tilespmem:s14+$0xFFFFFEA0] =	vst v62  }
0x132: {  	v17 =	vld [tilespmem:s14+$0xFFFFFF30];
	v0 =	vmax.f32 v38, $0.0e+00;
	v5 =	vmul.f32 v53, v3;
	[tilespmem:s14+$0xFFFFFEC0] =	vst v15  }
0x133: {  	v1 =	vld.idx.msk [tilespmem:v13+s23+$0x0], $0xffff;
	v13 =	vmax.f32 v60, $0.0e+00;
	v25 =	vmul.f32 v12, v4;
	[tilespmem:s14+$0xFFFFFE20] =	vst v0  }
0x134: {  	v20 =	vld [tilespmem:s14+$0xFFFFFF40];
	[tilespmem:s14+$0xFFFFFEB0] =	vst v13;
	v19 =	vmul.f32 v58, v3;
	v18 =	vmax.f32 v5, $0.0e+00  }
0x135: {  	v23 =	vld [tilespmem:s14+$0xFFFFFF50];
	v22 =	vmul.f32 v61, v3;
	v30 =	vmax.f32 v25, $0.0e+00;
	[tilespmem:s14+$0xFFFFFED0] =	vst v18  }
0x136: {  	v26 =	vld [tilespmem:s14+$0xFFFFFF60];
	v28 =	vmul.f32 v14, v4;
	v24 =	vmax.f32 v19, $0.0e+00;
	[tilespmem:s14+$0xFFFFFF10] =	vst v30  }
0x137: {  	v29 =	vld [tilespmem:s14+$0xFFFFFF70];
	v31 =	vmul.f32 v17, v4;
	v27 =	vmax.f32 v22, $0.0e+00;
	[tilespmem:s14+$0xFFFFFEF0] =	vst v24  }
0x138: {  	v16 =	vmul.f32 v55, v3;
	v32 =	vld [tilespmem:s14+$0xFFFFFF80];
	v33 =	vmax.f32 v28, $0.0e+00;
	[tilespmem:s14+$0xFFFFFF00] =	vst v27  }
0x139: {  	v34 =	vmul.f32 v20, v4;
	v36 =	vmax.f32 v31, $0.0e+00;
	[tilespmem:s14+$0xFFFFFF20] =	vst v33  }
0x13a: {  	v35 =	vld [tilespmem:s14+$0xFFFFFF90];
	v3 =	vmul.f32 v23, v4;
	[tilespmem:s14+$0xFFFFFF30] =	vst v36;
	v8 =	vmul.f32 v21, v1;
	v21 =	vmax.f32 v16, $0.0e+00  }
0x13b: {  	v37 =	vld [tilespmem:s14+$0xFFFFFFA0];
	v39 =	vmul.f32 v26, v4;
	v38 =	vmax.f32 v34, $0.0e+00;
	[tilespmem:s14+$0xFFFFFEE0] =	vst v21  }
0x13c: {  	v40 =	vld [tilespmem:s14+$0xFFFFFFB0];
	v42 =	vmul.f32 v29, v4;
	v41 =	vmax.f32 v3, $0.0e+00;
	[tilespmem:s14+$0xFFFFFF40] =	vst v38  }
0x13d: {  	v43 =	vld [tilespmem:s14+$0xFFFFFFC0];
	v45 =	vmul.f32 v32, v4;
	v44 =	vmax.f32 v39, $0.0e+00;
	[tilespmem:s14+$0xFFFFFF50] =	vst v41  }
0x13e: {  	v46 =	vld [tilespmem:s14+$0xFFFFFFD0];
	v47 =	vmax.f32 v42, $0.0e+00;
	[tilespmem:s14+$0xFFFFFF60] =	vst v44  }
0x13f: {  	v49 =	vld [tilespmem:s14+$0xFFFFFFE0];
	v48 =	vmul.f32 v35, v1;
	v50 =	vmax.f32 v45, $0.0e+00;
	[tilespmem:s14+$0xFFFFFF70] =	vst v47  }
0x140: {  	v52 =	vld [tilespmem:s14+$0xFFFFFFF0];
	v51 =	vmul.f32 v37, v1;
	[tilespmem:s14+$0xFFFFFF80] =	vst v50;
	v8 =	vmax.f32 v8, $0.0e+00  }
0x141: {  	v54 =	vmul.f32 v40, v1;
	v53 =	vmax.f32 v48, $0.0e+00;
	[tilespmem:s14+$0x0] =	vst v8  }
0x142: {  	v56 =	vmul.f32 v43, v1;
	v55 =	vmax.f32 v51, $0.0e+00;
	[tilespmem:s14+$0xFFFFFF90] =	vst v53  }
0x143: {  	v58 =	vmul.f32 v46, v1;
	v57 =	vmax.f32 v54, $0.0e+00;
	[tilespmem:s14+$0xFFFFFFA0] =	vst v55  }
.Ltmp4:
0x144: {  	v60 =	vmul.f32 v49, v1;
	v59 =	vmax.f32 v56, $0.0e+00;
	[tilespmem:s14+$0xFFFFFFB0] =	vst v57;
	(pc) =	sbr.rel @p0 .LBB2_8-.Ltmp4, $4  }
0x145: {  	v1 =	vmul.f32 v52, v1;
	v61 =	vmax.f32 v58, $0.0e+00;
	[tilespmem:s14+$0xFFFFFFC0] =	vst v59  }
0x146: {  	v62 =	vmax.f32 v60, $0.0e+00;
	[tilespmem:s14+$0xFFFFFFD0] =	vst v61  }
0x147: {  	v63 =	vmax.f32 v1, $0.0e+00;
	[tilespmem:s14+$0xFFFFFFE0] =	vst v62  }
0x148: {  	[tilespmem:s14+$0xFFFFFFF0] =	vst v63  }
0x149: {  	_ =	swait.ge [sflag:s30], $0x2800;
	s11 =	sadd.s32 $0x180, s11  }
0x14a: {  	[sflag:s30] =	ssyncset.done $0x0;
	s12 =	sand.u32 $0x7C00, s11  }
0x14b: {  	s11 =	sand.u32 $0x380, s11;
	[sflag:s30] =	ssyncadd.s32 $0xFFFFD800;
	s12 =	sadd.s32 s9, s12  }
0x14c: {  	[spmem:s2] =	stream.indirect.scatter.add.f32 [tilespmem:s0], [sflag:$0x5], $0x80, s28, s25, $0xb8;
	[tilespmem:$0x18F00] =	vst v63  }
0x14d: {  	s11 =	sor.u32 s11, s12;
	_ =	swait.ge [sflag:s20], $0x2800  }
0x14e: {  	s11 =	sshrl.u32 s11, $0x3;
	[sflag:s20] =	ssyncset.done $0x0  }
0x14f: {  	s15 =	sadd.s32 s6, s11;
	[sflag:s20] =	ssyncadd.s32 $0xFFFFD800  }
0x150: {  	[tilespmem:s26], [sflag:$0x4] =	stream.linear.gather [hbm4b:s15+s4], $0x80, $0x38;
	[tilespmem:$0x18F00] =	vst v63  }
.Ltmp5:
0x151: {  	_ = 	snop;
	(pc) =	sbr.rel .LBB2_2-.Ltmp5, $4  }
0x152: {  	s16 =	sadd.s32 s7, s11  }
0x153: {  	[tilespmem:s28], [sflag:$0x4] =	stream.linear.gather [hbm4b:s16+s4], $0x80, $0x38;
	[tilespmem:$0x18F00] =	vst v63  }
0x154: {  	s21 =	sadd.s32 $0x1, s21;
	s11 =	sadd.s32 s8, s11  }
0x155: {  	[tilespmem:s29], [sflag:$0x4] =	stream.linear.gather [hbm4b:s11+s4], $0x80, $0x38;
	[tilespmem:$0x18F00] =	vst v63  }
.LBB2_9:
0x156: {  	_ =	sfence.sel $0x180000  }
0x157: {  	[bflag:$0x0] =	sbarrier.arrive $0xFFFF  }
0x158: {  	_ =	strace $0x9000004D  }
0x159: {  	s0 =	stileid.u32;
	[bflag:$0x2] =	sbarrier.arrive $0xFFFF  }
0x15a: {  	p0 =	sne.s32 s0, $0x0;
	s0 =	rddreg [dreg:$0x3]  }
0x15b: {  	s0 =	sadd.s32 @!p0 $0x100000, s0  }
0x15c: {  	[sflag:s0] =	ssyncadd.tile.s32 @!p0 $0x1;
	_ =	shalt  }
.Lfunc_end2:
_tile_overlayer_lowered:
.L_overlay_start_2:
0x15d: {  	(tag) =	ssettag $0x2  }
0x15e: {  	s0 =	rddreg [dreg:$0x0];
	s2 =	stileid.u32  }
0x15f: {  	s1 =	rddreg [dreg:$0x1];
	p0 =	sne.s32 s2, $0x0  }
0x160: {  	s3 =	rddreg [dreg:$0x2];
	[bflag:$0x3] =	sbarrier.arrive $0xFFFF;
	s2 =	simm.s32 @!p0 $0x1C05  }
0x161: {  	[timem:s3], [sflag:s2] =	dma.local @!p0 [hbm:s0], s1  }
0x162: {  	s0 =	simm.s32 @!p0 $0x5  }
0x163: {  	_ =	swait.ge @!p0 [sflag:s0], s1  }
0x164: {  	s1 =	ssub.s32 @!p0 $0x0, s1;
	[sflag:s0] =	ssyncset.done @!p0 $0x0  }
0x165: {  	[sflag:s0] =	ssyncadd.s32 @!p0 s1  }
0x166: {  	[bflag:$0x3] =	sbarrier.arrive $0xFFFF  }
0x167: {  	_ =	shalt  }

// kernel: kernel.19.cloned.1.call-start
scs
__scs_entry_jumppad:
0x0: {  	(pc) =	sbr.rel $0x88, $3  }
0x1: {  	(tag) =	ssettag $0x0;
	lr =	simm.s32 $0x1  }
0x2: {  	[smem:$0x3F80] =	sst lr;
	_ =	strace $0xD0000000  }
0x3: {  	_ = 	snop  }
0x4: {  	_ = 	snop  }
0x5: {  	_ = 	snop  }
0x6: {  	_ = 	snop  }
0x7: {  	_ = 	snop  }
__scs_overlays_trampoline_lowered:
0x8: {  	[smem:$0x3F8F] =	sst s0  }
0x9: {  	[smem:$0x3F90] =	sst s1  }
0xa: {  	[smem:$0x3F91] =	sst s2  }
0xb: {  	[smem:$0x3F92] =	sst s3  }
0xc: {  	[smem:$0x3F93] =	sst s4  }
0xd: {  	[smem:$0x3F94] =	sst s5  }
0xe: {  	[smem:$0x3F95] =	sst s6  }
0xf: {  	[smem:$0x3F96] =	sst s7  }
0x10: {  	[smem:$0x3F97] =	sst s8  }
0x11: {  	[smem:$0x3F98] =	sst s9;
	s0 =	simm.s32 @!p0 $0x0  }
0x12: {  	s1 =	sld [smem:$0x3F7E];
	s0 =	simm.s32 @p0 $0x1  }
0x13: {  	[smem:$0x3F99] =	sst s0;
	s0 =	simm.s32 @!p1 $0x0  }
0x14: {  	s2 =	sld [smem:$0x3F7D];
	s0 =	simm.s32 @p1 $0x1  }
0x15: {  	[smem:$0x3F9A] =	sst s0;
	s0 =	simm.s32 @!p2 $0x0  }
0x16: {  	s3 =	sld [smem:$0x3FDB];
	s0 =	simm.s32 @p2 $0x1  }
0x17: {  	s4 =	simm.s32 $0x1BF5;
	[smem:$0x3F9C] =	sst s0  }
0x18: {  	s0 =	sld [smem:$0x3F7F];
	_ =	swait.ge [sflag:s4], $0x0  }
0x19: {  	s7 =	sld [smem:$0x3F80]  }
0x1a: {  	s8 =	sadd.s32 $0xFFFFE003, lr  }
0x1b: {  	s9 =	sadd.s32 $0xFFFFFEF7, lr;
	s5 =	simm.s32 $0xFFFFFFFF;
	p2 =	slt.u32 s8, $0xFFFFF086  }
0x1c: {  	p1 =	slt.u32 s9, $0xF7A;
	s5 =	simm.s32 @!p2 $0x0  }
0x1d: {  	s5 =	simm.s32 @p1 $0x1;
	p0 =	seq.s32 s7, s2  }
0x1e: {  	s7 =	smul.u32 @!p0 $0xF7A, s2;
	p2 =	seq.s32 @!p0 s5, $0x0  }
0x1f: {  	s9 =	smul.u32 $0xF7A, s1;
	s8 =	simm.s32 @!p0 $0x1BF5;
	p2 =	por !p2, p0  }
0x20: {  	[sflag:s8] =	ssyncset.s32 @!p0 $0xFFFFF086;
	s6 =	sadd.s32 @!p0 s3, s7;
	s7 =	simm.s32 @!p0 $0x108  }
0x21: {  	s3 =	sadd.s32 s3, s9;
	s6 =	sadd.s32 @!p0 $0x88, s6;
	s7 =	simm.s32 @p2 $0x1082  }
0x22: {  	[simem:s7], [sflag:s8] =	dma.local @!p0 [hbm:s6], $0xF7A  }
0x23: {  	s9 =	sor.u32 $0xD0000000, s2;
	s6 =	simm.s32 $0x108;
	_ =	swait.ge @!p0 [sflag:s8], $0x0  }
0x24: {  	s3 =	sadd.s32 $0x88, s3;
	s6 =	simm.s32 @!p1 $0x1082;
	[sflag:s4] =	ssyncset.s32 $0xFFFFF086  }
0x25: {  	[simem:s6], [sflag:s4] =	dma.local [hbm:s3], $0xF7A  }
0x26: {  	[smem:$0x3F80] =	sst s1;
	(tag) =	ssettag s2;
	_ =	strace s9  }
0x27: {  	s1 =	sld [smem:$0x3F90]  }
0x28: {  	s2 =	sld [smem:$0x3F91]  }
0x29: {  	s4 =	sld [smem:$0x3F93]  }
0x2a: {  	p0 =	seq.s32 s5, $0x0;
	s5 =	sld [smem:$0x3F94]  }
0x2b: {  	s6 =	sld [smem:$0x3F95]  }
0x2c: {  	s7 =	sld [smem:$0x3F96]  }
0x2d: {  	s3 =	simm.s32 $0x108;
	s8 =	sld [smem:$0x3F97]  }
0x2e: {  	s3 =	simm.s32 @!p0 $0x1082;
	s9 =	sld [smem:$0x3F98]  }
0x2f: {  	lr =	sadd.s32 s0, s3;
	s0 =	sld [smem:$0x3F8F]  }
0x30: {  	s3 =	sld [smem:$0x3F92]  }
0x31: {  	[smem:$0x3F9B] =	sst s10  }
0x32: {  	s10 =	sld [smem:$0x3F99];
	_ =	sdelay $0x3  }
0x33: {  	p0 =	seq.s32 s10, $0x1;
	s10 =	sld [smem:$0x3F9B];
	_ =	sdelay $0x3  }
0x34: {  	[smem:$0x3F9B] =	sst s10  }
0x35: {  	s10 =	sld [smem:$0x3F9A];
	_ =	sdelay $0x3  }
0x36: {  	p1 =	seq.s32 s10, $0x1;
	s10 =	sld [smem:$0x3F9B];
	_ =	sdelay $0x3  }
0x37: {  	[smem:$0x3F9B] =	sst s10  }
0x38: {  	s10 =	sld [smem:$0x3F9C]  }
0x39: {  	_ = 	snop;
	(pc) =	sbr.ind lr, $3  }
0x3a: {  	_ = 	snop  }
0x3b: {  	_ = 	snop  }
0x3c: {  	p2 =	seq.s32 s10, $0x1;
	s10 =	sld [smem:$0x3F9B]  }
0x3d: {  	_ =	shalt  }
0x3e: {  	_ =	shalt  }
0x3f: {  	_ =	shalt  }
0x40: {  	_ =	shalt  }
0x41: {  	_ =	shalt  }
0x42: {  	_ =	shalt  }
0x43: {  	_ =	shalt  }
0x44: {  	_ =	shalt  }
0x45: {  	_ =	shalt  }
0x46: {  	_ =	shalt  }
0x47: {  	_ =	shalt  }
0x48: {  	_ =	shalt  }
0x49: {  	_ =	shalt  }
0x4a: {  	_ =	shalt  }
0x4b: {  	_ =	shalt  }
0x4c: {  	_ =	shalt  }
0x4d: {  	_ =	shalt  }
0x4e: {  	_ =	shalt  }
0x4f: {  	_ =	shalt  }
0x50: {  	_ =	shalt  }
0x51: {  	_ =	shalt  }
0x52: {  	_ =	shalt  }
0x53: {  	_ =	shalt  }
0x54: {  	_ =	shalt  }
0x55: {  	_ =	shalt  }
0x56: {  	_ =	shalt  }
0x57: {  	_ =	shalt  }
0x58: {  	_ =	shalt  }
0x59: {  	_ =	shalt  }
0x5a: {  	_ =	shalt  }
0x5b: {  	_ =	shalt  }
0x5c: {  	_ =	shalt  }
0x5d: {  	_ =	shalt  }
0x5e: {  	_ =	shalt  }
0x5f: {  	_ =	shalt  }
0x60: {  	_ =	shalt  }
0x61: {  	_ =	shalt  }
0x62: {  	_ =	shalt  }
0x63: {  	_ =	shalt  }
0x64: {  	_ =	shalt  }
0x65: {  	_ =	shalt  }
0x66: {  	_ =	shalt  }
0x67: {  	_ =	shalt  }
0x68: {  	_ =	shalt  }
0x69: {  	_ =	shalt  }
0x6a: {  	_ =	shalt  }
0x6b: {  	_ =	shalt  }
0x6c: {  	_ =	shalt  }
0x6d: {  	_ =	shalt  }
0x6e: {  	_ =	shalt  }
0x6f: {  	_ =	shalt  }
0x70: {  	_ =	shalt  }
0x71: {  	_ =	shalt  }
0x72: {  	_ =	shalt  }
0x73: {  	_ =	shalt  }
0x74: {  	_ =	shalt  }
0x75: {  	_ =	shalt  }
0x76: {  	_ =	shalt  }
0x77: {  	_ =	shalt  }
0x78: {  	_ =	shalt  }
0x79: {  	_ =	shalt  }
0x7a: {  	_ =	shalt  }
0x7b: {  	_ =	shalt  }
0x7c: {  	_ =	shalt  }
0x7d: {  	_ =	shalt  }
0x7e: {  	_ =	shalt  }
0x7f: {  	_ =	shalt  }
0x80: {  	_ =	shalt  }
0x81: {  	_ =	shalt  }
0x82: {  	_ =	shalt  }
0x83: {  	_ =	shalt  }
0x84: {  	_ =	shalt  }
0x85: {  	_ =	shalt  }
0x86: {  	_ =	shalt  }
0x87: {  	_ =	shalt  }
.Lfunc_end0:
.L_simem_size_0:
called_computation.3_lowered:
.L_overlay_start_0:
0x88: {  	s2 =	sld [smem:$0x3FD9]  }
0x89: {  	s3 =	sld [smem:$0x3FFE];
	_ =	sdelay $0x1  }
0x8a: {  	s1 =	srdreg.scid  }
0x8b: {  	s0 =	sand.u32 $0x1, s1  }
0x8c: {  	s14 =	sshll.u32 s0, $0xA;
	s2 =	sadd.s32 s3, s2  }
0x8d: {  	s2 =	sadd.s32 s2, s14  }
0x8e: {  	[smem:$0x3FA7] =	sst s2  }
0x8f: {  	_ = 	snop  }
0x90: {  	s2 =	sld [smem:$0x3FD0];
	_ =	sdelay $0x2  }
0x91: {  	s15 =	simm.s32 $0xA;
	s4 =	simm.s32 $0x10  }
0x92: {  	[smem:s4], [sflag:s15] =	dma.local [hbm:s2], $0x1  }
0x93: {  	_ =	swait.eq [sflag:s15], $0x1  }
0x94: {  	[sflag:s15] =	ssyncset.done $0x0  }
0x95: {  	[sflag:s15] =	ssyncadd.s32 $0xFFFFFFFF  }
0x96: {  	s16 =	sld [smem:$0x11];
	(tm) =	ssettm $0x1  }
0x97: {  	s17 =	sld [smem:$0x3FFB];
	_ =	sdelay $0x3  }
0x98: {  	_ =	strace s17  }
0x99: {  	s3 =	sld [smem:$0x3FFC];
	_ =	sdelay $0x3  }
0x9a: {  	_ =	strace s3  }
0x9b: {  	s3 =	sld [smem:$0x3FFD];
	_ =	sdelay $0x3  }
0x9c: {  	_ =	strace s3  }
0x9d: {  	_ =	strace $0x8FFFFFFF  }
0x9e: {  	s18 =	sld [smem:$0x3FDB];
	_ =	sdelay $0x1  }
0x9f: {  	s19 =	simm.s32 $_scs_section_size  }
0xa0: {  	s5 =	simm.s32 $_size__tile_overlayer_lowered;
	s6 =	simm.s32 $_tile_overlayer_lowered  }
0xa1: {  	s22 =	simm.s32 $0x1BFF;
	s21 =	sshll.u32 s6, $0x1;
	s3 =	sadd.s32 s19, s18  }
0xa2: {  	s7 =	simm.s32 $0x0;
	s20 =	sshll.u32 s5, $0x1;
	s5 =	sadd.s32 s21, s3  }
0xa3: {  	[timem:s7], [sflag:s22] =	dma.local [hbm:s5], s20  }
0xa4: {  	_ =	swait.ge [sflag:s22], s20  }
0xa5: {  	s4 =	ssub.s32 $0x0, s20;
	[sflag:s22] =	ssyncset.done $0x0  }
0xa6: {  	[sflag:s22] =	ssyncadd.s32 s4;
	_ =	sdelay $0x1  }
0xa7: {  	s23 =	simm.s32 $0x1B8B  }
0xa8: {  	_ =	swait.ge [sflag:s23], $0x1  }
0xa9: {  	[sflag:s23] =	ssyncset.done $0x0  }
0xaa: {  	s25 =	simm.s32 $0x1B8E;
	s24 =	sld [smem:$0x3FFE];
	[sflag:s23] =	ssyncadd.s32 $0xFFFFFFFF  }
0xab: {  	s26 =	simm.s32 $execute0_lowered;
	[smem:$0x3FD2] =	sst s25  }
0xac: {  	s5 =	sshll.u32 s26, $0x1;
	_ =	strace $0x8000004F;
	[dreg:$0x1] =	wrdreg $0xFFFFFFFF  }
0xad: {  	s28 =	simm.s32 $_size_execute0_lowered;
	s3 =	sadd.s32 s3, s5;
	[dreg:$0x0] =	wrdreg $0x0  }
0xae: {  	s5 =	sshll.u32 s28, $0x1;
	[dreg:$0x2] =	wrdreg s3  }
0xaf: {  	[dreg:$0x3] =	wrdreg s5  }
0xb0: {  	[dreg:$0x4] =	wrdreg $0xC0  }
0xb1: {  	_ =	task [dreg:s7], $0x5FFFF  }
0xb2: {  	[dreg:$0x1] =	wrdreg $0xFFFFFFFF  }
0xb3: {  	[dreg:$0x0] =	wrdreg $0x60  }
0xb4: {  	[dreg:$0x2] =	wrdreg s16  }
0xb5: {  	[dreg:$0x3] =	wrdreg s24  }
0xb6: {  	[dreg:$0x4] =	wrdreg $0x9  }
0xb7: {  	_ =	task.clear_ibuf [dreg:s7], $0x5FFFF;
	_ =	strace $0x9000004F  }
0xb8: {  	s29 =	simm.s32 $0x9;
	_ =	strace $0x80000051  }
0xb9: {  	_ =	swait.ge [sflag:s29], $0x1  }
0xba: {  	[sflag:s29] =	ssyncadd.s32 $0xFFFFFFFF  }
0xbb: {  	_ =	strace $0x90000051  }
0xbc: {  	_ =	sfence  }
0xbd: {  	s30 =	sld [smem:$0x0];
	_ =	sdelay $0x2  }
0xbe: {  	s31 =	sshll.u32 s1, $0xD;
	s1 =	sshrl.u32 s1, $0x2  }
0xbf: {  	s3 =	sand.u32 $0x4000, s31;
	s1 =	sadd.s32 s1, s30  }
0xc0: {  	s0 =	sor.u32 s3, s0;
	s1 =	sshll.u32 s1, $0x11  }
0xc1: {  	s0 =	sor.u32 s1, s0  }
0xc2: {  	s0 =	sadd.s32 $0x8F2B, s0  }
0xc3: {  	[sflag:s0] =	ssyncadd.remote.s32 $0x1  }
0xc4: {  	_ =	sfence.sel $0xFFFF  }
0xc5: {  	[dreg:$0x0] =	wrdreg $0xFFFFFFFF;
	(pc) =	sbr.abs _section_cstart, $3  }
0xc6: {  	[dreg:$0x1] =	wrdreg $0xFFFFFFFF  }
0xc7: {  	_ =	task.clear_ibuf [dreg:s7], $0x2FFFF;
	_ =	strace $0x9FFFFFFF  }
0xc8: {  	(tm) =	ssettm $0x7FFFFFFF  }
0xc9: {  	_ =	shalt  }
tec
execute0_lowered:
.L_overlay_start_1:
0x0: {  	(tag) =	ssettag $0x1  }
0x1: {  	s0 =	srdreg.scid;
	s2 =	rddreg [dreg:$0x0]  }
0x2: {  	s5 =	rddreg [dreg:$0x1];
	s1 =	stileid.u32  }
0x3: {  	s8 =	simm.s32 $0x1;
	s9 =	simm.s32 $0x2780;
	s4 =	sand.u32 $0x1, s0  }
0x4: {  	s10 =	simm.s32 $0x4F00;
	s11 =	simm.s32 $0x7680;
	s3 =	sshll.u32 s4, $0x4  }
0x5: {  	s0 =	rddreg [dreg:$0x2];
	s4 =	ssub.s32 $0x2, s4;
	s6 =	sor.u32 s1, s3  }
0x6: {  	s3 =	simm.s32 $0x0;
	s7 =	sshrl.u32 s4, $0x1;
	s6 =	smul.u32 $0x4E2, s6  }
0x7: {  	s12 =	simm.s32 $0x0;
	[smem:$0x7FF] =	sst s3;
	s7 =	ssub.s32 s4, s7  }
0x8: {  	_ =	strace $0x80000050;
	s7 =	smax.u32 s7, $0x1;
	s6 =	sadd.s32 s6, s5  }
0x9: {  	s4 =	sadd.s32 $0x10C00, s6;
	s5 =	sadd.s32 $0x6E00, s6;
	s6 =	sadd.s32 $0x1AA00, s6  }
.LBB2_1:
0xa: {  	[tilespmem:s3], [sflag:$0x1] =	stream.linear.gather [hbm4b:s2+s3], $0x2780, $0x38;
	[tilespmem:$0x9E00] =	vst v63  }
0xb: {  	_ =	swait.ge [sflag:s8], $0x2780  }
0xc: {  	[sflag:s8] =	ssyncset.done $0x0  }
0xd: {  	[sflag:s8] =	ssyncadd.s32 $0xFFFFD880  }
0xe: {  	[tilespmem:s9], [sflag:$0x1] =	stream.linear.gather [hbm4b:s4+s3], $0x2710, $0x38;
	[tilespmem:$0x9E00] =	vst v63  }
0xf: {  	_ =	swait.ge [sflag:s8], $0x2710  }
0x10: {  	[sflag:s8] =	ssyncset.done $0x0  }
0x11: {  	[sflag:s8] =	ssyncadd.s32 $0xFFFFD8F0  }
0x12: {  	[tilespmem:s10], [sflag:$0x1] =	stream.linear.gather [hbm4b:s5+s3], $0x2710, $0x38;
	[tilespmem:$0x9E00] =	vst v63  }
0x13: {  	_ =	swait.ge [sflag:s8], $0x2710  }
0x14: {  	[sflag:s8] =	ssyncset.done $0x0  }
0x15: {  	s13 =	simm.s32 $0x0;
	[sflag:s8] =	ssyncadd.s32 $0xFFFFD8F0  }
0x16: {  	v0 =	vld [tilespmem:s13+$0x4F00]  }
0x17: {  	v1 =	vld [tilespmem:s13+$0x2780];
	_ =	sdelay $0x6  }
0x18: {  	v0 =	vld.idx.msk [tilespmem:v0+s3+$0x0], $0xffff  }
0x19: {  	s14 =	simm.s32 $0x10;
	v2 =	vld.idx.msk [tilespmem:v1+s3+$0x0], $0xffff  }
0x1a: {  	s15 =	simm.s32 $0x80;
	v1 =	vld [tilespmem:s14+$0x4F00]  }
.LBB2_2:
0x1b: {  	p0 =	sne.s32 s15, $0x9C00;
	v3 =	vld [tilespmem:s14+$0x2780];
	_ =	sdelay $0x3  }
0x1c: {  	v0 =	vmul.f32 v0, v2  }
.Ltmp0:
0x1d: {  	(pc) =	sbr.rel @p0 .LBB2_2-.Ltmp0, $4  }
0x1e: {  	[tilespmem:s13+$0x7680] =	vst v0;
	s13 =	smov.u32 s14  }
0x1f: {  	v0 =	vld.idx.msk [tilespmem:v1+s3+$0x0], $0xffff  }
0x20: {  	s14 =	sshra.s32 s15, $0x2;
	v2 =	vld.idx.msk [tilespmem:v3+s3+$0x0], $0xffff  }
0x21: {  	s15 =	sadd.s32 $0x40, s15;
	v1 =	vld [tilespmem:s14+$0x4F00]  }
0x22: {  	_ = 	snop  }
0x23: {  	v3 =	vld [tilespmem:s14+$0x2780];
	_ =	sdelay $0x3  }
0x24: {  	v0 =	vmul.f32 v0, v2;
	_ =	sdelay $0x1  }
0x25: {  	[tilespmem:s13+$0x7680] =	vst v0  }
0x26: {  	v0 =	vld.idx.msk [tilespmem:v1+s3+$0x0], $0xffff  }
0x27: {  	v63 =	vld.idx.msk [tilespmem:v3+s3+$0x0], $0xffff;
	_ =	sdelay $0x4  }
0x28: {  	s12 =	sadd.s32 $0x1, s12;
	v0 =	vmul.f32 v0, v63  }
0x29: {  	p0 =	sne.s32 s12, s7  }
.Ltmp1:
0x2a: {  	[tilespmem:s14+$0x7680] =	vst v0;
	(pc) =	sbr.rel @p0 .LBB2_1-.Ltmp1, $4  }
0x2b: {  	[hbm4b:s6+s3] =	stream.linear.scatter [tilespmem:s11], [sflag:$0x1], $0x2710, $0x38;
	[tilespmem:$0x9E00] =	vst v63  }
0x2c: {  	_ =	swait.ge [sflag:s8], $0x2710  }
0x2d: {  	[sflag:s8] =	ssyncset.done $0x0  }
0x2e: {  	[sflag:s8] =	ssyncadd.s32 $0xFFFFD8F0  }
0x2f: {  	_ =	sfence.sel $0x180000  }
0x30: {  	[bflag:$0x0] =	sbarrier.arrive $0xFFFF  }
0x31: {  	p0 =	sne.s32 s1, $0x0;
	_ =	strace $0x90000050  }
0x32: {  	s0 =	sadd.s32 @!p0 $0x100000, s0;
	[bflag:$0x2] =	sbarrier.arrive $0xFFFF  }
0x33: {  	[sflag:s0] =	ssyncadd.tile.s32 @!p0 $0x1;
	_ =	shalt  }
.Lfunc_end2:
_tile_overlayer_lowered:
.L_overlay_start_2:
0x34: {  	(tag) =	ssettag $0x2  }
0x35: {  	s0 =	rddreg [dreg:$0x0];
	s2 =	stileid.u32  }
0x36: {  	s1 =	rddreg [dreg:$0x1];
	p0 =	sne.s32 s2, $0x0  }
0x37: {  	s3 =	rddreg [dreg:$0x2];
	[bflag:$0x3] =	sbarrier.arrive $0xFFFF;
	s2 =	simm.s32 @!p0 $0x1C01  }
0x38: {  	[timem:s3], [sflag:s2] =	dma.local @!p0 [hbm:s0], s1  }
0x39: {  	s0 =	simm.s32 @!p0 $0x1  }
0x3a: {  	_ =	swait.ge @!p0 [sflag:s0], s1  }
0x3b: {  	s1 =	ssub.s32 @!p0 $0x0, s1;
	[sflag:s0] =	ssyncset.done @!p0 $0x0  }
0x3c: {  	[sflag:s0] =	ssyncadd.s32 @!p0 s1  }
0x3d: {  	[bflag:$0x3] =	sbarrier.arrive $0xFFFF  }
0x3e: {  	_ =	shalt  }

</sc_bundles>
